<compile_context>
chip_gen: v7x
topology: tpu7x:2x2x1
jax: 0.10.2.dev20260603
libtpu: 0.0.44.dev20260713+nightly
codegen_flags: <defaults>
</compile_context>

<pallas_src>
import functools

import jax
import jax.numpy as jnp
from jax import lax
from jax.experimental import pallas as pl
from jax.experimental.pallas import tpu as pltpu
from jax.experimental.pallas import tpu_sc as plsc

_B = 4
_S = 8192
_D = 768
_N = _B * _S

_NC = 2
_NS = 16
_NW = _NC * _NS
_PER_W = _N // _NW
_CHUNK = 32
_NBUF = 4
_NCHUNK = _PER_W // _CHUNK

_mesh = plsc.VectorSubcoreMesh(core_axis_name="c", subcore_axis_name="s")


@functools.partial(
    pl.kernel,
    mesh=_mesh,
    out_type=jax.ShapeDtypeStruct((_N, _D), jnp.float32),
    scratch_types=[
        pltpu.VMEM((_PER_W,), jnp.int32),
        pltpu.VMEM((_NBUF, _CHUNK, _D), jnp.float32),
        [pltpu.SemaphoreType.DMA] * _NBUF,
        [pltpu.SemaphoreType.DMA] * _NBUF,
    ],
)
def _emb_lookup(x_hbm, w_hbm, out_hbm, idx_v, rows_v, gsems, ssems):
    wid = lax.axis_index("s") * _NC + lax.axis_index("c")
    base = wid * _PER_W
    pltpu.sync_copy(x_hbm.at[pl.ds(base, _PER_W)], idx_v)

    def start_gather(g):
        slot = g % _NBUF
        return pltpu.async_copy(
            w_hbm.at[idx_v.at[pl.ds(g * _CHUNK, _CHUNK)]],
            rows_v.at[slot],
            gsems[slot],
        )

    gather = [None] * _NBUF
    store = [None] * _NBUF
    for g in range(_NBUF - 1):
        gather[g % _NBUF] = start_gather(g)
    for g in range(_NCHUNK):
        slot = g % _NBUF
        if g + _NBUF - 1 < _NCHUNK:
            nslot = (g + _NBUF - 1) % _NBUF
            if store[nslot] is not None:
                store[nslot].wait()
            gather[nslot] = start_gather(g + _NBUF - 1)
        gather[slot].wait()
        store[slot] = pltpu.async_copy(
            rows_v.at[slot],
            out_hbm.at[pl.ds(base + g * _CHUNK, _CHUNK)],
            ssems[slot],
        )
    for s in range(_NBUF):
        if store[s] is not None:
            store[s].wait()


def kernel(x, weight):
    idx = jnp.reshape(x, (_N,)).astype(jnp.int32)
    out = _emb_lookup(idx, weight)
    return jnp.reshape(out, (_B, _S, _D))

# --- scband reference (transcript-rebuilt; emitter-appended) ---
"""Pipeline reference for scband-subword-input-layer-9972914061397 (READ-ONLY COPY).

The authoritative reference and input builder live on the scoring server;
editing this copy changes nothing except your own understanding.
"""

import jax, jax.numpy as jnp
import numpy as np

VOCAB = 28996
D = 768
B = 4
S = 8192


def setup_inputs(seed: int = 0) -> dict:
    key = jax.random.key(seed)
    k1, k2 = jax.random.split(key)
    x = jax.random.randint(k1, (B, S), 0, VOCAB)
    weight = jax.random.normal(k2, (VOCAB, D), dtype=jnp.float32) * 0.02
    # padding_idx=0: nn.Embedding initializes the padding row to zeros
    weight = weight.at[0].set(0.0)
    return {"x": x, "weight": weight}


def reference(x, weight):
    # nn.Embedding(index_size, text_embed_dim, padding_idx=0).forward(x)
    # padding row is forced to zero (matches torch semantics where the
    # padding_idx row is zero and receives no gradient updates)
    w = weight.at[0].set(0.0)
    out = jnp.take(w, x, axis=0)
    return out

if __name__ == "__main__":
    import jax
    _d = setup_inputs()
    print(jax.jit(kernel)(*tuple(_d.values())))

</pallas_src>

<mosaic_0001>
#map = affine_map<(d0, d1) -> (0)>
#map1 = affine_map<(d0, d1) -> (0, 0)>
module attributes {stable_mosaic.version = 14 : i64} {
  func.func @_emb_lookup(%arg0: i32, %arg1: i32, %arg2: memref<32768xi32, #tpu.memory_space<hbm>>, %arg3: memref<28996x768xf32, #tpu.memory_space<hbm>>, %arg4: memref<32768x768xf32, #tpu.memory_space<hbm>>, %arg5: memref<1024xi32, #tpu.memory_space<vmem>>, %arg6: memref<4x32x768xf32, #tpu.memory_space<vmem>>, %arg7: memref<!tpu.dma_semaphore, #tpu.memory_space<semaphore_mem>>, %arg8: memref<!tpu.dma_semaphore, #tpu.memory_space<semaphore_mem>>, %arg9: memref<!tpu.dma_semaphore, #tpu.memory_space<semaphore_mem>>, %arg10: memref<!tpu.dma_semaphore, #tpu.memory_space<semaphore_mem>>, %arg11: memref<!tpu.dma_semaphore, #tpu.memory_space<semaphore_mem>>, %arg12: memref<!tpu.dma_semaphore, #tpu.memory_space<semaphore_mem>>, %arg13: memref<!tpu.dma_semaphore, #tpu.memory_space<semaphore_mem>>, %arg14: memref<!tpu.dma_semaphore, #tpu.memory_space<semaphore_mem>>) attributes {dimension_semantics = [#tpu.dimension_semantics<core_parallel>, #tpu.dimension_semantics<subcore_parallel>], iteration_bounds = array<i64: 2, 16>, scalar_prefetch = 0 : i64, scratch_operands = 10 : i64, tpu.core_type = #tpu.core_type<sc_vector_subcore>, window_params = [{transform_indices = #map}, {transform_indices = #map1}, {transform_indices = #map1}]} {
    %mul3A = arith.constant 2 : i32
    %mul3A_0 = arith.muli %arg1, %mul3A : i32
    %add3A = arith.addi %mul3A_0, %arg0 : i32
    %mul3A_1 = arith.constant 1024 : i32
    %mul3A_2 = arith.muli %add3A, %mul3A_1 : i32
    "tpu.region"() ({
      %run_scoped3A = tpu.sem_alloc : memref<!tpu.dma_semaphore, #tpu.memory_space<semaphore_mem>>
      %dma_start3A_1537 = tpu.memref_slice %arg2[%mul3A_2] : memref<32768xi32, #tpu.memory_space<hbm>> -> memref<1024xi32, #tpu.memory_space<hbm>>
      %dma_start3A_1538 = tpu.memref_slice %arg2[%mul3A_2] : memref<32768xi32, #tpu.memory_space<hbm>> -> memref<1024xi32, #tpu.memory_space<hbm>>
      tpu.enqueue_dma source(%dma_start3A_1538 : memref<1024xi32, #tpu.memory_space<hbm>>) target(%arg5 : memref<1024xi32, #tpu.memory_space<vmem>>) target_semaphore(%run_scoped3A : memref<!tpu.dma_semaphore, #tpu.memory_space<semaphore_mem>>)
      %dma_wait3A_1539 = tpu.memref_slice %arg2[%mul3A_2] : memref<32768xi32, #tpu.memory_space<hbm>> -> memref<1024xi32, #tpu.memory_space<hbm>>
      %dma_wait3A_1540 = tpu.memref_slice %arg2[%mul3A_2] : memref<32768xi32, #tpu.memory_space<hbm>> -> memref<1024xi32, #tpu.memory_space<hbm>>
      tpu.wait_dma2 semaphore(%run_scoped3A : memref<!tpu.dma_semaphore, #tpu.memory_space<semaphore_mem>>) src(%dma_wait3A_1540 : memref<1024xi32, #tpu.memory_space<hbm>>) dst(%arg5 : memref<1024xi32, #tpu.memory_space<vmem>>)
      tpu.yield
    }) : () -> ()
    %dma_start3A = arith.constant 0 : i32
    %dma_start3A_3 = arith.constant 0 : i32
    %dma_start3A_4 = arith.constant 0 : i32
    %dma_start3A_5 = tpu.memref_slice %arg6[%dma_start3A, %dma_start3A_3, %dma_start3A_4] : memref<4x32x768xf32, #tpu.memory_space<vmem>> -> memref<1x32x768xf32, #tpu.memory_space<vmem>>
    %dma_start3A_6 = tpu.memref_squeeze %dma_start3A_5 : memref<1x32x768xf32, #tpu.memory_space<vmem>> -> memref<32x768xf32, #tpu.memory_space<vmem>>
    %dma_start3A_7 = arith.constant 0 : i32
    %dma_start3A_8 = tpu.memref_slice %arg5[%dma_start3A_7] : memref<1024xi32, #tpu.memory_space<vmem>> -> memref<32xi32, #tpu.memory_space<vmem>>
    %dma_start3A_9 = arith.constant 0 : i32
    %dma_start3A_10 = arith.constant 0 : i32
    %dma_start3A_11 = tpu.memref_slice %arg3[%dma_start3A_9, %dma_start3A_10] : memref<28996x768xf32, #tpu.memory_space<hbm>> -> memref<28996x768xf32, #tpu.memory_space<hbm>>
    tpu.enqueue_indirect_dma source(%dma_start3A_11 : memref<28996x768xf32, #tpu.memory_space<hbm>>) target(%dma_start3A_6 : memref<32x768xf32, #tpu.memory_space<vmem>>) offsets(%dma_start3A_8 : memref<32xi32, #tpu.memory_space<vmem>>) semaphore(%arg7 : memref<!tpu.dma_semaphore, #tpu.memory_space<semaphore_mem>>)
    %dma_start3A_12 = arith.constant 1 : i32
    %dma_start3A_13 = arith.constant 0 : i32
    %dma_start3A_14 = arith.constant 0 : i32
    %dma_start3A_15 = tpu.memref_slice %arg6[%dma_start3A_12, %dma_start3A_13, %dma_start3A_14] : memref<4x32x768xf32, #tpu.memory_space<vmem>> -> memref<1x32x768xf32, #tpu.memory_space<vmem>>
    %dma_start3A_16 = tpu.memref_squeeze %dma_start3A_15 : memref<1x32x768xf32, #tpu.memory_space<vmem>> -> memref<32x768xf32, #tpu.memory_space<vmem>>
    %dma_start3A_17 = arith.constant 32 : i32
    %dma_start3A_18 = tpu.memref_slice %arg5[%dma_start3A_17] : memref<1024xi32, #tpu.memory_space<vmem>> -> memref<32xi32, #tpu.memory_space<vmem>>
    %dma_start3A_19 = arith.constant 0 : i32
    %dma_start3A_20 = arith.constant 0 : i32
    %dma_start3A_21 = tpu.memref_slice %arg3[%dma_start3A_19, %dma_start3A_20] : memref<28996x768xf32, #tpu.memory_space<hbm>> -> memref<28996x768xf32, #tpu.memory_space<hbm>>
    tpu.enqueue_indirect_dma source(%dma_start3A_21 : memref<28996x768xf32, #tpu.memory_space<hbm>>) target(%dma_start3A_16 : memref<32x768xf32, #tpu.memory_space<vmem>>) offsets(%dma_start3A_18 : memref<32xi32, #tpu.memory_space<vmem>>) semaphore(%arg8 : memref<!tpu.dma_semaphore, #tpu.memory_space<semaphore_mem>>)
    %dma_start3A_22 = arith.constant 2 : i32
    %dma_start3A_23 = arith.constant 0 : i32
    %dma_start3A_24 = arith.constant 0 : i32
    %dma_start3A_25 = tpu.memref_slice %arg6[%dma_start3A_22, %dma_start3A_23, %dma_start3A_24] : memref<4x32x768xf32, #tpu.memory_space<vmem>> -> memref<1x32x768xf32, #tpu.memory_space<vmem>>
    %dma_start3A_26 = tpu.memref_squeeze %dma_start3A_25 : memref<1x32x768xf32, #tpu.memory_space<vmem>> -> memref<32x768xf32, #tpu.memory_space<vmem>>
    %dma_start3A_27 = arith.constant 64 : i32
    %dma_start3A_28 = tpu.memref_slice %arg5[%dma_start3A_27] : memref<1024xi32, #tpu.memory_space<vmem>> -> memref<32xi32, #tpu.memory_space<vmem>>
    %dma_start3A_29 = arith.constant 0 : i32
    %dma_start3A_30 = arith.constant 0 : i32
    %dma_start3A_31 = tpu.memref_slice %arg3[%dma_start3A_29, %dma_start3A_30] : memref<28996x768xf32, #tpu.memory_space<hbm>> -> memref<28996x768xf32, #tpu.memory_space<hbm>>
    tpu.enqueue_indirect_dma source(%dma_start3A_31 : memref<28996x768xf32, #tpu.memory_space<hbm>>) target(%dma_start3A_26 : memref<32x768xf32, #tpu.memory_space<vmem>>) offsets(%dma_start3A_28 : memref<32xi32, #tpu.memory_space<vmem>>) semaphore(%arg9 : memref<!tpu.dma_semaphore, #tpu.memory_space<semaphore_mem>>)
    %dma_start3A_32 = arith.constant 3 : i32
    %dma_start3A_33 = arith.constant 0 : i32
    %dma_start3A_34 = arith.constant 0 : i32
    %dma_start3A_35 = tpu.memref_slice %arg6[%dma_start3A_32, %dma_start3A_33, %dma_start3A_34] : memref<4x32x768xf32, #tpu.memory_space<vmem>> -> memref<1x32x768xf32, #tpu.memory_space<vmem>>
    %dma_start3A_36 = tpu.memref_squeeze %dma_start3A_35 : memref<1x32x768xf32, #tpu.memory_space<vmem>> -> memref<32x768xf32, #tpu.memory_space<vmem>>
    %dma_start3A_37 = arith.constant 96 : i32
    %dma_start3A_38 = tpu.memref_slice %arg5[%dma_start3A_37] : memref<1024xi32, #tpu.memory_space<vmem>> -> memref<32xi32, #tpu.memory_space<vmem>>
    %dma_start3A_39 = arith.constant 0 : i32
    %dma_start3A_40 = arith.constant 0 : i32
    %dma_start3A_41 = tpu.memref_slice %arg3[%dma_start3A_39, %dma_start3A_40] : memref<28996x768xf32, #tpu.memory_space<hbm>> -> memref<28996x768xf32, #tpu.memory_space<hbm>>
    tpu.enqueue_indirect_dma source(%dma_start3A_41 : memref<28996x768xf32, #tpu.memory_space<hbm>>) target(%dma_start3A_36 : memref<32x768xf32, #tpu.memory_space<vmem>>) offsets(%dma_start3A_38 : memref<32xi32, #tpu.memory_space<vmem>>) semaphore(%arg10 : memref<!tpu.dma_semaphore, #tpu.memory_space<semaphore_mem>>)
    %dma_wait3A = arith.constant 0 : i32
    %dma_wait3A_42 = arith.constant 0 : i32
    %dma_wait3A_43 = arith.constant 0 : i32
    %dma_wait3A_44 = tpu.memref_slice %arg6[%dma_wait3A, %dma_wait3A_42, %dma_wait3A_43] : memref<4x32x768xf32, #tpu.memory_space<vmem>> -> memref<1x32x768xf32, #tpu.memory_space<vmem>>
    %dma_wait3A_45 = tpu.memref_squeeze %dma_wait3A_44 : memref<1x32x768xf32, #tpu.memory_space<vmem>> -> memref<32x768xf32, #tpu.memory_space<vmem>>
    %dma_wait3A_46 = arith.constant 0 : i32
    %dma_wait3A_47 = tpu.memref_slice %arg5[%dma_wait3A_46] : memref<1024xi32, #tpu.memory_space<vmem>> -> memref<32xi32, #tpu.memory_space<vmem>>
    %dma_wait3A_48 = arith.constant 0 : i32
    %dma_wait3A_49 = arith.constant 0 : i32
    %dma_wait3A_50 = tpu.memref_slice %arg3[%dma_wait3A_48, %dma_wait3A_49] : memref<28996x768xf32, #tpu.memory_space<hbm>> -> memref<28996x768xf32, #tpu.memory_space<hbm>>
    tpu.wait_indirect_dma semaphore(%arg7 : memref<!tpu.dma_semaphore, #tpu.memory_space<semaphore_mem>>) src(%dma_wait3A_50 : memref<28996x768xf32, #tpu.memory_space<hbm>>) dst(%dma_wait3A_45 : memref<32x768xf32, #tpu.memory_space<vmem>>)
    %add3A_51 = arith.constant 0 : i32
    %add3A_52 = arith.addi %mul3A_2, %add3A_51 : i32
    %dma_start3A_53 = arith.constant 0 : i32
    %dma_start3A_54 = arith.constant 0 : i32
    %dma_start3A_55 = arith.constant 0 : i32
    %dma_start3A_56 = tpu.memref_slice %arg6[%dma_start3A_53, %dma_start3A_54, %dma_start3A_55] : memref<4x32x768xf32, #tpu.memory_space<vmem>> -> memref<1x32x768xf32, #tpu.memory_space<vmem>>
    %dma_start3A_57 = tpu.memref_squeeze %dma_start3A_56 : memref<1x32x768xf32, #tpu.memory_space<vmem>> -> memref<32x768xf32, #tpu.memory_space<vmem>>
    %dma_start3A_58 = arith.constant 0 : i32
    %dma_start3A_59 = tpu.memref_slice %arg4[%add3A_52, %dma_start3A_58] : memref<32768x768xf32, #tpu.memory_space<hbm>> -> memref<32x768xf32, #tpu.memory_space<hbm>>
    %dma_start3A_60 = arith.constant 0 : i32
    %dma_start3A_61 = tpu.memref_slice %arg4[%add3A_52, %dma_start3A_60] : memref<32768x768xf32, #tpu.memory_space<hbm>> -> memref<32x768xf32, #tpu.memory_space<hbm>>
    %dma_start3A_62 = arith.constant 0 : i32
    %dma_start3A_63 = arith.constant 0 : i32
    %dma_start3A_64 = tpu.memref_slice %arg6[%dma_start3A_53, %dma_start3A_62, %dma_start3A_63] : memref<4x32x768xf32, #tpu.memory_space<vmem>> -> memref<1x32x768xf32, #tpu.memory_space<vmem>>
    %dma_start3A_65 = tpu.memref_squeeze %dma_start3A_64 : memref<1x32x768xf32, #tpu.memory_space<vmem>> -> memref<32x768xf32, #tpu.memory_space<vmem>>
    tpu.enqueue_dma source(%dma_start3A_65 : memref<32x768xf32, #tpu.memory_space<vmem>>) target(%dma_start3A_61 : memref<32x768xf32, #tpu.memory_space<hbm>>) target_semaphore(%arg11 : memref<!tpu.dma_semaphore, #tpu.memory_space<semaphore_mem>>)
    %dma_wait3A_66 = arith.constant 0 : i32
    %dma_wait3A_67 = arith.constant 0 : i32
    %dma_wait3A_68 = arith.constant 0 : i32
    %dma_wait3A_69 = tpu.memref_slice %arg6[%dma_wait3A_66, %dma_wait3A_67, %dma_wait3A_68] : memref<4x32x768xf32, #tpu.memory_space<vmem>> -> memref<1x32x768xf32, #tpu.memory_space<vmem>>
    %dma_wait3A_70 = tpu.memref_squeeze %dma_wait3A_69 : memref<1x32x768xf32, #tpu.memory_space<vmem>> -> memref<32x768xf32, #tpu.memory_space<vmem>>
    %dma_wait3A_71 = arith.constant 0 : i32
    %dma_wait3A_72 = tpu.memref_slice %arg4[%add3A_52, %dma_wait3A_71] : memref<32768x768xf32, #tpu.memory_space<hbm>> -> memref<32x768xf32, #tpu.memory_space<hbm>>
    %dma_wait3A_73 = arith.constant 0 : i32
    %dma_wait3A_74 = tpu.memref_slice %arg4[%add3A_52, %dma_wait3A_73] : memref<32768x768xf32, #tpu.memory_space<hbm>> -> memref<32x768xf32, #tpu.memory_space<hbm>>
    %dma_wait3A_75 = arith.constant 0 : i32
    %dma_wait3A_76 = arith.constant 0 : i32
    %dma_wait3A_77 = tpu.memref_slice %arg6[%dma_wait3A_66, %dma_wait3A_75, %dma_wait3A_76] : memref<4x32x768xf32, #tpu.memory_space<vmem>> -> memref<1x32x768xf32, #tpu.memory_space<vmem>>
    %dma_wait3A_78 = tpu.memref_squeeze %dma_wait3A_77 : memref<1x32x768xf32, #tpu.memory_space<vmem>> -> memref<32x768xf32, #tpu.memory_space<vmem>>
    tpu.wait_dma2 semaphore(%arg11 : memref<!tpu.dma_semaphore, #tpu.memory_space<semaphore_mem>>) src(%dma_wait3A_78 : memref<32x768xf32, #tpu.memory_space<vmem>>) dst(%dma_wait3A_74 : memref<32x768xf32, #tpu.memory_space<hbm>>)
    %dma_start3A_79 = arith.constant 0 : i32
    %dma_start3A_80 = arith.constant 0 : i32
    %dma_start3A_81 = arith.constant 0 : i32
    %dma_start3A_82 = tpu.memref_slice %arg6[%dma_start3A_79, %dma_start3A_80, %dma_start3A_81] : memref<4x32x768xf32, #tpu.memory_space<vmem>> -> memref<1x32x768xf32, #tpu.memory_space<vmem>>
    %dma_start3A_83 = tpu.memref_squeeze %dma_start3A_82 : memref<1x32x768xf32, #tpu.memory_space<vmem>> -> memref<32x768xf32, #tpu.memory_space<vmem>>
    %dma_start3A_84 = arith.constant 128 : i32
    %dma_start3A_85 = tpu.memref_slice %arg5[%dma_start3A_84] : memref<1024xi32, #tpu.memory_space<vmem>> -> memref<32xi32, #tpu.memory_space<vmem>>
    %dma_start3A_86 = arith.constant 0 : i32
    %dma_start3A_87 = arith.constant 0 : i32
    %dma_start3A_88 = tpu.memref_slice %arg3[%dma_start3A_86, %dma_start3A_87] : memref<28996x768xf32, #tpu.memory_space<hbm>> -> memref<28996x768xf32, #tpu.memory_space<hbm>>
    tpu.enqueue_indirect_dma source(%dma_start3A_88 : memref<28996x768xf32, #tpu.memory_space<hbm>>) target(%dma_start3A_83 : memref<32x768xf32, #tpu.memory_space<vmem>>) offsets(%dma_start3A_85 : memref<32xi32, #tpu.memory_space<vmem>>) semaphore(%arg7 : memref<!tpu.dma_semaphore, #tpu.memory_space<semaphore_mem>>)
    %dma_wait3A_89 = arith.constant 1 : i32
    %dma_wait3A_90 = arith.constant 0 : i32
    %dma_wait3A_91 = arith.constant 0 : i32
    %dma_wait3A_92 = tpu.memref_slice %arg6[%dma_wait3A_89, %dma_wait3A_90, %dma_wait3A_91] : memref<4x32x768xf32, #tpu.memory_space<vmem>> -> memref<1x32x768xf32, #tpu.memory_space<vmem>>
    %dma_wait3A_93 = tpu.memref_squeeze %dma_wait3A_92 : memref<1x32x768xf32, #tpu.memory_space<vmem>> -> memref<32x768xf32, #tpu.memory_space<vmem>>
    %dma_wait3A_94 = arith.constant 32 : i32
    %dma_wait3A_95 = tpu.memref_slice %arg5[%dma_wait3A_94] : memref<1024xi32, #tpu.memory_space<vmem>> -> memref<32xi32, #tpu.memory_space<vmem>>
    %dma_wait3A_96 = arith.constant 0 : i32
    %dma_wait3A_97 = arith.constant 0 : i32
    %dma_wait3A_98 = tpu.memref_slice %arg3[%dma_wait3A_96, %dma_wait3A_97] : memref<28996x768xf32, #tpu.memory_space<hbm>> -> memref<28996x768xf32, #tpu.memory_space<hbm>>
    tpu.wait_indirect_dma semaphore(%arg8 : memref<!tpu.dma_semaphore, #tpu.memory_space<semaphore_mem>>) src(%dma_wait3A_98 : memref<28996x768xf32, #tpu.memory_space<hbm>>) dst(%dma_wait3A_93 : memref<32x768xf32, #tpu.memory_space<vmem>>)
    %add3A_99 = arith.constant 32 : i32
    %add3A_100 = arith.addi %mul3A_2, %add3A_99 : i32
    %dma_start3A_101 = arith.constant 1 : i32
    %dma_start3A_102 = arith.constant 0 : i32
    %dma_start3A_103 = arith.constant 0 : i32
    %dma_start3A_104 = tpu.memref_slice %arg6[%dma_start3A_101, %dma_start3A_102, %dma_start3A_103] : memref<4x32x768xf32, #tpu.memory_space<vmem>> -> memref<1x32x768xf32, #tpu.memory_space<vmem>>
    %dma_start3A_105 = tpu.memref_squeeze %dma_start3A_104 : memref<1x32x768xf32, #tpu.memory_space<vmem>> -> memref<32x768xf32, #tpu.memory_space<vmem>>
    %dma_start3A_106 = arith.constant 0 : i32
    %dma_start3A_107 = tpu.memref_slice %arg4[%add3A_100, %dma_start3A_106] : memref<32768x768xf32, #tpu.memory_space<hbm>> -> memref<32x768xf32, #tpu.memory_space<hbm>>
    %dma_start3A_108 = arith.constant 0 : i32
    %dma_start3A_109 = tpu.memref_slice %arg4[%add3A_100, %dma_start3A_108] : memref<32768x768xf32, #tpu.memory_space<hbm>> -> memref<32x768xf32, #tpu.memory_space<hbm>>
    %dma_start3A_110 = arith.constant 0 : i32
    %dma_start3A_111 = arith.constant 0 : i32
    %dma_start3A_112 = tpu.memref_slice %arg6[%dma_start3A_101, %dma_start3A_110, %dma_start3A_111] : memref<4x32x768xf32, #tpu.memory_space<vmem>> -> memref<1x32x768xf32, #tpu.memory_space<vmem>>
    %dma_start3A_113 = tpu.memref_squeeze %dma_start3A_112 : memref<1x32x768xf32, #tpu.memory_space<vmem>> -> memref<32x768xf32, #tpu.memory_space<vmem>>
    tpu.enqueue_dma source(%dma_start3A_113 : memref<32x768xf32, #tpu.memory_space<vmem>>) target(%dma_start3A_109 : memref<32x768xf32, #tpu.memory_space<hbm>>) target_semaphore(%arg12 : memref<!tpu.dma_semaphore, #tpu.memory_space<semaphore_mem>>)
    %dma_wait3A_114 = arith.constant 1 : i32
    %dma_wait3A_115 = arith.constant 0 : i32
    %dma_wait3A_116 = arith.constant 0 : i32
    %dma_wait3A_117 = tpu.memref_slice %arg6[%dma_wait3A_114, %dma_wait3A_115, %dma_wait3A_116] : memref<4x32x768xf32, #tpu.memory_space<vmem>> -> memref<1x32x768xf32, #tpu.memory_space<vmem>>
    %dma_wait3A_118 = tpu.memref_squeeze %dma_wait3A_117 : memref<1x32x768xf32, #tpu.memory_space<vmem>> -> memref<32x768xf32, #tpu.memory_space<vmem>>
    %dma_wait3A_119 = arith.constant 0 : i32
    %dma_wait3A_120 = tpu.memref_slice %arg4[%add3A_100, %dma_wait3A_119] : memref<32768x768xf32, #tpu.memory_space<hbm>> -> memref<32x768xf32, #tpu.memory_space<hbm>>
    %dma_wait3A_121 = arith.constant 0 : i32
    %dma_wait3A_122 = tpu.memref_slice %arg4[%add3A_100, %dma_wait3A_121] : memref<32768x768xf32, #tpu.memory_space<hbm>> -> memref<32x768xf32, #tpu.memory_space<hbm>>
    %dma_wait3A_123 = arith.constant 0 : i32
    %dma_wait3A_124 = arith.constant 0 : i32
    %dma_wait3A_125 = tpu.memref_slice %arg6[%dma_wait3A_114, %dma_wait3A_123, %dma_wait3A_124] : memref<4x32x768xf32, #tpu.memory_space<vmem>> -> memref<1x32x768xf32, #tpu.memory_space<vmem>>
    %dma_wait3A_126 = tpu.memref_squeeze %dma_wait3A_125 : memref<1x32x768xf32, #tpu.memory_space<vmem>> -> memref<32x768xf32, #tpu.memory_space<vmem>>
    tpu.wait_dma2 semaphore(%arg12 : memref<!tpu.dma_semaphore, #tpu.memory_space<semaphore_mem>>) src(%dma_wait3A_126 : memref<32x768xf32, #tpu.memory_space<vmem>>) dst(%dma_wait3A_122 : memref<32x768xf32, #tpu.memory_space<hbm>>)
    %dma_start3A_127 = arith.constant 1 : i32
    %dma_start3A_128 = arith.constant 0 : i32
    %dma_start3A_129 = arith.constant 0 : i32
    %dma_start3A_130 = tpu.memref_slice %arg6[%dma_start3A_127, %dma_start3A_128, %dma_start3A_129] : memref<4x32x768xf32, #tpu.memory_space<vmem>> -> memref<1x32x768xf32, #tpu.memory_space<vmem>>
    %dma_start3A_131 = tpu.memref_squeeze %dma_start3A_130 : memref<1x32x768xf32, #tpu.memory_space<vmem>> -> memref<32x768xf32, #tpu.memory_space<vmem>>
    %dma_start3A_132 = arith.constant 160 : i32
    %dma_start3A_133 = tpu.memref_slice %arg5[%dma_start3A_132] : memref<1024xi32, #tpu.memory_space<vmem>> -> memref<32xi32, #tpu.memory_space<vmem>>
    %dma_start3A_134 = arith.constant 0 : i32
    %dma_start3A_135 = arith.constant 0 : i32
    %dma_start3A_136 = tpu.memref_slice %arg3[%dma_start3A_134, %dma_start3A_135] : memref<28996x768xf32, #tpu.memory_space<hbm>> -> memref<28996x768xf32, #tpu.memory_space<hbm>>
    tpu.enqueue_indirect_dma source(%dma_start3A_136 : memref<28996x768xf32, #tpu.memory_space<hbm>>) target(%dma_start3A_131 : memref<32x768xf32, #tpu.memory_space<vmem>>) offsets(%dma_start3A_133 : memref<32xi32, #tpu.memory_space<vmem>>) semaphore(%arg8 : memref<!tpu.dma_semaphore, #tpu.memory_space<semaphore_mem>>)
    %dma_wait3A_137 = arith.constant 2 : i32
    %dma_wait3A_138 = arith.constant 0 : i32
    %dma_wait3A_139 = arith.constant 0 : i32
    %dma_wait3A_140 = tpu.memref_slice %arg6[%dma_wait3A_137, %dma_wait3A_138, %dma_wait3A_139] : memref<4x32x768xf32, #tpu.memory_space<vmem>> -> memref<1x32x768xf32, #tpu.memory_space<vmem>>
    %dma_wait3A_141 = tpu.memref_squeeze %dma_wait3A_140 : memref<1x32x768xf32, #tpu.memory_space<vmem>> -> memref<32x768xf32, #tpu.memory_space<vmem>>
    %dma_wait3A_142 = arith.constant 64 : i32
    %dma_wait3A_143 = tpu.memref_slice %arg5[%dma_wait3A_142] : memref<1024xi32, #tpu.memory_space<vmem>> -> memref<32xi32, #tpu.memory_space<vmem>>
    %dma_wait3A_144 = arith.constant 0 : i32
    %dma_wait3A_145 = arith.constant 0 : i32
    %dma_wait3A_146 = tpu.memref_slice %arg3[%dma_wait3A_144, %dma_wait3A_145] : memref<28996x768xf32, #tpu.memory_space<hbm>> -> memref<28996x768xf32, #tpu.memory_space<hbm>>
    tpu.wait_indirect_dma semaphore(%arg9 : memref<!tpu.dma_semaphore, #tpu.memory_space<semaphore_mem>>) src(%dma_wait3A_146 : memref<28996x768xf32, #tpu.memory_space<hbm>>) dst(%dma_wait3A_141 : memref<32x768xf32, #tpu.memory_space<vmem>>)
    %add3A_147 = arith.constant 64 : i32
    %add3A_148 = arith.addi %mul3A_2, %add3A_147 : i32
    %dma_start3A_149 = arith.constant 2 : i32
    %dma_start3A_150 = arith.constant 0 : i32
    %dma_start3A_151 = arith.constant 0 : i32
    %dma_start3A_152 = tpu.memref_slice %arg6[%dma_start3A_149, %dma_start3A_150, %dma_start3A_151] : memref<4x32x768xf32, #tpu.memory_space<vmem>> -> memref<1x32x768xf32, #tpu.memory_space<vmem>>
    %dma_start3A_153 = tpu.memref_squeeze %dma_start3A_152 : memref<1x32x768xf32, #tpu.memory_space<vmem>> -> memref<32x768xf32, #tpu.memory_space<vmem>>
    %dma_start3A_154 = arith.constant 0 : i32
    %dma_start3A_155 = tpu.memref_slice %arg4[%add3A_148, %dma_start3A_154] : memref<32768x768xf32, #tpu.memory_space<hbm>> -> memref<32x768xf32, #tpu.memory_space<hbm>>
    %dma_start3A_156 = arith.constant 0 : i32
    %dma_start3A_157 = tpu.memref_slice %arg4[%add3A_148, %dma_start3A_156] : memref<32768x768xf32, #tpu.memory_space<hbm>> -> memref<32x768xf32, #tpu.memory_space<hbm>>
    %dma_start3A_158 = arith.constant 0 : i32
    %dma_start3A_159 = arith.constant 0 : i32
    %dma_start3A_160 = tpu.memref_slice %arg6[%dma_start3A_149, %dma_start3A_158, %dma_start3A_159] : memref<4x32x768xf32, #tpu.memory_space<vmem>> -> memref<1x32x768xf32, #tpu.memory_space<vmem>>
    %dma_start3A_161 = tpu.memref_squeeze %dma_start3A_160 : memref<1x32x768xf32, #tpu.memory_space<vmem>> -> memref<32x768xf32, #tpu.memory_space<vmem>>
    tpu.enqueue_dma source(%dma_start3A_161 : memref<32x768xf32, #tpu.memory_space<vmem>>) target(%dma_start3A_157 : memref<32x768xf32, #tpu.memory_space<hbm>>) target_semaphore(%arg13 : memref<!tpu.dma_semaphore, #tpu.memory_space<semaphore_mem>>)
    %dma_wait3A_162 = arith.constant 2 : i32
    %dma_wait3A_163 = arith.constant 0 : i32
    %dma_wait3A_164 = arith.constant 0 : i32
    %dma_wait3A_165 = tpu.memref_slice %arg6[%dma_wait3A_162, %dma_wait3A_163, %dma_wait3A_164] : memref<4x32x768xf32, #tpu.memory_space<vmem>> -> memref<1x32x768xf32, #tpu.memory_space<vmem>>
    %dma_wait3A_166 = tpu.memref_squeeze %dma_wait3A_165 : memref<1x32x768xf32, #tpu.memory_space<vmem>> -> memref<32x768xf32, #tpu.memory_space<vmem>>
    %dma_wait3A_167 = arith.constant 0 : i32
    %dma_wait3A_168 = tpu.memref_slice %arg4[%add3A_148, %dma_wait3A_167] : memref<32768x768xf32, #tpu.memory_space<hbm>> -> memref<32x768xf32, #tpu.memory_space<hbm>>
    %dma_wait3A_169 = arith.constant 0 : i32
    %dma_wait3A_170 = tpu.memref_slice %arg4[%add3A_148, %dma_wait3A_169] : memref<32768x768xf32, #tpu.memory_space<hbm>> -> memref<32x768xf32, #tpu.memory_space<hbm>>
    %dma_wait3A_171 = arith.constant 0 : i32
    %dma_wait3A_172 = arith.constant 0 : i32
    %dma_wait3A_173 = tpu.memref_slice %arg6[%dma_wait3A_162, %dma_wait3A_171, %dma_wait3A_172] : memref<4x32x768xf32, #tpu.memory_space<vmem>> -> memref<1x32x768xf32, #tpu.memory_space<vmem>>
    %dma_wait3A_174 = tpu.memref_squeeze %dma_wait3A_173 : memref<1x32x768xf32, #tpu.memory_space<vmem>> -> memref<32x768xf32, #tpu.memory_space<vmem>>
    tpu.wait_dma2 semaphore(%arg13 : memref<!tpu.dma_semaphore, #tpu.memory_space<semaphore_mem>>) src(%dma_wait3A_174 : memref<32x768xf32, #tpu.memory_space<vmem>>) dst(%dma_wait3A_170 : memref<32x768xf32, #tpu.memory_space<hbm>>)
    %dma_start3A_175 = arith.constant 2 : i32
    %dma_start3A_176 = arith.constant 0 : i32
    %dma_start3A_177 = arith.constant 0 : i32
    %dma_start3A_178 = tpu.memref_slice %arg6[%dma_start3A_175, %dma_start3A_176, %dma_start3A_177] : memref<4x32x768xf32, #tpu.memory_space<vmem>> -> memref<1x32x768xf32, #tpu.memory_space<vmem>>
    %dma_start3A_179 = tpu.memref_squeeze %dma_start3A_178 : memref<1x32x768xf32, #tpu.memory_space<vmem>> -> memref<32x768xf32, #tpu.memory_space<vmem>>
    %dma_start3A_180 = arith.constant 192 : i32
    %dma_start3A_181 = tpu.memref_slice %arg5[%dma_start3A_180] : memref<1024xi32, #tpu.memory_space<vmem>> -> memref<32xi32, #tpu.memory_space<vmem>>
    %dma_start3A_182 = arith.constant 0 : i32
    %dma_start3A_183 = arith.constant 0 : i32
    %dma_start3A_184 = tpu.memref_slice %arg3[%dma_start3A_182, %dma_start3A_183] : memref<28996x768xf32, #tpu.memory_space<hbm>> -> memref<28996x768xf32, #tpu.memory_space<hbm>>
    tpu.enqueue_indirect_dma source(%dma_start3A_184 : memref<28996x768xf32, #tpu.memory_space<hbm>>) target(%dma_start3A_179 : memref<32x768xf32, #tpu.memory_space<vmem>>) offsets(%dma_start3A_181 : memref<32xi32, #tpu.memory_space<vmem>>) semaphore(%arg9 : memref<!tpu.dma_semaphore, #tpu.memory_space<semaphore_mem>>)
    %dma_wait3A_185 = arith.constant 3 : i32
    %dma_wait3A_186 = arith.constant 0 : i32
    %dma_wait3A_187 = arith.constant 0 : i32
    %dma_wait3A_188 = tpu.memref_slice %arg6[%dma_wait3A_185, %dma_wait3A_186, %dma_wait3A_187] : memref<4x32x768xf32, #tpu.memory_space<vmem>> -> memref<1x32x768xf32, #tpu.memory_space<vmem>>
    %dma_wait3A_189 = tpu.memref_squeeze %dma_wait3A_188 : memref<1x32x768xf32, #tpu.memory_space<vmem>> -> memref<32x768xf32, #tpu.memory_space<vmem>>
    %dma_wait3A_190 = arith.constant 96 : i32
    %dma_wait3A_191 = tpu.memref_slice %arg5[%dma_wait3A_190] : memref<1024xi32, #tpu.memory_space<vmem>> -> memref<32xi32, #tpu.memory_space<vmem>>
    %dma_wait3A_192 = arith.constant 0 : i32
    %dma_wait3A_193 = arith.constant 0 : i32
    %dma_wait3A_194 = tpu.memref_slice %arg3[%dma_wait3A_192, %dma_wait3A_193] : memref<28996x768xf32, #tpu.memory_space<hbm>> -> memref<28996x768xf32, #tpu.memory_space<hbm>>
    tpu.wait_indirect_dma semaphore(%arg10 : memref<!tpu.dma_semaphore, #tpu.memory_space<semaphore_mem>>) src(%dma_wait3A_194 : memref<28996x768xf32, #tpu.memory_space<hbm>>) dst(%dma_wait3A_189 : memref<32x768xf32, #tpu.memory_space<vmem>>)
    %add3A_195 = arith.constant 96 : i32
    %add3A_196 = arith.addi %mul3A_2, %add3A_195 : i32
    %dma_start3A_197 = arith.constant 3 : i32
    %dma_start3A_198 = arith.constant 0 : i32
    %dma_start3A_199 = arith.constant 0 : i32
    %dma_start3A_200 = tpu.memref_slice %arg6[%dma_start3A_197, %dma_start3A_198, %dma_start3A_199] : memref<4x32x768xf32, #tpu.memory_space<vmem>> -> memref<1x32x768xf32, #tpu.memory_space<vmem>>
    %dma_start3A_201 = tpu.memref_squeeze %dma_start3A_200 : memref<1x32x768xf32, #tpu.memory_space<vmem>> -> memref<32x768xf32, #tpu.memory_space<vmem>>
    %dma_start3A_202 = arith.constant 0 : i32
    %dma_start3A_203 = tpu.memref_slice %arg4[%add3A_196, %dma_start3A_202] : memref<32768x768xf32, #tpu.memory_space<hbm>> -> memref<32x768xf32, #tpu.memory_space<hbm>>
    %dma_start3A_204 = arith.constant 0 : i32
    %dma_start3A_205 = tpu.memref_slice %arg4[%add3A_196, %dma_start3A_204] : memref<32768x768xf32, #tpu.memory_space<hbm>> -> memref<32x768xf32, #tpu.memory_space<hbm>>
    %dma_start3A_206 = arith.constant 0 : i32
    %dma_start3A_207 = arith.constant 0 : i32
    %dma_start3A_208 = tpu.memref_slice %arg6[%dma_start3A_197, %dma_start3A_206, %dma_start3A_207] : memref<4x32x768xf32, #tpu.memory_space<vmem>> -> memref<1x32x768xf32, #tpu.memory_space<vmem>>
    %dma_start3A_209 = tpu.memref_squeeze %dma_start3A_208 : memref<1x32x768xf32, #tpu.memory_space<vmem>> -> memref<32x768xf32, #tpu.memory_space<vmem>>
    tpu.enqueue_dma source(%dma_start3A_209 : memref<32x768xf32, #tpu.memory_space<vmem>>) target(%dma_start3A_205 : memref<32x768xf32, #tpu.memory_space<hbm>>) target_semaphore(%arg14 : memref<!tpu.dma_semaphore, #tpu.memory_space<semaphore_mem>>)
    %dma_wait3A_210 = arith.constant 3 : i32
    %dma_wait3A_211 = arith.constant 0 : i32
    %dma_wait3A_212 = arith.constant 0 : i32
    %dma_wait3A_213 = tpu.memref_slice %arg6[%dma_wait3A_210, %dma_wait3A_211, %dma_wait3A_212] : memref<4x32x768xf32, #tpu.memory_space<vmem>> -> memref<1x32x768xf32, #tpu.memory_space<vmem>>
    %dma_wait3A_214 = tpu.memref_squeeze %dma_wait3A_213 : memref<1x32x768xf32, #tpu.memory_space<vmem>> -> memref<32x768xf32, #tpu.memory_space<vmem>>
    %dma_wait3A_215 = arith.constant 0 : i32
    %dma_wait3A_216 = tpu.memref_slice %arg4[%add3A_196, %dma_wait3A_215] : memref<32768x768xf32, #tpu.memory_space<hbm>> -> memref<32x768xf32, #tpu.memory_space<hbm>>
    %dma_wait3A_217 = arith.constant 0 : i32
    %dma_wait3A_218 = tpu.memref_slice %arg4[%add3A_196, %dma_wait3A_217] : memref<32768x768xf32, #tpu.memory_space<hbm>> -> memref<32x768xf32, #tpu.memory_space<hbm>>
    %dma_wait3A_219 = arith.constant 0 : i32
    %dma_wait3A_220 = arith.constant 0 : i32
    %dma_wait3A_221 = tpu.memref_slice %arg6[%dma_wait3A_210, %dma_wait3A_219, %dma_wait3A_220] : memref<4x32x768xf32, #tpu.memory_space<vmem>> -> memref<1x32x768xf32, #tpu.memory_space<vmem>>
    %dma_wait3A_222 = tpu.memref_squeeze %dma_wait3A_221 : memref<1x32x768xf32, #tpu.memory_space<vmem>> -> memref<32x768xf32, #tpu.memory_space<vmem>>
    tpu.wait_dma2 semaphore(%arg14 : memref<!tpu.dma_semaphore, #tpu.memory_space<semaphore_mem>>) src(%dma_wait3A_222 : memref<32x768xf32, #tpu.memory_space<vmem>>) dst(%dma_wait3A_218 : memref<32x768xf32, #tpu.memory_space<hbm>>)
    %dma_start3A_223 = arith.constant 3 : i32
    %dma_start3A_224 = arith.constant 0 : i32
    %dma_start3A_225 = arith.constant 0 : i32
    %dma_start3A_226 = tpu.memref_slice %arg6[%dma_start3A_223, %dma_start3A_224, %dma_start3A_225] : memref<4x32x768xf32, #tpu.memory_space<vmem>> -> memref<1x32x768xf32, #tpu.memory_space<vmem>>
    %dma_start3A_227 = tpu.memref_squeeze %dma_start3A_226 : memref<1x32x768xf32, #tpu.memory_space<vmem>> -> memref<32x768xf32, #tpu.memory_space<vmem>>
    %dma_start3A_228 = arith.constant 224 : i32
    %dma_start3A_229 = tpu.memref_slice %arg5[%dma_start3A_228] : memref<1024xi32, #tpu.memory_space<vmem>> -> memref<32xi32, #tpu.memory_space<vmem>>
    %dma_start3A_230 = arith.constant 0 : i32
    %dma_start3A_231 = arith.constant 0 : i32
    %dma_start3A_232 = tpu.memref_slice %arg3[%dma_start3A_230, %dma_start3A_231] : memref<28996x768xf32, #tpu.memory_space<hbm>> -> memref<28996x768xf32, #tpu.memory_space<hbm>>
    tpu.enqueue_indirect_dma source(%dma_start3A_232 : memref<28996x768xf32, #tpu.memory_space<hbm>>) target(%dma_start3A_227 : memref<32x768xf32, #tpu.memory_space<vmem>>) offsets(%dma_start3A_229 : memref<32xi32, #tpu.memory_space<vmem>>) semaphore(%arg10 : memref<!tpu.dma_semaphore, #tpu.memory_space<semaphore_mem>>)
    %dma_wait3A_233 = arith.constant 0 : i32
    %dma_wait3A_234 = arith.constant 0 : i32
    %dma_wait3A_235 = arith.constant 0 : i32
    %dma_wait3A_236 = tpu.memref_slice %arg6[%dma_wait3A_233, %dma_wait3A_234, %dma_wait3A_235] : memref<4x32x768xf32, #tpu.memory_space<vmem>> -> memref<1x32x768xf32, #tpu.memory_space<vmem>>
    %dma_wait3A_237 = tpu.memref_squeeze %dma_wait3A_236 : memref<1x32x768xf32, #tpu.memory_space<vmem>> -> memref<32x768xf32, #tpu.memory_space<vmem>>
    %dma_wait3A_238 = arith.constant 128 : i32
    %dma_wait3A_239 = tpu.memref_slice %arg5[%dma_wait3A_238] : memref<1024xi32, #tpu.memory_space<vmem>> -> memref<32xi32, #tpu.memory_space<vmem>>
    %dma_wait3A_240 = arith.constant 0 : i32
    %dma_wait3A_241 = arith.constant 0 : i32
    %dma_wait3A_242 = tpu.memref_slice %arg3[%dma_wait3A_240, %dma_wait3A_241] : memref<28996x768xf32, #tpu.memory_space<hbm>> -> memref<28996x768xf32, #tpu.memory_space<hbm>>
    tpu.wait_indirect_dma semaphore(%arg7 : memref<!tpu.dma_semaphore, #tpu.memory_space<semaphore_mem>>) src(%dma_wait3A_242 : memref<28996x768xf32, #tpu.memory_space<hbm>>) dst(%dma_wait3A_237 : memref<32x768xf32, #tpu.memory_space<vmem>>)
    %add3A_243 = arith.constant 128 : i32
    %add3A_244 = arith.addi %mul3A_2, %add3A_243 : i32
    %dma_start3A_245 = arith.constant 0 : i32
    %dma_start3A_246 = arith.constant 0 : i32
    %dma_start3A_247 = arith.constant 0 : i32
    %dma_start3A_248 = tpu.memref_slice %arg6[%dma_start3A_245, %dma_start3A_246, %dma_start3A_247] : memref<4x32x768xf32, #tpu.memory_space<vmem>> -> memref<1x32x768xf32, #tpu.memory_space<vmem>>
    %dma_start3A_249 = tpu.memref_squeeze %dma_start3A_248 : memref<1x32x768xf32, #tpu.memory_space<vmem>> -> memref<32x768xf32, #tpu.memory_space<vmem>>
    %dma_start3A_250 = arith.constant 0 : i32
    %dma_start3A_251 = tpu.memref_slice %arg4[%add3A_244, %dma_start3A_250] : memref<32768x768xf32, #tpu.memory_space<hbm>> -> memref<32x768xf32, #tpu.memory_space<hbm>>
    %dma_start3A_252 = arith.constant 0 : i32
    %dma_start3A_253 = tpu.memref_slice %arg4[%add3A_244, %dma_start3A_252] : memref<32768x768xf32, #tpu.memory_space<hbm>> -> memref<32x768xf32, #tpu.memory_space<hbm>>
    %dma_start3A_254 = arith.constant 0 : i32
    %dma_start3A_255 = arith.constant 0 : i32
    %dma_start3A_256 = tpu.memref_slice %arg6[%dma_start3A_245, %dma_start3A_254, %dma_start3A_255] : memref<4x32x768xf32, #tpu.memory_space<vmem>> -> memref<1x32x768xf32, #tpu.memory_space<vmem>>
    %dma_start3A_257 = tpu.memref_squeeze %dma_start3A_256 : memref<1x32x768xf32, #tpu.memory_space<vmem>> -> memref<32x768xf32, #tpu.memory_space<vmem>>
    tpu.enqueue_dma source(%dma_start3A_257 : memref<32x768xf32, #tpu.memory_space<vmem>>) target(%dma_start3A_253 : memref<32x768xf32, #tpu.memory_space<hbm>>) target_semaphore(%arg11 : memref<!tpu.dma_semaphore, #tpu.memory_space<semaphore_mem>>)
    %dma_wait3A_258 = arith.constant 0 : i32
    %dma_wait3A_259 = arith.constant 0 : i32
    %dma_wait3A_260 = arith.constant 0 : i32
    %dma_wait3A_261 = tpu.memref_slice %arg6[%dma_wait3A_258, %dma_wait3A_259, %dma_wait3A_260] : memref<4x32x768xf32, #tpu.memory_space<vmem>> -> memref<1x32x768xf32, #tpu.memory_space<vmem>>
    %dma_wait3A_262 = tpu.memref_squeeze %dma_wait3A_261 : memref<1x32x768xf32, #tpu.memory_space<vmem>> -> memref<32x768xf32, #tpu.memory_space<vmem>>
    %dma_wait3A_263 = arith.constant 0 : i32
    %dma_wait3A_264 = tpu.memref_slice %arg4[%add3A_244, %dma_wait3A_263] : memref<32768x768xf32, #tpu.memory_space<hbm>> -> memref<32x768xf32, #tpu.memory_space<hbm>>
    %dma_wait3A_265 = arith.constant 0 : i32
    %dma_wait3A_266 = tpu.memref_slice %arg4[%add3A_244, %dma_wait3A_265] : memref<32768x768xf32, #tpu.memory_space<hbm>> -> memref<32x768xf32, #tpu.memory_space<hbm>>
    %dma_wait3A_267 = arith.constant 0 : i32
    %dma_wait3A_268 = arith.constant 0 : i32
    %dma_wait3A_269 = tpu.memref_slice %arg6[%dma_wait3A_258, %dma_wait3A_267, %dma_wait3A_268] : memref<4x32x768xf32, #tpu.memory_space<vmem>> -> memref<1x32x768xf32, #tpu.memory_space<vmem>>
    %dma_wait3A_270 = tpu.memref_squeeze %dma_wait3A_269 : memref<1x32x768xf32, #tpu.memory_space<vmem>> -> memref<32x768xf32, #tpu.memory_space<vmem>>
    tpu.wait_dma2 semaphore(%arg11 : memref<!tpu.dma_semaphore, #tpu.memory_space<semaphore_mem>>) src(%dma_wait3A_270 : memref<32x768xf32, #tpu.memory_space<vmem>>) dst(%dma_wait3A_266 : memref<32x768xf32, #tpu.memory_space<hbm>>)
    %dma_start3A_271 = arith.constant 0 : i32
    %dma_start3A_272 = arith.constant 0 : i32
    %dma_start3A_273 = arith.constant 0 : i32
    %dma_start3A_274 = tpu.memref_slice %arg6[%dma_start3A_271, %dma_start3A_272, %dma_start3A_273] : memref<4x32x768xf32, #tpu.memory_space<vmem>> -> memref<1x32x768xf32, #tpu.memory_space<vmem>>
    %dma_start3A_275 = tpu.memref_squeeze %dma_start3A_274 : memref<1x32x768xf32, #tpu.memory_space<vmem>> -> memref<32x768xf32, #tpu.memory_space<vmem>>
    %dma_start3A_276 = arith.constant 256 : i32
    %dma_start3A_277 = tpu.memref_slice %arg5[%dma_start3A_276] : memref<1024xi32, #tpu.memory_space<vmem>> -> memref<32xi32, #tpu.memory_space<vmem>>
    %dma_start3A_278 = arith.constant 0 : i32
    %dma_start3A_279 = arith.constant 0 : i32
    %dma_start3A_280 = tpu.memref_slice %arg3[%dma_start3A_278, %dma_start3A_279] : memref<28996x768xf32, #tpu.memory_space<hbm>> -> memref<28996x768xf32, #tpu.memory_space<hbm>>
    tpu.enqueue_indirect_dma source(%dma_start3A_280 : memref<28996x768xf32, #tpu.memory_space<hbm>>) target(%dma_start3A_275 : memref<32x768xf32, #tpu.memory_space<vmem>>) offsets(%dma_start3A_277 : memref<32xi32, #tpu.memory_space<vmem>>) semaphore(%arg7 : memref<!tpu.dma_semaphore, #tpu.memory_space<semaphore_mem>>)
    %dma_wait3A_281 = arith.constant 1 : i32
    %dma_wait3A_282 = arith.constant 0 : i32
    %dma_wait3A_283 = arith.constant 0 : i32
    %dma_wait3A_284 = tpu.memref_slice %arg6[%dma_wait3A_281, %dma_wait3A_282, %dma_wait3A_283] : memref<4x32x768xf32, #tpu.memory_space<vmem>> -> memref<1x32x768xf32, #tpu.memory_space<vmem>>
    %dma_wait3A_285 = tpu.memref_squeeze %dma_wait3A_284 : memref<1x32x768xf32, #tpu.memory_space<vmem>> -> memref<32x768xf32, #tpu.memory_space<vmem>>
    %dma_wait3A_286 = arith.constant 160 : i32
    %dma_wait3A_287 = tpu.memref_slice %arg5[%dma_wait3A_286] : memref<1024xi32, #tpu.memory_space<vmem>> -> memref<32xi32, #tpu.memory_space<vmem>>
    %dma_wait3A_288 = arith.constant 0 : i32
    %dma_wait3A_289 = arith.constant 0 : i32
    %dma_wait3A_290 = tpu.memref_slice %arg3[%dma_wait3A_288, %dma_wait3A_289] : memref<28996x768xf32, #tpu.memory_space<hbm>> -> memref<28996x768xf32, #tpu.memory_space<hbm>>
    tpu.wait_indirect_dma semaphore(%arg8 : memref<!tpu.dma_semaphore, #tpu.memory_space<semaphore_mem>>) src(%dma_wait3A_290 : memref<28996x768xf32, #tpu.memory_space<hbm>>) dst(%dma_wait3A_285 : memref<32x768xf32, #tpu.memory_space<vmem>>)
    %add3A_291 = arith.constant 160 : i32
    %add3A_292 = arith.addi %mul3A_2, %add3A_291 : i32
    %dma_start3A_293 = arith.constant 1 : i32
    %dma_start3A_294 = arith.constant 0 : i32
    %dma_start3A_295 = arith.constant 0 : i32
    %dma_start3A_296 = tpu.memref_slice %arg6[%dma_start3A_293, %dma_start3A_294, %dma_start3A_295] : memref<4x32x768xf32, #tpu.memory_space<vmem>> -> memref<1x32x768xf32, #tpu.memory_space<vmem>>
    %dma_start3A_297 = tpu.memref_squeeze %dma_start3A_296 : memref<1x32x768xf32, #tpu.memory_space<vmem>> -> memref<32x768xf32, #tpu.memory_space<vmem>>
    %dma_start3A_298 = arith.constant 0 : i32
    %dma_start3A_299 = tpu.memref_slice %arg4[%add3A_292, %dma_start3A_298] : memref<32768x768xf32, #tpu.memory_space<hbm>> -> memref<32x768xf32, #tpu.memory_space<hbm>>
    %dma_start3A_300 = arith.constant 0 : i32
    %dma_start3A_301 = tpu.memref_slice %arg4[%add3A_292, %dma_start3A_300] : memref<32768x768xf32, #tpu.memory_space<hbm>> -> memref<32x768xf32, #tpu.memory_space<hbm>>
    %dma_start3A_302 = arith.constant 0 : i32
    %dma_start3A_303 = arith.constant 0 : i32
    %dma_start3A_304 = tpu.memref_slice %arg6[%dma_start3A_293, %dma_start3A_302, %dma_start3A_303] : memref<4x32x768xf32, #tpu.memory_space<vmem>> -> memref<1x32x768xf32, #tpu.memory_space<vmem>>
    %dma_start3A_305 = tpu.memref_squeeze %dma_start3A_304 : memref<1x32x768xf32, #tpu.memory_space<vmem>> -> memref<32x768xf32, #tpu.memory_space<vmem>>
    tpu.enqueue_dma source(%dma_start3A_305 : memref<32x768xf32, #tpu.memory_space<vmem>>) target(%dma_start3A_301 : memref<32x768xf32, #tpu.memory_space<hbm>>) target_semaphore(%arg12 : memref<!tpu.dma_semaphore, #tpu.memory_space<semaphore_mem>>)
    %dma_wait3A_306 = arith.constant 1 : i32
    %dma_wait3A_307 = arith.constant 0 : i32
    %dma_wait3A_308 = arith.constant 0 : i32
    %dma_wait3A_309 = tpu.memref_slice %arg6[%dma_wait3A_306, %dma_wait3A_307, %dma_wait3A_308] : memref<4x32x768xf32, #tpu.memory_space<vmem>> -> memref<1x32x768xf32, #tpu.memory_space<vmem>>
    %dma_wait3A_310 = tpu.memref_squeeze %dma_wait3A_309 : memref<1x32x768xf32, #tpu.memory_space<vmem>> -> memref<32x768xf32, #tpu.memory_space<vmem>>
    %dma_wait3A_311 = arith.constant 0 : i32
    %dma_wait3A_312 = tpu.memref_slice %arg4[%add3A_292, %dma_wait3A_311] : memref<32768x768xf32, #tpu.memory_space<hbm>> -> memref<32x768xf32, #tpu.memory_space<hbm>>
    %dma_wait3A_313 = arith.constant 0 : i32
    %dma_wait3A_314 = tpu.memref_slice %arg4[%add3A_292, %dma_wait3A_313] : memref<32768x768xf32, #tpu.memory_space<hbm>> -> memref<32x768xf32, #tpu.memory_space<hbm>>
    %dma_wait3A_315 = arith.constant 0 : i32
    %dma_wait3A_316 = arith.constant 0 : i32
    %dma_wait3A_317 = tpu.memref_slice %arg6[%dma_wait3A_306, %dma_wait3A_315, %dma_wait3A_316] : memref<4x32x768xf32, #tpu.memory_space<vmem>> -> memref<1x32x768xf32, #tpu.memory_space<vmem>>
    %dma_wait3A_318 = tpu.memref_squeeze %dma_wait3A_317 : memref<1x32x768xf32, #tpu.memory_space<vmem>> -> memref<32x768xf32, #tpu.memory_space<vmem>>
    tpu.wait_dma2 semaphore(%arg12 : memref<!tpu.dma_semaphore, #tpu.memory_space<semaphore_mem>>) src(%dma_wait3A_318 : memref<32x768xf32, #tpu.memory_space<vmem>>) dst(%dma_wait3A_314 : memref<32x768xf32, #tpu.memory_space<hbm>>)
    %dma_start3A_319 = arith.constant 1 : i32
    %dma_start3A_320 = arith.constant 0 : i32
    %dma_start3A_321 = arith.constant 0 : i32
    %dma_start3A_322 = tpu.memref_slice %arg6[%dma_start3A_319, %dma_start3A_320, %dma_start3A_321] : memref<4x32x768xf32, #tpu.memory_space<vmem>> -> memref<1x32x768xf32, #tpu.memory_space<vmem>>
    %dma_start3A_323 = tpu.memref_squeeze %dma_start3A_322 : memref<1x32x768xf32, #tpu.memory_space<vmem>> -> memref<32x768xf32, #tpu.memory_space<vmem>>
    %dma_start3A_324 = arith.constant 288 : i32
    %dma_start3A_325 = tpu.memref_slice %arg5[%dma_start3A_324] : memref<1024xi32, #tpu.memory_space<vmem>> -> memref<32xi32, #tpu.memory_space<vmem>>
    %dma_start3A_326 = arith.constant 0 : i32
    %dma_start3A_327 = arith.constant 0 : i32
    %dma_start3A_328 = tpu.memref_slice %arg3[%dma_start3A_326, %dma_start3A_327] : memref<28996x768xf32, #tpu.memory_space<hbm>> -> memref<28996x768xf32, #tpu.memory_space<hbm>>
    tpu.enqueue_indirect_dma source(%dma_start3A_328 : memref<28996x768xf32, #tpu.memory_space<hbm>>) target(%dma_start3A_323 : memref<32x768xf32, #tpu.memory_space<vmem>>) offsets(%dma_start3A_325 : memref<32xi32, #tpu.memory_space<vmem>>) semaphore(%arg8 : memref<!tpu.dma_semaphore, #tpu.memory_space<semaphore_mem>>)
    %dma_wait3A_329 = arith.constant 2 : i32
    %dma_wait3A_330 = arith.constant 0 : i32
    %dma_wait3A_331 = arith.constant 0 : i32
    %dma_wait3A_332 = tpu.memref_slice %arg6[%dma_wait3A_329, %dma_wait3A_330, %dma_wait3A_331] : memref<4x32x768xf32, #tpu.memory_space<vmem>> -> memref<1x32x768xf32, #tpu.memory_space<vmem>>
    %dma_wait3A_333 = tpu.memref_squeeze %dma_wait3A_332 : memref<1x32x768xf32, #tpu.memory_space<vmem>> -> memref<32x768xf32, #tpu.memory_space<vmem>>
    %dma_wait3A_334 = arith.constant 192 : i32
    %dma_wait3A_335 = tpu.memref_slice %arg5[%dma_wait3A_334] : memref<1024xi32, #tpu.memory_space<vmem>> -> memref<32xi32, #tpu.memory_space<vmem>>
    %dma_wait3A_336 = arith.constant 0 : i32
    %dma_wait3A_337 = arith.constant 0 : i32
    %dma_wait3A_338 = tpu.memref_slice %arg3[%dma_wait3A_336, %dma_wait3A_337] : memref<28996x768xf32, #tpu.memory_space<hbm>> -> memref<28996x768xf32, #tpu.memory_space<hbm>>
    tpu.wait_indirect_dma semaphore(%arg9 : memref<!tpu.dma_semaphore, #tpu.memory_space<semaphore_mem>>) src(%dma_wait3A_338 : memref<28996x768xf32, #tpu.memory_space<hbm>>) dst(%dma_wait3A_333 : memref<32x768xf32, #tpu.memory_space<vmem>>)
    %add3A_339 = arith.constant 192 : i32
    %add3A_340 = arith.addi %mul3A_2, %add3A_339 : i32
    %dma_start3A_341 = arith.constant 2 : i32
    %dma_start3A_342 = arith.constant 0 : i32
    %dma_start3A_343 = arith.constant 0 : i32
    %dma_start3A_344 = tpu.memref_slice %arg6[%dma_start3A_341, %dma_start3A_342, %dma_start3A_343] : memref<4x32x768xf32, #tpu.memory_space<vmem>> -> memref<1x32x768xf32, #tpu.memory_space<vmem>>
    %dma_start3A_345 = tpu.memref_squeeze %dma_start3A_344 : memref<1x32x768xf32, #tpu.memory_space<vmem>> -> memref<32x768xf32, #tpu.memory_space<vmem>>
    %dma_start3A_346 = arith.constant 0 : i32
    %dma_start3A_347 = tpu.memref_slice %arg4[%add3A_340, %dma_start3A_346] : memref<32768x768xf32, #tpu.memory_space<hbm>> -> memref<32x768xf32, #tpu.memory_space<hbm>>
    %dma_start3A_348 = arith.constant 0 : i32
    %dma_start3A_349 = tpu.memref_slice %arg4[%add3A_340, %dma_start3A_348] : memref<32768x768xf32, #tpu.memory_space<hbm>> -> memref<32x768xf32, #tpu.memory_space<hbm>>
    %dma_start3A_350 = arith.constant 0 : i32
    %dma_start3A_351 = arith.constant 0 : i32
    %dma_start3A_352 = tpu.memref_slice %arg6[%dma_start3A_341, %dma_start3A_350, %dma_start3A_351] : memref<4x32x768xf32, #tpu.memory_space<vmem>> -> memref<1x32x768xf32, #tpu.memory_space<vmem>>
    %dma_start3A_353 = tpu.memref_squeeze %dma_start3A_352 : memref<1x32x768xf32, #tpu.memory_space<vmem>> -> memref<32x768xf32, #tpu.memory_space<vmem>>
    tpu.enqueue_dma source(%dma_start3A_353 : memref<32x768xf32, #tpu.memory_space<vmem>>) target(%dma_start3A_349 : memref<32x768xf32, #tpu.memory_space<hbm>>) target_semaphore(%arg13 : memref<!tpu.dma_semaphore, #tpu.memory_space<semaphore_mem>>)
    %dma_wait3A_354 = arith.constant 2 : i32
    %dma_wait3A_355 = arith.constant 0 : i32
    %dma_wait3A_356 = arith.constant 0 : i32
    %dma_wait3A_357 = tpu.memref_slice %arg6[%dma_wait3A_354, %dma_wait3A_355, %dma_wait3A_356] : memref<4x32x768xf32, #tpu.memory_space<vmem>> -> memref<1x32x768xf32, #tpu.memory_space<vmem>>
    %dma_wait3A_358 = tpu.memref_squeeze %dma_wait3A_357 : memref<1x32x768xf32, #tpu.memory_space<vmem>> -> memref<32x768xf32, #tpu.memory_space<vmem>>
    %dma_wait3A_359 = arith.constant 0 : i32
    %dma_wait3A_360 = tpu.memref_slice %arg4[%add3A_340, %dma_wait3A_359] : memref<32768x768xf32, #tpu.memory_space<hbm>> -> memref<32x768xf32, #tpu.memory_space<hbm>>
    %dma_wait3A_361 = arith.constant 0 : i32
    %dma_wait3A_362 = tpu.memref_slice %arg4[%add3A_340, %dma_wait3A_361] : memref<32768x768xf32, #tpu.memory_space<hbm>> -> memref<32x768xf32, #tpu.memory_space<hbm>>
    %dma_wait3A_363 = arith.constant 0 : i32
    %dma_wait3A_364 = arith.constant 0 : i32
    %dma_wait3A_365 = tpu.memref_slice %arg6[%dma_wait3A_354, %dma_wait3A_363, %dma_wait3A_364] : memref<4x32x768xf32, #tpu.memory_space<vmem>> -> memref<1x32x768xf32, #tpu.memory_space<vmem>>
    %dma_wait3A_366 = tpu.memref_squeeze %dma_wait3A_365 : memref<1x32x768xf32, #tpu.memory_space<vmem>> -> memref<32x768xf32, #tpu.memory_space<vmem>>
    tpu.wait_dma2 semaphore(%arg13 : memref<!tpu.dma_semaphore, #tpu.memory_space<semaphore_mem>>) src(%dma_wait3A_366 : memref<32x768xf32, #tpu.memory_space<vmem>>) dst(%dma_wait3A_362 : memref<32x768xf32, #tpu.memory_space<hbm>>)
    %dma_start3A_367 = arith.constant 2 : i32
    %dma_start3A_368 = arith.constant 0 : i32
    %dma_start3A_369 = arith.constant 0 : i32
    %dma_start3A_370 = tpu.memref_slice %arg6[%dma_start3A_367, %dma_start3A_368, %dma_start3A_369] : memref<4x32x768xf32, #tpu.memory_space<vmem>> -> memref<1x32x768xf32, #tpu.memory_space<vmem>>
    %dma_start3A_371 = tpu.memref_squeeze %dma_start3A_370 : memref<1x32x768xf32, #tpu.memory_space<vmem>> -> memref<32x768xf32, #tpu.memory_space<vmem>>
    %dma_start3A_372 = arith.constant 320 : i32
    %dma_start3A_373 = tpu.memref_slice %arg5[%dma_start3A_372] : memref<1024xi32, #tpu.memory_space<vmem>> -> memref<32xi32, #tpu.memory_space<vmem>>
    %dma_start3A_374 = arith.constant 0 : i32
    %dma_start3A_375 = arith.constant 0 : i32
    %dma_start3A_376 = tpu.memref_slice %arg3[%dma_start3A_374, %dma_start3A_375] : memref<28996x768xf32, #tpu.memory_space<hbm>> -> memref<28996x768xf32, #tpu.memory_space<hbm>>
    tpu.enqueue_indirect_dma source(%dma_start3A_376 : memref<28996x768xf32, #tpu.memory_space<hbm>>) target(%dma_start3A_371 : memref<32x768xf32, #tpu.memory_space<vmem>>) offsets(%dma_start3A_373 : memref<32xi32, #tpu.memory_space<vmem>>) semaphore(%arg9 : memref<!tpu.dma_semaphore, #tpu.memory_space<semaphore_mem>>)
    %dma_wait3A_377 = arith.constant 3 : i32
    %dma_wait3A_378 = arith.constant 0 : i32
    %dma_wait3A_379 = arith.constant 0 : i32
    %dma_wait3A_380 = tpu.memref_slice %arg6[%dma_wait3A_377, %dma_wait3A_378, %dma_wait3A_379] : memref<4x32x768xf32, #tpu.memory_space<vmem>> -> memref<1x32x768xf32, #tpu.memory_space<vmem>>
    %dma_wait3A_381 = tpu.memref_squeeze %dma_wait3A_380 : memref<1x32x768xf32, #tpu.memory_space<vmem>> -> memref<32x768xf32, #tpu.memory_space<vmem>>
    %dma_wait3A_382 = arith.constant 224 : i32
    %dma_wait3A_383 = tpu.memref_slice %arg5[%dma_wait3A_382] : memref<1024xi32, #tpu.memory_space<vmem>> -> memref<32xi32, #tpu.memory_space<vmem>>
    %dma_wait3A_384 = arith.constant 0 : i32
    %dma_wait3A_385 = arith.constant 0 : i32
    %dma_wait3A_386 = tpu.memref_slice %arg3[%dma_wait3A_384, %dma_wait3A_385] : memref<28996x768xf32, #tpu.memory_space<hbm>> -> memref<28996x768xf32, #tpu.memory_space<hbm>>
    tpu.wait_indirect_dma semaphore(%arg10 : memref<!tpu.dma_semaphore, #tpu.memory_space<semaphore_mem>>) src(%dma_wait3A_386 : memref<28996x768xf32, #tpu.memory_space<hbm>>) dst(%dma_wait3A_381 : memref<32x768xf32, #tpu.memory_space<vmem>>)
    %add3A_387 = arith.constant 224 : i32
    %add3A_388 = arith.addi %mul3A_2, %add3A_387 : i32
    %dma_start3A_389 = arith.constant 3 : i32
    %dma_start3A_390 = arith.constant 0 : i32
    %dma_start3A_391 = arith.constant 0 : i32
    %dma_start3A_392 = tpu.memref_slice %arg6[%dma_start3A_389, %dma_start3A_390, %dma_start3A_391] : memref<4x32x768xf32, #tpu.memory_space<vmem>> -> memref<1x32x768xf32, #tpu.memory_space<vmem>>
    %dma_start3A_393 = tpu.memref_squeeze %dma_start3A_392 : memref<1x32x768xf32, #tpu.memory_space<vmem>> -> memref<32x768xf32, #tpu.memory_space<vmem>>
    %dma_start3A_394 = arith.constant 0 : i32
    %dma_start3A_395 = tpu.memref_slice %arg4[%add3A_388, %dma_start3A_394] : memref<32768x768xf32, #tpu.memory_space<hbm>> -> memref<32x768xf32, #tpu.memory_space<hbm>>
    %dma_start3A_396 = arith.constant 0 : i32
    %dma_start3A_397 = tpu.memref_slice %arg4[%add3A_388, %dma_start3A_396] : memref<32768x768xf32, #tpu.memory_space<hbm>> -> memref<32x768xf32, #tpu.memory_space<hbm>>
    %dma_start3A_398 = arith.constant 0 : i32
    %dma_start3A_399 = arith.constant 0 : i32
    %dma_start3A_400 = tpu.memref_slice %arg6[%dma_start3A_389, %dma_start3A_398, %dma_start3A_399] : memref<4x32x768xf32, #tpu.memory_space<vmem>> -> memref<1x32x768xf32, #tpu.memory_space<vmem>>
    %dma_start3A_401 = tpu.memref_squeeze %dma_start3A_400 : memref<1x32x768xf32, #tpu.memory_space<vmem>> -> memref<32x768xf32, #tpu.memory_space<vmem>>
    tpu.enqueue_dma source(%dma_start3A_401 : memref<32x768xf32, #tpu.memory_space<vmem>>) target(%dma_start3A_397 : memref<32x768xf32, #tpu.memory_space<hbm>>) target_semaphore(%arg14 : memref<!tpu.dma_semaphore, #tpu.memory_space<semaphore_mem>>)
    %dma_wait3A_402 = arith.constant 3 : i32
    %dma_wait3A_403 = arith.constant 0 : i32
    %dma_wait3A_404 = arith.constant 0 : i32
    %dma_wait3A_405 = tpu.memref_slice %arg6[%dma_wait3A_402, %dma_wait3A_403, %dma_wait3A_404] : memref<4x32x768xf32, #tpu.memory_space<vmem>> -> memref<1x32x768xf32, #tpu.memory_space<vmem>>
    %dma_wait3A_406 = tpu.memref_squeeze %dma_wait3A_405 : memref<1x32x768xf32, #tpu.memory_space<vmem>> -> memref<32x768xf32, #tpu.memory_space<vmem>>
    %dma_wait3A_407 = arith.constant 0 : i32
    %dma_wait3A_408 = tpu.memref_slice %arg4[%add3A_388, %dma_wait3A_407] : memref<32768x768xf32, #tpu.memory_space<hbm>> -> memref<32x768xf32, #tpu.memory_space<hbm>>
    %dma_wait3A_409 = arith.constant 0 : i32
    %dma_wait3A_410 = tpu.memref_slice %arg4[%add3A_388, %dma_wait3A_409] : memref<32768x768xf32, #tpu.memory_space<hbm>> -> memref<32x768xf32, #tpu.memory_space<hbm>>
    %dma_wait3A_411 = arith.constant 0 : i32
    %dma_wait3A_412 = arith.constant 0 : i32
    %dma_wait3A_413 = tpu.memref_slice %arg6[%dma_wait3A_402, %dma_wait3A_411, %dma_wait3A_412] : memref<4x32x768xf32, #tpu.memory_space<vmem>> -> memref<1x32x768xf32, #tpu.memory_space<vmem>>
    %dma_wait3A_414 = tpu.memref_squeeze %dma_wait3A_413 : memref<1x32x768xf32, #tpu.memory_space<vmem>> -> memref<32x768xf32, #tpu.memory_space<vmem>>
    tpu.wait_dma2 semaphore(%arg14 : memref<!tpu.dma_semaphore, #tpu.memory_space<semaphore_mem>>) src(%dma_wait3A_414 : memref<32x768xf32, #tpu.memory_space<vmem>>) dst(%dma_wait3A_410 : memref<32x768xf32, #tpu.memory_space<hbm>>)
    %dma_start3A_415 = arith.constant 3 : i32
    %dma_start3A_416 = arith.constant 0 : i32
    %dma_start3A_417 = arith.constant 0 : i32
    %dma_start3A_418 = tpu.memref_slice %arg6[%dma_start3A_415, %dma_start3A_416, %dma_start3A_417] : memref<4x32x768xf32, #tpu.memory_space<vmem>> -> memref<1x32x768xf32, #tpu.memory_space<vmem>>
    %dma_start3A_419 = tpu.memref_squeeze %dma_start3A_418 : memref<1x32x768xf32, #tpu.memory_space<vmem>> -> memref<32x768xf32, #tpu.memory_space<vmem>>
    %dma_start3A_420 = arith.constant 352 : i32
    %dma_start3A_421 = tpu.memref_slice %arg5[%dma_start3A_420] : memref<1024xi32, #tpu.memory_space<vmem>> -> memref<32xi32, #tpu.memory_space<vmem>>
    %dma_start3A_422 = arith.constant 0 : i32
    %dma_start3A_423 = arith.constant 0 : i32
    %dma_start3A_424 = tpu.memref_slice %arg3[%dma_start3A_422, %dma_start3A_423] : memref<28996x768xf32, #tpu.memory_space<hbm>> -> memref<28996x768xf32, #tpu.memory_space<hbm>>
    tpu.enqueue_indirect_dma source(%dma_start3A_424 : memref<28996x768xf32, #tpu.memory_space<hbm>>) target(%dma_start3A_419 : memref<32x768xf32, #tpu.memory_space<vmem>>) offsets(%dma_start3A_421 : memref<32xi32, #tpu.memory_space<vmem>>) semaphore(%arg10 : memref<!tpu.dma_semaphore, #tpu.memory_space<semaphore_mem>>)
    %dma_wait3A_425 = arith.constant 0 : i32
    %dma_wait3A_426 = arith.constant 0 : i32
    %dma_wait3A_427 = arith.constant 0 : i32
    %dma_wait3A_428 = tpu.memref_slice %arg6[%dma_wait3A_425, %dma_wait3A_426, %dma_wait3A_427] : memref<4x32x768xf32, #tpu.memory_space<vmem>> -> memref<1x32x768xf32, #tpu.memory_space<vmem>>
    %dma_wait3A_429 = tpu.memref_squeeze %dma_wait3A_428 : memref<1x32x768xf32, #tpu.memory_space<vmem>> -> memref<32x768xf32, #tpu.memory_space<vmem>>
    %dma_wait3A_430 = arith.constant 256 : i32
    %dma_wait3A_431 = tpu.memref_slice %arg5[%dma_wait3A_430] : memref<1024xi32, #tpu.memory_space<vmem>> -> memref<32xi32, #tpu.memory_space<vmem>>
    %dma_wait3A_432 = arith.constant 0 : i32
    %dma_wait3A_433 = arith.constant 0 : i32
    %dma_wait3A_434 = tpu.memref_slice %arg3[%dma_wait3A_432, %dma_wait3A_433] : memref<28996x768xf32, #tpu.memory_space<hbm>> -> memref<28996x768xf32, #tpu.memory_space<hbm>>
    tpu.wait_indirect_dma semaphore(%arg7 : memref<!tpu.dma_semaphore, #tpu.memory_space<semaphore_mem>>) src(%dma_wait3A_434 : memref<28996x768xf32, #tpu.memory_space<hbm>>) dst(%dma_wait3A_429 : memref<32x768xf32, #tpu.memory_space<vmem>>)
    %add3A_435 = arith.constant 256 : i32
    %add3A_436 = arith.addi %mul3A_2, %add3A_435 : i32
    %dma_start3A_437 = arith.constant 0 : i32
    %dma_start3A_438 = arith.constant 0 : i32
    %dma_start3A_439 = arith.constant 0 : i32
    %dma_start3A_440 = tpu.memref_slice %arg6[%dma_start3A_437, %dma_start3A_438, %dma_start3A_439] : memref<4x32x768xf32, #tpu.memory_space<vmem>> -> memref<1x32x768xf32, #tpu.memory_space<vmem>>
    %dma_start3A_441 = tpu.memref_squeeze %dma_start3A_440 : memref<1x32x768xf32, #tpu.memory_space<vmem>> -> memref<32x768xf32, #tpu.memory_space<vmem>>
    %dma_start3A_442 = arith.constant 0 : i32
    %dma_start3A_443 = tpu.memref_slice %arg4[%add3A_436, %dma_start3A_442] : memref<32768x768xf32, #tpu.memory_space<hbm>> -> memref<32x768xf32, #tpu.memory_space<hbm>>
    %dma_start3A_444 = arith.constant 0 : i32
    %dma_start3A_445 = tpu.memref_slice %arg4[%add3A_436, %dma_start3A_444] : memref<32768x768xf32, #tpu.memory_space<hbm>> -> memref<32x768xf32, #tpu.memory_space<hbm>>
    %dma_start3A_446 = arith.constant 0 : i32
    %dma_start3A_447 = arith.constant 0 : i32
    %dma_start3A_448 = tpu.memref_slice %arg6[%dma_start3A_437, %dma_start3A_446, %dma_start3A_447] : memref<4x32x768xf32, #tpu.memory_space<vmem>> -> memref<1x32x768xf32, #tpu.memory_space<vmem>>
    %dma_start3A_449 = tpu.memref_squeeze %dma_start3A_448 : memref<1x32x768xf32, #tpu.memory_space<vmem>> -> memref<32x768xf32, #tpu.memory_space<vmem>>
    tpu.enqueue_dma source(%dma_start3A_449 : memref<32x768xf32, #tpu.memory_space<vmem>>) target(%dma_start3A_445 : memref<32x768xf32, #tpu.memory_space<hbm>>) target_semaphore(%arg11 : memref<!tpu.dma_semaphore, #tpu.memory_space<semaphore_mem>>)
    %dma_wait3A_450 = arith.constant 0 : i32
    %dma_wait3A_451 = arith.constant 0 : i32
    %dma_wait3A_452 = arith.constant 0 : i32
    %dma_wait3A_453 = tpu.memref_slice %arg6[%dma_wait3A_450, %dma_wait3A_451, %dma_wait3A_452] : memref<4x32x768xf32, #tpu.memory_space<vmem>> -> memref<1x32x768xf32, #tpu.memory_space<vmem>>
    %dma_wait3A_454 = tpu.memref_squeeze %dma_wait3A_453 : memref<1x32x768xf32, #tpu.memory_space<vmem>> -> memref<32x768xf32, #tpu.memory_space<vmem>>
    %dma_wait3A_455 = arith.constant 0 : i32
    %dma_wait3A_456 = tpu.memref_slice %arg4[%add3A_436, %dma_wait3A_455] : memref<32768x768xf32, #tpu.memory_space<hbm>> -> memref<32x768xf32, #tpu.memory_space<hbm>>
    %dma_wait3A_457 = arith.constant 0 : i32
    %dma_wait3A_458 = tpu.memref_slice %arg4[%add3A_436, %dma_wait3A_457] : memref<32768x768xf32, #tpu.memory_space<hbm>> -> memref<32x768xf32, #tpu.memory_space<hbm>>
    %dma_wait3A_459 = arith.constant 0 : i32
    %dma_wait3A_460 = arith.constant 0 : i32
    %dma_wait3A_461 = tpu.memref_slice %arg6[%dma_wait3A_450, %dma_wait3A_459, %dma_wait3A_460] : memref<4x32x768xf32, #tpu.memory_space<vmem>> -> memref<1x32x768xf32, #tpu.memory_space<vmem>>
    %dma_wait3A_462 = tpu.memref_squeeze %dma_wait3A_461 : memref<1x32x768xf32, #tpu.memory_space<vmem>> -> memref<32x768xf32, #tpu.memory_space<vmem>>
    tpu.wait_dma2 semaphore(%arg11 : memref<!tpu.dma_semaphore, #tpu.memory_space<semaphore_mem>>) src(%dma_wait3A_462 : memref<32x768xf32, #tpu.memory_space<vmem>>) dst(%dma_wait3A_458 : memref<32x768xf32, #tpu.memory_space<hbm>>)
    %dma_start3A_463 = arith.constant 0 : i32
    %dma_start3A_464 = arith.constant 0 : i32
    %dma_start3A_465 = arith.constant 0 : i32
    %dma_start3A_466 = tpu.memref_slice %arg6[%dma_start3A_463, %dma_start3A_464, %dma_start3A_465] : memref<4x32x768xf32, #tpu.memory_space<vmem>> -> memref<1x32x768xf32, #tpu.memory_space<vmem>>
    %dma_start3A_467 = tpu.memref_squeeze %dma_start3A_466 : memref<1x32x768xf32, #tpu.memory_space<vmem>> -> memref<32x768xf32, #tpu.memory_space<vmem>>
    %dma_start3A_468 = arith.constant 384 : i32
    %dma_start3A_469 = tpu.memref_slice %arg5[%dma_start3A_468] : memref<1024xi32, #tpu.memory_space<vmem>> -> memref<32xi32, #tpu.memory_space<vmem>>
    %dma_start3A_470 = arith.constant 0 : i32
    %dma_start3A_471 = arith.constant 0 : i32
    %dma_start3A_472 = tpu.memref_slice %arg3[%dma_start3A_470, %dma_start3A_471] : memref<28996x768xf32, #tpu.memory_space<hbm>> -> memref<28996x768xf32, #tpu.memory_space<hbm>>
    tpu.enqueue_indirect_dma source(%dma_start3A_472 : memref<28996x768xf32, #tpu.memory_space<hbm>>) target(%dma_start3A_467 : memref<32x768xf32, #tpu.memory_space<vmem>>) offsets(%dma_start3A_469 : memref<32xi32, #tpu.memory_space<vmem>>) semaphore(%arg7 : memref<!tpu.dma_semaphore, #tpu.memory_space<semaphore_mem>>)
    %dma_wait3A_473 = arith.constant 1 : i32
    %dma_wait3A_474 = arith.constant 0 : i32
    %dma_wait3A_475 = arith.constant 0 : i32
    %dma_wait3A_476 = tpu.memref_slice %arg6[%dma_wait3A_473, %dma_wait3A_474, %dma_wait3A_475] : memref<4x32x768xf32, #tpu.memory_space<vmem>> -> memref<1x32x768xf32, #tpu.memory_space<vmem>>
    %dma_wait3A_477 = tpu.memref_squeeze %dma_wait3A_476 : memref<1x32x768xf32, #tpu.memory_space<vmem>> -> memref<32x768xf32, #tpu.memory_space<vmem>>
    %dma_wait3A_478 = arith.constant 288 : i32
    %dma_wait3A_479 = tpu.memref_slice %arg5[%dma_wait3A_478] : memref<1024xi32, #tpu.memory_space<vmem>> -> memref<32xi32, #tpu.memory_space<vmem>>
    %dma_wait3A_480 = arith.constant 0 : i32
    %dma_wait3A_481 = arith.constant 0 : i32
    %dma_wait3A_482 = tpu.memref_slice %arg3[%dma_wait3A_480, %dma_wait3A_481] : memref<28996x768xf32, #tpu.memory_space<hbm>> -> memref<28996x768xf32, #tpu.memory_space<hbm>>
    tpu.wait_indirect_dma semaphore(%arg8 : memref<!tpu.dma_semaphore, #tpu.memory_space<semaphore_mem>>) src(%dma_wait3A_482 : memref<28996x768xf32, #tpu.memory_space<hbm>>) dst(%dma_wait3A_477 : memref<32x768xf32, #tpu.memory_space<vmem>>)
    %add3A_483 = arith.constant 288 : i32
    %add3A_484 = arith.addi %mul3A_2, %add3A_483 : i32
    %dma_start3A_485 = arith.constant 1 : i32
    %dma_start3A_486 = arith.constant 0 : i32
    %dma_start3A_487 = arith.constant 0 : i32
    %dma_start3A_488 = tpu.memref_slice %arg6[%dma_start3A_485, %dma_start3A_486, %dma_start3A_487] : memref<4x32x768xf32, #tpu.memory_space<vmem>> -> memref<1x32x768xf32, #tpu.memory_space<vmem>>
    %dma_start3A_489 = tpu.memref_squeeze %dma_start3A_488 : memref<1x32x768xf32, #tpu.memory_space<vmem>> -> memref<32x768xf32, #tpu.memory_space<vmem>>
    %dma_start3A_490 = arith.constant 0 : i32
    %dma_start3A_491 = tpu.memref_slice %arg4[%add3A_484, %dma_start3A_490] : memref<32768x768xf32, #tpu.memory_space<hbm>> -> memref<32x768xf32, #tpu.memory_space<hbm>>
    %dma_start3A_492 = arith.constant 0 : i32
    %dma_start3A_493 = tpu.memref_slice %arg4[%add3A_484, %dma_start3A_492] : memref<32768x768xf32, #tpu.memory_space<hbm>> -> memref<32x768xf32, #tpu.memory_space<hbm>>
    %dma_start3A_494 = arith.constant 0 : i32
    %dma_start3A_495 = arith.constant 0 : i32
    %dma_start3A_496 = tpu.memref_slice %arg6[%dma_start3A_485, %dma_start3A_494, %dma_start3A_495] : memref<4x32x768xf32, #tpu.memory_space<vmem>> -> memref<1x32x768xf32, #tpu.memory_space<vmem>>
    %dma_start3A_497 = tpu.memref_squeeze %dma_start3A_496 : memref<1x32x768xf32, #tpu.memory_space<vmem>> -> memref<32x768xf32, #tpu.memory_space<vmem>>
    tpu.enqueue_dma source(%dma_start3A_497 : memref<32x768xf32, #tpu.memory_space<vmem>>) target(%dma_start3A_493 : memref<32x768xf32, #tpu.memory_space<hbm>>) target_semaphore(%arg12 : memref<!tpu.dma_semaphore, #tpu.memory_space<semaphore_mem>>)
    %dma_wait3A_498 = arith.constant 1 : i32
    %dma_wait3A_499 = arith.constant 0 : i32
    %dma_wait3A_500 = arith.constant 0 : i32
    %dma_wait3A_501 = tpu.memref_slice %arg6[%dma_wait3A_498, %dma_wait3A_499, %dma_wait3A_500] : memref<4x32x768xf32, #tpu.memory_space<vmem>> -> memref<1x32x768xf32, #tpu.memory_space<vmem>>
    %dma_wait3A_502 = tpu.memref_squeeze %dma_wait3A_501 : memref<1x32x768xf32, #tpu.memory_space<vmem>> -> memref<32x768xf32, #tpu.memory_space<vmem>>
    %dma_wait3A_503 = arith.constant 0 : i32
    %dma_wait3A_504 = tpu.memref_slice %arg4[%add3A_484, %dma_wait3A_503] : memref<32768x768xf32, #tpu.memory_space<hbm>> -> memref<32x768xf32, #tpu.memory_space<hbm>>
    %dma_wait3A_505 = arith.constant 0 : i32
    %dma_wait3A_506 = tpu.memref_slice %arg4[%add3A_484, %dma_wait3A_505] : memref<32768x768xf32, #tpu.memory_space<hbm>> -> memref<32x768xf32, #tpu.memory_space<hbm>>
    %dma_wait3A_507 = arith.constant 0 : i32
    %dma_wait3A_508 = arith.constant 0 : i32
    %dma_wait3A_509 = tpu.memref_slice %arg6[%dma_wait3A_498, %dma_wait3A_507, %dma_wait3A_508] : memref<4x32x768xf32, #tpu.memory_space<vmem>> -> memref<1x32x768xf32, #tpu.memory_space<vmem>>
    %dma_wait3A_510 = tpu.memref_squeeze %dma_wait3A_509 : memref<1x32x768xf32, #tpu.memory_space<vmem>> -> memref<32x768xf32, #tpu.memory_space<vmem>>
    tpu.wait_dma2 semaphore(%arg12 : memref<!tpu.dma_semaphore, #tpu.memory_space<semaphore_mem>>) src(%dma_wait3A_510 : memref<32x768xf32, #tpu.memory_space<vmem>>) dst(%dma_wait3A_506 : memref<32x768xf32, #tpu.memory_space<hbm>>)
    %dma_start3A_511 = arith.constant 1 : i32
    %dma_start3A_512 = arith.constant 0 : i32
    %dma_start3A_513 = arith.constant 0 : i32
    %dma_start3A_514 = tpu.memref_slice %arg6[%dma_start3A_511, %dma_start3A_512, %dma_start3A_513] : memref<4x32x768xf32, #tpu.memory_space<vmem>> -> memref<1x32x768xf32, #tpu.memory_space<vmem>>
    %dma_start3A_515 = tpu.memref_squeeze %dma_start3A_514 : memref<1x32x768xf32, #tpu.memory_space<vmem>> -> memref<32x768xf32, #tpu.memory_space<vmem>>
    %dma_start3A_516 = arith.constant 416 : i32
    %dma_start3A_517 = tpu.memref_slice %arg5[%dma_start3A_516] : memref<1024xi32, #tpu.memory_space<vmem>> -> memref<32xi32, #tpu.memory_space<vmem>>
    %dma_start3A_518 = arith.constant 0 : i32
    %dma_start3A_519 = arith.constant 0 : i32
    %dma_start3A_520 = tpu.memref_slice %arg3[%dma_start3A_518, %dma_start3A_519] : memref<28996x768xf32, #tpu.memory_space<hbm>> -> memref<28996x768xf32, #tpu.memory_space<hbm>>
    tpu.enqueue_indirect_dma source(%dma_start3A_520 : memref<28996x768xf32, #tpu.memory_space<hbm>>) target(%dma_start3A_515 : memref<32x768xf32, #tpu.memory_space<vmem>>) offsets(%dma_start3A_517 : memref<32xi32, #tpu.memory_space<vmem>>) semaphore(%arg8 : memref<!tpu.dma_semaphore, #tpu.memory_space<semaphore_mem>>)
    %dma_wait3A_521 = arith.constant 2 : i32
    %dma_wait3A_522 = arith.constant 0 : i32
    %dma_wait3A_523 = arith.constant 0 : i32
    %dma_wait3A_524 = tpu.memref_slice %arg6[%dma_wait3A_521, %dma_wait3A_522, %dma_wait3A_523] : memref<4x32x768xf32, #tpu.memory_space<vmem>> -> memref<1x32x768xf32, #tpu.memory_space<vmem>>
    %dma_wait3A_525 = tpu.memref_squeeze %dma_wait3A_524 : memref<1x32x768xf32, #tpu.memory_space<vmem>> -> memref<32x768xf32, #tpu.memory_space<vmem>>
    %dma_wait3A_526 = arith.constant 320 : i32
    %dma_wait3A_527 = tpu.memref_slice %arg5[%dma_wait3A_526] : memref<1024xi32, #tpu.memory_space<vmem>> -> memref<32xi32, #tpu.memory_space<vmem>>
    %dma_wait3A_528 = arith.constant 0 : i32
    %dma_wait3A_529 = arith.constant 0 : i32
    %dma_wait3A_530 = tpu.memref_slice %arg3[%dma_wait3A_528, %dma_wait3A_529] : memref<28996x768xf32, #tpu.memory_space<hbm>> -> memref<28996x768xf32, #tpu.memory_space<hbm>>
    tpu.wait_indirect_dma semaphore(%arg9 : memref<!tpu.dma_semaphore, #tpu.memory_space<semaphore_mem>>) src(%dma_wait3A_530 : memref<28996x768xf32, #tpu.memory_space<hbm>>) dst(%dma_wait3A_525 : memref<32x768xf32, #tpu.memory_space<vmem>>)
    %add3A_531 = arith.constant 320 : i32
    %add3A_532 = arith.addi %mul3A_2, %add3A_531 : i32
    %dma_start3A_533 = arith.constant 2 : i32
    %dma_start3A_534 = arith.constant 0 : i32
    %dma_start3A_535 = arith.constant 0 : i32
    %dma_start3A_536 = tpu.memref_slice %arg6[%dma_start3A_533, %dma_start3A_534, %dma_start3A_535] : memref<4x32x768xf32, #tpu.memory_space<vmem>> -> memref<1x32x768xf32, #tpu.memory_space<vmem>>
    %dma_start3A_537 = tpu.memref_squeeze %dma_start3A_536 : memref<1x32x768xf32, #tpu.memory_space<vmem>> -> memref<32x768xf32, #tpu.memory_space<vmem>>
    %dma_start3A_538 = arith.constant 0 : i32
    %dma_start3A_539 = tpu.memref_slice %arg4[%add3A_532, %dma_start3A_538] : memref<32768x768xf32, #tpu.memory_space<hbm>> -> memref<32x768xf32, #tpu.memory_space<hbm>>
    %dma_start3A_540 = arith.constant 0 : i32
    %dma_start3A_541 = tpu.memref_slice %arg4[%add3A_532, %dma_start3A_540] : memref<32768x768xf32, #tpu.memory_space<hbm>> -> memref<32x768xf32, #tpu.memory_space<hbm>>
    %dma_start3A_542 = arith.constant 0 : i32
    %dma_start3A_543 = arith.constant 0 : i32
    %dma_start3A_544 = tpu.memref_slice %arg6[%dma_start3A_533, %dma_start3A_542, %dma_start3A_543] : memref<4x32x768xf32, #tpu.memory_space<vmem>> -> memref<1x32x768xf32, #tpu.memory_space<vmem>>
    %dma_start3A_545 = tpu.memref_squeeze %dma_start3A_544 : memref<1x32x768xf32, #tpu.memory_space<vmem>> -> memref<32x768xf32, #tpu.memory_space<vmem>>
    tpu.enqueue_dma source(%dma_start3A_545 : memref<32x768xf32, #tpu.memory_space<vmem>>) target(%dma_start3A_541 : memref<32x768xf32, #tpu.memory_space<hbm>>) target_semaphore(%arg13 : memref<!tpu.dma_semaphore, #tpu.memory_space<semaphore_mem>>)
    %dma_wait3A_546 = arith.constant 2 : i32
    %dma_wait3A_547 = arith.constant 0 : i32
    %dma_wait3A_548 = arith.constant 0 : i32
    %dma_wait3A_549 = tpu.memref_slice %arg6[%dma_wait3A_546, %dma_wait3A_547, %dma_wait3A_548] : memref<4x32x768xf32, #tpu.memory_space<vmem>> -> memref<1x32x768xf32, #tpu.memory_space<vmem>>
    %dma_wait3A_550 = tpu.memref_squeeze %dma_wait3A_549 : memref<1x32x768xf32, #tpu.memory_space<vmem>> -> memref<32x768xf32, #tpu.memory_space<vmem>>
    %dma_wait3A_551 = arith.constant 0 : i32
    %dma_wait3A_552 = tpu.memref_slice %arg4[%add3A_532, %dma_wait3A_551] : memref<32768x768xf32, #tpu.memory_space<hbm>> -> memref<32x768xf32, #tpu.memory_space<hbm>>
    %dma_wait3A_553 = arith.constant 0 : i32
    %dma_wait3A_554 = tpu.memref_slice %arg4[%add3A_532, %dma_wait3A_553] : memref<32768x768xf32, #tpu.memory_space<hbm>> -> memref<32x768xf32, #tpu.memory_space<hbm>>
    %dma_wait3A_555 = arith.constant 0 : i32
    %dma_wait3A_556 = arith.constant 0 : i32
    %dma_wait3A_557 = tpu.memref_slice %arg6[%dma_wait3A_546, %dma_wait3A_555, %dma_wait3A_556] : memref<4x32x768xf32, #tpu.memory_space<vmem>> -> memref<1x32x768xf32, #tpu.memory_space<vmem>>
    %dma_wait3A_558 = tpu.memref_squeeze %dma_wait3A_557 : memref<1x32x768xf32, #tpu.memory_space<vmem>> -> memref<32x768xf32, #tpu.memory_space<vmem>>
    tpu.wait_dma2 semaphore(%arg13 : memref<!tpu.dma_semaphore, #tpu.memory_space<semaphore_mem>>) src(%dma_wait3A_558 : memref<32x768xf32, #tpu.memory_space<vmem>>) dst(%dma_wait3A_554 : memref<32x768xf32, #tpu.memory_space<hbm>>)
    %dma_start3A_559 = arith.constant 2 : i32
    %dma_start3A_560 = arith.constant 0 : i32
    %dma_start3A_561 = arith.constant 0 : i32
    %dma_start3A_562 = tpu.memref_slice %arg6[%dma_start3A_559, %dma_start3A_560, %dma_start3A_561] : memref<4x32x768xf32, #tpu.memory_space<vmem>> -> memref<1x32x768xf32, #tpu.memory_space<vmem>>
    %dma_start3A_563 = tpu.memref_squeeze %dma_start3A_562 : memref<1x32x768xf32, #tpu.memory_space<vmem>> -> memref<32x768xf32, #tpu.memory_space<vmem>>
    %dma_start3A_564 = arith.constant 448 : i32
    %dma_start3A_565 = tpu.memref_slice %arg5[%dma_start3A_564] : memref<1024xi32, #tpu.memory_space<vmem>> -> memref<32xi32, #tpu.memory_space<vmem>>
    %dma_start3A_566 = arith.constant 0 : i32
    %dma_start3A_567 = arith.constant 0 : i32
    %dma_start3A_568 = tpu.memref_slice %arg3[%dma_start3A_566, %dma_start3A_567] : memref<28996x768xf32, #tpu.memory_space<hbm>> -> memref<28996x768xf32, #tpu.memory_space<hbm>>
    tpu.enqueue_indirect_dma source(%dma_start3A_568 : memref<28996x768xf32, #tpu.memory_space<hbm>>) target(%dma_start3A_563 : memref<32x768xf32, #tpu.memory_space<vmem>>) offsets(%dma_start3A_565 : memref<32xi32, #tpu.memory_space<vmem>>) semaphore(%arg9 : memref<!tpu.dma_semaphore, #tpu.memory_space<semaphore_mem>>)
    %dma_wait3A_569 = arith.constant 3 : i32
    %dma_wait3A_570 = arith.constant 0 : i32
    %dma_wait3A_571 = arith.constant 0 : i32
    %dma_wait3A_572 = tpu.memref_slice %arg6[%dma_wait3A_569, %dma_wait3A_570, %dma_wait3A_571] : memref<4x32x768xf32, #tpu.memory_space<vmem>> -> memref<1x32x768xf32, #tpu.memory_space<vmem>>
    %dma_wait3A_573 = tpu.memref_squeeze %dma_wait3A_572 : memref<1x32x768xf32, #tpu.memory_space<vmem>> -> memref<32x768xf32, #tpu.memory_space<vmem>>
    %dma_wait3A_574 = arith.constant 352 : i32
    %dma_wait3A_575 = tpu.memref_slice %arg5[%dma_wait3A_574] : memref<1024xi32, #tpu.memory_space<vmem>> -> memref<32xi32, #tpu.memory_space<vmem>>
    %dma_wait3A_576 = arith.constant 0 : i32
    %dma_wait3A_577 = arith.constant 0 : i32
    %dma_wait3A_578 = tpu.memref_slice %arg3[%dma_wait3A_576, %dma_wait3A_577] : memref<28996x768xf32, #tpu.memory_space<hbm>> -> memref<28996x768xf32, #tpu.memory_space<hbm>>
    tpu.wait_indirect_dma semaphore(%arg10 : memref<!tpu.dma_semaphore, #tpu.memory_space<semaphore_mem>>) src(%dma_wait3A_578 : memref<28996x768xf32, #tpu.memory_space<hbm>>) dst(%dma_wait3A_573 : memref<32x768xf32, #tpu.memory_space<vmem>>)
    %add3A_579 = arith.constant 352 : i32
    %add3A_580 = arith.addi %mul3A_2, %add3A_579 : i32
    %dma_start3A_581 = arith.constant 3 : i32
    %dma_start3A_582 = arith.constant 0 : i32
    %dma_start3A_583 = arith.constant 0 : i32
    %dma_start3A_584 = tpu.memref_slice %arg6[%dma_start3A_581, %dma_start3A_582, %dma_start3A_583] : memref<4x32x768xf32, #tpu.memory_space<vmem>> -> memref<1x32x768xf32, #tpu.memory_space<vmem>>
    %dma_start3A_585 = tpu.memref_squeeze %dma_start3A_584 : memref<1x32x768xf32, #tpu.memory_space<vmem>> -> memref<32x768xf32, #tpu.memory_space<vmem>>
    %dma_start3A_586 = arith.constant 0 : i32
    %dma_start3A_587 = tpu.memref_slice %arg4[%add3A_580, %dma_start3A_586] : memref<32768x768xf32, #tpu.memory_space<hbm>> -> memref<32x768xf32, #tpu.memory_space<hbm>>
    %dma_start3A_588 = arith.constant 0 : i32
    %dma_start3A_589 = tpu.memref_slice %arg4[%add3A_580, %dma_start3A_588] : memref<32768x768xf32, #tpu.memory_space<hbm>> -> memref<32x768xf32, #tpu.memory_space<hbm>>
    %dma_start3A_590 = arith.constant 0 : i32
    %dma_start3A_591 = arith.constant 0 : i32
    %dma_start3A_592 = tpu.memref_slice %arg6[%dma_start3A_581, %dma_start3A_590, %dma_start3A_591] : memref<4x32x768xf32, #tpu.memory_space<vmem>> -> memref<1x32x768xf32, #tpu.memory_space<vmem>>
    %dma_start3A_593 = tpu.memref_squeeze %dma_start3A_592 : memref<1x32x768xf32, #tpu.memory_space<vmem>> -> memref<32x768xf32, #tpu.memory_space<vmem>>
    tpu.enqueue_dma source(%dma_start3A_593 : memref<32x768xf32, #tpu.memory_space<vmem>>) target(%dma_start3A_589 : memref<32x768xf32, #tpu.memory_space<hbm>>) target_semaphore(%arg14 : memref<!tpu.dma_semaphore, #tpu.memory_space<semaphore_mem>>)
    %dma_wait3A_594 = arith.constant 3 : i32
    %dma_wait3A_595 = arith.constant 0 : i32
    %dma_wait3A_596 = arith.constant 0 : i32
    %dma_wait3A_597 = tpu.memref_slice %arg6[%dma_wait3A_594, %dma_wait3A_595, %dma_wait3A_596] : memref<4x32x768xf32, #tpu.memory_space<vmem>> -> memref<1x32x768xf32, #tpu.memory_space<vmem>>
    %dma_wait3A_598 = tpu.memref_squeeze %dma_wait3A_597 : memref<1x32x768xf32, #tpu.memory_space<vmem>> -> memref<32x768xf32, #tpu.memory_space<vmem>>
    %dma_wait3A_599 = arith.constant 0 : i32
    %dma_wait3A_600 = tpu.memref_slice %arg4[%add3A_580, %dma_wait3A_599] : memref<32768x768xf32, #tpu.memory_space<hbm>> -> memref<32x768xf32, #tpu.memory_space<hbm>>
    %dma_wait3A_601 = arith.constant 0 : i32
    %dma_wait3A_602 = tpu.memref_slice %arg4[%add3A_580, %dma_wait3A_601] : memref<32768x768xf32, #tpu.memory_space<hbm>> -> memref<32x768xf32, #tpu.memory_space<hbm>>
    %dma_wait3A_603 = arith.constant 0 : i32
    %dma_wait3A_604 = arith.constant 0 : i32
    %dma_wait3A_605 = tpu.memref_slice %arg6[%dma_wait3A_594, %dma_wait3A_603, %dma_wait3A_604] : memref<4x32x768xf32, #tpu.memory_space<vmem>> -> memref<1x32x768xf32, #tpu.memory_space<vmem>>
    %dma_wait3A_606 = tpu.memref_squeeze %dma_wait3A_605 : memref<1x32x768xf32, #tpu.memory_space<vmem>> -> memref<32x768xf32, #tpu.memory_space<vmem>>
    tpu.wait_dma2 semaphore(%arg14 : memref<!tpu.dma_semaphore, #tpu.memory_space<semaphore_mem>>) src(%dma_wait3A_606 : memref<32x768xf32, #tpu.memory_space<vmem>>) dst(%dma_wait3A_602 : memref<32x768xf32, #tpu.memory_space<hbm>>)
    %dma_start3A_607 = arith.constant 3 : i32
    %dma_start3A_608 = arith.constant 0 : i32
    %dma_start3A_609 = arith.constant 0 : i32
    %dma_start3A_610 = tpu.memref_slice %arg6[%dma_start3A_607, %dma_start3A_608, %dma_start3A_609] : memref<4x32x768xf32, #tpu.memory_space<vmem>> -> memref<1x32x768xf32, #tpu.memory_space<vmem>>
    %dma_start3A_611 = tpu.memref_squeeze %dma_start3A_610 : memref<1x32x768xf32, #tpu.memory_space<vmem>> -> memref<32x768xf32, #tpu.memory_space<vmem>>
    %dma_start3A_612 = arith.constant 480 : i32
    %dma_start3A_613 = tpu.memref_slice %arg5[%dma_start3A_612] : memref<1024xi32, #tpu.memory_space<vmem>> -> memref<32xi32, #tpu.memory_space<vmem>>
    %dma_start3A_614 = arith.constant 0 : i32
    %dma_start3A_615 = arith.constant 0 : i32
    %dma_start3A_616 = tpu.memref_slice %arg3[%dma_start3A_614, %dma_start3A_615] : memref<28996x768xf32, #tpu.memory_space<hbm>> -> memref<28996x768xf32, #tpu.memory_space<hbm>>
    tpu.enqueue_indirect_dma source(%dma_start3A_616 : memref<28996x768xf32, #tpu.memory_space<hbm>>) target(%dma_start3A_611 : memref<32x768xf32, #tpu.memory_space<vmem>>) offsets(%dma_start3A_613 : memref<32xi32, #tpu.memory_space<vmem>>) semaphore(%arg10 : memref<!tpu.dma_semaphore, #tpu.memory_space<semaphore_mem>>)
    %dma_wait3A_617 = arith.constant 0 : i32
    %dma_wait3A_618 = arith.constant 0 : i32
    %dma_wait3A_619 = arith.constant 0 : i32
    %dma_wait3A_620 = tpu.memref_slice %arg6[%dma_wait3A_617, %dma_wait3A_618, %dma_wait3A_619] : memref<4x32x768xf32, #tpu.memory_space<vmem>> -> memref<1x32x768xf32, #tpu.memory_space<vmem>>
    %dma_wait3A_621 = tpu.memref_squeeze %dma_wait3A_620 : memref<1x32x768xf32, #tpu.memory_space<vmem>> -> memref<32x768xf32, #tpu.memory_space<vmem>>
    %dma_wait3A_622 = arith.constant 384 : i32
    %dma_wait3A_623 = tpu.memref_slice %arg5[%dma_wait3A_622] : memref<1024xi32, #tpu.memory_space<vmem>> -> memref<32xi32, #tpu.memory_space<vmem>>
    %dma_wait3A_624 = arith.constant 0 : i32
    %dma_wait3A_625 = arith.constant 0 : i32
    %dma_wait3A_626 = tpu.memref_slice %arg3[%dma_wait3A_624, %dma_wait3A_625] : memref<28996x768xf32, #tpu.memory_space<hbm>> -> memref<28996x768xf32, #tpu.memory_space<hbm>>
    tpu.wait_indirect_dma semaphore(%arg7 : memref<!tpu.dma_semaphore, #tpu.memory_space<semaphore_mem>>) src(%dma_wait3A_626 : memref<28996x768xf32, #tpu.memory_space<hbm>>) dst(%dma_wait3A_621 : memref<32x768xf32, #tpu.memory_space<vmem>>)
    %add3A_627 = arith.constant 384 : i32
    %add3A_628 = arith.addi %mul3A_2, %add3A_627 : i32
    %dma_start3A_629 = arith.constant 0 : i32
    %dma_start3A_630 = arith.constant 0 : i32
    %dma_start3A_631 = arith.constant 0 : i32
    %dma_start3A_632 = tpu.memref_slice %arg6[%dma_start3A_629, %dma_start3A_630, %dma_start3A_631] : memref<4x32x768xf32, #tpu.memory_space<vmem>> -> memref<1x32x768xf32, #tpu.memory_space<vmem>>
    %dma_start3A_633 = tpu.memref_squeeze %dma_start3A_632 : memref<1x32x768xf32, #tpu.memory_space<vmem>> -> memref<32x768xf32, #tpu.memory_space<vmem>>
    %dma_start3A_634 = arith.constant 0 : i32
    %dma_start3A_635 = tpu.memref_slice %arg4[%add3A_628, %dma_start3A_634] : memref<32768x768xf32, #tpu.memory_space<hbm>> -> memref<32x768xf32, #tpu.memory_space<hbm>>
    %dma_start3A_636 = arith.constant 0 : i32
    %dma_start3A_637 = tpu.memref_slice %arg4[%add3A_628, %dma_start3A_636] : memref<32768x768xf32, #tpu.memory_space<hbm>> -> memref<32x768xf32, #tpu.memory_space<hbm>>
    %dma_start3A_638 = arith.constant 0 : i32
    %dma_start3A_639 = arith.constant 0 : i32
    %dma_start3A_640 = tpu.memref_slice %arg6[%dma_start3A_629, %dma_start3A_638, %dma_start3A_639] : memref<4x32x768xf32, #tpu.memory_space<vmem>> -> memref<1x32x768xf32, #tpu.memory_space<vmem>>
    %dma_start3A_641 = tpu.memref_squeeze %dma_start3A_640 : memref<1x32x768xf32, #tpu.memory_space<vmem>> -> memref<32x768xf32, #tpu.memory_space<vmem>>
    tpu.enqueue_dma source(%dma_start3A_641 : memref<32x768xf32, #tpu.memory_space<vmem>>) target(%dma_start3A_637 : memref<32x768xf32, #tpu.memory_space<hbm>>) target_semaphore(%arg11 : memref<!tpu.dma_semaphore, #tpu.memory_space<semaphore_mem>>)
    %dma_wait3A_642 = arith.constant 0 : i32
    %dma_wait3A_643 = arith.constant 0 : i32
    %dma_wait3A_644 = arith.constant 0 : i32
    %dma_wait3A_645 = tpu.memref_slice %arg6[%dma_wait3A_642, %dma_wait3A_643, %dma_wait3A_644] : memref<4x32x768xf32, #tpu.memory_space<vmem>> -> memref<1x32x768xf32, #tpu.memory_space<vmem>>
    %dma_wait3A_646 = tpu.memref_squeeze %dma_wait3A_645 : memref<1x32x768xf32, #tpu.memory_space<vmem>> -> memref<32x768xf32, #tpu.memory_space<vmem>>
    %dma_wait3A_647 = arith.constant 0 : i32
    %dma_wait3A_648 = tpu.memref_slice %arg4[%add3A_628, %dma_wait3A_647] : memref<32768x768xf32, #tpu.memory_space<hbm>> -> memref<32x768xf32, #tpu.memory_space<hbm>>
    %dma_wait3A_649 = arith.constant 0 : i32
    %dma_wait3A_650 = tpu.memref_slice %arg4[%add3A_628, %dma_wait3A_649] : memref<32768x768xf32, #tpu.memory_space<hbm>> -> memref<32x768xf32, #tpu.memory_space<hbm>>
    %dma_wait3A_651 = arith.constant 0 : i32
    %dma_wait3A_652 = arith.constant 0 : i32
    %dma_wait3A_653 = tpu.memref_slice %arg6[%dma_wait3A_642, %dma_wait3A_651, %dma_wait3A_652] : memref<4x32x768xf32, #tpu.memory_space<vmem>> -> memref<1x32x768xf32, #tpu.memory_space<vmem>>
    %dma_wait3A_654 = tpu.memref_squeeze %dma_wait3A_653 : memref<1x32x768xf32, #tpu.memory_space<vmem>> -> memref<32x768xf32, #tpu.memory_space<vmem>>
    tpu.wait_dma2 semaphore(%arg11 : memref<!tpu.dma_semaphore, #tpu.memory_space<semaphore_mem>>) src(%dma_wait3A_654 : memref<32x768xf32, #tpu.memory_space<vmem>>) dst(%dma_wait3A_650 : memref<32x768xf32, #tpu.memory_space<hbm>>)
    %dma_start3A_655 = arith.constant 0 : i32
    %dma_start3A_656 = arith.constant 0 : i32
    %dma_start3A_657 = arith.constant 0 : i32
    %dma_start3A_658 = tpu.memref_slice %arg6[%dma_start3A_655, %dma_start3A_656, %dma_start3A_657] : memref<4x32x768xf32, #tpu.memory_space<vmem>> -> memref<1x32x768xf32, #tpu.memory_space<vmem>>
    %dma_start3A_659 = tpu.memref_squeeze %dma_start3A_658 : memref<1x32x768xf32, #tpu.memory_space<vmem>> -> memref<32x768xf32, #tpu.memory_space<vmem>>
    %dma_start3A_660 = arith.constant 512 : i32
    %dma_start3A_661 = tpu.memref_slice %arg5[%dma_start3A_660] : memref<1024xi32, #tpu.memory_space<vmem>> -> memref<32xi32, #tpu.memory_space<vmem>>
    %dma_start3A_662 = arith.constant 0 : i32
    %dma_start3A_663 = arith.constant 0 : i32
    %dma_start3A_664 = tpu.memref_slice %arg3[%dma_start3A_662, %dma_start3A_663] : memref<28996x768xf32, #tpu.memory_space<hbm>> -> memref<28996x768xf32, #tpu.memory_space<hbm>>
    tpu.enqueue_indirect_dma source(%dma_start3A_664 : memref<28996x768xf32, #tpu.memory_space<hbm>>) target(%dma_start3A_659 : memref<32x768xf32, #tpu.memory_space<vmem>>) offsets(%dma_start3A_661 : memref<32xi32, #tpu.memory_space<vmem>>) semaphore(%arg7 : memref<!tpu.dma_semaphore, #tpu.memory_space<semaphore_mem>>)
    %dma_wait3A_665 = arith.constant 1 : i32
    %dma_wait3A_666 = arith.constant 0 : i32
    %dma_wait3A_667 = arith.constant 0 : i32
    %dma_wait3A_668 = tpu.memref_slice %arg6[%dma_wait3A_665, %dma_wait3A_666, %dma_wait3A_667] : memref<4x32x768xf32, #tpu.memory_space<vmem>> -> memref<1x32x768xf32, #tpu.memory_space<vmem>>
    %dma_wait3A_669 = tpu.memref_squeeze %dma_wait3A_668 : memref<1x32x768xf32, #tpu.memory_space<vmem>> -> memref<32x768xf32, #tpu.memory_space<vmem>>
    %dma_wait3A_670 = arith.constant 416 : i32
    %dma_wait3A_671 = tpu.memref_slice %arg5[%dma_wait3A_670] : memref<1024xi32, #tpu.memory_space<vmem>> -> memref<32xi32, #tpu.memory_space<vmem>>
    %dma_wait3A_672 = arith.constant 0 : i32
    %dma_wait3A_673 = arith.constant 0 : i32
    %dma_wait3A_674 = tpu.memref_slice %arg3[%dma_wait3A_672, %dma_wait3A_673] : memref<28996x768xf32, #tpu.memory_space<hbm>> -> memref<28996x768xf32, #tpu.memory_space<hbm>>
    tpu.wait_indirect_dma semaphore(%arg8 : memref<!tpu.dma_semaphore, #tpu.memory_space<semaphore_mem>>) src(%dma_wait3A_674 : memref<28996x768xf32, #tpu.memory_space<hbm>>) dst(%dma_wait3A_669 : memref<32x768xf32, #tpu.memory_space<vmem>>)
    %add3A_675 = arith.constant 416 : i32
    %add3A_676 = arith.addi %mul3A_2, %add3A_675 : i32
    %dma_start3A_677 = arith.constant 1 : i32
    %dma_start3A_678 = arith.constant 0 : i32
    %dma_start3A_679 = arith.constant 0 : i32
    %dma_start3A_680 = tpu.memref_slice %arg6[%dma_start3A_677, %dma_start3A_678, %dma_start3A_679] : memref<4x32x768xf32, #tpu.memory_space<vmem>> -> memref<1x32x768xf32, #tpu.memory_space<vmem>>
    %dma_start3A_681 = tpu.memref_squeeze %dma_start3A_680 : memref<1x32x768xf32, #tpu.memory_space<vmem>> -> memref<32x768xf32, #tpu.memory_space<vmem>>
    %dma_start3A_682 = arith.constant 0 : i32
    %dma_start3A_683 = tpu.memref_slice %arg4[%add3A_676, %dma_start3A_682] : memref<32768x768xf32, #tpu.memory_space<hbm>> -> memref<32x768xf32, #tpu.memory_space<hbm>>
    %dma_start3A_684 = arith.constant 0 : i32
    %dma_start3A_685 = tpu.memref_slice %arg4[%add3A_676, %dma_start3A_684] : memref<32768x768xf32, #tpu.memory_space<hbm>> -> memref<32x768xf32, #tpu.memory_space<hbm>>
    %dma_start3A_686 = arith.constant 0 : i32
    %dma_start3A_687 = arith.constant 0 : i32
    %dma_start3A_688 = tpu.memref_slice %arg6[%dma_start3A_677, %dma_start3A_686, %dma_start3A_687] : memref<4x32x768xf32, #tpu.memory_space<vmem>> -> memref<1x32x768xf32, #tpu.memory_space<vmem>>
    %dma_start3A_689 = tpu.memref_squeeze %dma_start3A_688 : memref<1x32x768xf32, #tpu.memory_space<vmem>> -> memref<32x768xf32, #tpu.memory_space<vmem>>
    tpu.enqueue_dma source(%dma_start3A_689 : memref<32x768xf32, #tpu.memory_space<vmem>>) target(%dma_start3A_685 : memref<32x768xf32, #tpu.memory_space<hbm>>) target_semaphore(%arg12 : memref<!tpu.dma_semaphore, #tpu.memory_space<semaphore_mem>>)
    %dma_wait3A_690 = arith.constant 1 : i32
    %dma_wait3A_691 = arith.constant 0 : i32
    %dma_wait3A_692 = arith.constant 0 : i32
    %dma_wait3A_693 = tpu.memref_slice %arg6[%dma_wait3A_690, %dma_wait3A_691, %dma_wait3A_692] : memref<4x32x768xf32, #tpu.memory_space<vmem>> -> memref<1x32x768xf32, #tpu.memory_space<vmem>>
    %dma_wait3A_694 = tpu.memref_squeeze %dma_wait3A_693 : memref<1x32x768xf32, #tpu.memory_space<vmem>> -> memref<32x768xf32, #tpu.memory_space<vmem>>
    %dma_wait3A_695 = arith.constant 0 : i32
    %dma_wait3A_696 = tpu.memref_slice %arg4[%add3A_676, %dma_wait3A_695] : memref<32768x768xf32, #tpu.memory_space<hbm>> -> memref<32x768xf32, #tpu.memory_space<hbm>>
    %dma_wait3A_697 = arith.constant 0 : i32
    %dma_wait3A_698 = tpu.memref_slice %arg4[%add3A_676, %dma_wait3A_697] : memref<32768x768xf32, #tpu.memory_space<hbm>> -> memref<32x768xf32, #tpu.memory_space<hbm>>
    %dma_wait3A_699 = arith.constant 0 : i32
    %dma_wait3A_700 = arith.constant 0 : i32
    %dma_wait3A_701 = tpu.memref_slice %arg6[%dma_wait3A_690, %dma_wait3A_699, %dma_wait3A_700] : memref<4x32x768xf32, #tpu.memory_space<vmem>> -> memref<1x32x768xf32, #tpu.memory_space<vmem>>
    %dma_wait3A_702 = tpu.memref_squeeze %dma_wait3A_701 : memref<1x32x768xf32, #tpu.memory_space<vmem>> -> memref<32x768xf32, #tpu.memory_space<vmem>>
    tpu.wait_dma2 semaphore(%arg12 : memref<!tpu.dma_semaphore, #tpu.memory_space<semaphore_mem>>) src(%dma_wait3A_702 : memref<32x768xf32, #tpu.memory_space<vmem>>) dst(%dma_wait3A_698 : memref<32x768xf32, #tpu.memory_space<hbm>>)
    %dma_start3A_703 = arith.constant 1 : i32
    %dma_start3A_704 = arith.constant 0 : i32
    %dma_start3A_705 = arith.constant 0 : i32
    %dma_start3A_706 = tpu.memref_slice %arg6[%dma_start3A_703, %dma_start3A_704, %dma_start3A_705] : memref<4x32x768xf32, #tpu.memory_space<vmem>> -> memref<1x32x768xf32, #tpu.memory_space<vmem>>
    %dma_start3A_707 = tpu.memref_squeeze %dma_start3A_706 : memref<1x32x768xf32, #tpu.memory_space<vmem>> -> memref<32x768xf32, #tpu.memory_space<vmem>>
    %dma_start3A_708 = arith.constant 544 : i32
    %dma_start3A_709 = tpu.memref_slice %arg5[%dma_start3A_708] : memref<1024xi32, #tpu.memory_space<vmem>> -> memref<32xi32, #tpu.memory_space<vmem>>
    %dma_start3A_710 = arith.constant 0 : i32
    %dma_start3A_711 = arith.constant 0 : i32
    %dma_start3A_712 = tpu.memref_slice %arg3[%dma_start3A_710, %dma_start3A_711] : memref<28996x768xf32, #tpu.memory_space<hbm>> -> memref<28996x768xf32, #tpu.memory_space<hbm>>
    tpu.enqueue_indirect_dma source(%dma_start3A_712 : memref<28996x768xf32, #tpu.memory_space<hbm>>) target(%dma_start3A_707 : memref<32x768xf32, #tpu.memory_space<vmem>>) offsets(%dma_start3A_709 : memref<32xi32, #tpu.memory_space<vmem>>) semaphore(%arg8 : memref<!tpu.dma_semaphore, #tpu.memory_space<semaphore_mem>>)
    %dma_wait3A_713 = arith.constant 2 : i32
    %dma_wait3A_714 = arith.constant 0 : i32
    %dma_wait3A_715 = arith.constant 0 : i32
    %dma_wait3A_716 = tpu.memref_slice %arg6[%dma_wait3A_713, %dma_wait3A_714, %dma_wait3A_715] : memref<4x32x768xf32, #tpu.memory_space<vmem>> -> memref<1x32x768xf32, #tpu.memory_space<vmem>>
    %dma_wait3A_717 = tpu.memref_squeeze %dma_wait3A_716 : memref<1x32x768xf32, #tpu.memory_space<vmem>> -> memref<32x768xf32, #tpu.memory_space<vmem>>
    %dma_wait3A_718 = arith.constant 448 : i32
    %dma_wait3A_719 = tpu.memref_slice %arg5[%dma_wait3A_718] : memref<1024xi32, #tpu.memory_space<vmem>> -> memref<32xi32, #tpu.memory_space<vmem>>
    %dma_wait3A_720 = arith.constant 0 : i32
    %dma_wait3A_721 = arith.constant 0 : i32
    %dma_wait3A_722 = tpu.memref_slice %arg3[%dma_wait3A_720, %dma_wait3A_721] : memref<28996x768xf32, #tpu.memory_space<hbm>> -> memref<28996x768xf32, #tpu.memory_space<hbm>>
    tpu.wait_indirect_dma semaphore(%arg9 : memref<!tpu.dma_semaphore, #tpu.memory_space<semaphore_mem>>) src(%dma_wait3A_722 : memref<28996x768xf32, #tpu.memory_space<hbm>>) dst(%dma_wait3A_717 : memref<32x768xf32, #tpu.memory_space<vmem>>)
    %add3A_723 = arith.constant 448 : i32
    %add3A_724 = arith.addi %mul3A_2, %add3A_723 : i32
    %dma_start3A_725 = arith.constant 2 : i32
    %dma_start3A_726 = arith.constant 0 : i32
    %dma_start3A_727 = arith.constant 0 : i32
    %dma_start3A_728 = tpu.memref_slice %arg6[%dma_start3A_725, %dma_start3A_726, %dma_start3A_727] : memref<4x32x768xf32, #tpu.memory_space<vmem>> -> memref<1x32x768xf32, #tpu.memory_space<vmem>>
    %dma_start3A_729 = tpu.memref_squeeze %dma_start3A_728 : memref<1x32x768xf32, #tpu.memory_space<vmem>> -> memref<32x768xf32, #tpu.memory_space<vmem>>
    %dma_start3A_730 = arith.constant 0 : i32
    %dma_start3A_731 = tpu.memref_slice %arg4[%add3A_724, %dma_start3A_730] : memref<32768x768xf32, #tpu.memory_space<hbm>> -> memref<32x768xf32, #tpu.memory_space<hbm>>
    %dma_start3A_732 = arith.constant 0 : i32
    %dma_start3A_733 = tpu.memref_slice %arg4[%add3A_724, %dma_start3A_732] : memref<32768x768xf32, #tpu.memory_space<hbm>> -> memref<32x768xf32, #tpu.memory_space<hbm>>
    %dma_start3A_734 = arith.constant 0 : i32
    %dma_start3A_735 = arith.constant 0 : i32
    %dma_start3A_736 = tpu.memref_slice %arg6[%dma_start3A_725, %dma_start3A_734, %dma_start3A_735] : memref<4x32x768xf32, #tpu.memory_space<vmem>> -> memref<1x32x768xf32, #tpu.memory_space<vmem>>
    %dma_start3A_737 = tpu.memref_squeeze %dma_start3A_736 : memref<1x32x768xf32, #tpu.memory_space<vmem>> -> memref<32x768xf32, #tpu.memory_space<vmem>>
    tpu.enqueue_dma source(%dma_start3A_737 : memref<32x768xf32, #tpu.memory_space<vmem>>) target(%dma_start3A_733 : memref<32x768xf32, #tpu.memory_space<hbm>>) target_semaphore(%arg13 : memref<!tpu.dma_semaphore, #tpu.memory_space<semaphore_mem>>)
    %dma_wait3A_738 = arith.constant 2 : i32
    %dma_wait3A_739 = arith.constant 0 : i32
    %dma_wait3A_740 = arith.constant 0 : i32
    %dma_wait3A_741 = tpu.memref_slice %arg6[%dma_wait3A_738, %dma_wait3A_739, %dma_wait3A_740] : memref<4x32x768xf32, #tpu.memory_space<vmem>> -> memref<1x32x768xf32, #tpu.memory_space<vmem>>
    %dma_wait3A_742 = tpu.memref_squeeze %dma_wait3A_741 : memref<1x32x768xf32, #tpu.memory_space<vmem>> -> memref<32x768xf32, #tpu.memory_space<vmem>>
    %dma_wait3A_743 = arith.constant 0 : i32
    %dma_wait3A_744 = tpu.memref_slice %arg4[%add3A_724, %dma_wait3A_743] : memref<32768x768xf32, #tpu.memory_space<hbm>> -> memref<32x768xf32, #tpu.memory_space<hbm>>
    %dma_wait3A_745 = arith.constant 0 : i32
    %dma_wait3A_746 = tpu.memref_slice %arg4[%add3A_724, %dma_wait3A_745] : memref<32768x768xf32, #tpu.memory_space<hbm>> -> memref<32x768xf32, #tpu.memory_space<hbm>>
    %dma_wait3A_747 = arith.constant 0 : i32
    %dma_wait3A_748 = arith.constant 0 : i32
    %dma_wait3A_749 = tpu.memref_slice %arg6[%dma_wait3A_738, %dma_wait3A_747, %dma_wait3A_748] : memref<4x32x768xf32, #tpu.memory_space<vmem>> -> memref<1x32x768xf32, #tpu.memory_space<vmem>>
    %dma_wait3A_750 = tpu.memref_squeeze %dma_wait3A_749 : memref<1x32x768xf32, #tpu.memory_space<vmem>> -> memref<32x768xf32, #tpu.memory_space<vmem>>
    tpu.wait_dma2 semaphore(%arg13 : memref<!tpu.dma_semaphore, #tpu.memory_space<semaphore_mem>>) src(%dma_wait3A_750 : memref<32x768xf32, #tpu.memory_space<vmem>>) dst(%dma_wait3A_746 : memref<32x768xf32, #tpu.memory_space<hbm>>)
    %dma_start3A_751 = arith.constant 2 : i32
    %dma_start3A_752 = arith.constant 0 : i32
    %dma_start3A_753 = arith.constant 0 : i32
    %dma_start3A_754 = tpu.memref_slice %arg6[%dma_start3A_751, %dma_start3A_752, %dma_start3A_753] : memref<4x32x768xf32, #tpu.memory_space<vmem>> -> memref<1x32x768xf32, #tpu.memory_space<vmem>>
    %dma_start3A_755 = tpu.memref_squeeze %dma_start3A_754 : memref<1x32x768xf32, #tpu.memory_space<vmem>> -> memref<32x768xf32, #tpu.memory_space<vmem>>
    %dma_start3A_756 = arith.constant 576 : i32
    %dma_start3A_757 = tpu.memref_slice %arg5[%dma_start3A_756] : memref<1024xi32, #tpu.memory_space<vmem>> -> memref<32xi32, #tpu.memory_space<vmem>>
    %dma_start3A_758 = arith.constant 0 : i32
    %dma_start3A_759 = arith.constant 0 : i32
    %dma_start3A_760 = tpu.memref_slice %arg3[%dma_start3A_758, %dma_start3A_759] : memref<28996x768xf32, #tpu.memory_space<hbm>> -> memref<28996x768xf32, #tpu.memory_space<hbm>>
    tpu.enqueue_indirect_dma source(%dma_start3A_760 : memref<28996x768xf32, #tpu.memory_space<hbm>>) target(%dma_start3A_755 : memref<32x768xf32, #tpu.memory_space<vmem>>) offsets(%dma_start3A_757 : memref<32xi32, #tpu.memory_space<vmem>>) semaphore(%arg9 : memref<!tpu.dma_semaphore, #tpu.memory_space<semaphore_mem>>)
    %dma_wait3A_761 = arith.constant 3 : i32
    %dma_wait3A_762 = arith.constant 0 : i32
    %dma_wait3A_763 = arith.constant 0 : i32
    %dma_wait3A_764 = tpu.memref_slice %arg6[%dma_wait3A_761, %dma_wait3A_762, %dma_wait3A_763] : memref<4x32x768xf32, #tpu.memory_space<vmem>> -> memref<1x32x768xf32, #tpu.memory_space<vmem>>
    %dma_wait3A_765 = tpu.memref_squeeze %dma_wait3A_764 : memref<1x32x768xf32, #tpu.memory_space<vmem>> -> memref<32x768xf32, #tpu.memory_space<vmem>>
    %dma_wait3A_766 = arith.constant 480 : i32
    %dma_wait3A_767 = tpu.memref_slice %arg5[%dma_wait3A_766] : memref<1024xi32, #tpu.memory_space<vmem>> -> memref<32xi32, #tpu.memory_space<vmem>>
    %dma_wait3A_768 = arith.constant 0 : i32
    %dma_wait3A_769 = arith.constant 0 : i32
    %dma_wait3A_770 = tpu.memref_slice %arg3[%dma_wait3A_768, %dma_wait3A_769] : memref<28996x768xf32, #tpu.memory_space<hbm>> -> memref<28996x768xf32, #tpu.memory_space<hbm>>
    tpu.wait_indirect_dma semaphore(%arg10 : memref<!tpu.dma_semaphore, #tpu.memory_space<semaphore_mem>>) src(%dma_wait3A_770 : memref<28996x768xf32, #tpu.memory_space<hbm>>) dst(%dma_wait3A_765 : memref<32x768xf32, #tpu.memory_space<vmem>>)
    %add3A_771 = arith.constant 480 : i32
    %add3A_772 = arith.addi %mul3A_2, %add3A_771 : i32
    %dma_start3A_773 = arith.constant 3 : i32
    %dma_start3A_774 = arith.constant 0 : i32
    %dma_start3A_775 = arith.constant 0 : i32
    %dma_start3A_776 = tpu.memref_slice %arg6[%dma_start3A_773, %dma_start3A_774, %dma_start3A_775] : memref<4x32x768xf32, #tpu.memory_space<vmem>> -> memref<1x32x768xf32, #tpu.memory_space<vmem>>
    %dma_start3A_777 = tpu.memref_squeeze %dma_start3A_776 : memref<1x32x768xf32, #tpu.memory_space<vmem>> -> memref<32x768xf32, #tpu.memory_space<vmem>>
    %dma_start3A_778 = arith.constant 0 : i32
    %dma_start3A_779 = tpu.memref_slice %arg4[%add3A_772, %dma_start3A_778] : memref<32768x768xf32, #tpu.memory_space<hbm>> -> memref<32x768xf32, #tpu.memory_space<hbm>>
    %dma_start3A_780 = arith.constant 0 : i32
    %dma_start3A_781 = tpu.memref_slice %arg4[%add3A_772, %dma_start3A_780] : memref<32768x768xf32, #tpu.memory_space<hbm>> -> memref<32x768xf32, #tpu.memory_space<hbm>>
    %dma_start3A_782 = arith.constant 0 : i32
    %dma_start3A_783 = arith.constant 0 : i32
    %dma_start3A_784 = tpu.memref_slice %arg6[%dma_start3A_773, %dma_start3A_782, %dma_start3A_783] : memref<4x32x768xf32, #tpu.memory_space<vmem>> -> memref<1x32x768xf32, #tpu.memory_space<vmem>>
    %dma_start3A_785 = tpu.memref_squeeze %dma_start3A_784 : memref<1x32x768xf32, #tpu.memory_space<vmem>> -> memref<32x768xf32, #tpu.memory_space<vmem>>
    tpu.enqueue_dma source(%dma_start3A_785 : memref<32x768xf32, #tpu.memory_space<vmem>>) target(%dma_start3A_781 : memref<32x768xf32, #tpu.memory_space<hbm>>) target_semaphore(%arg14 : memref<!tpu.dma_semaphore, #tpu.memory_space<semaphore_mem>>)
    %dma_wait3A_786 = arith.constant 3 : i32
    %dma_wait3A_787 = arith.constant 0 : i32
    %dma_wait3A_788 = arith.constant 0 : i32
    %dma_wait3A_789 = tpu.memref_slice %arg6[%dma_wait3A_786, %dma_wait3A_787, %dma_wait3A_788] : memref<4x32x768xf32, #tpu.memory_space<vmem>> -> memref<1x32x768xf32, #tpu.memory_space<vmem>>
    %dma_wait3A_790 = tpu.memref_squeeze %dma_wait3A_789 : memref<1x32x768xf32, #tpu.memory_space<vmem>> -> memref<32x768xf32, #tpu.memory_space<vmem>>
    %dma_wait3A_791 = arith.constant 0 : i32
    %dma_wait3A_792 = tpu.memref_slice %arg4[%add3A_772, %dma_wait3A_791] : memref<32768x768xf32, #tpu.memory_space<hbm>> -> memref<32x768xf32, #tpu.memory_space<hbm>>
    %dma_wait3A_793 = arith.constant 0 : i32
    %dma_wait3A_794 = tpu.memref_slice %arg4[%add3A_772, %dma_wait3A_793] : memref<32768x768xf32, #tpu.memory_space<hbm>> -> memref<32x768xf32, #tpu.memory_space<hbm>>
    %dma_wait3A_795 = arith.constant 0 : i32
    %dma_wait3A_796 = arith.constant 0 : i32
    %dma_wait3A_797 = tpu.memref_slice %arg6[%dma_wait3A_786, %dma_wait3A_795, %dma_wait3A_796] : memref<4x32x768xf32, #tpu.memory_space<vmem>> -> memref<1x32x768xf32, #tpu.memory_space<vmem>>
    %dma_wait3A_798 = tpu.memref_squeeze %dma_wait3A_797 : memref<1x32x768xf32, #tpu.memory_space<vmem>> -> memref<32x768xf32, #tpu.memory_space<vmem>>
    tpu.wait_dma2 semaphore(%arg14 : memref<!tpu.dma_semaphore, #tpu.memory_space<semaphore_mem>>) src(%dma_wait3A_798 : memref<32x768xf32, #tpu.memory_space<vmem>>) dst(%dma_wait3A_794 : memref<32x768xf32, #tpu.memory_space<hbm>>)
    %dma_start3A_799 = arith.constant 3 : i32
    %dma_start3A_800 = arith.constant 0 : i32
    %dma_start3A_801 = arith.constant 0 : i32
    %dma_start3A_802 = tpu.memref_slice %arg6[%dma_start3A_799, %dma_start3A_800, %dma_start3A_801] : memref<4x32x768xf32, #tpu.memory_space<vmem>> -> memref<1x32x768xf32, #tpu.memory_space<vmem>>
    %dma_start3A_803 = tpu.memref_squeeze %dma_start3A_802 : memref<1x32x768xf32, #tpu.memory_space<vmem>> -> memref<32x768xf32, #tpu.memory_space<vmem>>
    %dma_start3A_804 = arith.constant 608 : i32
    %dma_start3A_805 = tpu.memref_slice %arg5[%dma_start3A_804] : memref<1024xi32, #tpu.memory_space<vmem>> -> memref<32xi32, #tpu.memory_space<vmem>>
    %dma_start3A_806 = arith.constant 0 : i32
    %dma_start3A_807 = arith.constant 0 : i32
    %dma_start3A_808 = tpu.memref_slice %arg3[%dma_start3A_806, %dma_start3A_807] : memref<28996x768xf32, #tpu.memory_space<hbm>> -> memref<28996x768xf32, #tpu.memory_space<hbm>>
    tpu.enqueue_indirect_dma source(%dma_start3A_808 : memref<28996x768xf32, #tpu.memory_space<hbm>>) target(%dma_start3A_803 : memref<32x768xf32, #tpu.memory_space<vmem>>) offsets(%dma_start3A_805 : memref<32xi32, #tpu.memory_space<vmem>>) semaphore(%arg10 : memref<!tpu.dma_semaphore, #tpu.memory_space<semaphore_mem>>)
    %dma_wait3A_809 = arith.constant 0 : i32
    %dma_wait3A_810 = arith.constant 0 : i32
    %dma_wait3A_811 = arith.constant 0 : i32
    %dma_wait3A_812 = tpu.memref_slice %arg6[%dma_wait3A_809, %dma_wait3A_810, %dma_wait3A_811] : memref<4x32x768xf32, #tpu.memory_space<vmem>> -> memref<1x32x768xf32, #tpu.memory_space<vmem>>
    %dma_wait3A_813 = tpu.memref_squeeze %dma_wait3A_812 : memref<1x32x768xf32, #tpu.memory_space<vmem>> -> memref<32x768xf32, #tpu.memory_space<vmem>>
    %dma_wait3A_814 = arith.constant 512 : i32
    %dma_wait3A_815 = tpu.memref_slice %arg5[%dma_wait3A_814] : memref<1024xi32, #tpu.memory_space<vmem>> -> memref<32xi32, #tpu.memory_space<vmem>>
    %dma_wait3A_816 = arith.constant 0 : i32
    %dma_wait3A_817 = arith.constant 0 : i32
    %dma_wait3A_818 = tpu.memref_slice %arg3[%dma_wait3A_816, %dma_wait3A_817] : memref<28996x768xf32, #tpu.memory_space<hbm>> -> memref<28996x768xf32, #tpu.memory_space<hbm>>
    tpu.wait_indirect_dma semaphore(%arg7 : memref<!tpu.dma_semaphore, #tpu.memory_space<semaphore_mem>>) src(%dma_wait3A_818 : memref<28996x768xf32, #tpu.memory_space<hbm>>) dst(%dma_wait3A_813 : memref<32x768xf32, #tpu.memory_space<vmem>>)
    %add3A_819 = arith.constant 512 : i32
    %add3A_820 = arith.addi %mul3A_2, %add3A_819 : i32
    %dma_start3A_821 = arith.constant 0 : i32
    %dma_start3A_822 = arith.constant 0 : i32
    %dma_start3A_823 = arith.constant 0 : i32
    %dma_start3A_824 = tpu.memref_slice %arg6[%dma_start3A_821, %dma_start3A_822, %dma_start3A_823] : memref<4x32x768xf32, #tpu.memory_space<vmem>> -> memref<1x32x768xf32, #tpu.memory_space<vmem>>
    %dma_start3A_825 = tpu.memref_squeeze %dma_start3A_824 : memref<1x32x768xf32, #tpu.memory_space<vmem>> -> memref<32x768xf32, #tpu.memory_space<vmem>>
    %dma_start3A_826 = arith.constant 0 : i32
    %dma_start3A_827 = tpu.memref_slice %arg4[%add3A_820, %dma_start3A_826] : memref<32768x768xf32, #tpu.memory_space<hbm>> -> memref<32x768xf32, #tpu.memory_space<hbm>>
    %dma_start3A_828 = arith.constant 0 : i32
    %dma_start3A_829 = tpu.memref_slice %arg4[%add3A_820, %dma_start3A_828] : memref<32768x768xf32, #tpu.memory_space<hbm>> -> memref<32x768xf32, #tpu.memory_space<hbm>>
    %dma_start3A_830 = arith.constant 0 : i32
    %dma_start3A_831 = arith.constant 0 : i32
    %dma_start3A_832 = tpu.memref_slice %arg6[%dma_start3A_821, %dma_start3A_830, %dma_start3A_831] : memref<4x32x768xf32, #tpu.memory_space<vmem>> -> memref<1x32x768xf32, #tpu.memory_space<vmem>>
    %dma_start3A_833 = tpu.memref_squeeze %dma_start3A_832 : memref<1x32x768xf32, #tpu.memory_space<vmem>> -> memref<32x768xf32, #tpu.memory_space<vmem>>
    tpu.enqueue_dma source(%dma_start3A_833 : memref<32x768xf32, #tpu.memory_space<vmem>>) target(%dma_start3A_829 : memref<32x768xf32, #tpu.memory_space<hbm>>) target_semaphore(%arg11 : memref<!tpu.dma_semaphore, #tpu.memory_space<semaphore_mem>>)
    %dma_wait3A_834 = arith.constant 0 : i32
    %dma_wait3A_835 = arith.constant 0 : i32
    %dma_wait3A_836 = arith.constant 0 : i32
    %dma_wait3A_837 = tpu.memref_slice %arg6[%dma_wait3A_834, %dma_wait3A_835, %dma_wait3A_836] : memref<4x32x768xf32, #tpu.memory_space<vmem>> -> memref<1x32x768xf32, #tpu.memory_space<vmem>>
    %dma_wait3A_838 = tpu.memref_squeeze %dma_wait3A_837 : memref<1x32x768xf32, #tpu.memory_space<vmem>> -> memref<32x768xf32, #tpu.memory_space<vmem>>
    %dma_wait3A_839 = arith.constant 0 : i32
    %dma_wait3A_840 = tpu.memref_slice %arg4[%add3A_820, %dma_wait3A_839] : memref<32768x768xf32, #tpu.memory_space<hbm>> -> memref<32x768xf32, #tpu.memory_space<hbm>>
    %dma_wait3A_841 = arith.constant 0 : i32
    %dma_wait3A_842 = tpu.memref_slice %arg4[%add3A_820, %dma_wait3A_841] : memref<32768x768xf32, #tpu.memory_space<hbm>> -> memref<32x768xf32, #tpu.memory_space<hbm>>
    %dma_wait3A_843 = arith.constant 0 : i32
    %dma_wait3A_844 = arith.constant 0 : i32
    %dma_wait3A_845 = tpu.memref_slice %arg6[%dma_wait3A_834, %dma_wait3A_843, %dma_wait3A_844] : memref<4x32x768xf32, #tpu.memory_space<vmem>> -> memref<1x32x768xf32, #tpu.memory_space<vmem>>
    %dma_wait3A_846 = tpu.memref_squeeze %dma_wait3A_845 : memref<1x32x768xf32, #tpu.memory_space<vmem>> -> memref<32x768xf32, #tpu.memory_space<vmem>>
    tpu.wait_dma2 semaphore(%arg11 : memref<!tpu.dma_semaphore, #tpu.memory_space<semaphore_mem>>) src(%dma_wait3A_846 : memref<32x768xf32, #tpu.memory_space<vmem>>) dst(%dma_wait3A_842 : memref<32x768xf32, #tpu.memory_space<hbm>>)
    %dma_start3A_847 = arith.constant 0 : i32
    %dma_start3A_848 = arith.constant 0 : i32
    %dma_start3A_849 = arith.constant 0 : i32
    %dma_start3A_850 = tpu.memref_slice %arg6[%dma_start3A_847, %dma_start3A_848, %dma_start3A_849] : memref<4x32x768xf32, #tpu.memory_space<vmem>> -> memref<1x32x768xf32, #tpu.memory_space<vmem>>
    %dma_start3A_851 = tpu.memref_squeeze %dma_start3A_850 : memref<1x32x768xf32, #tpu.memory_space<vmem>> -> memref<32x768xf32, #tpu.memory_space<vmem>>
    %dma_start3A_852 = arith.constant 640 : i32
    %dma_start3A_853 = tpu.memref_slice %arg5[%dma_start3A_852] : memref<1024xi32, #tpu.memory_space<vmem>> -> memref<32xi32, #tpu.memory_space<vmem>>
    %dma_start3A_854 = arith.constant 0 : i32
    %dma_start3A_855 = arith.constant 0 : i32
    %dma_start3A_856 = tpu.memref_slice %arg3[%dma_start3A_854, %dma_start3A_855] : memref<28996x768xf32, #tpu.memory_space<hbm>> -> memref<28996x768xf32, #tpu.memory_space<hbm>>
    tpu.enqueue_indirect_dma source(%dma_start3A_856 : memref<28996x768xf32, #tpu.memory_space<hbm>>) target(%dma_start3A_851 : memref<32x768xf32, #tpu.memory_space<vmem>>) offsets(%dma_start3A_853 : memref<32xi32, #tpu.memory_space<vmem>>) semaphore(%arg7 : memref<!tpu.dma_semaphore, #tpu.memory_space<semaphore_mem>>)
    %dma_wait3A_857 = arith.constant 1 : i32
    %dma_wait3A_858 = arith.constant 0 : i32
    %dma_wait3A_859 = arith.constant 0 : i32
    %dma_wait3A_860 = tpu.memref_slice %arg6[%dma_wait3A_857, %dma_wait3A_858, %dma_wait3A_859] : memref<4x32x768xf32, #tpu.memory_space<vmem>> -> memref<1x32x768xf32, #tpu.memory_space<vmem>>
    %dma_wait3A_861 = tpu.memref_squeeze %dma_wait3A_860 : memref<1x32x768xf32, #tpu.memory_space<vmem>> -> memref<32x768xf32, #tpu.memory_space<vmem>>
    %dma_wait3A_862 = arith.constant 544 : i32
    %dma_wait3A_863 = tpu.memref_slice %arg5[%dma_wait3A_862] : memref<1024xi32, #tpu.memory_space<vmem>> -> memref<32xi32, #tpu.memory_space<vmem>>
    %dma_wait3A_864 = arith.constant 0 : i32
    %dma_wait3A_865 = arith.constant 0 : i32
    %dma_wait3A_866 = tpu.memref_slice %arg3[%dma_wait3A_864, %dma_wait3A_865] : memref<28996x768xf32, #tpu.memory_space<hbm>> -> memref<28996x768xf32, #tpu.memory_space<hbm>>
    tpu.wait_indirect_dma semaphore(%arg8 : memref<!tpu.dma_semaphore, #tpu.memory_space<semaphore_mem>>) src(%dma_wait3A_866 : memref<28996x768xf32, #tpu.memory_space<hbm>>) dst(%dma_wait3A_861 : memref<32x768xf32, #tpu.memory_space<vmem>>)
    %add3A_867 = arith.constant 544 : i32
    %add3A_868 = arith.addi %mul3A_2, %add3A_867 : i32
    %dma_start3A_869 = arith.constant 1 : i32
    %dma_start3A_870 = arith.constant 0 : i32
    %dma_start3A_871 = arith.constant 0 : i32
    %dma_start3A_872 = tpu.memref_slice %arg6[%dma_start3A_869, %dma_start3A_870, %dma_start3A_871] : memref<4x32x768xf32, #tpu.memory_space<vmem>> -> memref<1x32x768xf32, #tpu.memory_space<vmem>>
    %dma_start3A_873 = tpu.memref_squeeze %dma_start3A_872 : memref<1x32x768xf32, #tpu.memory_space<vmem>> -> memref<32x768xf32, #tpu.memory_space<vmem>>
    %dma_start3A_874 = arith.constant 0 : i32
    %dma_start3A_875 = tpu.memref_slice %arg4[%add3A_868, %dma_start3A_874] : memref<32768x768xf32, #tpu.memory_space<hbm>> -> memref<32x768xf32, #tpu.memory_space<hbm>>
    %dma_start3A_876 = arith.constant 0 : i32
    %dma_start3A_877 = tpu.memref_slice %arg4[%add3A_868, %dma_start3A_876] : memref<32768x768xf32, #tpu.memory_space<hbm>> -> memref<32x768xf32, #tpu.memory_space<hbm>>
    %dma_start3A_878 = arith.constant 0 : i32
    %dma_start3A_879 = arith.constant 0 : i32
    %dma_start3A_880 = tpu.memref_slice %arg6[%dma_start3A_869, %dma_start3A_878, %dma_start3A_879] : memref<4x32x768xf32, #tpu.memory_space<vmem>> -> memref<1x32x768xf32, #tpu.memory_space<vmem>>
    %dma_start3A_881 = tpu.memref_squeeze %dma_start3A_880 : memref<1x32x768xf32, #tpu.memory_space<vmem>> -> memref<32x768xf32, #tpu.memory_space<vmem>>
    tpu.enqueue_dma source(%dma_start3A_881 : memref<32x768xf32, #tpu.memory_space<vmem>>) target(%dma_start3A_877 : memref<32x768xf32, #tpu.memory_space<hbm>>) target_semaphore(%arg12 : memref<!tpu.dma_semaphore, #tpu.memory_space<semaphore_mem>>)
    %dma_wait3A_882 = arith.constant 1 : i32
    %dma_wait3A_883 = arith.constant 0 : i32
    %dma_wait3A_884 = arith.constant 0 : i32
    %dma_wait3A_885 = tpu.memref_slice %arg6[%dma_wait3A_882, %dma_wait3A_883, %dma_wait3A_884] : memref<4x32x768xf32, #tpu.memory_space<vmem>> -> memref<1x32x768xf32, #tpu.memory_space<vmem>>
    %dma_wait3A_886 = tpu.memref_squeeze %dma_wait3A_885 : memref<1x32x768xf32, #tpu.memory_space<vmem>> -> memref<32x768xf32, #tpu.memory_space<vmem>>
    %dma_wait3A_887 = arith.constant 0 : i32
    %dma_wait3A_888 = tpu.memref_slice %arg4[%add3A_868, %dma_wait3A_887] : memref<32768x768xf32, #tpu.memory_space<hbm>> -> memref<32x768xf32, #tpu.memory_space<hbm>>
    %dma_wait3A_889 = arith.constant 0 : i32
    %dma_wait3A_890 = tpu.memref_slice %arg4[%add3A_868, %dma_wait3A_889] : memref<32768x768xf32, #tpu.memory_space<hbm>> -> memref<32x768xf32, #tpu.memory_space<hbm>>
    %dma_wait3A_891 = arith.constant 0 : i32
    %dma_wait3A_892 = arith.constant 0 : i32
    %dma_wait3A_893 = tpu.memref_slice %arg6[%dma_wait3A_882, %dma_wait3A_891, %dma_wait3A_892] : memref<4x32x768xf32, #tpu.memory_space<vmem>> -> memref<1x32x768xf32, #tpu.memory_space<vmem>>
    %dma_wait3A_894 = tpu.memref_squeeze %dma_wait3A_893 : memref<1x32x768xf32, #tpu.memory_space<vmem>> -> memref<32x768xf32, #tpu.memory_space<vmem>>
    tpu.wait_dma2 semaphore(%arg12 : memref<!tpu.dma_semaphore, #tpu.memory_space<semaphore_mem>>) src(%dma_wait3A_894 : memref<32x768xf32, #tpu.memory_space<vmem>>) dst(%dma_wait3A_890 : memref<32x768xf32, #tpu.memory_space<hbm>>)
    %dma_start3A_895 = arith.constant 1 : i32
    %dma_start3A_896 = arith.constant 0 : i32
    %dma_start3A_897 = arith.constant 0 : i32
    %dma_start3A_898 = tpu.memref_slice %arg6[%dma_start3A_895, %dma_start3A_896, %dma_start3A_897] : memref<4x32x768xf32, #tpu.memory_space<vmem>> -> memref<1x32x768xf32, #tpu.memory_space<vmem>>
    %dma_start3A_899 = tpu.memref_squeeze %dma_start3A_898 : memref<1x32x768xf32, #tpu.memory_space<vmem>> -> memref<32x768xf32, #tpu.memory_space<vmem>>
    %dma_start3A_900 = arith.constant 672 : i32
    %dma_start3A_901 = tpu.memref_slice %arg5[%dma_start3A_900] : memref<1024xi32, #tpu.memory_space<vmem>> -> memref<32xi32, #tpu.memory_space<vmem>>
    %dma_start3A_902 = arith.constant 0 : i32
    %dma_start3A_903 = arith.constant 0 : i32
    %dma_start3A_904 = tpu.memref_slice %arg3[%dma_start3A_902, %dma_start3A_903] : memref<28996x768xf32, #tpu.memory_space<hbm>> -> memref<28996x768xf32, #tpu.memory_space<hbm>>
    tpu.enqueue_indirect_dma source(%dma_start3A_904 : memref<28996x768xf32, #tpu.memory_space<hbm>>) target(%dma_start3A_899 : memref<32x768xf32, #tpu.memory_space<vmem>>) offsets(%dma_start3A_901 : memref<32xi32, #tpu.memory_space<vmem>>) semaphore(%arg8 : memref<!tpu.dma_semaphore, #tpu.memory_space<semaphore_mem>>)
    %dma_wait3A_905 = arith.constant 2 : i32
    %dma_wait3A_906 = arith.constant 0 : i32
    %dma_wait3A_907 = arith.constant 0 : i32
    %dma_wait3A_908 = tpu.memref_slice %arg6[%dma_wait3A_905, %dma_wait3A_906, %dma_wait3A_907] : memref<4x32x768xf32, #tpu.memory_space<vmem>> -> memref<1x32x768xf32, #tpu.memory_space<vmem>>
    %dma_wait3A_909 = tpu.memref_squeeze %dma_wait3A_908 : memref<1x32x768xf32, #tpu.memory_space<vmem>> -> memref<32x768xf32, #tpu.memory_space<vmem>>
    %dma_wait3A_910 = arith.constant 576 : i32
    %dma_wait3A_911 = tpu.memref_slice %arg5[%dma_wait3A_910] : memref<1024xi32, #tpu.memory_space<vmem>> -> memref<32xi32, #tpu.memory_space<vmem>>
    %dma_wait3A_912 = arith.constant 0 : i32
    %dma_wait3A_913 = arith.constant 0 : i32
    %dma_wait3A_914 = tpu.memref_slice %arg3[%dma_wait3A_912, %dma_wait3A_913] : memref<28996x768xf32, #tpu.memory_space<hbm>> -> memref<28996x768xf32, #tpu.memory_space<hbm>>
    tpu.wait_indirect_dma semaphore(%arg9 : memref<!tpu.dma_semaphore, #tpu.memory_space<semaphore_mem>>) src(%dma_wait3A_914 : memref<28996x768xf32, #tpu.memory_space<hbm>>) dst(%dma_wait3A_909 : memref<32x768xf32, #tpu.memory_space<vmem>>)
    %add3A_915 = arith.constant 576 : i32
    %add3A_916 = arith.addi %mul3A_2, %add3A_915 : i32
    %dma_start3A_917 = arith.constant 2 : i32
    %dma_start3A_918 = arith.constant 0 : i32
    %dma_start3A_919 = arith.constant 0 : i32
    %dma_start3A_920 = tpu.memref_slice %arg6[%dma_start3A_917, %dma_start3A_918, %dma_start3A_919] : memref<4x32x768xf32, #tpu.memory_space<vmem>> -> memref<1x32x768xf32, #tpu.memory_space<vmem>>
    %dma_start3A_921 = tpu.memref_squeeze %dma_start3A_920 : memref<1x32x768xf32, #tpu.memory_space<vmem>> -> memref<32x768xf32, #tpu.memory_space<vmem>>
    %dma_start3A_922 = arith.constant 0 : i32
    %dma_start3A_923 = tpu.memref_slice %arg4[%add3A_916, %dma_start3A_922] : memref<32768x768xf32, #tpu.memory_space<hbm>> -> memref<32x768xf32, #tpu.memory_space<hbm>>
    %dma_start3A_924 = arith.constant 0 : i32
    %dma_start3A_925 = tpu.memref_slice %arg4[%add3A_916, %dma_start3A_924] : memref<32768x768xf32, #tpu.memory_space<hbm>> -> memref<32x768xf32, #tpu.memory_space<hbm>>
    %dma_start3A_926 = arith.constant 0 : i32
    %dma_start3A_927 = arith.constant 0 : i32
    %dma_start3A_928 = tpu.memref_slice %arg6[%dma_start3A_917, %dma_start3A_926, %dma_start3A_927] : memref<4x32x768xf32, #tpu.memory_space<vmem>> -> memref<1x32x768xf32, #tpu.memory_space<vmem>>
    %dma_start3A_929 = tpu.memref_squeeze %dma_start3A_928 : memref<1x32x768xf32, #tpu.memory_space<vmem>> -> memref<32x768xf32, #tpu.memory_space<vmem>>
    tpu.enqueue_dma source(%dma_start3A_929 : memref<32x768xf32, #tpu.memory_space<vmem>>) target(%dma_start3A_925 : memref<32x768xf32, #tpu.memory_space<hbm>>) target_semaphore(%arg13 : memref<!tpu.dma_semaphore, #tpu.memory_space<semaphore_mem>>)
    %dma_wait3A_930 = arith.constant 2 : i32
    %dma_wait3A_931 = arith.constant 0 : i32
    %dma_wait3A_932 = arith.constant 0 : i32
    %dma_wait3A_933 = tpu.memref_slice %arg6[%dma_wait3A_930, %dma_wait3A_931, %dma_wait3A_932] : memref<4x32x768xf32, #tpu.memory_space<vmem>> -> memref<1x32x768xf32, #tpu.memory_space<vmem>>
    %dma_wait3A_934 = tpu.memref_squeeze %dma_wait3A_933 : memref<1x32x768xf32, #tpu.memory_space<vmem>> -> memref<32x768xf32, #tpu.memory_space<vmem>>
    %dma_wait3A_935 = arith.constant 0 : i32
    %dma_wait3A_936 = tpu.memref_slice %arg4[%add3A_916, %dma_wait3A_935] : memref<32768x768xf32, #tpu.memory_space<hbm>> -> memref<32x768xf32, #tpu.memory_space<hbm>>
    %dma_wait3A_937 = arith.constant 0 : i32
    %dma_wait3A_938 = tpu.memref_slice %arg4[%add3A_916, %dma_wait3A_937] : memref<32768x768xf32, #tpu.memory_space<hbm>> -> memref<32x768xf32, #tpu.memory_space<hbm>>
    %dma_wait3A_939 = arith.constant 0 : i32
    %dma_wait3A_940 = arith.constant 0 : i32
    %dma_wait3A_941 = tpu.memref_slice %arg6[%dma_wait3A_930, %dma_wait3A_939, %dma_wait3A_940] : memref<4x32x768xf32, #tpu.memory_space<vmem>> -> memref<1x32x768xf32, #tpu.memory_space<vmem>>
    %dma_wait3A_942 = tpu.memref_squeeze %dma_wait3A_941 : memref<1x32x768xf32, #tpu.memory_space<vmem>> -> memref<32x768xf32, #tpu.memory_space<vmem>>
    tpu.wait_dma2 semaphore(%arg13 : memref<!tpu.dma_semaphore, #tpu.memory_space<semaphore_mem>>) src(%dma_wait3A_942 : memref<32x768xf32, #tpu.memory_space<vmem>>) dst(%dma_wait3A_938 : memref<32x768xf32, #tpu.memory_space<hbm>>)
    %dma_start3A_943 = arith.constant 2 : i32
    %dma_start3A_944 = arith.constant 0 : i32
    %dma_start3A_945 = arith.constant 0 : i32
    %dma_start3A_946 = tpu.memref_slice %arg6[%dma_start3A_943, %dma_start3A_944, %dma_start3A_945] : memref<4x32x768xf32, #tpu.memory_space<vmem>> -> memref<1x32x768xf32, #tpu.memory_space<vmem>>
    %dma_start3A_947 = tpu.memref_squeeze %dma_start3A_946 : memref<1x32x768xf32, #tpu.memory_space<vmem>> -> memref<32x768xf32, #tpu.memory_space<vmem>>
    %dma_start3A_948 = arith.constant 704 : i32
    %dma_start3A_949 = tpu.memref_slice %arg5[%dma_start3A_948] : memref<1024xi32, #tpu.memory_space<vmem>> -> memref<32xi32, #tpu.memory_space<vmem>>
    %dma_start3A_950 = arith.constant 0 : i32
    %dma_start3A_951 = arith.constant 0 : i32
    %dma_start3A_952 = tpu.memref_slice %arg3[%dma_start3A_950, %dma_start3A_951] : memref<28996x768xf32, #tpu.memory_space<hbm>> -> memref<28996x768xf32, #tpu.memory_space<hbm>>
    tpu.enqueue_indirect_dma source(%dma_start3A_952 : memref<28996x768xf32, #tpu.memory_space<hbm>>) target(%dma_start3A_947 : memref<32x768xf32, #tpu.memory_space<vmem>>) offsets(%dma_start3A_949 : memref<32xi32, #tpu.memory_space<vmem>>) semaphore(%arg9 : memref<!tpu.dma_semaphore, #tpu.memory_space<semaphore_mem>>)
    %dma_wait3A_953 = arith.constant 3 : i32
    %dma_wait3A_954 = arith.constant 0 : i32
    %dma_wait3A_955 = arith.constant 0 : i32
    %dma_wait3A_956 = tpu.memref_slice %arg6[%dma_wait3A_953, %dma_wait3A_954, %dma_wait3A_955] : memref<4x32x768xf32, #tpu.memory_space<vmem>> -> memref<1x32x768xf32, #tpu.memory_space<vmem>>
    %dma_wait3A_957 = tpu.memref_squeeze %dma_wait3A_956 : memref<1x32x768xf32, #tpu.memory_space<vmem>> -> memref<32x768xf32, #tpu.memory_space<vmem>>
    %dma_wait3A_958 = arith.constant 608 : i32
    %dma_wait3A_959 = tpu.memref_slice %arg5[%dma_wait3A_958] : memref<1024xi32, #tpu.memory_space<vmem>> -> memref<32xi32, #tpu.memory_space<vmem>>
    %dma_wait3A_960 = arith.constant 0 : i32
    %dma_wait3A_961 = arith.constant 0 : i32
    %dma_wait3A_962 = tpu.memref_slice %arg3[%dma_wait3A_960, %dma_wait3A_961] : memref<28996x768xf32, #tpu.memory_space<hbm>> -> memref<28996x768xf32, #tpu.memory_space<hbm>>
    tpu.wait_indirect_dma semaphore(%arg10 : memref<!tpu.dma_semaphore, #tpu.memory_space<semaphore_mem>>) src(%dma_wait3A_962 : memref<28996x768xf32, #tpu.memory_space<hbm>>) dst(%dma_wait3A_957 : memref<32x768xf32, #tpu.memory_space<vmem>>)
    %add3A_963 = arith.constant 608 : i32
    %add3A_964 = arith.addi %mul3A_2, %add3A_963 : i32
    %dma_start3A_965 = arith.constant 3 : i32
    %dma_start3A_966 = arith.constant 0 : i32
    %dma_start3A_967 = arith.constant 0 : i32
    %dma_start3A_968 = tpu.memref_slice %arg6[%dma_start3A_965, %dma_start3A_966, %dma_start3A_967] : memref<4x32x768xf32, #tpu.memory_space<vmem>> -> memref<1x32x768xf32, #tpu.memory_space<vmem>>
    %dma_start3A_969 = tpu.memref_squeeze %dma_start3A_968 : memref<1x32x768xf32, #tpu.memory_space<vmem>> -> memref<32x768xf32, #tpu.memory_space<vmem>>
    %dma_start3A_970 = arith.constant 0 : i32
    %dma_start3A_971 = tpu.memref_slice %arg4[%add3A_964, %dma_start3A_970] : memref<32768x768xf32, #tpu.memory_space<hbm>> -> memref<32x768xf32, #tpu.memory_space<hbm>>
    %dma_start3A_972 = arith.constant 0 : i32
    %dma_start3A_973 = tpu.memref_slice %arg4[%add3A_964, %dma_start3A_972] : memref<32768x768xf32, #tpu.memory_space<hbm>> -> memref<32x768xf32, #tpu.memory_space<hbm>>
    %dma_start3A_974 = arith.constant 0 : i32
    %dma_start3A_975 = arith.constant 0 : i32
    %dma_start3A_976 = tpu.memref_slice %arg6[%dma_start3A_965, %dma_start3A_974, %dma_start3A_975] : memref<4x32x768xf32, #tpu.memory_space<vmem>> -> memref<1x32x768xf32, #tpu.memory_space<vmem>>
    %dma_start3A_977 = tpu.memref_squeeze %dma_start3A_976 : memref<1x32x768xf32, #tpu.memory_space<vmem>> -> memref<32x768xf32, #tpu.memory_space<vmem>>
    tpu.enqueue_dma source(%dma_start3A_977 : memref<32x768xf32, #tpu.memory_space<vmem>>) target(%dma_start3A_973 : memref<32x768xf32, #tpu.memory_space<hbm>>) target_semaphore(%arg14 : memref<!tpu.dma_semaphore, #tpu.memory_space<semaphore_mem>>)
    %dma_wait3A_978 = arith.constant 3 : i32
    %dma_wait3A_979 = arith.constant 0 : i32
    %dma_wait3A_980 = arith.constant 0 : i32
    %dma_wait3A_981 = tpu.memref_slice %arg6[%dma_wait3A_978, %dma_wait3A_979, %dma_wait3A_980] : memref<4x32x768xf32, #tpu.memory_space<vmem>> -> memref<1x32x768xf32, #tpu.memory_space<vmem>>
    %dma_wait3A_982 = tpu.memref_squeeze %dma_wait3A_981 : memref<1x32x768xf32, #tpu.memory_space<vmem>> -> memref<32x768xf32, #tpu.memory_space<vmem>>
    %dma_wait3A_983 = arith.constant 0 : i32
    %dma_wait3A_984 = tpu.memref_slice %arg4[%add3A_964, %dma_wait3A_983] : memref<32768x768xf32, #tpu.memory_space<hbm>> -> memref<32x768xf32, #tpu.memory_space<hbm>>
    %dma_wait3A_985 = arith.constant 0 : i32
    %dma_wait3A_986 = tpu.memref_slice %arg4[%add3A_964, %dma_wait3A_985] : memref<32768x768xf32, #tpu.memory_space<hbm>> -> memref<32x768xf32, #tpu.memory_space<hbm>>
    %dma_wait3A_987 = arith.constant 0 : i32
    %dma_wait3A_988 = arith.constant 0 : i32
    %dma_wait3A_989 = tpu.memref_slice %arg6[%dma_wait3A_978, %dma_wait3A_987, %dma_wait3A_988] : memref<4x32x768xf32, #tpu.memory_space<vmem>> -> memref<1x32x768xf32, #tpu.memory_space<vmem>>
    %dma_wait3A_990 = tpu.memref_squeeze %dma_wait3A_989 : memref<1x32x768xf32, #tpu.memory_space<vmem>> -> memref<32x768xf32, #tpu.memory_space<vmem>>
    tpu.wait_dma2 semaphore(%arg14 : memref<!tpu.dma_semaphore, #tpu.memory_space<semaphore_mem>>) src(%dma_wait3A_990 : memref<32x768xf32, #tpu.memory_space<vmem>>) dst(%dma_wait3A_986 : memref<32x768xf32, #tpu.memory_space<hbm>>)
    %dma_start3A_991 = arith.constant 3 : i32
    %dma_start3A_992 = arith.constant 0 : i32
    %dma_start3A_993 = arith.constant 0 : i32
    %dma_start3A_994 = tpu.memref_slice %arg6[%dma_start3A_991, %dma_start3A_992, %dma_start3A_993] : memref<4x32x768xf32, #tpu.memory_space<vmem>> -> memref<1x32x768xf32, #tpu.memory_space<vmem>>
    %dma_start3A_995 = tpu.memref_squeeze %dma_start3A_994 : memref<1x32x768xf32, #tpu.memory_space<vmem>> -> memref<32x768xf32, #tpu.memory_space<vmem>>
    %dma_start3A_996 = arith.constant 736 : i32
    %dma_start3A_997 = tpu.memref_slice %arg5[%dma_start3A_996] : memref<1024xi32, #tpu.memory_space<vmem>> -> memref<32xi32, #tpu.memory_space<vmem>>
    %dma_start3A_998 = arith.constant 0 : i32
    %dma_start3A_999 = arith.constant 0 : i32
    %dma_start3A_1000 = tpu.memref_slice %arg3[%dma_start3A_998, %dma_start3A_999] : memref<28996x768xf32, #tpu.memory_space<hbm>> -> memref<28996x768xf32, #tpu.memory_space<hbm>>
    tpu.enqueue_indirect_dma source(%dma_start3A_1000 : memref<28996x768xf32, #tpu.memory_space<hbm>>) target(%dma_start3A_995 : memref<32x768xf32, #tpu.memory_space<vmem>>) offsets(%dma_start3A_997 : memref<32xi32, #tpu.memory_space<vmem>>) semaphore(%arg10 : memref<!tpu.dma_semaphore, #tpu.memory_space<semaphore_mem>>)
    %dma_wait3A_1001 = arith.constant 0 : i32
    %dma_wait3A_1002 = arith.constant 0 : i32
    %dma_wait3A_1003 = arith.constant 0 : i32
    %dma_wait3A_1004 = tpu.memref_slice %arg6[%dma_wait3A_1001, %dma_wait3A_1002, %dma_wait3A_1003] : memref<4x32x768xf32, #tpu.memory_space<vmem>> -> memref<1x32x768xf32, #tpu.memory_space<vmem>>
    %dma_wait3A_1005 = tpu.memref_squeeze %dma_wait3A_1004 : memref<1x32x768xf32, #tpu.memory_space<vmem>> -> memref<32x768xf32, #tpu.memory_space<vmem>>
    %dma_wait3A_1006 = arith.constant 640 : i32
    %dma_wait3A_1007 = tpu.memref_slice %arg5[%dma_wait3A_1006] : memref<1024xi32, #tpu.memory_space<vmem>> -> memref<32xi32, #tpu.memory_space<vmem>>
    %dma_wait3A_1008 = arith.constant 0 : i32
    %dma_wait3A_1009 = arith.constant 0 : i32
    %dma_wait3A_1010 = tpu.memref_slice %arg3[%dma_wait3A_1008, %dma_wait3A_1009] : memref<28996x768xf32, #tpu.memory_space<hbm>> -> memref<28996x768xf32, #tpu.memory_space<hbm>>
    tpu.wait_indirect_dma semaphore(%arg7 : memref<!tpu.dma_semaphore, #tpu.memory_space<semaphore_mem>>) src(%dma_wait3A_1010 : memref<28996x768xf32, #tpu.memory_space<hbm>>) dst(%dma_wait3A_1005 : memref<32x768xf32, #tpu.memory_space<vmem>>)
    %add3A_1011 = arith.constant 640 : i32
    %add3A_1012 = arith.addi %mul3A_2, %add3A_1011 : i32
    %dma_start3A_1013 = arith.constant 0 : i32
    %dma_start3A_1014 = arith.constant 0 : i32
    %dma_start3A_1015 = arith.constant 0 : i32
    %dma_start3A_1016 = tpu.memref_slice %arg6[%dma_start3A_1013, %dma_start3A_1014, %dma_start3A_1015] : memref<4x32x768xf32, #tpu.memory_space<vmem>> -> memref<1x32x768xf32, #tpu.memory_space<vmem>>
    %dma_start3A_1017 = tpu.memref_squeeze %dma_start3A_1016 : memref<1x32x768xf32, #tpu.memory_space<vmem>> -> memref<32x768xf32, #tpu.memory_space<vmem>>
    %dma_start3A_1018 = arith.constant 0 : i32
    %dma_start3A_1019 = tpu.memref_slice %arg4[%add3A_1012, %dma_start3A_1018] : memref<32768x768xf32, #tpu.memory_space<hbm>> -> memref<32x768xf32, #tpu.memory_space<hbm>>
    %dma_start3A_1020 = arith.constant 0 : i32
    %dma_start3A_1021 = tpu.memref_slice %arg4[%add3A_1012, %dma_start3A_1020] : memref<32768x768xf32, #tpu.memory_space<hbm>> -> memref<32x768xf32, #tpu.memory_space<hbm>>
    %dma_start3A_1022 = arith.constant 0 : i32
    %dma_start3A_1023 = arith.constant 0 : i32
    %dma_start3A_1024 = tpu.memref_slice %arg6[%dma_start3A_1013, %dma_start3A_1022, %dma_start3A_1023] : memref<4x32x768xf32, #tpu.memory_space<vmem>> -> memref<1x32x768xf32, #tpu.memory_space<vmem>>
    %dma_start3A_1025 = tpu.memref_squeeze %dma_start3A_1024 : memref<1x32x768xf32, #tpu.memory_space<vmem>> -> memref<32x768xf32, #tpu.memory_space<vmem>>
    tpu.enqueue_dma source(%dma_start3A_1025 : memref<32x768xf32, #tpu.memory_space<vmem>>) target(%dma_start3A_1021 : memref<32x768xf32, #tpu.memory_space<hbm>>) target_semaphore(%arg11 : memref<!tpu.dma_semaphore, #tpu.memory_space<semaphore_mem>>)
    %dma_wait3A_1026 = arith.constant 0 : i32
    %dma_wait3A_1027 = arith.constant 0 : i32
    %dma_wait3A_1028 = arith.constant 0 : i32
    %dma_wait3A_1029 = tpu.memref_slice %arg6[%dma_wait3A_1026, %dma_wait3A_1027, %dma_wait3A_1028] : memref<4x32x768xf32, #tpu.memory_space<vmem>> -> memref<1x32x768xf32, #tpu.memory_space<vmem>>
    %dma_wait3A_1030 = tpu.memref_squeeze %dma_wait3A_1029 : memref<1x32x768xf32, #tpu.memory_space<vmem>> -> memref<32x768xf32, #tpu.memory_space<vmem>>
    %dma_wait3A_1031 = arith.constant 0 : i32
    %dma_wait3A_1032 = tpu.memref_slice %arg4[%add3A_1012, %dma_wait3A_1031] : memref<32768x768xf32, #tpu.memory_space<hbm>> -> memref<32x768xf32, #tpu.memory_space<hbm>>
    %dma_wait3A_1033 = arith.constant 0 : i32
    %dma_wait3A_1034 = tpu.memref_slice %arg4[%add3A_1012, %dma_wait3A_1033] : memref<32768x768xf32, #tpu.memory_space<hbm>> -> memref<32x768xf32, #tpu.memory_space<hbm>>
    %dma_wait3A_1035 = arith.constant 0 : i32
    %dma_wait3A_1036 = arith.constant 0 : i32
    %dma_wait3A_1037 = tpu.memref_slice %arg6[%dma_wait3A_1026, %dma_wait3A_1035, %dma_wait3A_1036] : memref<4x32x768xf32, #tpu.memory_space<vmem>> -> memref<1x32x768xf32, #tpu.memory_space<vmem>>
    %dma_wait3A_1038 = tpu.memref_squeeze %dma_wait3A_1037 : memref<1x32x768xf32, #tpu.memory_space<vmem>> -> memref<32x768xf32, #tpu.memory_space<vmem>>
    tpu.wait_dma2 semaphore(%arg11 : memref<!tpu.dma_semaphore, #tpu.memory_space<semaphore_mem>>) src(%dma_wait3A_1038 : memref<32x768xf32, #tpu.memory_space<vmem>>) dst(%dma_wait3A_1034 : memref<32x768xf32, #tpu.memory_space<hbm>>)
    %dma_start3A_1039 = arith.constant 0 : i32
    %dma_start3A_1040 = arith.constant 0 : i32
    %dma_start3A_1041 = arith.constant 0 : i32
    %dma_start3A_1042 = tpu.memref_slice %arg6[%dma_start3A_1039, %dma_start3A_1040, %dma_start3A_1041] : memref<4x32x768xf32, #tpu.memory_space<vmem>> -> memref<1x32x768xf32, #tpu.memory_space<vmem>>
    %dma_start3A_1043 = tpu.memref_squeeze %dma_start3A_1042 : memref<1x32x768xf32, #tpu.memory_space<vmem>> -> memref<32x768xf32, #tpu.memory_space<vmem>>
    %dma_start3A_1044 = arith.constant 768 : i32
    %dma_start3A_1045 = tpu.memref_slice %arg5[%dma_start3A_1044] : memref<1024xi32, #tpu.memory_space<vmem>> -> memref<32xi32, #tpu.memory_space<vmem>>
    %dma_start3A_1046 = arith.constant 0 : i32
    %dma_start3A_1047 = arith.constant 0 : i32
    %dma_start3A_1048 = tpu.memref_slice %arg3[%dma_start3A_1046, %dma_start3A_1047] : memref<28996x768xf32, #tpu.memory_space<hbm>> -> memref<28996x768xf32, #tpu.memory_space<hbm>>
    tpu.enqueue_indirect_dma source(%dma_start3A_1048 : memref<28996x768xf32, #tpu.memory_space<hbm>>) target(%dma_start3A_1043 : memref<32x768xf32, #tpu.memory_space<vmem>>) offsets(%dma_start3A_1045 : memref<32xi32, #tpu.memory_space<vmem>>) semaphore(%arg7 : memref<!tpu.dma_semaphore, #tpu.memory_space<semaphore_mem>>)
    %dma_wait3A_1049 = arith.constant 1 : i32
    %dma_wait3A_1050 = arith.constant 0 : i32
    %dma_wait3A_1051 = arith.constant 0 : i32
    %dma_wait3A_1052 = tpu.memref_slice %arg6[%dma_wait3A_1049, %dma_wait3A_1050, %dma_wait3A_1051] : memref<4x32x768xf32, #tpu.memory_space<vmem>> -> memref<1x32x768xf32, #tpu.memory_space<vmem>>
    %dma_wait3A_1053 = tpu.memref_squeeze %dma_wait3A_1052 : memref<1x32x768xf32, #tpu.memory_space<vmem>> -> memref<32x768xf32, #tpu.memory_space<vmem>>
    %dma_wait3A_1054 = arith.constant 672 : i32
    %dma_wait3A_1055 = tpu.memref_slice %arg5[%dma_wait3A_1054] : memref<1024xi32, #tpu.memory_space<vmem>> -> memref<32xi32, #tpu.memory_space<vmem>>
    %dma_wait3A_1056 = arith.constant 0 : i32
    %dma_wait3A_1057 = arith.constant 0 : i32
    %dma_wait3A_1058 = tpu.memref_slice %arg3[%dma_wait3A_1056, %dma_wait3A_1057] : memref<28996x768xf32, #tpu.memory_space<hbm>> -> memref<28996x768xf32, #tpu.memory_space<hbm>>
    tpu.wait_indirect_dma semaphore(%arg8 : memref<!tpu.dma_semaphore, #tpu.memory_space<semaphore_mem>>) src(%dma_wait3A_1058 : memref<28996x768xf32, #tpu.memory_space<hbm>>) dst(%dma_wait3A_1053 : memref<32x768xf32, #tpu.memory_space<vmem>>)
    %add3A_1059 = arith.constant 672 : i32
    %add3A_1060 = arith.addi %mul3A_2, %add3A_1059 : i32
    %dma_start3A_1061 = arith.constant 1 : i32
    %dma_start3A_1062 = arith.constant 0 : i32
    %dma_start3A_1063 = arith.constant 0 : i32
    %dma_start3A_1064 = tpu.memref_slice %arg6[%dma_start3A_1061, %dma_start3A_1062, %dma_start3A_1063] : memref<4x32x768xf32, #tpu.memory_space<vmem>> -> memref<1x32x768xf32, #tpu.memory_space<vmem>>
    %dma_start3A_1065 = tpu.memref_squeeze %dma_start3A_1064 : memref<1x32x768xf32, #tpu.memory_space<vmem>> -> memref<32x768xf32, #tpu.memory_space<vmem>>
    %dma_start3A_1066 = arith.constant 0 : i32
    %dma_start3A_1067 = tpu.memref_slice %arg4[%add3A_1060, %dma_start3A_1066] : memref<32768x768xf32, #tpu.memory_space<hbm>> -> memref<32x768xf32, #tpu.memory_space<hbm>>
    %dma_start3A_1068 = arith.constant 0 : i32
    %dma_start3A_1069 = tpu.memref_slice %arg4[%add3A_1060, %dma_start3A_1068] : memref<32768x768xf32, #tpu.memory_space<hbm>> -> memref<32x768xf32, #tpu.memory_space<hbm>>
    %dma_start3A_1070 = arith.constant 0 : i32
    %dma_start3A_1071 = arith.constant 0 : i32
    %dma_start3A_1072 = tpu.memref_slice %arg6[%dma_start3A_1061, %dma_start3A_1070, %dma_start3A_1071] : memref<4x32x768xf32, #tpu.memory_space<vmem>> -> memref<1x32x768xf32, #tpu.memory_space<vmem>>
    %dma_start3A_1073 = tpu.memref_squeeze %dma_start3A_1072 : memref<1x32x768xf32, #tpu.memory_space<vmem>> -> memref<32x768xf32, #tpu.memory_space<vmem>>
    tpu.enqueue_dma source(%dma_start3A_1073 : memref<32x768xf32, #tpu.memory_space<vmem>>) target(%dma_start3A_1069 : memref<32x768xf32, #tpu.memory_space<hbm>>) target_semaphore(%arg12 : memref<!tpu.dma_semaphore, #tpu.memory_space<semaphore_mem>>)
    %dma_wait3A_1074 = arith.constant 1 : i32
    %dma_wait3A_1075 = arith.constant 0 : i32
    %dma_wait3A_1076 = arith.constant 0 : i32
    %dma_wait3A_1077 = tpu.memref_slice %arg6[%dma_wait3A_1074, %dma_wait3A_1075, %dma_wait3A_1076] : memref<4x32x768xf32, #tpu.memory_space<vmem>> -> memref<1x32x768xf32, #tpu.memory_space<vmem>>
    %dma_wait3A_1078 = tpu.memref_squeeze %dma_wait3A_1077 : memref<1x32x768xf32, #tpu.memory_space<vmem>> -> memref<32x768xf32, #tpu.memory_space<vmem>>
    %dma_wait3A_1079 = arith.constant 0 : i32
    %dma_wait3A_1080 = tpu.memref_slice %arg4[%add3A_1060, %dma_wait3A_1079] : memref<32768x768xf32, #tpu.memory_space<hbm>> -> memref<32x768xf32, #tpu.memory_space<hbm>>
    %dma_wait3A_1081 = arith.constant 0 : i32
    %dma_wait3A_1082 = tpu.memref_slice %arg4[%add3A_1060, %dma_wait3A_1081] : memref<32768x768xf32, #tpu.memory_space<hbm>> -> memref<32x768xf32, #tpu.memory_space<hbm>>
    %dma_wait3A_1083 = arith.constant 0 : i32
    %dma_wait3A_1084 = arith.constant 0 : i32
    %dma_wait3A_1085 = tpu.memref_slice %arg6[%dma_wait3A_1074, %dma_wait3A_1083, %dma_wait3A_1084] : memref<4x32x768xf32, #tpu.memory_space<vmem>> -> memref<1x32x768xf32, #tpu.memory_space<vmem>>
    %dma_wait3A_1086 = tpu.memref_squeeze %dma_wait3A_1085 : memref<1x32x768xf32, #tpu.memory_space<vmem>> -> memref<32x768xf32, #tpu.memory_space<vmem>>
    tpu.wait_dma2 semaphore(%arg12 : memref<!tpu.dma_semaphore, #tpu.memory_space<semaphore_mem>>) src(%dma_wait3A_1086 : memref<32x768xf32, #tpu.memory_space<vmem>>) dst(%dma_wait3A_1082 : memref<32x768xf32, #tpu.memory_space<hbm>>)
    %dma_start3A_1087 = arith.constant 1 : i32
    %dma_start3A_1088 = arith.constant 0 : i32
    %dma_start3A_1089 = arith.constant 0 : i32
    %dma_start3A_1090 = tpu.memref_slice %arg6[%dma_start3A_1087, %dma_start3A_1088, %dma_start3A_1089] : memref<4x32x768xf32, #tpu.memory_space<vmem>> -> memref<1x32x768xf32, #tpu.memory_space<vmem>>
    %dma_start3A_1091 = tpu.memref_squeeze %dma_start3A_1090 : memref<1x32x768xf32, #tpu.memory_space<vmem>> -> memref<32x768xf32, #tpu.memory_space<vmem>>
    %dma_start3A_1092 = arith.constant 800 : i32
    %dma_start3A_1093 = tpu.memref_slice %arg5[%dma_start3A_1092] : memref<1024xi32, #tpu.memory_space<vmem>> -> memref<32xi32, #tpu.memory_space<vmem>>
    %dma_start3A_1094 = arith.constant 0 : i32
    %dma_start3A_1095 = arith.constant 0 : i32
    %dma_start3A_1096 = tpu.memref_slice %arg3[%dma_start3A_1094, %dma_start3A_1095] : memref<28996x768xf32, #tpu.memory_space<hbm>> -> memref<28996x768xf32, #tpu.memory_space<hbm>>
    tpu.enqueue_indirect_dma source(%dma_start3A_1096 : memref<28996x768xf32, #tpu.memory_space<hbm>>) target(%dma_start3A_1091 : memref<32x768xf32, #tpu.memory_space<vmem>>) offsets(%dma_start3A_1093 : memref<32xi32, #tpu.memory_space<vmem>>) semaphore(%arg8 : memref<!tpu.dma_semaphore, #tpu.memory_space<semaphore_mem>>)
    %dma_wait3A_1097 = arith.constant 2 : i32
    %dma_wait3A_1098 = arith.constant 0 : i32
    %dma_wait3A_1099 = arith.constant 0 : i32
    %dma_wait3A_1100 = tpu.memref_slice %arg6[%dma_wait3A_1097, %dma_wait3A_1098, %dma_wait3A_1099] : memref<4x32x768xf32, #tpu.memory_space<vmem>> -> memref<1x32x768xf32, #tpu.memory_space<vmem>>
    %dma_wait3A_1101 = tpu.memref_squeeze %dma_wait3A_1100 : memref<1x32x768xf32, #tpu.memory_space<vmem>> -> memref<32x768xf32, #tpu.memory_space<vmem>>
    %dma_wait3A_1102 = arith.constant 704 : i32
    %dma_wait3A_1103 = tpu.memref_slice %arg5[%dma_wait3A_1102] : memref<1024xi32, #tpu.memory_space<vmem>> -> memref<32xi32, #tpu.memory_space<vmem>>
    %dma_wait3A_1104 = arith.constant 0 : i32
    %dma_wait3A_1105 = arith.constant 0 : i32
    %dma_wait3A_1106 = tpu.memref_slice %arg3[%dma_wait3A_1104, %dma_wait3A_1105] : memref<28996x768xf32, #tpu.memory_space<hbm>> -> memref<28996x768xf32, #tpu.memory_space<hbm>>
    tpu.wait_indirect_dma semaphore(%arg9 : memref<!tpu.dma_semaphore, #tpu.memory_space<semaphore_mem>>) src(%dma_wait3A_1106 : memref<28996x768xf32, #tpu.memory_space<hbm>>) dst(%dma_wait3A_1101 : memref<32x768xf32, #tpu.memory_space<vmem>>)
    %add3A_1107 = arith.constant 704 : i32
    %add3A_1108 = arith.addi %mul3A_2, %add3A_1107 : i32
    %dma_start3A_1109 = arith.constant 2 : i32
    %dma_start3A_1110 = arith.constant 0 : i32
    %dma_start3A_1111 = arith.constant 0 : i32
    %dma_start3A_1112 = tpu.memref_slice %arg6[%dma_start3A_1109, %dma_start3A_1110, %dma_start3A_1111] : memref<4x32x768xf32, #tpu.memory_space<vmem>> -> memref<1x32x768xf32, #tpu.memory_space<vmem>>
    %dma_start3A_1113 = tpu.memref_squeeze %dma_start3A_1112 : memref<1x32x768xf32, #tpu.memory_space<vmem>> -> memref<32x768xf32, #tpu.memory_space<vmem>>
    %dma_start3A_1114 = arith.constant 0 : i32
    %dma_start3A_1115 = tpu.memref_slice %arg4[%add3A_1108, %dma_start3A_1114] : memref<32768x768xf32, #tpu.memory_space<hbm>> -> memref<32x768xf32, #tpu.memory_space<hbm>>
    %dma_start3A_1116 = arith.constant 0 : i32
    %dma_start3A_1117 = tpu.memref_slice %arg4[%add3A_1108, %dma_start3A_1116] : memref<32768x768xf32, #tpu.memory_space<hbm>> -> memref<32x768xf32, #tpu.memory_space<hbm>>
    %dma_start3A_1118 = arith.constant 0 : i32
    %dma_start3A_1119 = arith.constant 0 : i32
    %dma_start3A_1120 = tpu.memref_slice %arg6[%dma_start3A_1109, %dma_start3A_1118, %dma_start3A_1119] : memref<4x32x768xf32, #tpu.memory_space<vmem>> -> memref<1x32x768xf32, #tpu.memory_space<vmem>>
    %dma_start3A_1121 = tpu.memref_squeeze %dma_start3A_1120 : memref<1x32x768xf32, #tpu.memory_space<vmem>> -> memref<32x768xf32, #tpu.memory_space<vmem>>
    tpu.enqueue_dma source(%dma_start3A_1121 : memref<32x768xf32, #tpu.memory_space<vmem>>) target(%dma_start3A_1117 : memref<32x768xf32, #tpu.memory_space<hbm>>) target_semaphore(%arg13 : memref<!tpu.dma_semaphore, #tpu.memory_space<semaphore_mem>>)
    %dma_wait3A_1122 = arith.constant 2 : i32
    %dma_wait3A_1123 = arith.constant 0 : i32
    %dma_wait3A_1124 = arith.constant 0 : i32
    %dma_wait3A_1125 = tpu.memref_slice %arg6[%dma_wait3A_1122, %dma_wait3A_1123, %dma_wait3A_1124] : memref<4x32x768xf32, #tpu.memory_space<vmem>> -> memref<1x32x768xf32, #tpu.memory_space<vmem>>
    %dma_wait3A_1126 = tpu.memref_squeeze %dma_wait3A_1125 : memref<1x32x768xf32, #tpu.memory_space<vmem>> -> memref<32x768xf32, #tpu.memory_space<vmem>>
    %dma_wait3A_1127 = arith.constant 0 : i32
    %dma_wait3A_1128 = tpu.memref_slice %arg4[%add3A_1108, %dma_wait3A_1127] : memref<32768x768xf32, #tpu.memory_space<hbm>> -> memref<32x768xf32, #tpu.memory_space<hbm>>
    %dma_wait3A_1129 = arith.constant 0 : i32
    %dma_wait3A_1130 = tpu.memref_slice %arg4[%add3A_1108, %dma_wait3A_1129] : memref<32768x768xf32, #tpu.memory_space<hbm>> -> memref<32x768xf32, #tpu.memory_space<hbm>>
    %dma_wait3A_1131 = arith.constant 0 : i32
    %dma_wait3A_1132 = arith.constant 0 : i32
    %dma_wait3A_1133 = tpu.memref_slice %arg6[%dma_wait3A_1122, %dma_wait3A_1131, %dma_wait3A_1132] : memref<4x32x768xf32, #tpu.memory_space<vmem>> -> memref<1x32x768xf32, #tpu.memory_space<vmem>>
    %dma_wait3A_1134 = tpu.memref_squeeze %dma_wait3A_1133 : memref<1x32x768xf32, #tpu.memory_space<vmem>> -> memref<32x768xf32, #tpu.memory_space<vmem>>
    tpu.wait_dma2 semaphore(%arg13 : memref<!tpu.dma_semaphore, #tpu.memory_space<semaphore_mem>>) src(%dma_wait3A_1134 : memref<32x768xf32, #tpu.memory_space<vmem>>) dst(%dma_wait3A_1130 : memref<32x768xf32, #tpu.memory_space<hbm>>)
    %dma_start3A_1135 = arith.constant 2 : i32
    %dma_start3A_1136 = arith.constant 0 : i32
    %dma_start3A_1137 = arith.constant 0 : i32
    %dma_start3A_1138 = tpu.memref_slice %arg6[%dma_start3A_1135, %dma_start3A_1136, %dma_start3A_1137] : memref<4x32x768xf32, #tpu.memory_space<vmem>> -> memref<1x32x768xf32, #tpu.memory_space<vmem>>
    %dma_start3A_1139 = tpu.memref_squeeze %dma_start3A_1138 : memref<1x32x768xf32, #tpu.memory_space<vmem>> -> memref<32x768xf32, #tpu.memory_space<vmem>>
    %dma_start3A_1140 = arith.constant 832 : i32
    %dma_start3A_1141 = tpu.memref_slice %arg5[%dma_start3A_1140] : memref<1024xi32, #tpu.memory_space<vmem>> -> memref<32xi32, #tpu.memory_space<vmem>>
    %dma_start3A_1142 = arith.constant 0 : i32
    %dma_start3A_1143 = arith.constant 0 : i32
    %dma_start3A_1144 = tpu.memref_slice %arg3[%dma_start3A_1142, %dma_start3A_1143] : memref<28996x768xf32, #tpu.memory_space<hbm>> -> memref<28996x768xf32, #tpu.memory_space<hbm>>
    tpu.enqueue_indirect_dma source(%dma_start3A_1144 : memref<28996x768xf32, #tpu.memory_space<hbm>>) target(%dma_start3A_1139 : memref<32x768xf32, #tpu.memory_space<vmem>>) offsets(%dma_start3A_1141 : memref<32xi32, #tpu.memory_space<vmem>>) semaphore(%arg9 : memref<!tpu.dma_semaphore, #tpu.memory_space<semaphore_mem>>)
    %dma_wait3A_1145 = arith.constant 3 : i32
    %dma_wait3A_1146 = arith.constant 0 : i32
    %dma_wait3A_1147 = arith.constant 0 : i32
    %dma_wait3A_1148 = tpu.memref_slice %arg6[%dma_wait3A_1145, %dma_wait3A_1146, %dma_wait3A_1147] : memref<4x32x768xf32, #tpu.memory_space<vmem>> -> memref<1x32x768xf32, #tpu.memory_space<vmem>>
    %dma_wait3A_1149 = tpu.memref_squeeze %dma_wait3A_1148 : memref<1x32x768xf32, #tpu.memory_space<vmem>> -> memref<32x768xf32, #tpu.memory_space<vmem>>
    %dma_wait3A_1150 = arith.constant 736 : i32
    %dma_wait3A_1151 = tpu.memref_slice %arg5[%dma_wait3A_1150] : memref<1024xi32, #tpu.memory_space<vmem>> -> memref<32xi32, #tpu.memory_space<vmem>>
    %dma_wait3A_1152 = arith.constant 0 : i32
    %dma_wait3A_1153 = arith.constant 0 : i32
    %dma_wait3A_1154 = tpu.memref_slice %arg3[%dma_wait3A_1152, %dma_wait3A_1153] : memref<28996x768xf32, #tpu.memory_space<hbm>> -> memref<28996x768xf32, #tpu.memory_space<hbm>>
    tpu.wait_indirect_dma semaphore(%arg10 : memref<!tpu.dma_semaphore, #tpu.memory_space<semaphore_mem>>) src(%dma_wait3A_1154 : memref<28996x768xf32, #tpu.memory_space<hbm>>) dst(%dma_wait3A_1149 : memref<32x768xf32, #tpu.memory_space<vmem>>)
    %add3A_1155 = arith.constant 736 : i32
    %add3A_1156 = arith.addi %mul3A_2, %add3A_1155 : i32
    %dma_start3A_1157 = arith.constant 3 : i32
    %dma_start3A_1158 = arith.constant 0 : i32
    %dma_start3A_1159 = arith.constant 0 : i32
    %dma_start3A_1160 = tpu.memref_slice %arg6[%dma_start3A_1157, %dma_start3A_1158, %dma_start3A_1159] : memref<4x32x768xf32, #tpu.memory_space<vmem>> -> memref<1x32x768xf32, #tpu.memory_space<vmem>>
    %dma_start3A_1161 = tpu.memref_squeeze %dma_start3A_1160 : memref<1x32x768xf32, #tpu.memory_space<vmem>> -> memref<32x768xf32, #tpu.memory_space<vmem>>
    %dma_start3A_1162 = arith.constant 0 : i32
    %dma_start3A_1163 = tpu.memref_slice %arg4[%add3A_1156, %dma_start3A_1162] : memref<32768x768xf32, #tpu.memory_space<hbm>> -> memref<32x768xf32, #tpu.memory_space<hbm>>
    %dma_start3A_1164 = arith.constant 0 : i32
    %dma_start3A_1165 = tpu.memref_slice %arg4[%add3A_1156, %dma_start3A_1164] : memref<32768x768xf32, #tpu.memory_space<hbm>> -> memref<32x768xf32, #tpu.memory_space<hbm>>
    %dma_start3A_1166 = arith.constant 0 : i32
    %dma_start3A_1167 = arith.constant 0 : i32
    %dma_start3A_1168 = tpu.memref_slice %arg6[%dma_start3A_1157, %dma_start3A_1166, %dma_start3A_1167] : memref<4x32x768xf32, #tpu.memory_space<vmem>> -> memref<1x32x768xf32, #tpu.memory_space<vmem>>
    %dma_start3A_1169 = tpu.memref_squeeze %dma_start3A_1168 : memref<1x32x768xf32, #tpu.memory_space<vmem>> -> memref<32x768xf32, #tpu.memory_space<vmem>>
    tpu.enqueue_dma source(%dma_start3A_1169 : memref<32x768xf32, #tpu.memory_space<vmem>>) target(%dma_start3A_1165 : memref<32x768xf32, #tpu.memory_space<hbm>>) target_semaphore(%arg14 : memref<!tpu.dma_semaphore, #tpu.memory_space<semaphore_mem>>)
    %dma_wait3A_1170 = arith.constant 3 : i32
    %dma_wait3A_1171 = arith.constant 0 : i32
    %dma_wait3A_1172 = arith.constant 0 : i32
    %dma_wait3A_1173 = tpu.memref_slice %arg6[%dma_wait3A_1170, %dma_wait3A_1171, %dma_wait3A_1172] : memref<4x32x768xf32, #tpu.memory_space<vmem>> -> memref<1x32x768xf32, #tpu.memory_space<vmem>>
    %dma_wait3A_1174 = tpu.memref_squeeze %dma_wait3A_1173 : memref<1x32x768xf32, #tpu.memory_space<vmem>> -> memref<32x768xf32, #tpu.memory_space<vmem>>
    %dma_wait3A_1175 = arith.constant 0 : i32
    %dma_wait3A_1176 = tpu.memref_slice %arg4[%add3A_1156, %dma_wait3A_1175] : memref<32768x768xf32, #tpu.memory_space<hbm>> -> memref<32x768xf32, #tpu.memory_space<hbm>>
    %dma_wait3A_1177 = arith.constant 0 : i32
    %dma_wait3A_1178 = tpu.memref_slice %arg4[%add3A_1156, %dma_wait3A_1177] : memref<32768x768xf32, #tpu.memory_space<hbm>> -> memref<32x768xf32, #tpu.memory_space<hbm>>
    %dma_wait3A_1179 = arith.constant 0 : i32
    %dma_wait3A_1180 = arith.constant 0 : i32
    %dma_wait3A_1181 = tpu.memref_slice %arg6[%dma_wait3A_1170, %dma_wait3A_1179, %dma_wait3A_1180] : memref<4x32x768xf32, #tpu.memory_space<vmem>> -> memref<1x32x768xf32, #tpu.memory_space<vmem>>
    %dma_wait3A_1182 = tpu.memref_squeeze %dma_wait3A_1181 : memref<1x32x768xf32, #tpu.memory_space<vmem>> -> memref<32x768xf32, #tpu.memory_space<vmem>>
    tpu.wait_dma2 semaphore(%arg14 : memref<!tpu.dma_semaphore, #tpu.memory_space<semaphore_mem>>) src(%dma_wait3A_1182 : memref<32x768xf32, #tpu.memory_space<vmem>>) dst(%dma_wait3A_1178 : memref<32x768xf32, #tpu.memory_space<hbm>>)
    %dma_start3A_1183 = arith.constant 3 : i32
    %dma_start3A_1184 = arith.constant 0 : i32
    %dma_start3A_1185 = arith.constant 0 : i32
    %dma_start3A_1186 = tpu.memref_slice %arg6[%dma_start3A_1183, %dma_start3A_1184, %dma_start3A_1185] : memref<4x32x768xf32, #tpu.memory_space<vmem>> -> memref<1x32x768xf32, #tpu.memory_space<vmem>>
    %dma_start3A_1187 = tpu.memref_squeeze %dma_start3A_1186 : memref<1x32x768xf32, #tpu.memory_space<vmem>> -> memref<32x768xf32, #tpu.memory_space<vmem>>
    %dma_start3A_1188 = arith.constant 864 : i32
    %dma_start3A_1189 = tpu.memref_slice %arg5[%dma_start3A_1188] : memref<1024xi32, #tpu.memory_space<vmem>> -> memref<32xi32, #tpu.memory_space<vmem>>
    %dma_start3A_1190 = arith.constant 0 : i32
    %dma_start3A_1191 = arith.constant 0 : i32
    %dma_start3A_1192 = tpu.memref_slice %arg3[%dma_start3A_1190, %dma_start3A_1191] : memref<28996x768xf32, #tpu.memory_space<hbm>> -> memref<28996x768xf32, #tpu.memory_space<hbm>>
    tpu.enqueue_indirect_dma source(%dma_start3A_1192 : memref<28996x768xf32, #tpu.memory_space<hbm>>) target(%dma_start3A_1187 : memref<32x768xf32, #tpu.memory_space<vmem>>) offsets(%dma_start3A_1189 : memref<32xi32, #tpu.memory_space<vmem>>) semaphore(%arg10 : memref<!tpu.dma_semaphore, #tpu.memory_space<semaphore_mem>>)
    %dma_wait3A_1193 = arith.constant 0 : i32
    %dma_wait3A_1194 = arith.constant 0 : i32
    %dma_wait3A_1195 = arith.constant 0 : i32
    %dma_wait3A_1196 = tpu.memref_slice %arg6[%dma_wait3A_1193, %dma_wait3A_1194, %dma_wait3A_1195] : memref<4x32x768xf32, #tpu.memory_space<vmem>> -> memref<1x32x768xf32, #tpu.memory_space<vmem>>
    %dma_wait3A_1197 = tpu.memref_squeeze %dma_wait3A_1196 : memref<1x32x768xf32, #tpu.memory_space<vmem>> -> memref<32x768xf32, #tpu.memory_space<vmem>>
    %dma_wait3A_1198 = arith.constant 768 : i32
    %dma_wait3A_1199 = tpu.memref_slice %arg5[%dma_wait3A_1198] : memref<1024xi32, #tpu.memory_space<vmem>> -> memref<32xi32, #tpu.memory_space<vmem>>
    %dma_wait3A_1200 = arith.constant 0 : i32
    %dma_wait3A_1201 = arith.constant 0 : i32
    %dma_wait3A_1202 = tpu.memref_slice %arg3[%dma_wait3A_1200, %dma_wait3A_1201] : memref<28996x768xf32, #tpu.memory_space<hbm>> -> memref<28996x768xf32, #tpu.memory_space<hbm>>
    tpu.wait_indirect_dma semaphore(%arg7 : memref<!tpu.dma_semaphore, #tpu.memory_space<semaphore_mem>>) src(%dma_wait3A_1202 : memref<28996x768xf32, #tpu.memory_space<hbm>>) dst(%dma_wait3A_1197 : memref<32x768xf32, #tpu.memory_space<vmem>>)
    %add3A_1203 = arith.constant 768 : i32
    %add3A_1204 = arith.addi %mul3A_2, %add3A_1203 : i32
    %dma_start3A_1205 = arith.constant 0 : i32
    %dma_start3A_1206 = arith.constant 0 : i32
    %dma_start3A_1207 = arith.constant 0 : i32
    %dma_start3A_1208 = tpu.memref_slice %arg6[%dma_start3A_1205, %dma_start3A_1206, %dma_start3A_1207] : memref<4x32x768xf32, #tpu.memory_space<vmem>> -> memref<1x32x768xf32, #tpu.memory_space<vmem>>
    %dma_start3A_1209 = tpu.memref_squeeze %dma_start3A_1208 : memref<1x32x768xf32, #tpu.memory_space<vmem>> -> memref<32x768xf32, #tpu.memory_space<vmem>>
    %dma_start3A_1210 = arith.constant 0 : i32
    %dma_start3A_1211 = tpu.memref_slice %arg4[%add3A_1204, %dma_start3A_1210] : memref<32768x768xf32, #tpu.memory_space<hbm>> -> memref<32x768xf32, #tpu.memory_space<hbm>>
    %dma_start3A_1212 = arith.constant 0 : i32
    %dma_start3A_1213 = tpu.memref_slice %arg4[%add3A_1204, %dma_start3A_1212] : memref<32768x768xf32, #tpu.memory_space<hbm>> -> memref<32x768xf32, #tpu.memory_space<hbm>>
    %dma_start3A_1214 = arith.constant 0 : i32
    %dma_start3A_1215 = arith.constant 0 : i32
    %dma_start3A_1216 = tpu.memref_slice %arg6[%dma_start3A_1205, %dma_start3A_1214, %dma_start3A_1215] : memref<4x32x768xf32, #tpu.memory_space<vmem>> -> memref<1x32x768xf32, #tpu.memory_space<vmem>>
    %dma_start3A_1217 = tpu.memref_squeeze %dma_start3A_1216 : memref<1x32x768xf32, #tpu.memory_space<vmem>> -> memref<32x768xf32, #tpu.memory_space<vmem>>
    tpu.enqueue_dma source(%dma_start3A_1217 : memref<32x768xf32, #tpu.memory_space<vmem>>) target(%dma_start3A_1213 : memref<32x768xf32, #tpu.memory_space<hbm>>) target_semaphore(%arg11 : memref<!tpu.dma_semaphore, #tpu.memory_space<semaphore_mem>>)
    %dma_wait3A_1218 = arith.constant 0 : i32
    %dma_wait3A_1219 = arith.constant 0 : i32
    %dma_wait3A_1220 = arith.constant 0 : i32
    %dma_wait3A_1221 = tpu.memref_slice %arg6[%dma_wait3A_1218, %dma_wait3A_1219, %dma_wait3A_1220] : memref<4x32x768xf32, #tpu.memory_space<vmem>> -> memref<1x32x768xf32, #tpu.memory_space<vmem>>
    %dma_wait3A_1222 = tpu.memref_squeeze %dma_wait3A_1221 : memref<1x32x768xf32, #tpu.memory_space<vmem>> -> memref<32x768xf32, #tpu.memory_space<vmem>>
    %dma_wait3A_1223 = arith.constant 0 : i32
    %dma_wait3A_1224 = tpu.memref_slice %arg4[%add3A_1204, %dma_wait3A_1223] : memref<32768x768xf32, #tpu.memory_space<hbm>> -> memref<32x768xf32, #tpu.memory_space<hbm>>
    %dma_wait3A_1225 = arith.constant 0 : i32
    %dma_wait3A_1226 = tpu.memref_slice %arg4[%add3A_1204, %dma_wait3A_1225] : memref<32768x768xf32, #tpu.memory_space<hbm>> -> memref<32x768xf32, #tpu.memory_space<hbm>>
    %dma_wait3A_1227 = arith.constant 0 : i32
    %dma_wait3A_1228 = arith.constant 0 : i32
    %dma_wait3A_1229 = tpu.memref_slice %arg6[%dma_wait3A_1218, %dma_wait3A_1227, %dma_wait3A_1228] : memref<4x32x768xf32, #tpu.memory_space<vmem>> -> memref<1x32x768xf32, #tpu.memory_space<vmem>>
    %dma_wait3A_1230 = tpu.memref_squeeze %dma_wait3A_1229 : memref<1x32x768xf32, #tpu.memory_space<vmem>> -> memref<32x768xf32, #tpu.memory_space<vmem>>
    tpu.wait_dma2 semaphore(%arg11 : memref<!tpu.dma_semaphore, #tpu.memory_space<semaphore_mem>>) src(%dma_wait3A_1230 : memref<32x768xf32, #tpu.memory_space<vmem>>) dst(%dma_wait3A_1226 : memref<32x768xf32, #tpu.memory_space<hbm>>)
    %dma_start3A_1231 = arith.constant 0 : i32
    %dma_start3A_1232 = arith.constant 0 : i32
    %dma_start3A_1233 = arith.constant 0 : i32
    %dma_start3A_1234 = tpu.memref_slice %arg6[%dma_start3A_1231, %dma_start3A_1232, %dma_start3A_1233] : memref<4x32x768xf32, #tpu.memory_space<vmem>> -> memref<1x32x768xf32, #tpu.memory_space<vmem>>
    %dma_start3A_1235 = tpu.memref_squeeze %dma_start3A_1234 : memref<1x32x768xf32, #tpu.memory_space<vmem>> -> memref<32x768xf32, #tpu.memory_space<vmem>>
    %dma_start3A_1236 = arith.constant 896 : i32
    %dma_start3A_1237 = tpu.memref_slice %arg5[%dma_start3A_1236] : memref<1024xi32, #tpu.memory_space<vmem>> -> memref<32xi32, #tpu.memory_space<vmem>>
    %dma_start3A_1238 = arith.constant 0 : i32
    %dma_start3A_1239 = arith.constant 0 : i32
    %dma_start3A_1240 = tpu.memref_slice %arg3[%dma_start3A_1238, %dma_start3A_1239] : memref<28996x768xf32, #tpu.memory_space<hbm>> -> memref<28996x768xf32, #tpu.memory_space<hbm>>
    tpu.enqueue_indirect_dma source(%dma_start3A_1240 : memref<28996x768xf32, #tpu.memory_space<hbm>>) target(%dma_start3A_1235 : memref<32x768xf32, #tpu.memory_space<vmem>>) offsets(%dma_start3A_1237 : memref<32xi32, #tpu.memory_space<vmem>>) semaphore(%arg7 : memref<!tpu.dma_semaphore, #tpu.memory_space<semaphore_mem>>)
    %dma_wait3A_1241 = arith.constant 1 : i32
    %dma_wait3A_1242 = arith.constant 0 : i32
    %dma_wait3A_1243 = arith.constant 0 : i32
    %dma_wait3A_1244 = tpu.memref_slice %arg6[%dma_wait3A_1241, %dma_wait3A_1242, %dma_wait3A_1243] : memref<4x32x768xf32, #tpu.memory_space<vmem>> -> memref<1x32x768xf32, #tpu.memory_space<vmem>>
    %dma_wait3A_1245 = tpu.memref_squeeze %dma_wait3A_1244 : memref<1x32x768xf32, #tpu.memory_space<vmem>> -> memref<32x768xf32, #tpu.memory_space<vmem>>
    %dma_wait3A_1246 = arith.constant 800 : i32
    %dma_wait3A_1247 = tpu.memref_slice %arg5[%dma_wait3A_1246] : memref<1024xi32, #tpu.memory_space<vmem>> -> memref<32xi32, #tpu.memory_space<vmem>>
    %dma_wait3A_1248 = arith.constant 0 : i32
    %dma_wait3A_1249 = arith.constant 0 : i32
    %dma_wait3A_1250 = tpu.memref_slice %arg3[%dma_wait3A_1248, %dma_wait3A_1249] : memref<28996x768xf32, #tpu.memory_space<hbm>> -> memref<28996x768xf32, #tpu.memory_space<hbm>>
    tpu.wait_indirect_dma semaphore(%arg8 : memref<!tpu.dma_semaphore, #tpu.memory_space<semaphore_mem>>) src(%dma_wait3A_1250 : memref<28996x768xf32, #tpu.memory_space<hbm>>) dst(%dma_wait3A_1245 : memref<32x768xf32, #tpu.memory_space<vmem>>)
    %add3A_1251 = arith.constant 800 : i32
    %add3A_1252 = arith.addi %mul3A_2, %add3A_1251 : i32
    %dma_start3A_1253 = arith.constant 1 : i32
    %dma_start3A_1254 = arith.constant 0 : i32
    %dma_start3A_1255 = arith.constant 0 : i32
    %dma_start3A_1256 = tpu.memref_slice %arg6[%dma_start3A_1253, %dma_start3A_1254, %dma_start3A_1255] : memref<4x32x768xf32, #tpu.memory_space<vmem>> -> memref<1x32x768xf32, #tpu.memory_space<vmem>>
    %dma_start3A_1257 = tpu.memref_squeeze %dma_start3A_1256 : memref<1x32x768xf32, #tpu.memory_space<vmem>> -> memref<32x768xf32, #tpu.memory_space<vmem>>
    %dma_start3A_1258 = arith.constant 0 : i32
    %dma_start3A_1259 = tpu.memref_slice %arg4[%add3A_1252, %dma_start3A_1258] : memref<32768x768xf32, #tpu.memory_space<hbm>> -> memref<32x768xf32, #tpu.memory_space<hbm>>
    %dma_start3A_1260 = arith.constant 0 : i32
    %dma_start3A_1261 = tpu.memref_slice %arg4[%add3A_1252, %dma_start3A_1260] : memref<32768x768xf32, #tpu.memory_space<hbm>> -> memref<32x768xf32, #tpu.memory_space<hbm>>
    %dma_start3A_1262 = arith.constant 0 : i32
    %dma_start3A_1263 = arith.constant 0 : i32
    %dma_start3A_1264 = tpu.memref_slice %arg6[%dma_start3A_1253, %dma_start3A_1262, %dma_start3A_1263] : memref<4x32x768xf32, #tpu.memory_space<vmem>> -> memref<1x32x768xf32, #tpu.memory_space<vmem>>
    %dma_start3A_1265 = tpu.memref_squeeze %dma_start3A_1264 : memref<1x32x768xf32, #tpu.memory_space<vmem>> -> memref<32x768xf32, #tpu.memory_space<vmem>>
    tpu.enqueue_dma source(%dma_start3A_1265 : memref<32x768xf32, #tpu.memory_space<vmem>>) target(%dma_start3A_1261 : memref<32x768xf32, #tpu.memory_space<hbm>>) target_semaphore(%arg12 : memref<!tpu.dma_semaphore, #tpu.memory_space<semaphore_mem>>)
    %dma_wait3A_1266 = arith.constant 1 : i32
    %dma_wait3A_1267 = arith.constant 0 : i32
    %dma_wait3A_1268 = arith.constant 0 : i32
    %dma_wait3A_1269 = tpu.memref_slice %arg6[%dma_wait3A_1266, %dma_wait3A_1267, %dma_wait3A_1268] : memref<4x32x768xf32, #tpu.memory_space<vmem>> -> memref<1x32x768xf32, #tpu.memory_space<vmem>>
    %dma_wait3A_1270 = tpu.memref_squeeze %dma_wait3A_1269 : memref<1x32x768xf32, #tpu.memory_space<vmem>> -> memref<32x768xf32, #tpu.memory_space<vmem>>
    %dma_wait3A_1271 = arith.constant 0 : i32
    %dma_wait3A_1272 = tpu.memref_slice %arg4[%add3A_1252, %dma_wait3A_1271] : memref<32768x768xf32, #tpu.memory_space<hbm>> -> memref<32x768xf32, #tpu.memory_space<hbm>>
    %dma_wait3A_1273 = arith.constant 0 : i32
    %dma_wait3A_1274 = tpu.memref_slice %arg4[%add3A_1252, %dma_wait3A_1273] : memref<32768x768xf32, #tpu.memory_space<hbm>> -> memref<32x768xf32, #tpu.memory_space<hbm>>
    %dma_wait3A_1275 = arith.constant 0 : i32
    %dma_wait3A_1276 = arith.constant 0 : i32
    %dma_wait3A_1277 = tpu.memref_slice %arg6[%dma_wait3A_1266, %dma_wait3A_1275, %dma_wait3A_1276] : memref<4x32x768xf32, #tpu.memory_space<vmem>> -> memref<1x32x768xf32, #tpu.memory_space<vmem>>
    %dma_wait3A_1278 = tpu.memref_squeeze %dma_wait3A_1277 : memref<1x32x768xf32, #tpu.memory_space<vmem>> -> memref<32x768xf32, #tpu.memory_space<vmem>>
    tpu.wait_dma2 semaphore(%arg12 : memref<!tpu.dma_semaphore, #tpu.memory_space<semaphore_mem>>) src(%dma_wait3A_1278 : memref<32x768xf32, #tpu.memory_space<vmem>>) dst(%dma_wait3A_1274 : memref<32x768xf32, #tpu.memory_space<hbm>>)
    %dma_start3A_1279 = arith.constant 1 : i32
    %dma_start3A_1280 = arith.constant 0 : i32
    %dma_start3A_1281 = arith.constant 0 : i32
    %dma_start3A_1282 = tpu.memref_slice %arg6[%dma_start3A_1279, %dma_start3A_1280, %dma_start3A_1281] : memref<4x32x768xf32, #tpu.memory_space<vmem>> -> memref<1x32x768xf32, #tpu.memory_space<vmem>>
    %dma_start3A_1283 = tpu.memref_squeeze %dma_start3A_1282 : memref<1x32x768xf32, #tpu.memory_space<vmem>> -> memref<32x768xf32, #tpu.memory_space<vmem>>
    %dma_start3A_1284 = arith.constant 928 : i32
    %dma_start3A_1285 = tpu.memref_slice %arg5[%dma_start3A_1284] : memref<1024xi32, #tpu.memory_space<vmem>> -> memref<32xi32, #tpu.memory_space<vmem>>
    %dma_start3A_1286 = arith.constant 0 : i32
    %dma_start3A_1287 = arith.constant 0 : i32
    %dma_start3A_1288 = tpu.memref_slice %arg3[%dma_start3A_1286, %dma_start3A_1287] : memref<28996x768xf32, #tpu.memory_space<hbm>> -> memref<28996x768xf32, #tpu.memory_space<hbm>>
    tpu.enqueue_indirect_dma source(%dma_start3A_1288 : memref<28996x768xf32, #tpu.memory_space<hbm>>) target(%dma_start3A_1283 : memref<32x768xf32, #tpu.memory_space<vmem>>) offsets(%dma_start3A_1285 : memref<32xi32, #tpu.memory_space<vmem>>) semaphore(%arg8 : memref<!tpu.dma_semaphore, #tpu.memory_space<semaphore_mem>>)
    %dma_wait3A_1289 = arith.constant 2 : i32
    %dma_wait3A_1290 = arith.constant 0 : i32
    %dma_wait3A_1291 = arith.constant 0 : i32
    %dma_wait3A_1292 = tpu.memref_slice %arg6[%dma_wait3A_1289, %dma_wait3A_1290, %dma_wait3A_1291] : memref<4x32x768xf32, #tpu.memory_space<vmem>> -> memref<1x32x768xf32, #tpu.memory_space<vmem>>
    %dma_wait3A_1293 = tpu.memref_squeeze %dma_wait3A_1292 : memref<1x32x768xf32, #tpu.memory_space<vmem>> -> memref<32x768xf32, #tpu.memory_space<vmem>>
    %dma_wait3A_1294 = arith.constant 832 : i32
    %dma_wait3A_1295 = tpu.memref_slice %arg5[%dma_wait3A_1294] : memref<1024xi32, #tpu.memory_space<vmem>> -> memref<32xi32, #tpu.memory_space<vmem>>
    %dma_wait3A_1296 = arith.constant 0 : i32
    %dma_wait3A_1297 = arith.constant 0 : i32
    %dma_wait3A_1298 = tpu.memref_slice %arg3[%dma_wait3A_1296, %dma_wait3A_1297] : memref<28996x768xf32, #tpu.memory_space<hbm>> -> memref<28996x768xf32, #tpu.memory_space<hbm>>
    tpu.wait_indirect_dma semaphore(%arg9 : memref<!tpu.dma_semaphore, #tpu.memory_space<semaphore_mem>>) src(%dma_wait3A_1298 : memref<28996x768xf32, #tpu.memory_space<hbm>>) dst(%dma_wait3A_1293 : memref<32x768xf32, #tpu.memory_space<vmem>>)
    %add3A_1299 = arith.constant 832 : i32
    %add3A_1300 = arith.addi %mul3A_2, %add3A_1299 : i32
    %dma_start3A_1301 = arith.constant 2 : i32
    %dma_start3A_1302 = arith.constant 0 : i32
    %dma_start3A_1303 = arith.constant 0 : i32
    %dma_start3A_1304 = tpu.memref_slice %arg6[%dma_start3A_1301, %dma_start3A_1302, %dma_start3A_1303] : memref<4x32x768xf32, #tpu.memory_space<vmem>> -> memref<1x32x768xf32, #tpu.memory_space<vmem>>
    %dma_start3A_1305 = tpu.memref_squeeze %dma_start3A_1304 : memref<1x32x768xf32, #tpu.memory_space<vmem>> -> memref<32x768xf32, #tpu.memory_space<vmem>>
    %dma_start3A_1306 = arith.constant 0 : i32
    %dma_start3A_1307 = tpu.memref_slice %arg4[%add3A_1300, %dma_start3A_1306] : memref<32768x768xf32, #tpu.memory_space<hbm>> -> memref<32x768xf32, #tpu.memory_space<hbm>>
    %dma_start3A_1308 = arith.constant 0 : i32
    %dma_start3A_1309 = tpu.memref_slice %arg4[%add3A_1300, %dma_start3A_1308] : memref<32768x768xf32, #tpu.memory_space<hbm>> -> memref<32x768xf32, #tpu.memory_space<hbm>>
    %dma_start3A_1310 = arith.constant 0 : i32
    %dma_start3A_1311 = arith.constant 0 : i32
    %dma_start3A_1312 = tpu.memref_slice %arg6[%dma_start3A_1301, %dma_start3A_1310, %dma_start3A_1311] : memref<4x32x768xf32, #tpu.memory_space<vmem>> -> memref<1x32x768xf32, #tpu.memory_space<vmem>>
    %dma_start3A_1313 = tpu.memref_squeeze %dma_start3A_1312 : memref<1x32x768xf32, #tpu.memory_space<vmem>> -> memref<32x768xf32, #tpu.memory_space<vmem>>
    tpu.enqueue_dma source(%dma_start3A_1313 : memref<32x768xf32, #tpu.memory_space<vmem>>) target(%dma_start3A_1309 : memref<32x768xf32, #tpu.memory_space<hbm>>) target_semaphore(%arg13 : memref<!tpu.dma_semaphore, #tpu.memory_space<semaphore_mem>>)
    %dma_wait3A_1314 = arith.constant 2 : i32
    %dma_wait3A_1315 = arith.constant 0 : i32
    %dma_wait3A_1316 = arith.constant 0 : i32
    %dma_wait3A_1317 = tpu.memref_slice %arg6[%dma_wait3A_1314, %dma_wait3A_1315, %dma_wait3A_1316] : memref<4x32x768xf32, #tpu.memory_space<vmem>> -> memref<1x32x768xf32, #tpu.memory_space<vmem>>
    %dma_wait3A_1318 = tpu.memref_squeeze %dma_wait3A_1317 : memref<1x32x768xf32, #tpu.memory_space<vmem>> -> memref<32x768xf32, #tpu.memory_space<vmem>>
    %dma_wait3A_1319 = arith.constant 0 : i32
    %dma_wait3A_1320 = tpu.memref_slice %arg4[%add3A_1300, %dma_wait3A_1319] : memref<32768x768xf32, #tpu.memory_space<hbm>> -> memref<32x768xf32, #tpu.memory_space<hbm>>
    %dma_wait3A_1321 = arith.constant 0 : i32
    %dma_wait3A_1322 = tpu.memref_slice %arg4[%add3A_1300, %dma_wait3A_1321] : memref<32768x768xf32, #tpu.memory_space<hbm>> -> memref<32x768xf32, #tpu.memory_space<hbm>>
    %dma_wait3A_1323 = arith.constant 0 : i32
    %dma_wait3A_1324 = arith.constant 0 : i32
    %dma_wait3A_1325 = tpu.memref_slice %arg6[%dma_wait3A_1314, %dma_wait3A_1323, %dma_wait3A_1324] : memref<4x32x768xf32, #tpu.memory_space<vmem>> -> memref<1x32x768xf32, #tpu.memory_space<vmem>>
    %dma_wait3A_1326 = tpu.memref_squeeze %dma_wait3A_1325 : memref<1x32x768xf32, #tpu.memory_space<vmem>> -> memref<32x768xf32, #tpu.memory_space<vmem>>
    tpu.wait_dma2 semaphore(%arg13 : memref<!tpu.dma_semaphore, #tpu.memory_space<semaphore_mem>>) src(%dma_wait3A_1326 : memref<32x768xf32, #tpu.memory_space<vmem>>) dst(%dma_wait3A_1322 : memref<32x768xf32, #tpu.memory_space<hbm>>)
    %dma_start3A_1327 = arith.constant 2 : i32
    %dma_start3A_1328 = arith.constant 0 : i32
    %dma_start3A_1329 = arith.constant 0 : i32
    %dma_start3A_1330 = tpu.memref_slice %arg6[%dma_start3A_1327, %dma_start3A_1328, %dma_start3A_1329] : memref<4x32x768xf32, #tpu.memory_space<vmem>> -> memref<1x32x768xf32, #tpu.memory_space<vmem>>
    %dma_start3A_1331 = tpu.memref_squeeze %dma_start3A_1330 : memref<1x32x768xf32, #tpu.memory_space<vmem>> -> memref<32x768xf32, #tpu.memory_space<vmem>>
    %dma_start3A_1332 = arith.constant 960 : i32
    %dma_start3A_1333 = tpu.memref_slice %arg5[%dma_start3A_1332] : memref<1024xi32, #tpu.memory_space<vmem>> -> memref<32xi32, #tpu.memory_space<vmem>>
    %dma_start3A_1334 = arith.constant 0 : i32
    %dma_start3A_1335 = arith.constant 0 : i32
    %dma_start3A_1336 = tpu.memref_slice %arg3[%dma_start3A_1334, %dma_start3A_1335] : memref<28996x768xf32, #tpu.memory_space<hbm>> -> memref<28996x768xf32, #tpu.memory_space<hbm>>
    tpu.enqueue_indirect_dma source(%dma_start3A_1336 : memref<28996x768xf32, #tpu.memory_space<hbm>>) target(%dma_start3A_1331 : memref<32x768xf32, #tpu.memory_space<vmem>>) offsets(%dma_start3A_1333 : memref<32xi32, #tpu.memory_space<vmem>>) semaphore(%arg9 : memref<!tpu.dma_semaphore, #tpu.memory_space<semaphore_mem>>)
    %dma_wait3A_1337 = arith.constant 3 : i32
    %dma_wait3A_1338 = arith.constant 0 : i32
    %dma_wait3A_1339 = arith.constant 0 : i32
    %dma_wait3A_1340 = tpu.memref_slice %arg6[%dma_wait3A_1337, %dma_wait3A_1338, %dma_wait3A_1339] : memref<4x32x768xf32, #tpu.memory_space<vmem>> -> memref<1x32x768xf32, #tpu.memory_space<vmem>>
    %dma_wait3A_1341 = tpu.memref_squeeze %dma_wait3A_1340 : memref<1x32x768xf32, #tpu.memory_space<vmem>> -> memref<32x768xf32, #tpu.memory_space<vmem>>
    %dma_wait3A_1342 = arith.constant 864 : i32
    %dma_wait3A_1343 = tpu.memref_slice %arg5[%dma_wait3A_1342] : memref<1024xi32, #tpu.memory_space<vmem>> -> memref<32xi32, #tpu.memory_space<vmem>>
    %dma_wait3A_1344 = arith.constant 0 : i32
    %dma_wait3A_1345 = arith.constant 0 : i32
    %dma_wait3A_1346 = tpu.memref_slice %arg3[%dma_wait3A_1344, %dma_wait3A_1345] : memref<28996x768xf32, #tpu.memory_space<hbm>> -> memref<28996x768xf32, #tpu.memory_space<hbm>>
    tpu.wait_indirect_dma semaphore(%arg10 : memref<!tpu.dma_semaphore, #tpu.memory_space<semaphore_mem>>) src(%dma_wait3A_1346 : memref<28996x768xf32, #tpu.memory_space<hbm>>) dst(%dma_wait3A_1341 : memref<32x768xf32, #tpu.memory_space<vmem>>)
    %add3A_1347 = arith.constant 864 : i32
    %add3A_1348 = arith.addi %mul3A_2, %add3A_1347 : i32
    %dma_start3A_1349 = arith.constant 3 : i32
    %dma_start3A_1350 = arith.constant 0 : i32
    %dma_start3A_1351 = arith.constant 0 : i32
    %dma_start3A_1352 = tpu.memref_slice %arg6[%dma_start3A_1349, %dma_start3A_1350, %dma_start3A_1351] : memref<4x32x768xf32, #tpu.memory_space<vmem>> -> memref<1x32x768xf32, #tpu.memory_space<vmem>>
    %dma_start3A_1353 = tpu.memref_squeeze %dma_start3A_1352 : memref<1x32x768xf32, #tpu.memory_space<vmem>> -> memref<32x768xf32, #tpu.memory_space<vmem>>
    %dma_start3A_1354 = arith.constant 0 : i32
    %dma_start3A_1355 = tpu.memref_slice %arg4[%add3A_1348, %dma_start3A_1354] : memref<32768x768xf32, #tpu.memory_space<hbm>> -> memref<32x768xf32, #tpu.memory_space<hbm>>
    %dma_start3A_1356 = arith.constant 0 : i32
    %dma_start3A_1357 = tpu.memref_slice %arg4[%add3A_1348, %dma_start3A_1356] : memref<32768x768xf32, #tpu.memory_space<hbm>> -> memref<32x768xf32, #tpu.memory_space<hbm>>
    %dma_start3A_1358 = arith.constant 0 : i32
    %dma_start3A_1359 = arith.constant 0 : i32
    %dma_start3A_1360 = tpu.memref_slice %arg6[%dma_start3A_1349, %dma_start3A_1358, %dma_start3A_1359] : memref<4x32x768xf32, #tpu.memory_space<vmem>> -> memref<1x32x768xf32, #tpu.memory_space<vmem>>
    %dma_start3A_1361 = tpu.memref_squeeze %dma_start3A_1360 : memref<1x32x768xf32, #tpu.memory_space<vmem>> -> memref<32x768xf32, #tpu.memory_space<vmem>>
    tpu.enqueue_dma source(%dma_start3A_1361 : memref<32x768xf32, #tpu.memory_space<vmem>>) target(%dma_start3A_1357 : memref<32x768xf32, #tpu.memory_space<hbm>>) target_semaphore(%arg14 : memref<!tpu.dma_semaphore, #tpu.memory_space<semaphore_mem>>)
    %dma_wait3A_1362 = arith.constant 3 : i32
    %dma_wait3A_1363 = arith.constant 0 : i32
    %dma_wait3A_1364 = arith.constant 0 : i32
    %dma_wait3A_1365 = tpu.memref_slice %arg6[%dma_wait3A_1362, %dma_wait3A_1363, %dma_wait3A_1364] : memref<4x32x768xf32, #tpu.memory_space<vmem>> -> memref<1x32x768xf32, #tpu.memory_space<vmem>>
    %dma_wait3A_1366 = tpu.memref_squeeze %dma_wait3A_1365 : memref<1x32x768xf32, #tpu.memory_space<vmem>> -> memref<32x768xf32, #tpu.memory_space<vmem>>
    %dma_wait3A_1367 = arith.constant 0 : i32
    %dma_wait3A_1368 = tpu.memref_slice %arg4[%add3A_1348, %dma_wait3A_1367] : memref<32768x768xf32, #tpu.memory_space<hbm>> -> memref<32x768xf32, #tpu.memory_space<hbm>>
    %dma_wait3A_1369 = arith.constant 0 : i32
    %dma_wait3A_1370 = tpu.memref_slice %arg4[%add3A_1348, %dma_wait3A_1369] : memref<32768x768xf32, #tpu.memory_space<hbm>> -> memref<32x768xf32, #tpu.memory_space<hbm>>
    %dma_wait3A_1371 = arith.constant 0 : i32
    %dma_wait3A_1372 = arith.constant 0 : i32
    %dma_wait3A_1373 = tpu.memref_slice %arg6[%dma_wait3A_1362, %dma_wait3A_1371, %dma_wait3A_1372] : memref<4x32x768xf32, #tpu.memory_space<vmem>> -> memref<1x32x768xf32, #tpu.memory_space<vmem>>
    %dma_wait3A_1374 = tpu.memref_squeeze %dma_wait3A_1373 : memref<1x32x768xf32, #tpu.memory_space<vmem>> -> memref<32x768xf32, #tpu.memory_space<vmem>>
    tpu.wait_dma2 semaphore(%arg14 : memref<!tpu.dma_semaphore, #tpu.memory_space<semaphore_mem>>) src(%dma_wait3A_1374 : memref<32x768xf32, #tpu.memory_space<vmem>>) dst(%dma_wait3A_1370 : memref<32x768xf32, #tpu.memory_space<hbm>>)
    %dma_start3A_1375 = arith.constant 3 : i32
    %dma_start3A_1376 = arith.constant 0 : i32
    %dma_start3A_1377 = arith.constant 0 : i32
    %dma_start3A_1378 = tpu.memref_slice %arg6[%dma_start3A_1375, %dma_start3A_1376, %dma_start3A_1377] : memref<4x32x768xf32, #tpu.memory_space<vmem>> -> memref<1x32x768xf32, #tpu.memory_space<vmem>>
    %dma_start3A_1379 = tpu.memref_squeeze %dma_start3A_1378 : memref<1x32x768xf32, #tpu.memory_space<vmem>> -> memref<32x768xf32, #tpu.memory_space<vmem>>
    %dma_start3A_1380 = arith.constant 992 : i32
    %dma_start3A_1381 = tpu.memref_slice %arg5[%dma_start3A_1380] : memref<1024xi32, #tpu.memory_space<vmem>> -> memref<32xi32, #tpu.memory_space<vmem>>
    %dma_start3A_1382 = arith.constant 0 : i32
    %dma_start3A_1383 = arith.constant 0 : i32
    %dma_start3A_1384 = tpu.memref_slice %arg3[%dma_start3A_1382, %dma_start3A_1383] : memref<28996x768xf32, #tpu.memory_space<hbm>> -> memref<28996x768xf32, #tpu.memory_space<hbm>>
    tpu.enqueue_indirect_dma source(%dma_start3A_1384 : memref<28996x768xf32, #tpu.memory_space<hbm>>) target(%dma_start3A_1379 : memref<32x768xf32, #tpu.memory_space<vmem>>) offsets(%dma_start3A_1381 : memref<32xi32, #tpu.memory_space<vmem>>) semaphore(%arg10 : memref<!tpu.dma_semaphore, #tpu.memory_space<semaphore_mem>>)
    %dma_wait3A_1385 = arith.constant 0 : i32
    %dma_wait3A_1386 = arith.constant 0 : i32
    %dma_wait3A_1387 = arith.constant 0 : i32
    %dma_wait3A_1388 = tpu.memref_slice %arg6[%dma_wait3A_1385, %dma_wait3A_1386, %dma_wait3A_1387] : memref<4x32x768xf32, #tpu.memory_space<vmem>> -> memref<1x32x768xf32, #tpu.memory_space<vmem>>
    %dma_wait3A_1389 = tpu.memref_squeeze %dma_wait3A_1388 : memref<1x32x768xf32, #tpu.memory_space<vmem>> -> memref<32x768xf32, #tpu.memory_space<vmem>>
    %dma_wait3A_1390 = arith.constant 896 : i32
    %dma_wait3A_1391 = tpu.memref_slice %arg5[%dma_wait3A_1390] : memref<1024xi32, #tpu.memory_space<vmem>> -> memref<32xi32, #tpu.memory_space<vmem>>
    %dma_wait3A_1392 = arith.constant 0 : i32
    %dma_wait3A_1393 = arith.constant 0 : i32
    %dma_wait3A_1394 = tpu.memref_slice %arg3[%dma_wait3A_1392, %dma_wait3A_1393] : memref<28996x768xf32, #tpu.memory_space<hbm>> -> memref<28996x768xf32, #tpu.memory_space<hbm>>
    tpu.wait_indirect_dma semaphore(%arg7 : memref<!tpu.dma_semaphore, #tpu.memory_space<semaphore_mem>>) src(%dma_wait3A_1394 : memref<28996x768xf32, #tpu.memory_space<hbm>>) dst(%dma_wait3A_1389 : memref<32x768xf32, #tpu.memory_space<vmem>>)
    %add3A_1395 = arith.constant 896 : i32
    %add3A_1396 = arith.addi %mul3A_2, %add3A_1395 : i32
    %dma_start3A_1397 = arith.constant 0 : i32
    %dma_start3A_1398 = arith.constant 0 : i32
    %dma_start3A_1399 = arith.constant 0 : i32
    %dma_start3A_1400 = tpu.memref_slice %arg6[%dma_start3A_1397, %dma_start3A_1398, %dma_start3A_1399] : memref<4x32x768xf32, #tpu.memory_space<vmem>> -> memref<1x32x768xf32, #tpu.memory_space<vmem>>
    %dma_start3A_1401 = tpu.memref_squeeze %dma_start3A_1400 : memref<1x32x768xf32, #tpu.memory_space<vmem>> -> memref<32x768xf32, #tpu.memory_space<vmem>>
    %dma_start3A_1402 = arith.constant 0 : i32
    %dma_start3A_1403 = tpu.memref_slice %arg4[%add3A_1396, %dma_start3A_1402] : memref<32768x768xf32, #tpu.memory_space<hbm>> -> memref<32x768xf32, #tpu.memory_space<hbm>>
    %dma_start3A_1404 = arith.constant 0 : i32
    %dma_start3A_1405 = tpu.memref_slice %arg4[%add3A_1396, %dma_start3A_1404] : memref<32768x768xf32, #tpu.memory_space<hbm>> -> memref<32x768xf32, #tpu.memory_space<hbm>>
    %dma_start3A_1406 = arith.constant 0 : i32
    %dma_start3A_1407 = arith.constant 0 : i32
    %dma_start3A_1408 = tpu.memref_slice %arg6[%dma_start3A_1397, %dma_start3A_1406, %dma_start3A_1407] : memref<4x32x768xf32, #tpu.memory_space<vmem>> -> memref<1x32x768xf32, #tpu.memory_space<vmem>>
    %dma_start3A_1409 = tpu.memref_squeeze %dma_start3A_1408 : memref<1x32x768xf32, #tpu.memory_space<vmem>> -> memref<32x768xf32, #tpu.memory_space<vmem>>
    tpu.enqueue_dma source(%dma_start3A_1409 : memref<32x768xf32, #tpu.memory_space<vmem>>) target(%dma_start3A_1405 : memref<32x768xf32, #tpu.memory_space<hbm>>) target_semaphore(%arg11 : memref<!tpu.dma_semaphore, #tpu.memory_space<semaphore_mem>>)
    %dma_wait3A_1410 = arith.constant 1 : i32
    %dma_wait3A_1411 = arith.constant 0 : i32
    %dma_wait3A_1412 = arith.constant 0 : i32
    %dma_wait3A_1413 = tpu.memref_slice %arg6[%dma_wait3A_1410, %dma_wait3A_1411, %dma_wait3A_1412] : memref<4x32x768xf32, #tpu.memory_space<vmem>> -> memref<1x32x768xf32, #tpu.memory_space<vmem>>
    %dma_wait3A_1414 = tpu.memref_squeeze %dma_wait3A_1413 : memref<1x32x768xf32, #tpu.memory_space<vmem>> -> memref<32x768xf32, #tpu.memory_space<vmem>>
    %dma_wait3A_1415 = arith.constant 928 : i32
    %dma_wait3A_1416 = tpu.memref_slice %arg5[%dma_wait3A_1415] : memref<1024xi32, #tpu.memory_space<vmem>> -> memref<32xi32, #tpu.memory_space<vmem>>
    %dma_wait3A_1417 = arith.constant 0 : i32
    %dma_wait3A_1418 = arith.constant 0 : i32
    %dma_wait3A_1419 = tpu.memref_slice %arg3[%dma_wait3A_1417, %dma_wait3A_1418] : memref<28996x768xf32, #tpu.memory_space<hbm>> -> memref<28996x768xf32, #tpu.memory_space<hbm>>
    tpu.wait_indirect_dma semaphore(%arg8 : memref<!tpu.dma_semaphore, #tpu.memory_space<semaphore_mem>>) src(%dma_wait3A_1419 : memref<28996x768xf32, #tpu.memory_space<hbm>>) dst(%dma_wait3A_1414 : memref<32x768xf32, #tpu.memory_space<vmem>>)
    %add3A_1420 = arith.constant 928 : i32
    %add3A_1421 = arith.addi %mul3A_2, %add3A_1420 : i32
    %dma_start3A_1422 = arith.constant 1 : i32
    %dma_start3A_1423 = arith.constant 0 : i32
    %dma_start3A_1424 = arith.constant 0 : i32
    %dma_start3A_1425 = tpu.memref_slice %arg6[%dma_start3A_1422, %dma_start3A_1423, %dma_start3A_1424] : memref<4x32x768xf32, #tpu.memory_space<vmem>> -> memref<1x32x768xf32, #tpu.memory_space<vmem>>
    %dma_start3A_1426 = tpu.memref_squeeze %dma_start3A_1425 : memref<1x32x768xf32, #tpu.memory_space<vmem>> -> memref<32x768xf32, #tpu.memory_space<vmem>>
    %dma_start3A_1427 = arith.constant 0 : i32
    %dma_start3A_1428 = tpu.memref_slice %arg4[%add3A_1421, %dma_start3A_1427] : memref<32768x768xf32, #tpu.memory_space<hbm>> -> memref<32x768xf32, #tpu.memory_space<hbm>>
    %dma_start3A_1429 = arith.constant 0 : i32
    %dma_start3A_1430 = tpu.memref_slice %arg4[%add3A_1421, %dma_start3A_1429] : memref<32768x768xf32, #tpu.memory_space<hbm>> -> memref<32x768xf32, #tpu.memory_space<hbm>>
    %dma_start3A_1431 = arith.constant 0 : i32
    %dma_start3A_1432 = arith.constant 0 : i32
    %dma_start3A_1433 = tpu.memref_slice %arg6[%dma_start3A_1422, %dma_start3A_1431, %dma_start3A_1432] : memref<4x32x768xf32, #tpu.memory_space<vmem>> -> memref<1x32x768xf32, #tpu.memory_space<vmem>>
    %dma_start3A_1434 = tpu.memref_squeeze %dma_start3A_1433 : memref<1x32x768xf32, #tpu.memory_space<vmem>> -> memref<32x768xf32, #tpu.memory_space<vmem>>
    tpu.enqueue_dma source(%dma_start3A_1434 : memref<32x768xf32, #tpu.memory_space<vmem>>) target(%dma_start3A_1430 : memref<32x768xf32, #tpu.memory_space<hbm>>) target_semaphore(%arg12 : memref<!tpu.dma_semaphore, #tpu.memory_space<semaphore_mem>>)
    %dma_wait3A_1435 = arith.constant 2 : i32
    %dma_wait3A_1436 = arith.constant 0 : i32
    %dma_wait3A_1437 = arith.constant 0 : i32
    %dma_wait3A_1438 = tpu.memref_slice %arg6[%dma_wait3A_1435, %dma_wait3A_1436, %dma_wait3A_1437] : memref<4x32x768xf32, #tpu.memory_space<vmem>> -> memref<1x32x768xf32, #tpu.memory_space<vmem>>
    %dma_wait3A_1439 = tpu.memref_squeeze %dma_wait3A_1438 : memref<1x32x768xf32, #tpu.memory_space<vmem>> -> memref<32x768xf32, #tpu.memory_space<vmem>>
    %dma_wait3A_1440 = arith.constant 960 : i32
    %dma_wait3A_1441 = tpu.memref_slice %arg5[%dma_wait3A_1440] : memref<1024xi32, #tpu.memory_space<vmem>> -> memref<32xi32, #tpu.memory_space<vmem>>
    %dma_wait3A_1442 = arith.constant 0 : i32
    %dma_wait3A_1443 = arith.constant 0 : i32
    %dma_wait3A_1444 = tpu.memref_slice %arg3[%dma_wait3A_1442, %dma_wait3A_1443] : memref<28996x768xf32, #tpu.memory_space<hbm>> -> memref<28996x768xf32, #tpu.memory_space<hbm>>
    tpu.wait_indirect_dma semaphore(%arg9 : memref<!tpu.dma_semaphore, #tpu.memory_space<semaphore_mem>>) src(%dma_wait3A_1444 : memref<28996x768xf32, #tpu.memory_space<hbm>>) dst(%dma_wait3A_1439 : memref<32x768xf32, #tpu.memory_space<vmem>>)
    %add3A_1445 = arith.constant 960 : i32
    %add3A_1446 = arith.addi %mul3A_2, %add3A_1445 : i32
    %dma_start3A_1447 = arith.constant 2 : i32
    %dma_start3A_1448 = arith.constant 0 : i32
    %dma_start3A_1449 = arith.constant 0 : i32
    %dma_start3A_1450 = tpu.memref_slice %arg6[%dma_start3A_1447, %dma_start3A_1448, %dma_start3A_1449] : memref<4x32x768xf32, #tpu.memory_space<vmem>> -> memref<1x32x768xf32, #tpu.memory_space<vmem>>
    %dma_start3A_1451 = tpu.memref_squeeze %dma_start3A_1450 : memref<1x32x768xf32, #tpu.memory_space<vmem>> -> memref<32x768xf32, #tpu.memory_space<vmem>>
    %dma_start3A_1452 = arith.constant 0 : i32
    %dma_start3A_1453 = tpu.memref_slice %arg4[%add3A_1446, %dma_start3A_1452] : memref<32768x768xf32, #tpu.memory_space<hbm>> -> memref<32x768xf32, #tpu.memory_space<hbm>>
    %dma_start3A_1454 = arith.constant 0 : i32
    %dma_start3A_1455 = tpu.memref_slice %arg4[%add3A_1446, %dma_start3A_1454] : memref<32768x768xf32, #tpu.memory_space<hbm>> -> memref<32x768xf32, #tpu.memory_space<hbm>>
    %dma_start3A_1456 = arith.constant 0 : i32
    %dma_start3A_1457 = arith.constant 0 : i32
    %dma_start3A_1458 = tpu.memref_slice %arg6[%dma_start3A_1447, %dma_start3A_1456, %dma_start3A_1457] : memref<4x32x768xf32, #tpu.memory_space<vmem>> -> memref<1x32x768xf32, #tpu.memory_space<vmem>>
    %dma_start3A_1459 = tpu.memref_squeeze %dma_start3A_1458 : memref<1x32x768xf32, #tpu.memory_space<vmem>> -> memref<32x768xf32, #tpu.memory_space<vmem>>
    tpu.enqueue_dma source(%dma_start3A_1459 : memref<32x768xf32, #tpu.memory_space<vmem>>) target(%dma_start3A_1455 : memref<32x768xf32, #tpu.memory_space<hbm>>) target_semaphore(%arg13 : memref<!tpu.dma_semaphore, #tpu.memory_space<semaphore_mem>>)
    %dma_wait3A_1460 = arith.constant 3 : i32
    %dma_wait3A_1461 = arith.constant 0 : i32
    %dma_wait3A_1462 = arith.constant 0 : i32
    %dma_wait3A_1463 = tpu.memref_slice %arg6[%dma_wait3A_1460, %dma_wait3A_1461, %dma_wait3A_1462] : memref<4x32x768xf32, #tpu.memory_space<vmem>> -> memref<1x32x768xf32, #tpu.memory_space<vmem>>
    %dma_wait3A_1464 = tpu.memref_squeeze %dma_wait3A_1463 : memref<1x32x768xf32, #tpu.memory_space<vmem>> -> memref<32x768xf32, #tpu.memory_space<vmem>>
    %dma_wait3A_1465 = arith.constant 992 : i32
    %dma_wait3A_1466 = tpu.memref_slice %arg5[%dma_wait3A_1465] : memref<1024xi32, #tpu.memory_space<vmem>> -> memref<32xi32, #tpu.memory_space<vmem>>
    %dma_wait3A_1467 = arith.constant 0 : i32
    %dma_wait3A_1468 = arith.constant 0 : i32
    %dma_wait3A_1469 = tpu.memref_slice %arg3[%dma_wait3A_1467, %dma_wait3A_1468] : memref<28996x768xf32, #tpu.memory_space<hbm>> -> memref<28996x768xf32, #tpu.memory_space<hbm>>
    tpu.wait_indirect_dma semaphore(%arg10 : memref<!tpu.dma_semaphore, #tpu.memory_space<semaphore_mem>>) src(%dma_wait3A_1469 : memref<28996x768xf32, #tpu.memory_space<hbm>>) dst(%dma_wait3A_1464 : memref<32x768xf32, #tpu.memory_space<vmem>>)
    %add3A_1470 = arith.constant 992 : i32
    %add3A_1471 = arith.addi %mul3A_2, %add3A_1470 : i32
    %dma_start3A_1472 = arith.constant 3 : i32
    %dma_start3A_1473 = arith.constant 0 : i32
    %dma_start3A_1474 = arith.constant 0 : i32
    %dma_start3A_1475 = tpu.memref_slice %arg6[%dma_start3A_1472, %dma_start3A_1473, %dma_start3A_1474] : memref<4x32x768xf32, #tpu.memory_space<vmem>> -> memref<1x32x768xf32, #tpu.memory_space<vmem>>
    %dma_start3A_1476 = tpu.memref_squeeze %dma_start3A_1475 : memref<1x32x768xf32, #tpu.memory_space<vmem>> -> memref<32x768xf32, #tpu.memory_space<vmem>>
    %dma_start3A_1477 = arith.constant 0 : i32
    %dma_start3A_1478 = tpu.memref_slice %arg4[%add3A_1471, %dma_start3A_1477] : memref<32768x768xf32, #tpu.memory_space<hbm>> -> memref<32x768xf32, #tpu.memory_space<hbm>>
    %dma_start3A_1479 = arith.constant 0 : i32
    %dma_start3A_1480 = tpu.memref_slice %arg4[%add3A_1471, %dma_start3A_1479] : memref<32768x768xf32, #tpu.memory_space<hbm>> -> memref<32x768xf32, #tpu.memory_space<hbm>>
    %dma_start3A_1481 = arith.constant 0 : i32
    %dma_start3A_1482 = arith.constant 0 : i32
    %dma_start3A_1483 = tpu.memref_slice %arg6[%dma_start3A_1472, %dma_start3A_1481, %dma_start3A_1482] : memref<4x32x768xf32, #tpu.memory_space<vmem>> -> memref<1x32x768xf32, #tpu.memory_space<vmem>>
    %dma_start3A_1484 = tpu.memref_squeeze %dma_start3A_1483 : memref<1x32x768xf32, #tpu.memory_space<vmem>> -> memref<32x768xf32, #tpu.memory_space<vmem>>
    tpu.enqueue_dma source(%dma_start3A_1484 : memref<32x768xf32, #tpu.memory_space<vmem>>) target(%dma_start3A_1480 : memref<32x768xf32, #tpu.memory_space<hbm>>) target_semaphore(%arg14 : memref<!tpu.dma_semaphore, #tpu.memory_space<semaphore_mem>>)
    %dma_wait3A_1485 = arith.constant 0 : i32
    %dma_wait3A_1486 = arith.constant 0 : i32
    %dma_wait3A_1487 = arith.constant 0 : i32
    %dma_wait3A_1488 = tpu.memref_slice %arg6[%dma_wait3A_1485, %dma_wait3A_1486, %dma_wait3A_1487] : memref<4x32x768xf32, #tpu.memory_space<vmem>> -> memref<1x32x768xf32, #tpu.memory_space<vmem>>
    %dma_wait3A_1489 = tpu.memref_squeeze %dma_wait3A_1488 : memref<1x32x768xf32, #tpu.memory_space<vmem>> -> memref<32x768xf32, #tpu.memory_space<vmem>>
    %dma_wait3A_1490 = arith.constant 0 : i32
    %dma_wait3A_1491 = tpu.memref_slice %arg4[%add3A_1396, %dma_wait3A_1490] : memref<32768x768xf32, #tpu.memory_space<hbm>> -> memref<32x768xf32, #tpu.memory_space<hbm>>
    %dma_wait3A_1492 = arith.constant 0 : i32
    %dma_wait3A_1493 = tpu.memref_slice %arg4[%add3A_1396, %dma_wait3A_1492] : memref<32768x768xf32, #tpu.memory_space<hbm>> -> memref<32x768xf32, #tpu.memory_space<hbm>>
    %dma_wait3A_1494 = arith.constant 0 : i32
    %dma_wait3A_1495 = arith.constant 0 : i32
    %dma_wait3A_1496 = tpu.memref_slice %arg6[%dma_wait3A_1485, %dma_wait3A_1494, %dma_wait3A_1495] : memref<4x32x768xf32, #tpu.memory_space<vmem>> -> memref<1x32x768xf32, #tpu.memory_space<vmem>>
    %dma_wait3A_1497 = tpu.memref_squeeze %dma_wait3A_1496 : memref<1x32x768xf32, #tpu.memory_space<vmem>> -> memref<32x768xf32, #tpu.memory_space<vmem>>
    tpu.wait_dma2 semaphore(%arg11 : memref<!tpu.dma_semaphore, #tpu.memory_space<semaphore_mem>>) src(%dma_wait3A_1497 : memref<32x768xf32, #tpu.memory_space<vmem>>) dst(%dma_wait3A_1493 : memref<32x768xf32, #tpu.memory_space<hbm>>)
    %dma_wait3A_1498 = arith.constant 1 : i32
    %dma_wait3A_1499 = arith.constant 0 : i32
    %dma_wait3A_1500 = arith.constant 0 : i32
    %dma_wait3A_1501 = tpu.memref_slice %arg6[%dma_wait3A_1498, %dma_wait3A_1499, %dma_wait3A_1500] : memref<4x32x768xf32, #tpu.memory_space<vmem>> -> memref<1x32x768xf32, #tpu.memory_space<vmem>>
    %dma_wait3A_1502 = tpu.memref_squeeze %dma_wait3A_1501 : memref<1x32x768xf32, #tpu.memory_space<vmem>> -> memref<32x768xf32, #tpu.memory_space<vmem>>
    %dma_wait3A_1503 = arith.constant 0 : i32
    %dma_wait3A_1504 = tpu.memref_slice %arg4[%add3A_1421, %dma_wait3A_1503] : memref<32768x768xf32, #tpu.memory_space<hbm>> -> memref<32x768xf32, #tpu.memory_space<hbm>>
    %dma_wait3A_1505 = arith.constant 0 : i32
    %dma_wait3A_1506 = tpu.memref_slice %arg4[%add3A_1421, %dma_wait3A_1505] : memref<32768x768xf32, #tpu.memory_space<hbm>> -> memref<32x768xf32, #tpu.memory_space<hbm>>
    %dma_wait3A_1507 = arith.constant 0 : i32
    %dma_wait3A_1508 = arith.constant 0 : i32
    %dma_wait3A_1509 = tpu.memref_slice %arg6[%dma_wait3A_1498, %dma_wait3A_1507, %dma_wait3A_1508] : memref<4x32x768xf32, #tpu.memory_space<vmem>> -> memref<1x32x768xf32, #tpu.memory_space<vmem>>
    %dma_wait3A_1510 = tpu.memref_squeeze %dma_wait3A_1509 : memref<1x32x768xf32, #tpu.memory_space<vmem>> -> memref<32x768xf32, #tpu.memory_space<vmem>>
    tpu.wait_dma2 semaphore(%arg12 : memref<!tpu.dma_semaphore, #tpu.memory_space<semaphore_mem>>) src(%dma_wait3A_1510 : memref<32x768xf32, #tpu.memory_space<vmem>>) dst(%dma_wait3A_1506 : memref<32x768xf32, #tpu.memory_space<hbm>>)
    %dma_wait3A_1511 = arith.constant 2 : i32
    %dma_wait3A_1512 = arith.constant 0 : i32
    %dma_wait3A_1513 = arith.constant 0 : i32
    %dma_wait3A_1514 = tpu.memref_slice %arg6[%dma_wait3A_1511, %dma_wait3A_1512, %dma_wait3A_1513] : memref<4x32x768xf32, #tpu.memory_space<vmem>> -> memref<1x32x768xf32, #tpu.memory_space<vmem>>
    %dma_wait3A_1515 = tpu.memref_squeeze %dma_wait3A_1514 : memref<1x32x768xf32, #tpu.memory_space<vmem>> -> memref<32x768xf32, #tpu.memory_space<vmem>>
    %dma_wait3A_1516 = arith.constant 0 : i32
    %dma_wait3A_1517 = tpu.memref_slice %arg4[%add3A_1446, %dma_wait3A_1516] : memref<32768x768xf32, #tpu.memory_space<hbm>> -> memref<32x768xf32, #tpu.memory_space<hbm>>
    %dma_wait3A_1518 = arith.constant 0 : i32
    %dma_wait3A_1519 = tpu.memref_slice %arg4[%add3A_1446, %dma_wait3A_1518] : memref<32768x768xf32, #tpu.memory_space<hbm>> -> memref<32x768xf32, #tpu.memory_space<hbm>>
    %dma_wait3A_1520 = arith.constant 0 : i32
    %dma_wait3A_1521 = arith.constant 0 : i32
    %dma_wait3A_1522 = tpu.memref_slice %arg6[%dma_wait3A_1511, %dma_wait3A_1520, %dma_wait3A_1521] : memref<4x32x768xf32, #tpu.memory_space<vmem>> -> memref<1x32x768xf32, #tpu.memory_space<vmem>>
    %dma_wait3A_1523 = tpu.memref_squeeze %dma_wait3A_1522 : memref<1x32x768xf32, #tpu.memory_space<vmem>> -> memref<32x768xf32, #tpu.memory_space<vmem>>
    tpu.wait_dma2 semaphore(%arg13 : memref<!tpu.dma_semaphore, #tpu.memory_space<semaphore_mem>>) src(%dma_wait3A_1523 : memref<32x768xf32, #tpu.memory_space<vmem>>) dst(%dma_wait3A_1519 : memref<32x768xf32, #tpu.memory_space<hbm>>)
    %dma_wait3A_1524 = arith.constant 3 : i32
    %dma_wait3A_1525 = arith.constant 0 : i32
    %dma_wait3A_1526 = arith.constant 0 : i32
    %dma_wait3A_1527 = tpu.memref_slice %arg6[%dma_wait3A_1524, %dma_wait3A_1525, %dma_wait3A_1526] : memref<4x32x768xf32, #tpu.memory_space<vmem>> -> memref<1x32x768xf32, #tpu.memory_space<vmem>>
    %dma_wait3A_1528 = tpu.memref_squeeze %dma_wait3A_1527 : memref<1x32x768xf32, #tpu.memory_space<vmem>> -> memref<32x768xf32, #tpu.memory_space<vmem>>
    %dma_wait3A_1529 = arith.constant 0 : i32
    %dma_wait3A_1530 = tpu.memref_slice %arg4[%add3A_1471, %dma_wait3A_1529] : memref<32768x768xf32, #tpu.memory_space<hbm>> -> memref<32x768xf32, #tpu.memory_space<hbm>>
    %dma_wait3A_1531 = arith.constant 0 : i32
    %dma_wait3A_1532 = tpu.memref_slice %arg4[%add3A_1471, %dma_wait3A_1531] : memref<32768x768xf32, #tpu.memory_space<hbm>> -> memref<32x768xf32, #tpu.memory_space<hbm>>
    %dma_wait3A_1533 = arith.constant 0 : i32
    %dma_wait3A_1534 = arith.constant 0 : i32
    %dma_wait3A_1535 = tpu.memref_slice %arg6[%dma_wait3A_1524, %dma_wait3A_1533, %dma_wait3A_1534] : memref<4x32x768xf32, #tpu.memory_space<vmem>> -> memref<1x32x768xf32, #tpu.memory_space<vmem>>
    %dma_wait3A_1536 = tpu.memref_squeeze %dma_wait3A_1535 : memref<1x32x768xf32, #tpu.memory_space<vmem>> -> memref<32x768xf32, #tpu.memory_space<vmem>>
    tpu.wait_dma2 semaphore(%arg14 : memref<!tpu.dma_semaphore, #tpu.memory_space<semaphore_mem>>) src(%dma_wait3A_1536 : memref<32x768xf32, #tpu.memory_space<vmem>>) dst(%dma_wait3A_1532 : memref<32x768xf32, #tpu.memory_space<hbm>>)
    return
  }
}

</mosaic_0001>

<sc_bundles>
// kernel: kernel.3.cloned.1.call-start
scs
__scs_entry_jumppad:
0x0: {  	(pc) =	sbr.rel $0x88, $3  }
0x1: {  	(tag) =	ssettag $0x0;
	lr =	simm.s32 $0x1  }
0x2: {  	[smem:$0x3F9F] =	sst lr;
	_ =	strace $0xD0000000  }
0x3: {  	_ = 	snop  }
0x4: {  	_ = 	snop  }
0x5: {  	_ = 	snop  }
0x6: {  	_ = 	snop  }
0x7: {  	_ = 	snop  }
__scs_overlays_trampoline_lowered:
0x8: {  	[smem:$0x3FAE] =	sst s0  }
0x9: {  	[smem:$0x3FAF] =	sst s1  }
0xa: {  	[smem:$0x3FB0] =	sst s2  }
0xb: {  	[smem:$0x3FB1] =	sst s3  }
0xc: {  	[smem:$0x3FB2] =	sst s4  }
0xd: {  	[smem:$0x3FB3] =	sst s5  }
0xe: {  	[smem:$0x3FB4] =	sst s6  }
0xf: {  	[smem:$0x3FB5] =	sst s7  }
0x10: {  	[smem:$0x3FB6] =	sst s8  }
0x11: {  	[smem:$0x3FB7] =	sst s9;
	s0 =	simm.s32 @!p0 $0x0  }
0x12: {  	s1 =	sld [smem:$0x3F9D];
	s0 =	simm.s32 @p0 $0x1  }
0x13: {  	[smem:$0x3FB8] =	sst s0;
	s0 =	simm.s32 @!p1 $0x0  }
0x14: {  	s2 =	sld [smem:$0x3F9C];
	s0 =	simm.s32 @p1 $0x1  }
0x15: {  	[smem:$0x3FB9] =	sst s0;
	s0 =	simm.s32 @!p2 $0x0  }
0x16: {  	s3 =	sld [smem:$0x3FDB];
	s0 =	simm.s32 @p2 $0x1  }
0x17: {  	s4 =	simm.s32 $0x1BF5;
	[smem:$0x3FBB] =	sst s0  }
0x18: {  	s0 =	sld [smem:$0x3F9E];
	_ =	swait.ge [sflag:s4], $0x0  }
0x19: {  	s7 =	sld [smem:$0x3F9F]  }
0x1a: {  	s8 =	sadd.s32 $0xFFFFE003, lr  }
0x1b: {  	s9 =	sadd.s32 $0xFFFFFEF7, lr;
	s5 =	simm.s32 $0xFFFFFFFF;
	p2 =	slt.u32 s8, $0xFFFFF086  }
0x1c: {  	p1 =	slt.u32 s9, $0xF7A;
	s5 =	simm.s32 @!p2 $0x0  }
0x1d: {  	s5 =	simm.s32 @p1 $0x1;
	p0 =	seq.s32 s7, s2  }
0x1e: {  	s7 =	smul.u32 @!p0 $0xF7A, s2;
	p2 =	seq.s32 @!p0 s5, $0x0  }
0x1f: {  	s9 =	smul.u32 $0xF7A, s1;
	s8 =	simm.s32 @!p0 $0x1BF5;
	p2 =	por !p2, p0  }
0x20: {  	[sflag:s8] =	ssyncset.s32 @!p0 $0xFFFFF086;
	s6 =	sadd.s32 @!p0 s3, s7;
	s7 =	simm.s32 @!p0 $0x108  }
0x21: {  	s3 =	sadd.s32 s3, s9;
	s6 =	sadd.s32 @!p0 $0x88, s6;
	s7 =	simm.s32 @p2 $0x1082  }
0x22: {  	[simem:s7], [sflag:s8] =	dma.local @!p0 [hbm:s6], $0xF7A  }
0x23: {  	s9 =	sor.u32 $0xD0000000, s2;
	s6 =	simm.s32 $0x108;
	_ =	swait.ge @!p0 [sflag:s8], $0x0  }
0x24: {  	s3 =	sadd.s32 $0x88, s3;
	s6 =	simm.s32 @!p1 $0x1082;
	[sflag:s4] =	ssyncset.s32 $0xFFFFF086  }
0x25: {  	[simem:s6], [sflag:s4] =	dma.local [hbm:s3], $0xF7A  }
0x26: {  	[smem:$0x3F9F] =	sst s1;
	(tag) =	ssettag s2;
	_ =	strace s9  }
0x27: {  	s1 =	sld [smem:$0x3FAF]  }
0x28: {  	s2 =	sld [smem:$0x3FB0]  }
0x29: {  	s4 =	sld [smem:$0x3FB2]  }
0x2a: {  	p0 =	seq.s32 s5, $0x0;
	s5 =	sld [smem:$0x3FB3]  }
0x2b: {  	s6 =	sld [smem:$0x3FB4]  }
0x2c: {  	s7 =	sld [smem:$0x3FB5]  }
0x2d: {  	s3 =	simm.s32 $0x108;
	s8 =	sld [smem:$0x3FB6]  }
0x2e: {  	s3 =	simm.s32 @!p0 $0x1082;
	s9 =	sld [smem:$0x3FB7]  }
0x2f: {  	lr =	sadd.s32 s0, s3;
	s0 =	sld [smem:$0x3FAE]  }
0x30: {  	s3 =	sld [smem:$0x3FB1]  }
0x31: {  	[smem:$0x3FBA] =	sst s10  }
0x32: {  	s10 =	sld [smem:$0x3FB8];
	_ =	sdelay $0x3  }
0x33: {  	p0 =	seq.s32 s10, $0x1;
	s10 =	sld [smem:$0x3FBA];
	_ =	sdelay $0x3  }
0x34: {  	[smem:$0x3FBA] =	sst s10  }
0x35: {  	s10 =	sld [smem:$0x3FB9];
	_ =	sdelay $0x3  }
0x36: {  	p1 =	seq.s32 s10, $0x1;
	s10 =	sld [smem:$0x3FBA];
	_ =	sdelay $0x3  }
0x37: {  	[smem:$0x3FBA] =	sst s10  }
0x38: {  	s10 =	sld [smem:$0x3FBB]  }
0x39: {  	_ = 	snop;
	(pc) =	sbr.ind lr, $3  }
0x3a: {  	_ = 	snop  }
0x3b: {  	_ = 	snop  }
0x3c: {  	p2 =	seq.s32 s10, $0x1;
	s10 =	sld [smem:$0x3FBA]  }
0x3d: {  	_ =	shalt  }
0x3e: {  	_ =	shalt  }
0x3f: {  	_ =	shalt  }
0x40: {  	_ =	shalt  }
0x41: {  	_ =	shalt  }
0x42: {  	_ =	shalt  }
0x43: {  	_ =	shalt  }
0x44: {  	_ =	shalt  }
0x45: {  	_ =	shalt  }
0x46: {  	_ =	shalt  }
0x47: {  	_ =	shalt  }
0x48: {  	_ =	shalt  }
0x49: {  	_ =	shalt  }
0x4a: {  	_ =	shalt  }
0x4b: {  	_ =	shalt  }
0x4c: {  	_ =	shalt  }
0x4d: {  	_ =	shalt  }
0x4e: {  	_ =	shalt  }
0x4f: {  	_ =	shalt  }
0x50: {  	_ =	shalt  }
0x51: {  	_ =	shalt  }
0x52: {  	_ =	shalt  }
0x53: {  	_ =	shalt  }
0x54: {  	_ =	shalt  }
0x55: {  	_ =	shalt  }
0x56: {  	_ =	shalt  }
0x57: {  	_ =	shalt  }
0x58: {  	_ =	shalt  }
0x59: {  	_ =	shalt  }
0x5a: {  	_ =	shalt  }
0x5b: {  	_ =	shalt  }
0x5c: {  	_ =	shalt  }
0x5d: {  	_ =	shalt  }
0x5e: {  	_ =	shalt  }
0x5f: {  	_ =	shalt  }
0x60: {  	_ =	shalt  }
0x61: {  	_ =	shalt  }
0x62: {  	_ =	shalt  }
0x63: {  	_ =	shalt  }
0x64: {  	_ =	shalt  }
0x65: {  	_ =	shalt  }
0x66: {  	_ =	shalt  }
0x67: {  	_ =	shalt  }
0x68: {  	_ =	shalt  }
0x69: {  	_ =	shalt  }
0x6a: {  	_ =	shalt  }
0x6b: {  	_ =	shalt  }
0x6c: {  	_ =	shalt  }
0x6d: {  	_ =	shalt  }
0x6e: {  	_ =	shalt  }
0x6f: {  	_ =	shalt  }
0x70: {  	_ =	shalt  }
0x71: {  	_ =	shalt  }
0x72: {  	_ =	shalt  }
0x73: {  	_ =	shalt  }
0x74: {  	_ =	shalt  }
0x75: {  	_ =	shalt  }
0x76: {  	_ =	shalt  }
0x77: {  	_ =	shalt  }
0x78: {  	_ =	shalt  }
0x79: {  	_ =	shalt  }
0x7a: {  	_ =	shalt  }
0x7b: {  	_ =	shalt  }
0x7c: {  	_ =	shalt  }
0x7d: {  	_ =	shalt  }
0x7e: {  	_ =	shalt  }
0x7f: {  	_ =	shalt  }
0x80: {  	_ =	shalt  }
0x81: {  	_ =	shalt  }
0x82: {  	_ =	shalt  }
0x83: {  	_ =	shalt  }
0x84: {  	_ =	shalt  }
0x85: {  	_ =	shalt  }
0x86: {  	_ =	shalt  }
0x87: {  	_ =	shalt  }
.Lfunc_end0:
.L_simem_size_0:
called_computation_lowered:
.L_overlay_start_0:
0x88: {  	s2 =	sld [smem:$0x3FD9]  }
0x89: {  	s3 =	sld [smem:$0x3FFE];
	_ =	sdelay $0x1  }
0x8a: {  	s1 =	srdreg.scid  }
0x8b: {  	s0 =	sand.u32 $0x1, s1  }
0x8c: {  	s17 =	sshll.u32 s0, $0xA;
	s2 =	sadd.s32 s3, s2  }
0x8d: {  	s2 =	sadd.s32 s2, s17  }
0x8e: {  	[smem:$0x3FC6] =	sst s2  }
0x8f: {  	_ = 	snop  }
0x90: {  	s2 =	sld [smem:$0x3FC8]  }
0x91: {  	s18 =	sld [smem:$0x3FD0];
	(tm) =	ssettm $0x1  }
0x92: {  	s4 =	sld [smem:$0x3FFB];
	_ =	sdelay $0x3  }
0x93: {  	_ =	strace s4  }
0x94: {  	s4 =	sld [smem:$0x3FFC];
	_ =	sdelay $0x3  }
0x95: {  	_ =	strace s4  }
0x96: {  	s4 =	sld [smem:$0x3FFD];
	_ =	sdelay $0x3  }
0x97: {  	_ =	strace s4  }
0x98: {  	_ =	strace $0x8FFFFFFF  }
0x99: {  	s19 =	sld [smem:$0x3FDB];
	_ =	sdelay $0x1  }
0x9a: {  	s5 =	simm.s32 $_scs_section_size  }
0x9b: {  	s6 =	simm.s32 $_size__tile_overlayer_lowered;
	s7 =	simm.s32 $_tile_overlayer_lowered  }
0x9c: {  	s22 =	simm.s32 $0x1BFF;
	s21 =	sshll.u32 s7, $0x1;
	s4 =	sadd.s32 s5, s19  }
0x9d: {  	s8 =	simm.s32 $0x0;
	s20 =	sshll.u32 s6, $0x1;
	s6 =	sadd.s32 s21, s4  }
0x9e: {  	[timem:s8], [sflag:s22] =	dma.local [hbm:s6], s20  }
0x9f: {  	_ =	swait.ge [sflag:s22], s20  }
0xa0: {  	s5 =	ssub.s32 $0x0, s20;
	[sflag:s22] =	ssyncset.done $0x0  }
0xa1: {  	[sflag:s22] =	ssyncadd.s32 s5;
	_ =	sdelay $0x1  }
0xa2: {  	s23 =	simm.s32 $0x1B8B  }
0xa3: {  	_ =	swait.ge [sflag:s23], $0x1  }
0xa4: {  	[sflag:s23] =	ssyncset.done $0x0  }
0xa5: {  	s25 =	simm.s32 $0x1B8E;
	s24 =	sld [smem:$0x3FFE];
	[sflag:s23] =	ssyncadd.s32 $0xFFFFFFFF  }
0xa6: {  	s26 =	simm.s32 $execute0_lowered;
	[smem:$0x3FD2] =	sst s25  }
0xa7: {  	s6 =	sshll.u32 s26, $0x1;
	_ =	strace $0x80000046;
	[dreg:$0x1] =	wrdreg $0xFFFFFFFF  }
0xa8: {  	s28 =	simm.s32 $_size_execute0_lowered;
	s4 =	sadd.s32 s4, s6;
	[dreg:$0x0] =	wrdreg $0x0  }
0xa9: {  	s6 =	sshll.u32 s28, $0x1;
	[dreg:$0x2] =	wrdreg s4  }
0xaa: {  	[dreg:$0x3] =	wrdreg s6  }
0xab: {  	[dreg:$0x4] =	wrdreg $0xC0  }
0xac: {  	_ =	task [dreg:s8], $0x5FFFF  }
0xad: {  	[dreg:$0x1] =	wrdreg $0xFFFFFFFF  }
0xae: {  	[dreg:$0x0] =	wrdreg $0x60  }
0xaf: {  	[dreg:$0x2] =	wrdreg s24  }
0xb0: {  	[dreg:$0x3] =	wrdreg s2  }
0xb1: {  	[dreg:$0x4] =	wrdreg s18  }
0xb2: {  	[dreg:$0x5] =	wrdreg $0x9  }
0xb3: {  	_ =	task.clear_ibuf [dreg:s8], $0x6FFFF;
	_ =	strace $0x90000046  }
0xb4: {  	s29 =	simm.s32 $0x9;
	_ =	strace $0x80000048  }
0xb5: {  	_ =	swait.ge [sflag:s29], $0x1  }
0xb6: {  	[sflag:s29] =	ssyncadd.s32 $0xFFFFFFFF  }
0xb7: {  	_ =	strace $0x90000048  }
0xb8: {  	_ =	sfence  }
0xb9: {  	s30 =	sld [smem:$0x0];
	_ =	sdelay $0x2  }
0xba: {  	s31 =	sshll.u32 s1, $0xD;
	s1 =	sshrl.u32 s1, $0x2  }
0xbb: {  	s3 =	sand.u32 $0x4000, s31;
	s1 =	sadd.s32 s1, s30  }
0xbc: {  	s0 =	sor.u32 s3, s0;
	s1 =	sshll.u32 s1, $0x11  }
0xbd: {  	s0 =	sor.u32 s1, s0  }
0xbe: {  	s0 =	sadd.s32 $0x8F2B, s0  }
0xbf: {  	[sflag:s0] =	ssyncadd.remote.s32 $0x1  }
0xc0: {  	_ =	sfence.sel $0xFFFF  }
0xc1: {  	[dreg:$0x0] =	wrdreg $0xFFFFFFFF;
	(pc) =	sbr.abs _section_cstart, $3  }
0xc2: {  	[dreg:$0x1] =	wrdreg $0xFFFFFFFF  }
0xc3: {  	_ =	task.clear_ibuf [dreg:s8], $0x2FFFF;
	_ =	strace $0x9FFFFFFF  }
0xc4: {  	(tm) =	ssettm $0x7FFFFFFF  }
0xc5: {  	_ =	shalt  }
tec
execute0_lowered:
.L_overlay_start_1:
0x0: {  	(tag) =	ssettag $0x1  }
0x1: {  	s0 =	srdreg.scid  }
0x2: {  	s1 =	rddreg [dreg:$0x0];
	s3 =	stileid.u32;
	s0 =	sand.u32 $0x1, s0  }
0x3: {  	s2 =	rddreg [dreg:$0x1];
	s3 =	sshll.u32 s3, $0x8;
	s4 =	sshll.u32 s0, $0x7  }
0x4: {  	s5 =	rddreg [dreg:$0x2];
	s4 =	sor.u32 s4, s3  }
0x5: {  	s3 =	simm.s32 $0x0;
	s6 =	smul.u32 $0x300, s4;
	s1 =	sadd.s32 s4, s1  }
0x6: {  	[smem:$0x7FF] =	sst s3;
	s1 =	sadd.s32 $0x400, s1  }
0x7: {  	_ =	strace $0x80000047;
	s6 =	sadd.s32 s5, s6;
	[dreg:$0x4] =	wrdreg s1  }
0x8: {  	s23 =	sadd.s32 $0xC00, s6;
	[smem:$0x7F9] =	sst s6  }
0x9: {  	s24 =	sadd.s32 $0x1800, s6;
	[dreg:$0x5] =	wrdreg s23  }
0xa: {  	s25 =	sadd.s32 $0x2400, s6;
	[dreg:$0x6] =	wrdreg s24  }
0xb: {  	s26 =	sadd.s32 $0x3000, s6;
	[dreg:$0x7] =	wrdreg s25  }
0xc: {  	s28 =	sadd.s32 $0x3C00, s6;
	[dreg:$0x8] =	wrdreg s26  }
0xd: {  	s29 =	sadd.s32 $0x4800, s6;
	[dreg:$0x9] =	wrdreg s28  }
0xe: {  	s4 =	smul.u32 $0x1800, s4;
	s30 =	sadd.s32 $0x5400, s6;
	[dreg:$0xa] =	wrdreg s29  }
0xf: {  	s31 =	sadd.s32 $0x6000, s6;
	[dreg:$0xb] =	wrdreg s30  }
0x10: {  	s4 =	sshrl.u32 s4, $0x3;
	s7 =	sadd.s32 $0x6C00, s6;
	[dreg:$0xc] =	wrdreg s31  }
0x11: {  	s8 =	sadd.s32 $0x7800, s6;
	s4 =	sadd.s32 s5, s4;
	[dreg:$0xd] =	wrdreg s7  }
0x12: {  	[dreg:$0xe] =	wrdreg s8;
	s9 =	sadd.s32 $0x8400, s4  }
0x13: {  	s10 =	sadd.s32 $0x9000, s4;
	[dreg:$0xf] =	wrdreg s9  }
0x14: {  	s11 =	sadd.s32 $0x9C00, s4;
	[dreg:$0x10] =	wrdreg s10  }
0x15: {  	s12 =	sadd.s32 $0xA800, s4;
	[dreg:$0x11] =	wrdreg s11  }
0x16: {  	s13 =	sadd.s32 $0xB400, s4;
	[dreg:$0x12] =	wrdreg s12  }
0x17: {  	s14 =	sadd.s32 $0xC000, s4;
	[dreg:$0x13] =	wrdreg s13  }
0x18: {  	s15 =	sadd.s32 $0xCC00, s4;
	[dreg:$0x14] =	wrdreg s14  }
0x19: {  	s16 =	sadd.s32 $0xD800, s4;
	[dreg:$0x15] =	wrdreg s15  }
0x1a: {  	s17 =	sadd.s32 $0xE400, s4;
	[dreg:$0x16] =	wrdreg s16  }
0x1b: {  	s18 =	sadd.s32 $0xF000, s4;
	[dreg:$0x17] =	wrdreg s17  }
0x1c: {  	s19 =	sadd.s32 $0xFC00, s4;
	[dreg:$0x18] =	wrdreg s18  }
0x1d: {  	s20 =	sadd.s32 $0x10800, s4;
	[dreg:$0x19] =	wrdreg s19  }
0x1e: {  	s21 =	sadd.s32 $0x11400, s4;
	[dreg:$0x1a] =	wrdreg s20  }
0x1f: {  	s22 =	sadd.s32 $0x12000, s4;
	[dreg:$0x1b] =	wrdreg s21  }
0x20: {  	s23 =	sadd.s32 $0x12C00, s4;
	[dreg:$0x1c] =	wrdreg s22  }
0x21: {  	s24 =	sadd.s32 $0x13800, s4;
	[dreg:$0x1d] =	wrdreg s23  }
0x22: {  	s25 =	sadd.s32 $0x14400, s4;
	[dreg:$0x1e] =	wrdreg s24  }
0x23: {  	s0 =	ssub.s32 $0x2, s0;
	s26 =	sadd.s32 $0x15000, s4;
	[dreg:$0x1f] =	wrdreg s25  }
0x24: {  	s5 =	sadd.s32 $0x100, s2;
	s29 =	sadd.s32 $0x15C00, s4;
	[smem:$0x7FA] =	sst s26  }
0x25: {  	s6 =	sadd.s32 $0x200, s2;
	s30 =	sadd.s32 $0x16800, s4;
	[smem:$0x7FB] =	sst s29  }
0x26: {  	s28 =	sshrl.u32 s0, $0x1;
	s31 =	sadd.s32 $0x17400, s4;
	[smem:$0x7FC] =	sst s30  }
0x27: {  	s8 =	simm.s32 $0x1;
	s0 =	ssub.s32 s0, s28;
	[smem:$0x7FD] =	sst s31  }
0x28: {  	v2 =	vlaneseq.u32;
	s10 =	simm.s32 $0x5;
	s11 =	simm.s32 $0x2;
	s12 =	simm.s32 $0x6  }
0x29: {  	vm0 =	vmmov $0xffff;
	v1 =	vshrl.u32 v2, $0x3;
	s13 =	simm.s32 $0x3;
	s14 =	simm.s32 $0x7;
	s15 =	simm.s32 $0x4  }
0x2a: {  	v0 =	vand.u32 $0x7, v2;
	v2 =	vor.u32 $0x8, v2;
	v1 =	vmul.u32 $0x8, v1;
	s16 =	simm.s32 $0x8;
	s22 =	simm.s32 $0x12400;
	s0 =	smax.u32 s0, $0x1  }
.LBB2_1:
0x2b: {  	[smem:$0x7F8] =	sst s0  }
0x2c: {  	s17 =	rddreg [dreg:$0x4];
	s7 =	simm.s32 $0x9  }
0x2d: {  	[tilespmem:s3], [sflag:$0x9] =	stream.linear.gather [hbm4b:s17+s3], $0x400, $0x38;
	[tilespmem:$0x18400] =	vst v63  }
0x2e: {  	_ =	swait.ge [sflag:s7], $0x400  }
0x2f: {  	[sflag:s7] =	ssyncset.done $0x0  }
0x30: {  	[sflag:s7] =	ssyncadd.s32 $0xFFFFFC00  }
0x31: {  	v3 =	vld [tilespmem:$0x0];
	_ =	sdelay $0x4  }
0x32: {  	v4 =	vshrl.u32 v3, $0x3  }
0x33: {  	v4 =	vmul.u32 $0x30, v4  }
0x34: {  	v3 =	vand.u32 $0x7, v3  }
0x35: {  	v3 =	vor.u32 v3, v4  }
0x36: {  	v4 =	vperm.xlane v3, v0;
	_ =	sdelay $0x1  }
0x37: {  	v4 =	vadd.s32 v1, v4;
	_ =	sdelay $0x3  }
0x38: {  	s9 =	simm.s32 $0x400;
	v3 =	vperm.xlane v3, v2  }
0x39: {  	[tilespmem:s9], [sflag:$0x1] =	stream.indirect_vreg.gather [hbm4b:s2+s3], $0x80, v4, vm0, $0xb8;
	[tilespmem:$0x18400] =	vst v63  }
0x3a: {  	s17 =	simm.s32 $0xC00;
	v3 =	vadd.s32 v1, v3  }
0x3b: {  	[tilespmem:s17], [sflag:$0x1] =	stream.indirect_vreg.gather [hbm4b:s5+s3], $0x80, v4, vm0, $0xb8;
	[tilespmem:$0x18400] =	vst v63  }
0x3c: {  	s18 =	simm.s32 $0x1400  }
0x3d: {  	[tilespmem:s18], [sflag:$0x1] =	stream.indirect_vreg.gather [hbm4b:s6+s3], $0x80, v4, vm0, $0xb8;
	[tilespmem:$0x18400] =	vst v63  }
0x3e: {  	s19 =	simm.s32 $0x1C00  }
0x3f: {  	[tilespmem:s19], [sflag:$0x1] =	stream.indirect_vreg.gather [hbm4b:s2+s3], $0x80, v3, vm0, $0xb8;
	[tilespmem:$0x18400] =	vst v63  }
0x40: {  	s20 =	simm.s32 $0x2400  }
0x41: {  	[tilespmem:s20], [sflag:$0x1] =	stream.indirect_vreg.gather [hbm4b:s5+s3], $0x80, v3, vm0, $0xb8;
	[tilespmem:$0x18400] =	vst v63  }
0x42: {  	s21 =	simm.s32 $0x2C00  }
0x43: {  	[tilespmem:s21], [sflag:$0x1] =	stream.indirect_vreg.gather [hbm4b:s6+s3], $0x80, v3, vm0, $0xb8;
	[tilespmem:$0x18400] =	vst v63  }
0x44: {  	v3 =	vld [tilespmem:$0x10];
	_ =	sdelay $0x4  }
0x45: {  	v57 =	vshrl.u32 v3, $0x3  }
0x46: {  	v4 =	vmul.u32 $0x30, v57  }
0x47: {  	v3 =	vand.u32 $0x7, v3  }
0x48: {  	v3 =	vor.u32 v3, v4  }
0x49: {  	v4 =	vperm.xlane v3, v0;
	_ =	sdelay $0x1  }
0x4a: {  	v4 =	vadd.s32 v1, v4;
	_ =	sdelay $0x3  }
0x4b: {  	s23 =	simm.s32 $0x3400;
	v3 =	vperm.xlane v3, v2  }
0x4c: {  	[tilespmem:s23], [sflag:$0x1] =	stream.indirect_vreg.gather [hbm4b:s2+s3], $0x80, v4, vm0, $0xb8;
	[tilespmem:$0x18400] =	vst v63  }
0x4d: {  	s28 =	simm.s32 $0x3C00;
	v3 =	vadd.s32 v1, v3  }
0x4e: {  	[tilespmem:s28], [sflag:$0x1] =	stream.indirect_vreg.gather [hbm4b:s5+s3], $0x80, v4, vm0, $0xb8;
	[tilespmem:$0x18400] =	vst v63  }
0x4f: {  	s29 =	simm.s32 $0x4400  }
0x50: {  	[tilespmem:s29], [sflag:$0x1] =	stream.indirect_vreg.gather [hbm4b:s6+s3], $0x80, v4, vm0, $0xb8;
	[tilespmem:$0x18400] =	vst v63  }
0x51: {  	s30 =	simm.s32 $0x4C00  }
0x52: {  	[tilespmem:s30], [sflag:$0x1] =	stream.indirect_vreg.gather [hbm4b:s2+s3], $0x80, v3, vm0, $0xb8;
	[tilespmem:$0x18400] =	vst v63  }
0x53: {  	s31 =	simm.s32 $0x5400  }
0x54: {  	[tilespmem:s31], [sflag:$0x1] =	stream.indirect_vreg.gather [hbm4b:s5+s3], $0x80, v3, vm0, $0xb8;
	[tilespmem:$0x18400] =	vst v63  }
0x55: {  	s4 =	simm.s32 $0x5C00  }
0x56: {  	[tilespmem:s4], [sflag:$0x1] =	stream.indirect_vreg.gather [hbm4b:s6+s3], $0x80, v3, vm0, $0xb8;
	[tilespmem:$0x18400] =	vst v63  }
0x57: {  	v3 =	vld [tilespmem:$0x20];
	_ =	sdelay $0x4  }
0x58: {  	v58 =	vshrl.u32 v3, $0x3  }
0x59: {  	v4 =	vmul.u32 $0x30, v58  }
0x5a: {  	v3 =	vand.u32 $0x7, v3  }
0x5b: {  	v3 =	vor.u32 v3, v4  }
0x5c: {  	v4 =	vperm.xlane v3, v0;
	_ =	sdelay $0x1  }
0x5d: {  	v4 =	vadd.s32 v1, v4;
	_ =	sdelay $0x3  }
0x5e: {  	s9 =	simm.s32 $0x6400;
	v3 =	vperm.xlane v3, v2  }
0x5f: {  	[tilespmem:s9], [sflag:$0x2] =	stream.indirect_vreg.gather [hbm4b:s2+s3], $0x80, v4, vm0, $0xb8;
	[tilespmem:$0x18400] =	vst v63  }
0x60: {  	s17 =	simm.s32 $0x6C00;
	v3 =	vadd.s32 v1, v3  }
0x61: {  	[tilespmem:s17], [sflag:$0x2] =	stream.indirect_vreg.gather [hbm4b:s5+s3], $0x80, v4, vm0, $0xb8;
	[tilespmem:$0x18400] =	vst v63  }
0x62: {  	s18 =	simm.s32 $0x7400  }
0x63: {  	[tilespmem:s18], [sflag:$0x2] =	stream.indirect_vreg.gather [hbm4b:s6+s3], $0x80, v4, vm0, $0xb8;
	[tilespmem:$0x18400] =	vst v63  }
0x64: {  	s19 =	simm.s32 $0x7C00  }
0x65: {  	[tilespmem:s19], [sflag:$0x2] =	stream.indirect_vreg.gather [hbm4b:s2+s3], $0x80, v3, vm0, $0xb8;
	[tilespmem:$0x18400] =	vst v63  }
0x66: {  	s21 =	simm.s32 $0x8400  }
0x67: {  	[tilespmem:s21], [sflag:$0x2] =	stream.indirect_vreg.gather [hbm4b:s5+s3], $0x80, v3, vm0, $0xb8;
	[tilespmem:$0x18400] =	vst v63  }
0x68: {  	s23 =	simm.s32 $0x8C00  }
0x69: {  	[tilespmem:s23], [sflag:$0x2] =	stream.indirect_vreg.gather [hbm4b:s6+s3], $0x80, v3, vm0, $0xb8;
	[tilespmem:$0x18400] =	vst v63  }
0x6a: {  	v3 =	vld [tilespmem:$0x30];
	_ =	sdelay $0x4  }
0x6b: {  	v59 =	vshrl.u32 v3, $0x3  }
0x6c: {  	v4 =	vmul.u32 $0x30, v59  }
0x6d: {  	v3 =	vand.u32 $0x7, v3  }
0x6e: {  	v3 =	vor.u32 v3, v4  }
0x6f: {  	v4 =	vperm.xlane v3, v0;
	_ =	sdelay $0x1  }
0x70: {  	v4 =	vadd.s32 v1, v4;
	_ =	sdelay $0x3  }
0x71: {  	s31 =	simm.s32 $0x9400;
	v3 =	vperm.xlane v3, v2  }
0x72: {  	[tilespmem:s31], [sflag:$0x2] =	stream.indirect_vreg.gather [hbm4b:s2+s3], $0x80, v4, vm0, $0xb8;
	[tilespmem:$0x18400] =	vst v63  }
0x73: {  	s4 =	simm.s32 $0x9C00;
	v3 =	vadd.s32 v1, v3  }
0x74: {  	[tilespmem:s4], [sflag:$0x2] =	stream.indirect_vreg.gather [hbm4b:s5+s3], $0x80, v4, vm0, $0xb8;
	[tilespmem:$0x18400] =	vst v63  }
0x75: {  	s17 =	simm.s32 $0xA400  }
0x76: {  	[tilespmem:s17], [sflag:$0x2] =	stream.indirect_vreg.gather [hbm4b:s6+s3], $0x80, v4, vm0, $0xb8;
	[tilespmem:$0x18400] =	vst v63  }
0x77: {  	s21 =	simm.s32 $0xAC00  }
0x78: {  	[tilespmem:s21], [sflag:$0x2] =	stream.indirect_vreg.gather [hbm4b:s2+s3], $0x80, v3, vm0, $0xb8;
	[tilespmem:$0x18400] =	vst v63  }
0x79: {  	s4 =	simm.s32 $0xB400  }
0x7a: {  	[tilespmem:s4], [sflag:$0x2] =	stream.indirect_vreg.gather [hbm4b:s5+s3], $0x80, v3, vm0, $0xb8;
	[tilespmem:$0x18400] =	vst v63  }
0x7b: {  	s17 =	simm.s32 $0xBC00  }
0x7c: {  	[tilespmem:s17], [sflag:$0x2] =	stream.indirect_vreg.gather [hbm4b:s6+s3], $0x80, v3, vm0, $0xb8;
	[tilespmem:$0x18400] =	vst v63  }
0x7d: {  	v3 =	vld [tilespmem:$0x40];
	_ =	sdelay $0x4  }
0x7e: {  	v60 =	vshrl.u32 v3, $0x3  }
0x7f: {  	v4 =	vmul.u32 $0x30, v60  }
0x80: {  	v3 =	vand.u32 $0x7, v3  }
0x81: {  	v3 =	vor.u32 v3, v4  }
0x82: {  	v4 =	vperm.xlane v3, v0;
	_ =	sdelay $0x1  }
0x83: {  	v4 =	vadd.s32 v1, v4;
	_ =	sdelay $0x3  }
0x84: {  	s21 =	simm.s32 $0xC400;
	v3 =	vperm.xlane v3, v2  }
0x85: {  	[tilespmem:s21], [sflag:$0x3] =	stream.indirect_vreg.gather [hbm4b:s2+s3], $0x80, v4, vm0, $0xb8;
	[tilespmem:$0x18400] =	vst v63  }
0x86: {  	s4 =	simm.s32 $0xCC00;
	v3 =	vadd.s32 v1, v3  }
0x87: {  	[tilespmem:s4], [sflag:$0x3] =	stream.indirect_vreg.gather [hbm4b:s5+s3], $0x80, v4, vm0, $0xb8;
	[tilespmem:$0x18400] =	vst v63  }
0x88: {  	s17 =	simm.s32 $0xD400  }
0x89: {  	[tilespmem:s17], [sflag:$0x3] =	stream.indirect_vreg.gather [hbm4b:s6+s3], $0x80, v4, vm0, $0xb8;
	[tilespmem:$0x18400] =	vst v63  }
0x8a: {  	s21 =	simm.s32 $0xDC00  }
0x8b: {  	[tilespmem:s21], [sflag:$0x3] =	stream.indirect_vreg.gather [hbm4b:s2+s3], $0x80, v3, vm0, $0xb8;
	[tilespmem:$0x18400] =	vst v63  }
0x8c: {  	s4 =	simm.s32 $0xE400  }
0x8d: {  	[tilespmem:s4], [sflag:$0x3] =	stream.indirect_vreg.gather [hbm4b:s5+s3], $0x80, v3, vm0, $0xb8;
	[tilespmem:$0x18400] =	vst v63  }
0x8e: {  	s17 =	simm.s32 $0xEC00  }
0x8f: {  	[tilespmem:s17], [sflag:$0x3] =	stream.indirect_vreg.gather [hbm4b:s6+s3], $0x80, v3, vm0, $0xb8;
	[tilespmem:$0x18400] =	vst v63  }
0x90: {  	v3 =	vld [tilespmem:$0x50];
	_ =	sdelay $0x4  }
0x91: {  	v61 =	vshrl.u32 v3, $0x3  }
0x92: {  	v4 =	vmul.u32 $0x30, v61  }
0x93: {  	v3 =	vand.u32 $0x7, v3  }
0x94: {  	v3 =	vor.u32 v3, v4  }
0x95: {  	v4 =	vperm.xlane v3, v0;
	_ =	sdelay $0x1  }
0x96: {  	v4 =	vadd.s32 v1, v4;
	_ =	sdelay $0x3  }
0x97: {  	s21 =	simm.s32 $0xF400;
	v3 =	vperm.xlane v3, v2  }
0x98: {  	[tilespmem:s21], [sflag:$0x3] =	stream.indirect_vreg.gather [hbm4b:s2+s3], $0x80, v4, vm0, $0xb8;
	[tilespmem:$0x18400] =	vst v63  }
0x99: {  	s4 =	simm.s32 $0xFC00;
	v3 =	vadd.s32 v1, v3  }
0x9a: {  	[tilespmem:s4], [sflag:$0x3] =	stream.indirect_vreg.gather [hbm4b:s5+s3], $0x80, v4, vm0, $0xb8;
	[tilespmem:$0x18400] =	vst v63  }
0x9b: {  	s17 =	simm.s32 $0x10400  }
0x9c: {  	[tilespmem:s17], [sflag:$0x3] =	stream.indirect_vreg.gather [hbm4b:s6+s3], $0x80, v4, vm0, $0xb8;
	[tilespmem:$0x18400] =	vst v63  }
0x9d: {  	s21 =	simm.s32 $0x10C00  }
0x9e: {  	[tilespmem:s21], [sflag:$0x3] =	stream.indirect_vreg.gather [hbm4b:s2+s3], $0x80, v3, vm0, $0xb8;
	[tilespmem:$0x18400] =	vst v63  }
0x9f: {  	s4 =	simm.s32 $0x11400  }
0xa0: {  	[tilespmem:s4], [sflag:$0x3] =	stream.indirect_vreg.gather [hbm4b:s5+s3], $0x80, v3, vm0, $0xb8;
	[tilespmem:$0x18400] =	vst v63  }
0xa1: {  	s17 =	simm.s32 $0x11C00  }
0xa2: {  	[tilespmem:s17], [sflag:$0x3] =	stream.indirect_vreg.gather [hbm4b:s6+s3], $0x80, v3, vm0, $0xb8;
	[tilespmem:$0x18400] =	vst v63  }
0xa3: {  	v3 =	vld [tilespmem:$0x60];
	_ =	sdelay $0x4  }
0xa4: {  	v62 =	vshrl.u32 v3, $0x3  }
0xa5: {  	v4 =	vmul.u32 $0x30, v62  }
0xa6: {  	v3 =	vand.u32 $0x7, v3  }
0xa7: {  	v3 =	vor.u32 v3, v4  }
0xa8: {  	v4 =	vperm.xlane v3, v0;
	_ =	sdelay $0x1  }
0xa9: {  	v4 =	vadd.s32 v1, v4;
	_ =	sdelay $0x3  }
0xaa: {  	v3 =	vperm.xlane v3, v2  }
0xab: {  	[tilespmem:s22], [sflag:$0x4] =	stream.indirect_vreg.gather [hbm4b:s2+s3], $0x80, v4, vm0, $0xb8;
	[tilespmem:$0x18400] =	vst v63  }
0xac: {  	s21 =	simm.s32 $0x12C00;
	v3 =	vadd.s32 v1, v3  }
0xad: {  	[tilespmem:s21], [sflag:$0x4] =	stream.indirect_vreg.gather [hbm4b:s5+s3], $0x80, v4, vm0, $0xb8;
	[tilespmem:$0x18400] =	vst v63  }
0xae: {  	s0 =	simm.s32 $0x13400  }
0xaf: {  	[tilespmem:s0], [sflag:$0x4] =	stream.indirect_vreg.gather [hbm4b:s6+s3], $0x80, v4, vm0, $0xb8;
	[tilespmem:$0x18400] =	vst v63  }
0xb0: {  	s4 =	simm.s32 $0x13C00  }
0xb1: {  	[tilespmem:s4], [sflag:$0x4] =	stream.indirect_vreg.gather [hbm4b:s2+s3], $0x80, v3, vm0, $0xb8;
	[tilespmem:$0x18400] =	vst v63  }
0xb2: {  	s21 =	simm.s32 $0x14400  }
0xb3: {  	[tilespmem:s21], [sflag:$0x4] =	stream.indirect_vreg.gather [hbm4b:s5+s3], $0x80, v3, vm0, $0xb8;
	[tilespmem:$0x18400] =	vst v63  }
0xb4: {  	s0 =	simm.s32 $0x14C00  }
0xb5: {  	[tilespmem:s0], [sflag:$0x4] =	stream.indirect_vreg.gather [hbm4b:s6+s3], $0x80, v3, vm0, $0xb8;
	[tilespmem:$0x18400] =	vst v63  }
0xb6: {  	v3 =	vld [tilespmem:$0x70];
	_ =	sdelay $0x4  }
0xb7: {  	v63 =	vshrl.u32 v3, $0x3  }
0xb8: {  	v4 =	vmul.u32 $0x30, v63  }
0xb9: {  	v3 =	vand.u32 $0x7, v3  }
0xba: {  	v3 =	vor.u32 v3, v4  }
0xbb: {  	v4 =	vperm.xlane v3, v0;
	_ =	sdelay $0x1  }
0xbc: {  	v4 =	vadd.s32 v1, v4;
	_ =	sdelay $0x3  }
0xbd: {  	s4 =	simm.s32 $0x15400;
	v3 =	vperm.xlane v3, v2  }
0xbe: {  	[tilespmem:s4], [sflag:$0x4] =	stream.indirect_vreg.gather [hbm4b:s2+s3], $0x80, v4, vm0, $0xb8;
	[tilespmem:$0x18400] =	vst v63  }
0xbf: {  	s21 =	simm.s32 $0x15C00;
	v3 =	vadd.s32 v1, v3  }
0xc0: {  	[tilespmem:s21], [sflag:$0x4] =	stream.indirect_vreg.gather [hbm4b:s5+s3], $0x80, v4, vm0, $0xb8;
	[tilespmem:$0x18400] =	vst v63  }
0xc1: {  	s0 =	simm.s32 $0x16400  }
0xc2: {  	[tilespmem:s0], [sflag:$0x4] =	stream.indirect_vreg.gather [hbm4b:s6+s3], $0x80, v4, vm0, $0xb8;
	[tilespmem:$0x18400] =	vst v63  }
0xc3: {  	s4 =	simm.s32 $0x16C00  }
0xc4: {  	[tilespmem:s4], [sflag:$0x4] =	stream.indirect_vreg.gather [hbm4b:s2+s3], $0x80, v3, vm0, $0xb8;
	[tilespmem:$0x18400] =	vst v63  }
0xc5: {  	s21 =	simm.s32 $0x17400  }
0xc6: {  	[tilespmem:s21], [sflag:$0x4] =	stream.indirect_vreg.gather [hbm4b:s5+s3], $0x80, v3, vm0, $0xb8;
	[tilespmem:$0x18400] =	vst v63  }
0xc7: {  	s0 =	simm.s32 $0x17C00  }
0xc8: {  	[tilespmem:s0], [sflag:$0x4] =	stream.indirect_vreg.gather [hbm4b:s6+s3], $0x80, v3, vm0, $0xb8;
	[tilespmem:$0x18400] =	vst v63  }
0xc9: {  	_ =	swait.ge [sflag:s8], $0x6000  }
0xca: {  	s4 =	sld [smem:$0x7F9]  }
0xcb: {  	[sflag:s8] =	ssyncset.done $0x0  }
0xcc: {  	s21 =	simm.s32 $0x400;
	[sflag:s8] =	ssyncadd.s32 $0xFFFFA000  }
0xcd: {  	[hbm4b:s4+s3] =	stream.linear.scatter [tilespmem:s21], [sflag:$0x5], $0x6000, $0x38;
	[tilespmem:$0x18400] =	vst v63  }
0xce: {  	_ =	swait.ge [sflag:s10], $0x6000  }
0xcf: {  	[sflag:s10] =	ssyncset.done $0x0  }
0xd0: {  	[sflag:s10] =	ssyncadd.s32 $0xFFFFA000  }
0xd1: {  	v3 =	vld [tilespmem:$0x80];
	_ =	sdelay $0x4  }
0xd2: {  	v8 =	vshrl.u32 v3, $0x3  }
0xd3: {  	v4 =	vmul.u32 $0x30, v8  }
0xd4: {  	v3 =	vand.u32 $0x7, v3  }
0xd5: {  	v3 =	vor.u32 v3, v4  }
0xd6: {  	v4 =	vperm.xlane v3, v0;
	_ =	sdelay $0x1  }
0xd7: {  	v4 =	vadd.s32 v1, v4;
	_ =	sdelay $0x3  }
0xd8: {  	v3 =	vperm.xlane v3, v2  }
0xd9: {  	[tilespmem:s21], [sflag:$0x1] =	stream.indirect_vreg.gather [hbm4b:s2+s3], $0x80, v4, vm0, $0xb8;
	[tilespmem:$0x18400] =	vst v63  }
0xda: {  	s24 =	simm.s32 $0xC00;
	v3 =	vadd.s32 v1, v3  }
0xdb: {  	[tilespmem:s24], [sflag:$0x1] =	stream.indirect_vreg.gather [hbm4b:s5+s3], $0x80, v4, vm0, $0xb8;
	[tilespmem:$0x18400] =	vst v63  }
0xdc: {  	s25 =	simm.s32 $0x1400  }
0xdd: {  	[tilespmem:s25], [sflag:$0x1] =	stream.indirect_vreg.gather [hbm4b:s6+s3], $0x80, v4, vm0, $0xb8;
	[tilespmem:$0x18400] =	vst v63  }
0xde: {  	s1 =	simm.s32 $0x1C00  }
0xdf: {  	[tilespmem:s1], [sflag:$0x1] =	stream.indirect_vreg.gather [hbm4b:s2+s3], $0x80, v3, vm0, $0xb8;
	[tilespmem:$0x18400] =	vst v63  }
0xe0: {  	s26 =	simm.s32 $0x2400  }
0xe1: {  	[tilespmem:s26], [sflag:$0x1] =	stream.indirect_vreg.gather [hbm4b:s5+s3], $0x80, v3, vm0, $0xb8;
	[tilespmem:$0x18400] =	vst v63  }
0xe2: {  	s4 =	simm.s32 $0x2C00  }
0xe3: {  	[tilespmem:s4], [sflag:$0x1] =	stream.indirect_vreg.gather [hbm4b:s6+s3], $0x80, v3, vm0, $0xb8;
	[tilespmem:$0x18400] =	vst v63  }
0xe4: {  	v3 =	vld [tilespmem:$0x90];
	_ =	sdelay $0x4  }
0xe5: {  	v9 =	vshrl.u32 v3, $0x3  }
0xe6: {  	v4 =	vmul.u32 $0x30, v9  }
0xe7: {  	v3 =	vand.u32 $0x7, v3  }
0xe8: {  	v3 =	vor.u32 v3, v4  }
0xe9: {  	v4 =	vperm.xlane v3, v0;
	_ =	sdelay $0x1  }
0xea: {  	v4 =	vadd.s32 v1, v4;
	_ =	sdelay $0x3  }
0xeb: {  	s20 =	simm.s32 $0x3400;
	v3 =	vperm.xlane v3, v2  }
0xec: {  	[tilespmem:s20], [sflag:$0x1] =	stream.indirect_vreg.gather [hbm4b:s2+s3], $0x80, v4, vm0, $0xb8;
	[tilespmem:$0x18400] =	vst v63  }
0xed: {  	s7 =	simm.s32 $0x3C00;
	v3 =	vadd.s32 v1, v3  }
0xee: {  	[tilespmem:s7], [sflag:$0x1] =	stream.indirect_vreg.gather [hbm4b:s5+s3], $0x80, v4, vm0, $0xb8;
	[tilespmem:$0x18400] =	vst v63  }
0xef: {  	s28 =	simm.s32 $0x4400  }
0xf0: {  	[tilespmem:s28], [sflag:$0x1] =	stream.indirect_vreg.gather [hbm4b:s6+s3], $0x80, v4, vm0, $0xb8;
	[tilespmem:$0x18400] =	vst v63  }
0xf1: {  	s26 =	simm.s32 $0x4C00  }
0xf2: {  	[tilespmem:s26], [sflag:$0x1] =	stream.indirect_vreg.gather [hbm4b:s2+s3], $0x80, v3, vm0, $0xb8;
	[tilespmem:$0x18400] =	vst v63  }
0xf3: {  	s28 =	simm.s32 $0x5400  }
0xf4: {  	[tilespmem:s28], [sflag:$0x1] =	stream.indirect_vreg.gather [hbm4b:s5+s3], $0x80, v3, vm0, $0xb8;
	[tilespmem:$0x18400] =	vst v63  }
0xf5: {  	s20 =	simm.s32 $0x5C00  }
0xf6: {  	[tilespmem:s20], [sflag:$0x1] =	stream.indirect_vreg.gather [hbm4b:s6+s3], $0x80, v3, vm0, $0xb8;
	[tilespmem:$0x18400] =	vst v63  }
0xf7: {  	_ =	swait.ge [sflag:s11], $0x6000  }
0xf8: {  	[sflag:s11] =	ssyncset.done $0x0  }
0xf9: {  	s25 =	simm.s32 $0x6400;
	s24 =	rddreg [dreg:$0x5];
	[sflag:s11] =	ssyncadd.s32 $0xFFFFA000  }
0xfa: {  	[hbm4b:s24+s3] =	stream.linear.scatter [tilespmem:s25], [sflag:$0x6], $0x6000, $0x38;
	[tilespmem:$0x18400] =	vst v63  }
0xfb: {  	_ =	swait.ge [sflag:s12], $0x6000  }
0xfc: {  	[sflag:s12] =	ssyncset.done $0x0  }
0xfd: {  	[sflag:s12] =	ssyncadd.s32 $0xFFFFA000  }
0xfe: {  	v3 =	vld [tilespmem:$0xA0];
	_ =	sdelay $0x4  }
0xff: {  	v10 =	vshrl.u32 v3, $0x3  }
0x100: {  	v4 =	vmul.u32 $0x30, v10  }
0x101: {  	v3 =	vand.u32 $0x7, v3  }
0x102: {  	v3 =	vor.u32 v3, v4  }
0x103: {  	v4 =	vperm.xlane v3, v0;
	_ =	sdelay $0x1  }
0x104: {  	v4 =	vadd.s32 v1, v4;
	_ =	sdelay $0x3  }
0x105: {  	v3 =	vperm.xlane v3, v2  }
0x106: {  	[tilespmem:s25], [sflag:$0x2] =	stream.indirect_vreg.gather [hbm4b:s2+s3], $0x80, v4, vm0, $0xb8;
	[tilespmem:$0x18400] =	vst v63  }
0x107: {  	s9 =	simm.s32 $0x6C00;
	v3 =	vadd.s32 v1, v3  }
0x108: {  	[tilespmem:s9], [sflag:$0x2] =	stream.indirect_vreg.gather [hbm4b:s5+s3], $0x80, v4, vm0, $0xb8;
	[tilespmem:$0x18400] =	vst v63  }
0x109: {  	s18 =	simm.s32 $0x7400  }
0x10a: {  	[tilespmem:s18], [sflag:$0x2] =	stream.indirect_vreg.gather [hbm4b:s6+s3], $0x80, v4, vm0, $0xb8;
	[tilespmem:$0x18400] =	vst v63  }
0x10b: {  	s29 =	simm.s32 $0x7C00  }
0x10c: {  	[tilespmem:s29], [sflag:$0x2] =	stream.indirect_vreg.gather [hbm4b:s2+s3], $0x80, v3, vm0, $0xb8;
	[tilespmem:$0x18400] =	vst v63  }
0x10d: {  	s30 =	simm.s32 $0x8400  }
0x10e: {  	[tilespmem:s30], [sflag:$0x2] =	stream.indirect_vreg.gather [hbm4b:s5+s3], $0x80, v3, vm0, $0xb8;
	[tilespmem:$0x18400] =	vst v63  }
0x10f: {  	s19 =	simm.s32 $0x8C00  }
0x110: {  	[tilespmem:s19], [sflag:$0x2] =	stream.indirect_vreg.gather [hbm4b:s6+s3], $0x80, v3, vm0, $0xb8;
	[tilespmem:$0x18400] =	vst v63  }
0x111: {  	v3 =	vld [tilespmem:$0xB0];
	_ =	sdelay $0x4  }
0x112: {  	v11 =	vshrl.u32 v3, $0x3  }
0x113: {  	v4 =	vmul.u32 $0x30, v11  }
0x114: {  	v3 =	vand.u32 $0x7, v3  }
0x115: {  	v3 =	vor.u32 v3, v4  }
0x116: {  	v4 =	vperm.xlane v3, v0;
	_ =	sdelay $0x1  }
0x117: {  	v4 =	vadd.s32 v1, v4;
	_ =	sdelay $0x3  }
0x118: {  	s23 =	simm.s32 $0x9400;
	v3 =	vperm.xlane v3, v2  }
0x119: {  	[tilespmem:s23], [sflag:$0x2] =	stream.indirect_vreg.gather [hbm4b:s2+s3], $0x80, v4, vm0, $0xb8;
	[tilespmem:$0x18400] =	vst v63  }
0x11a: {  	s31 =	simm.s32 $0x9C00;
	v3 =	vadd.s32 v1, v3  }
0x11b: {  	[tilespmem:s31], [sflag:$0x2] =	stream.indirect_vreg.gather [hbm4b:s5+s3], $0x80, v4, vm0, $0xb8;
	[tilespmem:$0x18400] =	vst v63  }
0x11c: {  	s19 =	simm.s32 $0xA400  }
0x11d: {  	[tilespmem:s19], [sflag:$0x2] =	stream.indirect_vreg.gather [hbm4b:s6+s3], $0x80, v4, vm0, $0xb8;
	[tilespmem:$0x18400] =	vst v63  }
0x11e: {  	s23 =	simm.s32 $0xAC00  }
0x11f: {  	[tilespmem:s23], [sflag:$0x2] =	stream.indirect_vreg.gather [hbm4b:s2+s3], $0x80, v3, vm0, $0xb8;
	[tilespmem:$0x18400] =	vst v63  }
0x120: {  	s24 =	simm.s32 $0xB400  }
0x121: {  	[tilespmem:s24], [sflag:$0x2] =	stream.indirect_vreg.gather [hbm4b:s5+s3], $0x80, v3, vm0, $0xb8;
	[tilespmem:$0x18400] =	vst v63  }
0x122: {  	s25 =	simm.s32 $0xBC00  }
0x123: {  	[tilespmem:s25], [sflag:$0x2] =	stream.indirect_vreg.gather [hbm4b:s6+s3], $0x80, v3, vm0, $0xb8;
	[tilespmem:$0x18400] =	vst v63  }
0x124: {  	_ =	swait.ge [sflag:s13], $0x6000  }
0x125: {  	[sflag:s13] =	ssyncset.done $0x0  }
0x126: {  	s1 =	simm.s32 $0xC400;
	s0 =	rddreg [dreg:$0x6];
	[sflag:s13] =	ssyncadd.s32 $0xFFFFA000  }
0x127: {  	[hbm4b:s0+s3] =	stream.linear.scatter [tilespmem:s1], [sflag:$0x7], $0x6000, $0x38;
	[tilespmem:$0x18400] =	vst v63  }
0x128: {  	_ =	swait.ge [sflag:s14], $0x6000  }
0x129: {  	[sflag:s14] =	ssyncset.done $0x0  }
0x12a: {  	[sflag:s14] =	ssyncadd.s32 $0xFFFFA000  }
0x12b: {  	v3 =	vld [tilespmem:$0xC0];
	_ =	sdelay $0x4  }
0x12c: {  	v12 =	vshrl.u32 v3, $0x3  }
0x12d: {  	v4 =	vmul.u32 $0x30, v12  }
0x12e: {  	v3 =	vand.u32 $0x7, v3  }
0x12f: {  	v3 =	vor.u32 v3, v4  }
0x130: {  	v4 =	vperm.xlane v3, v0;
	_ =	sdelay $0x1  }
0x131: {  	v4 =	vadd.s32 v1, v4;
	_ =	sdelay $0x3  }
0x132: {  	v3 =	vperm.xlane v3, v2  }
0x133: {  	[tilespmem:s1], [sflag:$0x3] =	stream.indirect_vreg.gather [hbm4b:s2+s3], $0x80, v4, vm0, $0xb8;
	[tilespmem:$0x18400] =	vst v63  }
0x134: {  	s29 =	simm.s32 $0xCC00;
	v3 =	vadd.s32 v1, v3  }
0x135: {  	[tilespmem:s29], [sflag:$0x3] =	stream.indirect_vreg.gather [hbm4b:s5+s3], $0x80, v4, vm0, $0xb8;
	[tilespmem:$0x18400] =	vst v63  }
0x136: {  	s30 =	simm.s32 $0xD400  }
0x137: {  	[tilespmem:s30], [sflag:$0x3] =	stream.indirect_vreg.gather [hbm4b:s6+s3], $0x80, v4, vm0, $0xb8;
	[tilespmem:$0x18400] =	vst v63  }
0x138: {  	s31 =	simm.s32 $0xDC00  }
0x139: {  	[tilespmem:s31], [sflag:$0x3] =	stream.indirect_vreg.gather [hbm4b:s2+s3], $0x80, v3, vm0, $0xb8;
	[tilespmem:$0x18400] =	vst v63  }
0x13a: {  	s21 =	simm.s32 $0xE400  }
0x13b: {  	[tilespmem:s21], [sflag:$0x3] =	stream.indirect_vreg.gather [hbm4b:s5+s3], $0x80, v3, vm0, $0xb8;
	[tilespmem:$0x18400] =	vst v63  }
0x13c: {  	s7 =	simm.s32 $0xEC00  }
0x13d: {  	[tilespmem:s7], [sflag:$0x3] =	stream.indirect_vreg.gather [hbm4b:s6+s3], $0x80, v3, vm0, $0xb8;
	[tilespmem:$0x18400] =	vst v63  }
0x13e: {  	v3 =	vld [tilespmem:$0xD0];
	_ =	sdelay $0x4  }
0x13f: {  	v13 =	vshrl.u32 v3, $0x3  }
0x140: {  	v4 =	vmul.u32 $0x30, v13  }
0x141: {  	v3 =	vand.u32 $0x7, v3  }
0x142: {  	v3 =	vor.u32 v3, v4  }
0x143: {  	v4 =	vperm.xlane v3, v0;
	_ =	sdelay $0x1  }
0x144: {  	v4 =	vadd.s32 v1, v4;
	_ =	sdelay $0x3  }
0x145: {  	s9 =	simm.s32 $0xF400;
	v3 =	vperm.xlane v3, v2  }
0x146: {  	[tilespmem:s9], [sflag:$0x3] =	stream.indirect_vreg.gather [hbm4b:s2+s3], $0x80, v4, vm0, $0xb8;
	[tilespmem:$0x18400] =	vst v63  }
0x147: {  	s1 =	simm.s32 $0xFC00;
	v3 =	vadd.s32 v1, v3  }
0x148: {  	[tilespmem:s1], [sflag:$0x3] =	stream.indirect_vreg.gather [hbm4b:s5+s3], $0x80, v4, vm0, $0xb8;
	[tilespmem:$0x18400] =	vst v63  }
0x149: {  	s9 =	simm.s32 $0x10400  }
0x14a: {  	[tilespmem:s9], [sflag:$0x3] =	stream.indirect_vreg.gather [hbm4b:s6+s3], $0x80, v4, vm0, $0xb8;
	[tilespmem:$0x18400] =	vst v63  }
0x14b: {  	s7 =	simm.s32 $0x10C00  }
0x14c: {  	[tilespmem:s7], [sflag:$0x3] =	stream.indirect_vreg.gather [hbm4b:s2+s3], $0x80, v3, vm0, $0xb8;
	[tilespmem:$0x18400] =	vst v63  }
0x14d: {  	s18 =	simm.s32 $0x11400  }
0x14e: {  	[tilespmem:s18], [sflag:$0x3] =	stream.indirect_vreg.gather [hbm4b:s5+s3], $0x80, v3, vm0, $0xb8;
	[tilespmem:$0x18400] =	vst v63  }
0x14f: {  	s17 =	simm.s32 $0x11C00  }
0x150: {  	[tilespmem:s17], [sflag:$0x3] =	stream.indirect_vreg.gather [hbm4b:s6+s3], $0x80, v3, vm0, $0xb8;
	[tilespmem:$0x18400] =	vst v63  }
0x151: {  	_ =	swait.ge [sflag:s15], $0x6000  }
0x152: {  	[sflag:s15] =	ssyncset.done $0x0  }
0x153: {  	s0 =	rddreg [dreg:$0x7];
	[sflag:s15] =	ssyncadd.s32 $0xFFFFA000  }
0x154: {  	[hbm4b:s0+s3] =	stream.linear.scatter [tilespmem:s22], [sflag:$0x8], $0x6000, $0x38;
	[tilespmem:$0x18400] =	vst v63  }
0x155: {  	_ =	swait.ge [sflag:s16], $0x6000  }
0x156: {  	[sflag:s16] =	ssyncset.done $0x0  }
0x157: {  	[sflag:s16] =	ssyncadd.s32 $0xFFFFA000  }
0x158: {  	v3 =	vld [tilespmem:$0xE0];
	_ =	sdelay $0x4  }
0x159: {  	v14 =	vshrl.u32 v3, $0x3  }
0x15a: {  	v4 =	vmul.u32 $0x30, v14  }
0x15b: {  	v3 =	vand.u32 $0x7, v3  }
0x15c: {  	v3 =	vor.u32 v3, v4  }
0x15d: {  	v4 =	vperm.xlane v3, v0;
	_ =	sdelay $0x1  }
0x15e: {  	v4 =	vadd.s32 v1, v4;
	_ =	sdelay $0x3  }
0x15f: {  	v3 =	vperm.xlane v3, v2  }
0x160: {  	[tilespmem:s22], [sflag:$0x4] =	stream.indirect_vreg.gather [hbm4b:s2+s3], $0x80, v4, vm0, $0xb8;
	[tilespmem:$0x18400] =	vst v63  }
0x161: {  	s17 =	simm.s32 $0x12C00;
	v3 =	vadd.s32 v1, v3  }
0x162: {  	[tilespmem:s17], [sflag:$0x4] =	stream.indirect_vreg.gather [hbm4b:s5+s3], $0x80, v4, vm0, $0xb8;
	[tilespmem:$0x18400] =	vst v63  }
0x163: {  	s17 =	simm.s32 $0x13400  }
0x164: {  	[tilespmem:s17], [sflag:$0x4] =	stream.indirect_vreg.gather [hbm4b:s6+s3], $0x80, v4, vm0, $0xb8;
	[tilespmem:$0x18400] =	vst v63  }
0x165: {  	s17 =	simm.s32 $0x13C00  }
0x166: {  	[tilespmem:s17], [sflag:$0x4] =	stream.indirect_vreg.gather [hbm4b:s2+s3], $0x80, v3, vm0, $0xb8;
	[tilespmem:$0x18400] =	vst v63  }
0x167: {  	s17 =	simm.s32 $0x14400  }
0x168: {  	[tilespmem:s17], [sflag:$0x4] =	stream.indirect_vreg.gather [hbm4b:s5+s3], $0x80, v3, vm0, $0xb8;
	[tilespmem:$0x18400] =	vst v63  }
0x169: {  	s17 =	simm.s32 $0x14C00  }
0x16a: {  	[tilespmem:s17], [sflag:$0x4] =	stream.indirect_vreg.gather [hbm4b:s6+s3], $0x80, v3, vm0, $0xb8;
	[tilespmem:$0x18400] =	vst v63  }
0x16b: {  	v3 =	vld [tilespmem:$0xF0];
	_ =	sdelay $0x4  }
0x16c: {  	v15 =	vshrl.u32 v3, $0x3  }
0x16d: {  	v4 =	vmul.u32 $0x30, v15  }
0x16e: {  	v3 =	vand.u32 $0x7, v3  }
0x16f: {  	v3 =	vor.u32 v3, v4  }
0x170: {  	v4 =	vperm.xlane v3, v0;
	_ =	sdelay $0x1  }
0x171: {  	v4 =	vadd.s32 v1, v4;
	_ =	sdelay $0x3  }
0x172: {  	s17 =	simm.s32 $0x15400;
	v3 =	vperm.xlane v3, v2  }
0x173: {  	[tilespmem:s17], [sflag:$0x4] =	stream.indirect_vreg.gather [hbm4b:s2+s3], $0x80, v4, vm0, $0xb8;
	[tilespmem:$0x18400] =	vst v63  }
0x174: {  	v3 =	vadd.s32 v1, v3;
	s17 =	simm.s32 $0x15C00  }
0x175: {  	[tilespmem:s17], [sflag:$0x4] =	stream.indirect_vreg.gather [hbm4b:s5+s3], $0x80, v4, vm0, $0xb8;
	[tilespmem:$0x18400] =	vst v63  }
0x176: {  	s17 =	simm.s32 $0x16400  }
0x177: {  	[tilespmem:s17], [sflag:$0x4] =	stream.indirect_vreg.gather [hbm4b:s6+s3], $0x80, v4, vm0, $0xb8;
	[tilespmem:$0x18400] =	vst v63  }
0x178: {  	s17 =	simm.s32 $0x16C00  }
0x179: {  	[tilespmem:s17], [sflag:$0x4] =	stream.indirect_vreg.gather [hbm4b:s2+s3], $0x80, v3, vm0, $0xb8;
	[tilespmem:$0x18400] =	vst v63  }
0x17a: {  	s17 =	simm.s32 $0x17400  }
0x17b: {  	[tilespmem:s17], [sflag:$0x4] =	stream.indirect_vreg.gather [hbm4b:s5+s3], $0x80, v3, vm0, $0xb8;
	[tilespmem:$0x18400] =	vst v63  }
0x17c: {  	s17 =	simm.s32 $0x17C00  }
0x17d: {  	[tilespmem:s17], [sflag:$0x4] =	stream.indirect_vreg.gather [hbm4b:s6+s3], $0x80, v3, vm0, $0xb8;
	[tilespmem:$0x18400] =	vst v63  }
0x17e: {  	_ =	swait.ge [sflag:s8], $0x6000  }
0x17f: {  	[sflag:s8] =	ssyncset.done $0x0  }
0x180: {  	s0 =	simm.s32 $0x400;
	s17 =	rddreg [dreg:$0x8];
	[sflag:s8] =	ssyncadd.s32 $0xFFFFA000  }
0x181: {  	[hbm4b:s17+s3] =	stream.linear.scatter [tilespmem:s0], [sflag:$0x5], $0x6000, $0x38;
	[tilespmem:$0x18400] =	vst v63  }
0x182: {  	_ =	swait.ge [sflag:s10], $0x6000  }
0x183: {  	[sflag:s10] =	ssyncset.done $0x0  }
0x184: {  	[sflag:s10] =	ssyncadd.s32 $0xFFFFA000  }
0x185: {  	v3 =	vld [tilespmem:$0x100];
	_ =	sdelay $0x4  }
0x186: {  	v16 =	vshrl.u32 v3, $0x3  }
0x187: {  	v4 =	vmul.u32 $0x30, v16  }
0x188: {  	v3 =	vand.u32 $0x7, v3  }
0x189: {  	v3 =	vor.u32 v3, v4  }
0x18a: {  	v4 =	vperm.xlane v3, v0;
	_ =	sdelay $0x1  }
0x18b: {  	v4 =	vadd.s32 v1, v4;
	_ =	sdelay $0x3  }
0x18c: {  	v3 =	vperm.xlane v3, v2  }
0x18d: {  	[tilespmem:s0], [sflag:$0x1] =	stream.indirect_vreg.gather [hbm4b:s2+s3], $0x80, v4, vm0, $0xb8;
	[tilespmem:$0x18400] =	vst v63  }
0x18e: {  	s17 =	simm.s32 $0xC00;
	v3 =	vadd.s32 v1, v3  }
0x18f: {  	[tilespmem:s17], [sflag:$0x1] =	stream.indirect_vreg.gather [hbm4b:s5+s3], $0x80, v4, vm0, $0xb8;
	[tilespmem:$0x18400] =	vst v63  }
0x190: {  	s17 =	simm.s32 $0x1400  }
0x191: {  	[tilespmem:s17], [sflag:$0x1] =	stream.indirect_vreg.gather [hbm4b:s6+s3], $0x80, v4, vm0, $0xb8;
	[tilespmem:$0x18400] =	vst v63  }
0x192: {  	s17 =	simm.s32 $0x1C00  }
0x193: {  	[tilespmem:s17], [sflag:$0x1] =	stream.indirect_vreg.gather [hbm4b:s2+s3], $0x80, v3, vm0, $0xb8;
	[tilespmem:$0x18400] =	vst v63  }
0x194: {  	s17 =	simm.s32 $0x2400  }
0x195: {  	[tilespmem:s17], [sflag:$0x1] =	stream.indirect_vreg.gather [hbm4b:s5+s3], $0x80, v3, vm0, $0xb8;
	[tilespmem:$0x18400] =	vst v63  }
0x196: {  	_ = 	snop  }
0x197: {  	[tilespmem:s4], [sflag:$0x1] =	stream.indirect_vreg.gather [hbm4b:s6+s3], $0x80, v3, vm0, $0xb8;
	[tilespmem:$0x18400] =	vst v63  }
0x198: {  	v3 =	vld [tilespmem:$0x110];
	_ =	sdelay $0x4  }
0x199: {  	v17 =	vshrl.u32 v3, $0x3  }
0x19a: {  	v4 =	vmul.u32 $0x30, v17  }
0x19b: {  	v3 =	vand.u32 $0x7, v3  }
0x19c: {  	v3 =	vor.u32 v3, v4  }
0x19d: {  	v4 =	vperm.xlane v3, v0;
	_ =	sdelay $0x1  }
0x19e: {  	v4 =	vadd.s32 v1, v4;
	_ =	sdelay $0x3  }
0x19f: {  	s17 =	simm.s32 $0x3400;
	v3 =	vperm.xlane v3, v2  }
0x1a0: {  	[tilespmem:s17], [sflag:$0x1] =	stream.indirect_vreg.gather [hbm4b:s2+s3], $0x80, v4, vm0, $0xb8;
	[tilespmem:$0x18400] =	vst v63  }
0x1a1: {  	s4 =	simm.s32 $0x3C00;
	v3 =	vadd.s32 v1, v3  }
0x1a2: {  	[tilespmem:s4], [sflag:$0x1] =	stream.indirect_vreg.gather [hbm4b:s5+s3], $0x80, v4, vm0, $0xb8;
	[tilespmem:$0x18400] =	vst v63  }
0x1a3: {  	s17 =	simm.s32 $0x4400  }
0x1a4: {  	[tilespmem:s17], [sflag:$0x1] =	stream.indirect_vreg.gather [hbm4b:s6+s3], $0x80, v4, vm0, $0xb8;
	[tilespmem:$0x18400] =	vst v63  }
0x1a5: {  	_ = 	snop  }
0x1a6: {  	[tilespmem:s26], [sflag:$0x1] =	stream.indirect_vreg.gather [hbm4b:s2+s3], $0x80, v3, vm0, $0xb8;
	[tilespmem:$0x18400] =	vst v63  }
0x1a7: {  	_ = 	snop  }
0x1a8: {  	[tilespmem:s28], [sflag:$0x1] =	stream.indirect_vreg.gather [hbm4b:s5+s3], $0x80, v3, vm0, $0xb8;
	[tilespmem:$0x18400] =	vst v63  }
0x1a9: {  	_ = 	snop  }
0x1aa: {  	[tilespmem:s20], [sflag:$0x1] =	stream.indirect_vreg.gather [hbm4b:s6+s3], $0x80, v3, vm0, $0xb8;
	[tilespmem:$0x18400] =	vst v63  }
0x1ab: {  	_ =	swait.ge [sflag:s11], $0x6000  }
0x1ac: {  	[sflag:s11] =	ssyncset.done $0x0  }
0x1ad: {  	s4 =	simm.s32 $0x6400;
	s0 =	rddreg [dreg:$0x9];
	[sflag:s11] =	ssyncadd.s32 $0xFFFFA000  }
0x1ae: {  	[hbm4b:s0+s3] =	stream.linear.scatter [tilespmem:s4], [sflag:$0x6], $0x6000, $0x38;
	[tilespmem:$0x18400] =	vst v63  }
0x1af: {  	_ =	swait.ge [sflag:s12], $0x6000  }
0x1b0: {  	[sflag:s12] =	ssyncset.done $0x0  }
0x1b1: {  	[sflag:s12] =	ssyncadd.s32 $0xFFFFA000  }
0x1b2: {  	v3 =	vld [tilespmem:$0x120];
	_ =	sdelay $0x4  }
0x1b3: {  	v18 =	vshrl.u32 v3, $0x3  }
0x1b4: {  	v4 =	vmul.u32 $0x30, v18  }
0x1b5: {  	v3 =	vand.u32 $0x7, v3  }
0x1b6: {  	v3 =	vor.u32 v3, v4  }
0x1b7: {  	v4 =	vperm.xlane v3, v0;
	_ =	sdelay $0x1  }
0x1b8: {  	v4 =	vadd.s32 v1, v4;
	_ =	sdelay $0x3  }
0x1b9: {  	v3 =	vperm.xlane v3, v2  }
0x1ba: {  	[tilespmem:s4], [sflag:$0x2] =	stream.indirect_vreg.gather [hbm4b:s2+s3], $0x80, v4, vm0, $0xb8;
	[tilespmem:$0x18400] =	vst v63  }
0x1bb: {  	s17 =	simm.s32 $0x6C00;
	v3 =	vadd.s32 v1, v3  }
0x1bc: {  	[tilespmem:s17], [sflag:$0x2] =	stream.indirect_vreg.gather [hbm4b:s5+s3], $0x80, v4, vm0, $0xb8;
	[tilespmem:$0x18400] =	vst v63  }
0x1bd: {  	s28 =	simm.s32 $0x7400  }
0x1be: {  	[tilespmem:s28], [sflag:$0x2] =	stream.indirect_vreg.gather [hbm4b:s6+s3], $0x80, v4, vm0, $0xb8;
	[tilespmem:$0x18400] =	vst v63  }
0x1bf: {  	s4 =	simm.s32 $0x7C00  }
0x1c0: {  	[tilespmem:s4], [sflag:$0x2] =	stream.indirect_vreg.gather [hbm4b:s2+s3], $0x80, v3, vm0, $0xb8;
	[tilespmem:$0x18400] =	vst v63  }
0x1c1: {  	s17 =	simm.s32 $0x8400  }
0x1c2: {  	[tilespmem:s17], [sflag:$0x2] =	stream.indirect_vreg.gather [hbm4b:s5+s3], $0x80, v3, vm0, $0xb8;
	[tilespmem:$0x18400] =	vst v63  }
0x1c3: {  	s28 =	simm.s32 $0x8C00  }
0x1c4: {  	[tilespmem:s28], [sflag:$0x2] =	stream.indirect_vreg.gather [hbm4b:s6+s3], $0x80, v3, vm0, $0xb8;
	[tilespmem:$0x18400] =	vst v63  }
0x1c5: {  	v3 =	vld [tilespmem:$0x130];
	_ =	sdelay $0x4  }
0x1c6: {  	v19 =	vshrl.u32 v3, $0x3  }
0x1c7: {  	v4 =	vmul.u32 $0x30, v19  }
0x1c8: {  	v3 =	vand.u32 $0x7, v3  }
0x1c9: {  	v3 =	vor.u32 v3, v4  }
0x1ca: {  	v4 =	vperm.xlane v3, v0;
	_ =	sdelay $0x1  }
0x1cb: {  	v4 =	vadd.s32 v1, v4;
	_ =	sdelay $0x3  }
0x1cc: {  	s4 =	simm.s32 $0x9400;
	v3 =	vperm.xlane v3, v2  }
0x1cd: {  	[tilespmem:s4], [sflag:$0x2] =	stream.indirect_vreg.gather [hbm4b:s2+s3], $0x80, v4, vm0, $0xb8;
	[tilespmem:$0x18400] =	vst v63  }
0x1ce: {  	s17 =	simm.s32 $0x9C00;
	v3 =	vadd.s32 v1, v3  }
0x1cf: {  	[tilespmem:s17], [sflag:$0x2] =	stream.indirect_vreg.gather [hbm4b:s5+s3], $0x80, v4, vm0, $0xb8;
	[tilespmem:$0x18400] =	vst v63  }
0x1d0: {  	_ = 	snop  }
0x1d1: {  	[tilespmem:s19], [sflag:$0x2] =	stream.indirect_vreg.gather [hbm4b:s6+s3], $0x80, v4, vm0, $0xb8;
	[tilespmem:$0x18400] =	vst v63  }
0x1d2: {  	_ = 	snop  }
0x1d3: {  	[tilespmem:s23], [sflag:$0x2] =	stream.indirect_vreg.gather [hbm4b:s2+s3], $0x80, v3, vm0, $0xb8;
	[tilespmem:$0x18400] =	vst v63  }
0x1d4: {  	_ = 	snop  }
0x1d5: {  	[tilespmem:s24], [sflag:$0x2] =	stream.indirect_vreg.gather [hbm4b:s5+s3], $0x80, v3, vm0, $0xb8;
	[tilespmem:$0x18400] =	vst v63  }
0x1d6: {  	_ = 	snop  }
0x1d7: {  	[tilespmem:s25], [sflag:$0x2] =	stream.indirect_vreg.gather [hbm4b:s6+s3], $0x80, v3, vm0, $0xb8;
	[tilespmem:$0x18400] =	vst v63  }
0x1d8: {  	_ =	swait.ge [sflag:s13], $0x6000  }
0x1d9: {  	[sflag:s13] =	ssyncset.done $0x0  }
0x1da: {  	s0 =	simm.s32 $0xC400;
	s28 =	rddreg [dreg:$0xa];
	[sflag:s13] =	ssyncadd.s32 $0xFFFFA000  }
0x1db: {  	[hbm4b:s28+s3] =	stream.linear.scatter [tilespmem:s0], [sflag:$0x7], $0x6000, $0x38;
	[tilespmem:$0x18400] =	vst v63  }
0x1dc: {  	_ =	swait.ge [sflag:s14], $0x6000  }
0x1dd: {  	[sflag:s14] =	ssyncset.done $0x0  }
0x1de: {  	[sflag:s14] =	ssyncadd.s32 $0xFFFFA000  }
0x1df: {  	v3 =	vld [tilespmem:$0x140];
	_ =	sdelay $0x4  }
0x1e0: {  	v20 =	vshrl.u32 v3, $0x3  }
0x1e1: {  	v4 =	vmul.u32 $0x30, v20  }
0x1e2: {  	v3 =	vand.u32 $0x7, v3  }
0x1e3: {  	v3 =	vor.u32 v3, v4  }
0x1e4: {  	v4 =	vperm.xlane v3, v0;
	_ =	sdelay $0x1  }
0x1e5: {  	v4 =	vadd.s32 v1, v4;
	_ =	sdelay $0x3  }
0x1e6: {  	v3 =	vperm.xlane v3, v2  }
0x1e7: {  	[tilespmem:s0], [sflag:$0x3] =	stream.indirect_vreg.gather [hbm4b:s2+s3], $0x80, v4, vm0, $0xb8;
	[tilespmem:$0x18400] =	vst v63  }
0x1e8: {  	v3 =	vadd.s32 v1, v3  }
0x1e9: {  	[tilespmem:s29], [sflag:$0x3] =	stream.indirect_vreg.gather [hbm4b:s5+s3], $0x80, v4, vm0, $0xb8;
	[tilespmem:$0x18400] =	vst v63  }
0x1ea: {  	_ = 	snop  }
0x1eb: {  	[tilespmem:s30], [sflag:$0x3] =	stream.indirect_vreg.gather [hbm4b:s6+s3], $0x80, v4, vm0, $0xb8;
	[tilespmem:$0x18400] =	vst v63  }
0x1ec: {  	_ = 	snop  }
0x1ed: {  	[tilespmem:s31], [sflag:$0x3] =	stream.indirect_vreg.gather [hbm4b:s2+s3], $0x80, v3, vm0, $0xb8;
	[tilespmem:$0x18400] =	vst v63  }
0x1ee: {  	_ = 	snop  }
0x1ef: {  	[tilespmem:s21], [sflag:$0x3] =	stream.indirect_vreg.gather [hbm4b:s5+s3], $0x80, v3, vm0, $0xb8;
	[tilespmem:$0x18400] =	vst v63  }
0x1f0: {  	s17 =	simm.s32 $0xEC00  }
0x1f1: {  	[tilespmem:s17], [sflag:$0x3] =	stream.indirect_vreg.gather [hbm4b:s6+s3], $0x80, v3, vm0, $0xb8;
	[tilespmem:$0x18400] =	vst v63  }
0x1f2: {  	v3 =	vld [tilespmem:$0x150];
	_ =	sdelay $0x4  }
0x1f3: {  	v21 =	vshrl.u32 v3, $0x3  }
0x1f4: {  	v4 =	vmul.u32 $0x30, v21  }
0x1f5: {  	v3 =	vand.u32 $0x7, v3  }
0x1f6: {  	v3 =	vor.u32 v3, v4  }
0x1f7: {  	v4 =	vperm.xlane v3, v0;
	_ =	sdelay $0x1  }
0x1f8: {  	v4 =	vadd.s32 v1, v4;
	_ =	sdelay $0x3  }
0x1f9: {  	s19 =	simm.s32 $0xF400;
	v3 =	vperm.xlane v3, v2  }
0x1fa: {  	[tilespmem:s19], [sflag:$0x3] =	stream.indirect_vreg.gather [hbm4b:s2+s3], $0x80, v4, vm0, $0xb8;
	[tilespmem:$0x18400] =	vst v63  }
0x1fb: {  	v3 =	vadd.s32 v1, v3  }
0x1fc: {  	[tilespmem:s1], [sflag:$0x3] =	stream.indirect_vreg.gather [hbm4b:s5+s3], $0x80, v4, vm0, $0xb8;
	[tilespmem:$0x18400] =	vst v63  }
0x1fd: {  	_ = 	snop  }
0x1fe: {  	[tilespmem:s9], [sflag:$0x3] =	stream.indirect_vreg.gather [hbm4b:s6+s3], $0x80, v4, vm0, $0xb8;
	[tilespmem:$0x18400] =	vst v63  }
0x1ff: {  	_ = 	snop  }
0x200: {  	[tilespmem:s7], [sflag:$0x3] =	stream.indirect_vreg.gather [hbm4b:s2+s3], $0x80, v3, vm0, $0xb8;
	[tilespmem:$0x18400] =	vst v63  }
0x201: {  	_ = 	snop  }
0x202: {  	[tilespmem:s18], [sflag:$0x3] =	stream.indirect_vreg.gather [hbm4b:s5+s3], $0x80, v3, vm0, $0xb8;
	[tilespmem:$0x18400] =	vst v63  }
0x203: {  	s21 =	simm.s32 $0x11C00  }
0x204: {  	[tilespmem:s21], [sflag:$0x3] =	stream.indirect_vreg.gather [hbm4b:s6+s3], $0x80, v3, vm0, $0xb8;
	[tilespmem:$0x18400] =	vst v63  }
0x205: {  	_ =	swait.ge [sflag:s15], $0x6000  }
0x206: {  	[sflag:s15] =	ssyncset.done $0x0  }
0x207: {  	s9 =	rddreg [dreg:$0xb];
	[sflag:s15] =	ssyncadd.s32 $0xFFFFA000  }
0x208: {  	[hbm4b:s9+s3] =	stream.linear.scatter [tilespmem:s22], [sflag:$0x8], $0x6000, $0x38;
	[tilespmem:$0x18400] =	vst v63  }
0x209: {  	_ =	swait.ge [sflag:s16], $0x6000  }
0x20a: {  	[sflag:s16] =	ssyncset.done $0x0  }
0x20b: {  	[sflag:s16] =	ssyncadd.s32 $0xFFFFA000  }
0x20c: {  	v3 =	vld [tilespmem:$0x160];
	_ =	sdelay $0x4  }
0x20d: {  	v22 =	vshrl.u32 v3, $0x3  }
0x20e: {  	v4 =	vmul.u32 $0x30, v22  }
0x20f: {  	v3 =	vand.u32 $0x7, v3  }
0x210: {  	v3 =	vor.u32 v3, v4  }
0x211: {  	v4 =	vperm.xlane v3, v0;
	_ =	sdelay $0x1  }
0x212: {  	v4 =	vadd.s32 v1, v4;
	_ =	sdelay $0x3  }
0x213: {  	v3 =	vperm.xlane v3, v2  }
0x214: {  	[tilespmem:s22], [sflag:$0x4] =	stream.indirect_vreg.gather [hbm4b:s2+s3], $0x80, v4, vm0, $0xb8;
	[tilespmem:$0x18400] =	vst v63  }
0x215: {  	s17 =	simm.s32 $0x12C00;
	v3 =	vadd.s32 v1, v3  }
0x216: {  	[tilespmem:s17], [sflag:$0x4] =	stream.indirect_vreg.gather [hbm4b:s5+s3], $0x80, v4, vm0, $0xb8;
	[tilespmem:$0x18400] =	vst v63  }
0x217: {  	s18 =	simm.s32 $0x13400  }
0x218: {  	[tilespmem:s18], [sflag:$0x4] =	stream.indirect_vreg.gather [hbm4b:s6+s3], $0x80, v4, vm0, $0xb8;
	[tilespmem:$0x18400] =	vst v63  }
0x219: {  	s21 =	simm.s32 $0x13C00  }
0x21a: {  	[tilespmem:s21], [sflag:$0x4] =	stream.indirect_vreg.gather [hbm4b:s2+s3], $0x80, v3, vm0, $0xb8;
	[tilespmem:$0x18400] =	vst v63  }
0x21b: {  	s17 =	simm.s32 $0x14400  }
0x21c: {  	[tilespmem:s17], [sflag:$0x4] =	stream.indirect_vreg.gather [hbm4b:s5+s3], $0x80, v3, vm0, $0xb8;
	[tilespmem:$0x18400] =	vst v63  }
0x21d: {  	s17 =	simm.s32 $0x14C00  }
0x21e: {  	[tilespmem:s17], [sflag:$0x4] =	stream.indirect_vreg.gather [hbm4b:s6+s3], $0x80, v3, vm0, $0xb8;
	[tilespmem:$0x18400] =	vst v63  }
0x21f: {  	v3 =	vld [tilespmem:$0x170];
	_ =	sdelay $0x4  }
0x220: {  	v23 =	vshrl.u32 v3, $0x3  }
0x221: {  	v4 =	vmul.u32 $0x30, v23  }
0x222: {  	v3 =	vand.u32 $0x7, v3  }
0x223: {  	v3 =	vor.u32 v3, v4  }
0x224: {  	v4 =	vperm.xlane v3, v0;
	_ =	sdelay $0x1  }
0x225: {  	v4 =	vadd.s32 v1, v4;
	_ =	sdelay $0x3  }
0x226: {  	s17 =	simm.s32 $0x15400;
	v3 =	vperm.xlane v3, v2  }
0x227: {  	[tilespmem:s17], [sflag:$0x4] =	stream.indirect_vreg.gather [hbm4b:s2+s3], $0x80, v4, vm0, $0xb8;
	[tilespmem:$0x18400] =	vst v63  }
0x228: {  	v3 =	vadd.s32 v1, v3;
	s17 =	simm.s32 $0x15C00  }
0x229: {  	[tilespmem:s17], [sflag:$0x4] =	stream.indirect_vreg.gather [hbm4b:s5+s3], $0x80, v4, vm0, $0xb8;
	[tilespmem:$0x18400] =	vst v63  }
0x22a: {  	s17 =	simm.s32 $0x16400  }
0x22b: {  	[tilespmem:s17], [sflag:$0x4] =	stream.indirect_vreg.gather [hbm4b:s6+s3], $0x80, v4, vm0, $0xb8;
	[tilespmem:$0x18400] =	vst v63  }
0x22c: {  	s17 =	simm.s32 $0x16C00  }
0x22d: {  	[tilespmem:s17], [sflag:$0x4] =	stream.indirect_vreg.gather [hbm4b:s2+s3], $0x80, v3, vm0, $0xb8;
	[tilespmem:$0x18400] =	vst v63  }
0x22e: {  	s17 =	simm.s32 $0x17400  }
0x22f: {  	[tilespmem:s17], [sflag:$0x4] =	stream.indirect_vreg.gather [hbm4b:s5+s3], $0x80, v3, vm0, $0xb8;
	[tilespmem:$0x18400] =	vst v63  }
0x230: {  	s17 =	simm.s32 $0x17C00  }
0x231: {  	[tilespmem:s17], [sflag:$0x4] =	stream.indirect_vreg.gather [hbm4b:s6+s3], $0x80, v3, vm0, $0xb8;
	[tilespmem:$0x18400] =	vst v63  }
0x232: {  	_ =	swait.ge [sflag:s8], $0x6000  }
0x233: {  	[sflag:s8] =	ssyncset.done $0x0  }
0x234: {  	s0 =	simm.s32 $0x400;
	s17 =	rddreg [dreg:$0xc];
	[sflag:s8] =	ssyncadd.s32 $0xFFFFA000  }
0x235: {  	[hbm4b:s17+s3] =	stream.linear.scatter [tilespmem:s0], [sflag:$0x5], $0x6000, $0x38;
	[tilespmem:$0x18400] =	vst v63  }
0x236: {  	_ =	swait.ge [sflag:s10], $0x6000  }
0x237: {  	[sflag:s10] =	ssyncset.done $0x0  }
0x238: {  	[sflag:s10] =	ssyncadd.s32 $0xFFFFA000  }
0x239: {  	v3 =	vld [tilespmem:$0x180];
	_ =	sdelay $0x4  }
0x23a: {  	v24 =	vshrl.u32 v3, $0x3  }
0x23b: {  	v4 =	vmul.u32 $0x30, v24  }
0x23c: {  	v3 =	vand.u32 $0x7, v3  }
0x23d: {  	v3 =	vor.u32 v3, v4  }
0x23e: {  	v4 =	vperm.xlane v3, v0;
	_ =	sdelay $0x1  }
0x23f: {  	v4 =	vadd.s32 v1, v4;
	_ =	sdelay $0x3  }
0x240: {  	v3 =	vperm.xlane v3, v2  }
0x241: {  	[tilespmem:s0], [sflag:$0x1] =	stream.indirect_vreg.gather [hbm4b:s2+s3], $0x80, v4, vm0, $0xb8;
	[tilespmem:$0x18400] =	vst v63  }
0x242: {  	s17 =	simm.s32 $0xC00;
	v3 =	vadd.s32 v1, v3  }
0x243: {  	[tilespmem:s17], [sflag:$0x1] =	stream.indirect_vreg.gather [hbm4b:s5+s3], $0x80, v4, vm0, $0xb8;
	[tilespmem:$0x18400] =	vst v63  }
0x244: {  	s17 =	simm.s32 $0x1400  }
0x245: {  	[tilespmem:s17], [sflag:$0x1] =	stream.indirect_vreg.gather [hbm4b:s6+s3], $0x80, v4, vm0, $0xb8;
	[tilespmem:$0x18400] =	vst v63  }
0x246: {  	s17 =	simm.s32 $0x1C00  }
0x247: {  	[tilespmem:s17], [sflag:$0x1] =	stream.indirect_vreg.gather [hbm4b:s2+s3], $0x80, v3, vm0, $0xb8;
	[tilespmem:$0x18400] =	vst v63  }
0x248: {  	s17 =	simm.s32 $0x2400  }
0x249: {  	[tilespmem:s17], [sflag:$0x1] =	stream.indirect_vreg.gather [hbm4b:s5+s3], $0x80, v3, vm0, $0xb8;
	[tilespmem:$0x18400] =	vst v63  }
0x24a: {  	s17 =	simm.s32 $0x2C00  }
0x24b: {  	[tilespmem:s17], [sflag:$0x1] =	stream.indirect_vreg.gather [hbm4b:s6+s3], $0x80, v3, vm0, $0xb8;
	[tilespmem:$0x18400] =	vst v63  }
0x24c: {  	v3 =	vld [tilespmem:$0x190];
	_ =	sdelay $0x4  }
0x24d: {  	v25 =	vshrl.u32 v3, $0x3  }
0x24e: {  	v4 =	vmul.u32 $0x30, v25  }
0x24f: {  	v3 =	vand.u32 $0x7, v3  }
0x250: {  	v3 =	vor.u32 v3, v4  }
0x251: {  	v4 =	vperm.xlane v3, v0;
	_ =	sdelay $0x1  }
0x252: {  	v4 =	vadd.s32 v1, v4;
	_ =	sdelay $0x3  }
0x253: {  	s17 =	simm.s32 $0x3400;
	v3 =	vperm.xlane v3, v2  }
0x254: {  	[tilespmem:s17], [sflag:$0x1] =	stream.indirect_vreg.gather [hbm4b:s2+s3], $0x80, v4, vm0, $0xb8;
	[tilespmem:$0x18400] =	vst v63  }
0x255: {  	v3 =	vadd.s32 v1, v3;
	s17 =	simm.s32 $0x3C00  }
0x256: {  	[tilespmem:s17], [sflag:$0x1] =	stream.indirect_vreg.gather [hbm4b:s5+s3], $0x80, v4, vm0, $0xb8;
	[tilespmem:$0x18400] =	vst v63  }
0x257: {  	s17 =	simm.s32 $0x4400  }
0x258: {  	[tilespmem:s17], [sflag:$0x1] =	stream.indirect_vreg.gather [hbm4b:s6+s3], $0x80, v4, vm0, $0xb8;
	[tilespmem:$0x18400] =	vst v63  }
0x259: {  	s17 =	simm.s32 $0x4C00  }
0x25a: {  	[tilespmem:s17], [sflag:$0x1] =	stream.indirect_vreg.gather [hbm4b:s2+s3], $0x80, v3, vm0, $0xb8;
	[tilespmem:$0x18400] =	vst v63  }
0x25b: {  	s26 =	simm.s32 $0x5400  }
0x25c: {  	[tilespmem:s26], [sflag:$0x1] =	stream.indirect_vreg.gather [hbm4b:s5+s3], $0x80, v3, vm0, $0xb8;
	[tilespmem:$0x18400] =	vst v63  }
0x25d: {  	s17 =	simm.s32 $0x5C00  }
0x25e: {  	[tilespmem:s17], [sflag:$0x1] =	stream.indirect_vreg.gather [hbm4b:s6+s3], $0x80, v3, vm0, $0xb8;
	[tilespmem:$0x18400] =	vst v63  }
0x25f: {  	_ =	swait.ge [sflag:s11], $0x6000  }
0x260: {  	[sflag:s11] =	ssyncset.done $0x0  }
0x261: {  	s20 =	simm.s32 $0x6400;
	s17 =	rddreg [dreg:$0xd];
	[sflag:s11] =	ssyncadd.s32 $0xFFFFA000  }
0x262: {  	[hbm4b:s17+s3] =	stream.linear.scatter [tilespmem:s20], [sflag:$0x6], $0x6000, $0x38;
	[tilespmem:$0x18400] =	vst v63  }
0x263: {  	_ =	swait.ge [sflag:s12], $0x6000  }
0x264: {  	[sflag:s12] =	ssyncset.done $0x0  }
0x265: {  	[sflag:s12] =	ssyncadd.s32 $0xFFFFA000  }
0x266: {  	v3 =	vld [tilespmem:$0x1A0];
	_ =	sdelay $0x4  }
0x267: {  	v26 =	vshrl.u32 v3, $0x3  }
0x268: {  	v4 =	vmul.u32 $0x30, v26  }
0x269: {  	v3 =	vand.u32 $0x7, v3  }
0x26a: {  	v3 =	vor.u32 v3, v4  }
0x26b: {  	v4 =	vperm.xlane v3, v0;
	_ =	sdelay $0x1  }
0x26c: {  	v4 =	vadd.s32 v1, v4;
	_ =	sdelay $0x3  }
0x26d: {  	v3 =	vperm.xlane v3, v2  }
0x26e: {  	[tilespmem:s20], [sflag:$0x2] =	stream.indirect_vreg.gather [hbm4b:s2+s3], $0x80, v4, vm0, $0xb8;
	[tilespmem:$0x18400] =	vst v63  }
0x26f: {  	s17 =	simm.s32 $0x6C00;
	v3 =	vadd.s32 v1, v3  }
0x270: {  	[tilespmem:s17], [sflag:$0x2] =	stream.indirect_vreg.gather [hbm4b:s5+s3], $0x80, v4, vm0, $0xb8;
	[tilespmem:$0x18400] =	vst v63  }
0x271: {  	s17 =	simm.s32 $0x7400  }
0x272: {  	[tilespmem:s17], [sflag:$0x2] =	stream.indirect_vreg.gather [hbm4b:s6+s3], $0x80, v4, vm0, $0xb8;
	[tilespmem:$0x18400] =	vst v63  }
0x273: {  	s17 =	simm.s32 $0x7C00  }
0x274: {  	[tilespmem:s17], [sflag:$0x2] =	stream.indirect_vreg.gather [hbm4b:s2+s3], $0x80, v3, vm0, $0xb8;
	[tilespmem:$0x18400] =	vst v63  }
0x275: {  	s17 =	simm.s32 $0x8400  }
0x276: {  	[tilespmem:s17], [sflag:$0x2] =	stream.indirect_vreg.gather [hbm4b:s5+s3], $0x80, v3, vm0, $0xb8;
	[tilespmem:$0x18400] =	vst v63  }
0x277: {  	s17 =	simm.s32 $0x8C00  }
0x278: {  	[tilespmem:s17], [sflag:$0x2] =	stream.indirect_vreg.gather [hbm4b:s6+s3], $0x80, v3, vm0, $0xb8;
	[tilespmem:$0x18400] =	vst v63  }
0x279: {  	v3 =	vld [tilespmem:$0x1B0];
	_ =	sdelay $0x4  }
0x27a: {  	v27 =	vshrl.u32 v3, $0x3  }
0x27b: {  	v4 =	vmul.u32 $0x30, v27  }
0x27c: {  	v3 =	vand.u32 $0x7, v3  }
0x27d: {  	v3 =	vor.u32 v3, v4  }
0x27e: {  	v4 =	vperm.xlane v3, v0;
	_ =	sdelay $0x1  }
0x27f: {  	v4 =	vadd.s32 v1, v4;
	_ =	sdelay $0x3  }
0x280: {  	s17 =	simm.s32 $0x9400;
	v3 =	vperm.xlane v3, v2  }
0x281: {  	[tilespmem:s17], [sflag:$0x2] =	stream.indirect_vreg.gather [hbm4b:s2+s3], $0x80, v4, vm0, $0xb8;
	[tilespmem:$0x18400] =	vst v63  }
0x282: {  	v3 =	vadd.s32 v1, v3;
	s17 =	simm.s32 $0x9C00  }
0x283: {  	[tilespmem:s17], [sflag:$0x2] =	stream.indirect_vreg.gather [hbm4b:s5+s3], $0x80, v4, vm0, $0xb8;
	[tilespmem:$0x18400] =	vst v63  }
0x284: {  	s17 =	simm.s32 $0xA400  }
0x285: {  	[tilespmem:s17], [sflag:$0x2] =	stream.indirect_vreg.gather [hbm4b:s6+s3], $0x80, v4, vm0, $0xb8;
	[tilespmem:$0x18400] =	vst v63  }
0x286: {  	s23 =	simm.s32 $0xAC00  }
0x287: {  	[tilespmem:s23], [sflag:$0x2] =	stream.indirect_vreg.gather [hbm4b:s2+s3], $0x80, v3, vm0, $0xb8;
	[tilespmem:$0x18400] =	vst v63  }
0x288: {  	s24 =	simm.s32 $0xB400  }
0x289: {  	[tilespmem:s24], [sflag:$0x2] =	stream.indirect_vreg.gather [hbm4b:s5+s3], $0x80, v3, vm0, $0xb8;
	[tilespmem:$0x18400] =	vst v63  }
0x28a: {  	s25 =	simm.s32 $0xBC00  }
0x28b: {  	[tilespmem:s25], [sflag:$0x2] =	stream.indirect_vreg.gather [hbm4b:s6+s3], $0x80, v3, vm0, $0xb8;
	[tilespmem:$0x18400] =	vst v63  }
0x28c: {  	_ =	swait.ge [sflag:s13], $0x6000  }
0x28d: {  	[sflag:s13] =	ssyncset.done $0x0  }
0x28e: {  	s4 =	simm.s32 $0xC400;
	s17 =	rddreg [dreg:$0xe];
	[sflag:s13] =	ssyncadd.s32 $0xFFFFA000  }
0x28f: {  	[hbm4b:s17+s3] =	stream.linear.scatter [tilespmem:s4], [sflag:$0x7], $0x6000, $0x38;
	[tilespmem:$0x18400] =	vst v63  }
0x290: {  	_ =	swait.ge [sflag:s14], $0x6000  }
0x291: {  	[sflag:s14] =	ssyncset.done $0x0  }
0x292: {  	[sflag:s14] =	ssyncadd.s32 $0xFFFFA000  }
0x293: {  	v3 =	vld [tilespmem:$0x1C0];
	_ =	sdelay $0x4  }
0x294: {  	v28 =	vshrl.u32 v3, $0x3  }
0x295: {  	v4 =	vmul.u32 $0x30, v28  }
0x296: {  	v3 =	vand.u32 $0x7, v3  }
0x297: {  	v3 =	vor.u32 v3, v4  }
0x298: {  	v4 =	vperm.xlane v3, v0;
	_ =	sdelay $0x1  }
0x299: {  	v4 =	vadd.s32 v1, v4;
	_ =	sdelay $0x3  }
0x29a: {  	v3 =	vperm.xlane v3, v2  }
0x29b: {  	[tilespmem:s4], [sflag:$0x3] =	stream.indirect_vreg.gather [hbm4b:s2+s3], $0x80, v4, vm0, $0xb8;
	[tilespmem:$0x18400] =	vst v63  }
0x29c: {  	s28 =	simm.s32 $0xCC00;
	v3 =	vadd.s32 v1, v3  }
0x29d: {  	[tilespmem:s28], [sflag:$0x3] =	stream.indirect_vreg.gather [hbm4b:s5+s3], $0x80, v4, vm0, $0xb8;
	[tilespmem:$0x18400] =	vst v63  }
0x29e: {  	s29 =	simm.s32 $0xD400  }
0x29f: {  	[tilespmem:s29], [sflag:$0x3] =	stream.indirect_vreg.gather [hbm4b:s6+s3], $0x80, v4, vm0, $0xb8;
	[tilespmem:$0x18400] =	vst v63  }
0x2a0: {  	s30 =	simm.s32 $0xDC00  }
0x2a1: {  	[tilespmem:s30], [sflag:$0x3] =	stream.indirect_vreg.gather [hbm4b:s2+s3], $0x80, v3, vm0, $0xb8;
	[tilespmem:$0x18400] =	vst v63  }
0x2a2: {  	s31 =	simm.s32 $0xE400  }
0x2a3: {  	[tilespmem:s31], [sflag:$0x3] =	stream.indirect_vreg.gather [hbm4b:s5+s3], $0x80, v3, vm0, $0xb8;
	[tilespmem:$0x18400] =	vst v63  }
0x2a4: {  	s17 =	simm.s32 $0xEC00  }
0x2a5: {  	[tilespmem:s17], [sflag:$0x3] =	stream.indirect_vreg.gather [hbm4b:s6+s3], $0x80, v3, vm0, $0xb8;
	[tilespmem:$0x18400] =	vst v63  }
0x2a6: {  	v3 =	vld [tilespmem:$0x1D0];
	_ =	sdelay $0x4  }
0x2a7: {  	v29 =	vshrl.u32 v3, $0x3  }
0x2a8: {  	v4 =	vmul.u32 $0x30, v29  }
0x2a9: {  	v3 =	vand.u32 $0x7, v3  }
0x2aa: {  	v3 =	vor.u32 v3, v4  }
0x2ab: {  	v4 =	vperm.xlane v3, v0;
	_ =	sdelay $0x1  }
0x2ac: {  	v4 =	vadd.s32 v1, v4;
	_ =	sdelay $0x3  }
0x2ad: {  	s17 =	simm.s32 $0xF400;
	v3 =	vperm.xlane v3, v2  }
0x2ae: {  	[tilespmem:s17], [sflag:$0x3] =	stream.indirect_vreg.gather [hbm4b:s2+s3], $0x80, v4, vm0, $0xb8;
	[tilespmem:$0x18400] =	vst v63  }
0x2af: {  	v3 =	vadd.s32 v1, v3;
	s17 =	simm.s32 $0xFC00  }
0x2b0: {  	[tilespmem:s17], [sflag:$0x3] =	stream.indirect_vreg.gather [hbm4b:s5+s3], $0x80, v4, vm0, $0xb8;
	[tilespmem:$0x18400] =	vst v63  }
0x2b1: {  	s1 =	simm.s32 $0x10400  }
0x2b2: {  	[tilespmem:s1], [sflag:$0x3] =	stream.indirect_vreg.gather [hbm4b:s6+s3], $0x80, v4, vm0, $0xb8;
	[tilespmem:$0x18400] =	vst v63  }
0x2b3: {  	s19 =	simm.s32 $0x10C00  }
0x2b4: {  	[tilespmem:s19], [sflag:$0x3] =	stream.indirect_vreg.gather [hbm4b:s2+s3], $0x80, v3, vm0, $0xb8;
	[tilespmem:$0x18400] =	vst v63  }
0x2b5: {  	s7 =	simm.s32 $0x11400  }
0x2b6: {  	[tilespmem:s7], [sflag:$0x3] =	stream.indirect_vreg.gather [hbm4b:s5+s3], $0x80, v3, vm0, $0xb8;
	[tilespmem:$0x18400] =	vst v63  }
0x2b7: {  	s17 =	simm.s32 $0x11C00  }
0x2b8: {  	[tilespmem:s17], [sflag:$0x3] =	stream.indirect_vreg.gather [hbm4b:s6+s3], $0x80, v3, vm0, $0xb8;
	[tilespmem:$0x18400] =	vst v63  }
0x2b9: {  	_ =	swait.ge [sflag:s15], $0x6000  }
0x2ba: {  	[sflag:s15] =	ssyncset.done $0x0  }
0x2bb: {  	s17 =	rddreg [dreg:$0xf];
	[sflag:s15] =	ssyncadd.s32 $0xFFFFA000  }
0x2bc: {  	[hbm4b:s17+s3] =	stream.linear.scatter [tilespmem:s22], [sflag:$0x8], $0x6000, $0x38;
	[tilespmem:$0x18400] =	vst v63  }
0x2bd: {  	_ =	swait.ge [sflag:s16], $0x6000  }
0x2be: {  	[sflag:s16] =	ssyncset.done $0x0  }
0x2bf: {  	[sflag:s16] =	ssyncadd.s32 $0xFFFFA000  }
0x2c0: {  	v3 =	vld [tilespmem:$0x1E0];
	_ =	sdelay $0x4  }
0x2c1: {  	v30 =	vshrl.u32 v3, $0x3  }
0x2c2: {  	v4 =	vmul.u32 $0x30, v30  }
0x2c3: {  	v3 =	vand.u32 $0x7, v3  }
0x2c4: {  	v3 =	vor.u32 v3, v4  }
0x2c5: {  	v4 =	vperm.xlane v3, v0;
	_ =	sdelay $0x1  }
0x2c6: {  	v4 =	vadd.s32 v1, v4;
	_ =	sdelay $0x3  }
0x2c7: {  	v3 =	vperm.xlane v3, v2  }
0x2c8: {  	[tilespmem:s22], [sflag:$0x4] =	stream.indirect_vreg.gather [hbm4b:s2+s3], $0x80, v4, vm0, $0xb8;
	[tilespmem:$0x18400] =	vst v63  }
0x2c9: {  	s9 =	simm.s32 $0x12C00;
	v3 =	vadd.s32 v1, v3  }
0x2ca: {  	[tilespmem:s9], [sflag:$0x4] =	stream.indirect_vreg.gather [hbm4b:s5+s3], $0x80, v4, vm0, $0xb8;
	[tilespmem:$0x18400] =	vst v63  }
0x2cb: {  	s18 =	simm.s32 $0x13400  }
0x2cc: {  	[tilespmem:s18], [sflag:$0x4] =	stream.indirect_vreg.gather [hbm4b:s6+s3], $0x80, v4, vm0, $0xb8;
	[tilespmem:$0x18400] =	vst v63  }
0x2cd: {  	s21 =	simm.s32 $0x13C00  }
0x2ce: {  	[tilespmem:s21], [sflag:$0x4] =	stream.indirect_vreg.gather [hbm4b:s2+s3], $0x80, v3, vm0, $0xb8;
	[tilespmem:$0x18400] =	vst v63  }
0x2cf: {  	s17 =	simm.s32 $0x14400  }
0x2d0: {  	[tilespmem:s17], [sflag:$0x4] =	stream.indirect_vreg.gather [hbm4b:s5+s3], $0x80, v3, vm0, $0xb8;
	[tilespmem:$0x18400] =	vst v63  }
0x2d1: {  	s17 =	simm.s32 $0x14C00  }
0x2d2: {  	[tilespmem:s17], [sflag:$0x4] =	stream.indirect_vreg.gather [hbm4b:s6+s3], $0x80, v3, vm0, $0xb8;
	[tilespmem:$0x18400] =	vst v63  }
0x2d3: {  	v3 =	vld [tilespmem:$0x1F0];
	_ =	sdelay $0x4  }
0x2d4: {  	v31 =	vshrl.u32 v3, $0x3  }
0x2d5: {  	v4 =	vmul.u32 $0x30, v31  }
0x2d6: {  	v3 =	vand.u32 $0x7, v3  }
0x2d7: {  	v3 =	vor.u32 v3, v4  }
0x2d8: {  	v4 =	vperm.xlane v3, v0;
	_ =	sdelay $0x1  }
0x2d9: {  	v4 =	vadd.s32 v1, v4;
	_ =	sdelay $0x3  }
0x2da: {  	s17 =	simm.s32 $0x15400;
	v3 =	vperm.xlane v3, v2  }
0x2db: {  	[tilespmem:s17], [sflag:$0x4] =	stream.indirect_vreg.gather [hbm4b:s2+s3], $0x80, v4, vm0, $0xb8;
	[tilespmem:$0x18400] =	vst v63  }
0x2dc: {  	v3 =	vadd.s32 v1, v3;
	s17 =	simm.s32 $0x15C00  }
0x2dd: {  	[tilespmem:s17], [sflag:$0x4] =	stream.indirect_vreg.gather [hbm4b:s5+s3], $0x80, v4, vm0, $0xb8;
	[tilespmem:$0x18400] =	vst v63  }
0x2de: {  	s17 =	simm.s32 $0x16400  }
0x2df: {  	[tilespmem:s17], [sflag:$0x4] =	stream.indirect_vreg.gather [hbm4b:s6+s3], $0x80, v4, vm0, $0xb8;
	[tilespmem:$0x18400] =	vst v63  }
0x2e0: {  	s17 =	simm.s32 $0x16C00  }
0x2e1: {  	[tilespmem:s17], [sflag:$0x4] =	stream.indirect_vreg.gather [hbm4b:s2+s3], $0x80, v3, vm0, $0xb8;
	[tilespmem:$0x18400] =	vst v63  }
0x2e2: {  	s17 =	simm.s32 $0x17400  }
0x2e3: {  	[tilespmem:s17], [sflag:$0x4] =	stream.indirect_vreg.gather [hbm4b:s5+s3], $0x80, v3, vm0, $0xb8;
	[tilespmem:$0x18400] =	vst v63  }
0x2e4: {  	s17 =	simm.s32 $0x17C00  }
0x2e5: {  	[tilespmem:s17], [sflag:$0x4] =	stream.indirect_vreg.gather [hbm4b:s6+s3], $0x80, v3, vm0, $0xb8;
	[tilespmem:$0x18400] =	vst v63  }
0x2e6: {  	_ =	swait.ge [sflag:s8], $0x6000  }
0x2e7: {  	[sflag:s8] =	ssyncset.done $0x0  }
0x2e8: {  	s0 =	simm.s32 $0x400;
	s17 =	rddreg [dreg:$0x10];
	[sflag:s8] =	ssyncadd.s32 $0xFFFFA000  }
0x2e9: {  	[hbm4b:s17+s3] =	stream.linear.scatter [tilespmem:s0], [sflag:$0x5], $0x6000, $0x38;
	[tilespmem:$0x18400] =	vst v63  }
0x2ea: {  	_ =	swait.ge [sflag:s10], $0x6000  }
0x2eb: {  	[sflag:s10] =	ssyncset.done $0x0  }
0x2ec: {  	[sflag:s10] =	ssyncadd.s32 $0xFFFFA000  }
0x2ed: {  	v3 =	vld [tilespmem:$0x200];
	_ =	sdelay $0x4  }
0x2ee: {  	v32 =	vshrl.u32 v3, $0x3  }
0x2ef: {  	v4 =	vmul.u32 $0x30, v32  }
0x2f0: {  	v3 =	vand.u32 $0x7, v3  }
0x2f1: {  	v3 =	vor.u32 v3, v4  }
0x2f2: {  	v4 =	vperm.xlane v3, v0;
	_ =	sdelay $0x1  }
0x2f3: {  	v4 =	vadd.s32 v1, v4;
	_ =	sdelay $0x3  }
0x2f4: {  	v3 =	vperm.xlane v3, v2  }
0x2f5: {  	[tilespmem:s0], [sflag:$0x1] =	stream.indirect_vreg.gather [hbm4b:s2+s3], $0x80, v4, vm0, $0xb8;
	[tilespmem:$0x18400] =	vst v63  }
0x2f6: {  	s17 =	simm.s32 $0xC00;
	v3 =	vadd.s32 v1, v3  }
0x2f7: {  	[tilespmem:s17], [sflag:$0x1] =	stream.indirect_vreg.gather [hbm4b:s5+s3], $0x80, v4, vm0, $0xb8;
	[tilespmem:$0x18400] =	vst v63  }
0x2f8: {  	s17 =	simm.s32 $0x1400  }
0x2f9: {  	[tilespmem:s17], [sflag:$0x1] =	stream.indirect_vreg.gather [hbm4b:s6+s3], $0x80, v4, vm0, $0xb8;
	[tilespmem:$0x18400] =	vst v63  }
0x2fa: {  	s17 =	simm.s32 $0x1C00  }
0x2fb: {  	[tilespmem:s17], [sflag:$0x1] =	stream.indirect_vreg.gather [hbm4b:s2+s3], $0x80, v3, vm0, $0xb8;
	[tilespmem:$0x18400] =	vst v63  }
0x2fc: {  	s17 =	simm.s32 $0x2400  }
0x2fd: {  	[tilespmem:s17], [sflag:$0x1] =	stream.indirect_vreg.gather [hbm4b:s5+s3], $0x80, v3, vm0, $0xb8;
	[tilespmem:$0x18400] =	vst v63  }
0x2fe: {  	s17 =	simm.s32 $0x2C00  }
0x2ff: {  	[tilespmem:s17], [sflag:$0x1] =	stream.indirect_vreg.gather [hbm4b:s6+s3], $0x80, v3, vm0, $0xb8;
	[tilespmem:$0x18400] =	vst v63  }
0x300: {  	v3 =	vld [tilespmem:$0x210];
	_ =	sdelay $0x4  }
0x301: {  	v33 =	vshrl.u32 v3, $0x3  }
0x302: {  	v4 =	vmul.u32 $0x30, v33  }
0x303: {  	v3 =	vand.u32 $0x7, v3  }
0x304: {  	v3 =	vor.u32 v3, v4  }
0x305: {  	v4 =	vperm.xlane v3, v0;
	_ =	sdelay $0x1  }
0x306: {  	v4 =	vadd.s32 v1, v4;
	_ =	sdelay $0x3  }
0x307: {  	s17 =	simm.s32 $0x3400;
	v3 =	vperm.xlane v3, v2  }
0x308: {  	[tilespmem:s17], [sflag:$0x1] =	stream.indirect_vreg.gather [hbm4b:s2+s3], $0x80, v4, vm0, $0xb8;
	[tilespmem:$0x18400] =	vst v63  }
0x309: {  	v3 =	vadd.s32 v1, v3;
	s17 =	simm.s32 $0x3C00  }
0x30a: {  	[tilespmem:s17], [sflag:$0x1] =	stream.indirect_vreg.gather [hbm4b:s5+s3], $0x80, v4, vm0, $0xb8;
	[tilespmem:$0x18400] =	vst v63  }
0x30b: {  	s17 =	simm.s32 $0x4400  }
0x30c: {  	[tilespmem:s17], [sflag:$0x1] =	stream.indirect_vreg.gather [hbm4b:s6+s3], $0x80, v4, vm0, $0xb8;
	[tilespmem:$0x18400] =	vst v63  }
0x30d: {  	s17 =	simm.s32 $0x4C00  }
0x30e: {  	[tilespmem:s17], [sflag:$0x1] =	stream.indirect_vreg.gather [hbm4b:s2+s3], $0x80, v3, vm0, $0xb8;
	[tilespmem:$0x18400] =	vst v63  }
0x30f: {  	s26 =	simm.s32 $0x5400  }
0x310: {  	[tilespmem:s26], [sflag:$0x1] =	stream.indirect_vreg.gather [hbm4b:s5+s3], $0x80, v3, vm0, $0xb8;
	[tilespmem:$0x18400] =	vst v63  }
0x311: {  	s17 =	simm.s32 $0x5C00  }
0x312: {  	[tilespmem:s17], [sflag:$0x1] =	stream.indirect_vreg.gather [hbm4b:s6+s3], $0x80, v3, vm0, $0xb8;
	[tilespmem:$0x18400] =	vst v63  }
0x313: {  	_ =	swait.ge [sflag:s11], $0x6000  }
0x314: {  	[sflag:s11] =	ssyncset.done $0x0  }
0x315: {  	s17 =	rddreg [dreg:$0x11];
	[sflag:s11] =	ssyncadd.s32 $0xFFFFA000  }
0x316: {  	[hbm4b:s17+s3] =	stream.linear.scatter [tilespmem:s20], [sflag:$0x6], $0x6000, $0x38;
	[tilespmem:$0x18400] =	vst v63  }
0x317: {  	_ =	swait.ge [sflag:s12], $0x6000  }
0x318: {  	[sflag:s12] =	ssyncset.done $0x0  }
0x319: {  	[sflag:s12] =	ssyncadd.s32 $0xFFFFA000  }
0x31a: {  	v3 =	vld [tilespmem:$0x220];
	_ =	sdelay $0x4  }
0x31b: {  	v34 =	vshrl.u32 v3, $0x3  }
0x31c: {  	v4 =	vmul.u32 $0x30, v34  }
0x31d: {  	v3 =	vand.u32 $0x7, v3  }
0x31e: {  	v3 =	vor.u32 v3, v4  }
0x31f: {  	v4 =	vperm.xlane v3, v0;
	_ =	sdelay $0x1  }
0x320: {  	v4 =	vadd.s32 v1, v4;
	_ =	sdelay $0x3  }
0x321: {  	v3 =	vperm.xlane v3, v2  }
0x322: {  	[tilespmem:s20], [sflag:$0x2] =	stream.indirect_vreg.gather [hbm4b:s2+s3], $0x80, v4, vm0, $0xb8;
	[tilespmem:$0x18400] =	vst v63  }
0x323: {  	s17 =	simm.s32 $0x6C00;
	v3 =	vadd.s32 v1, v3  }
0x324: {  	[tilespmem:s17], [sflag:$0x2] =	stream.indirect_vreg.gather [hbm4b:s5+s3], $0x80, v4, vm0, $0xb8;
	[tilespmem:$0x18400] =	vst v63  }
0x325: {  	s17 =	simm.s32 $0x7400  }
0x326: {  	[tilespmem:s17], [sflag:$0x2] =	stream.indirect_vreg.gather [hbm4b:s6+s3], $0x80, v4, vm0, $0xb8;
	[tilespmem:$0x18400] =	vst v63  }
0x327: {  	s17 =	simm.s32 $0x7C00  }
0x328: {  	[tilespmem:s17], [sflag:$0x2] =	stream.indirect_vreg.gather [hbm4b:s2+s3], $0x80, v3, vm0, $0xb8;
	[tilespmem:$0x18400] =	vst v63  }
0x329: {  	s17 =	simm.s32 $0x8400  }
0x32a: {  	[tilespmem:s17], [sflag:$0x2] =	stream.indirect_vreg.gather [hbm4b:s5+s3], $0x80, v3, vm0, $0xb8;
	[tilespmem:$0x18400] =	vst v63  }
0x32b: {  	s17 =	simm.s32 $0x8C00  }
0x32c: {  	[tilespmem:s17], [sflag:$0x2] =	stream.indirect_vreg.gather [hbm4b:s6+s3], $0x80, v3, vm0, $0xb8;
	[tilespmem:$0x18400] =	vst v63  }
0x32d: {  	v3 =	vld [tilespmem:$0x230];
	_ =	sdelay $0x4  }
0x32e: {  	v35 =	vshrl.u32 v3, $0x3  }
0x32f: {  	v4 =	vmul.u32 $0x30, v35  }
0x330: {  	v3 =	vand.u32 $0x7, v3  }
0x331: {  	v3 =	vor.u32 v3, v4  }
0x332: {  	v4 =	vperm.xlane v3, v0;
	_ =	sdelay $0x1  }
0x333: {  	v4 =	vadd.s32 v1, v4;
	_ =	sdelay $0x3  }
0x334: {  	s17 =	simm.s32 $0x9400;
	v3 =	vperm.xlane v3, v2  }
0x335: {  	[tilespmem:s17], [sflag:$0x2] =	stream.indirect_vreg.gather [hbm4b:s2+s3], $0x80, v4, vm0, $0xb8;
	[tilespmem:$0x18400] =	vst v63  }
0x336: {  	v3 =	vadd.s32 v1, v3;
	s17 =	simm.s32 $0x9C00  }
0x337: {  	[tilespmem:s17], [sflag:$0x2] =	stream.indirect_vreg.gather [hbm4b:s5+s3], $0x80, v4, vm0, $0xb8;
	[tilespmem:$0x18400] =	vst v63  }
0x338: {  	s17 =	simm.s32 $0xA400  }
0x339: {  	[tilespmem:s17], [sflag:$0x2] =	stream.indirect_vreg.gather [hbm4b:s6+s3], $0x80, v4, vm0, $0xb8;
	[tilespmem:$0x18400] =	vst v63  }
0x33a: {  	s23 =	simm.s32 $0xAC00  }
0x33b: {  	[tilespmem:s23], [sflag:$0x2] =	stream.indirect_vreg.gather [hbm4b:s2+s3], $0x80, v3, vm0, $0xb8;
	[tilespmem:$0x18400] =	vst v63  }
0x33c: {  	s24 =	simm.s32 $0xB400  }
0x33d: {  	[tilespmem:s24], [sflag:$0x2] =	stream.indirect_vreg.gather [hbm4b:s5+s3], $0x80, v3, vm0, $0xb8;
	[tilespmem:$0x18400] =	vst v63  }
0x33e: {  	s25 =	simm.s32 $0xBC00  }
0x33f: {  	[tilespmem:s25], [sflag:$0x2] =	stream.indirect_vreg.gather [hbm4b:s6+s3], $0x80, v3, vm0, $0xb8;
	[tilespmem:$0x18400] =	vst v63  }
0x340: {  	_ =	swait.ge [sflag:s13], $0x6000  }
0x341: {  	[sflag:s13] =	ssyncset.done $0x0  }
0x342: {  	s23 =	rddreg [dreg:$0x12];
	[sflag:s13] =	ssyncadd.s32 $0xFFFFA000  }
0x343: {  	[hbm4b:s23+s3] =	stream.linear.scatter [tilespmem:s4], [sflag:$0x7], $0x6000, $0x38;
	[tilespmem:$0x18400] =	vst v63  }
0x344: {  	_ =	swait.ge [sflag:s14], $0x6000  }
0x345: {  	[sflag:s14] =	ssyncset.done $0x0  }
0x346: {  	[sflag:s14] =	ssyncadd.s32 $0xFFFFA000  }
0x347: {  	v3 =	vld [tilespmem:$0x240];
	_ =	sdelay $0x4  }
0x348: {  	v36 =	vshrl.u32 v3, $0x3  }
0x349: {  	v4 =	vmul.u32 $0x30, v36  }
0x34a: {  	v3 =	vand.u32 $0x7, v3  }
0x34b: {  	v3 =	vor.u32 v3, v4  }
0x34c: {  	v4 =	vperm.xlane v3, v0;
	_ =	sdelay $0x1  }
0x34d: {  	v4 =	vadd.s32 v1, v4;
	_ =	sdelay $0x3  }
0x34e: {  	v3 =	vperm.xlane v3, v2  }
0x34f: {  	[tilespmem:s4], [sflag:$0x3] =	stream.indirect_vreg.gather [hbm4b:s2+s3], $0x80, v4, vm0, $0xb8;
	[tilespmem:$0x18400] =	vst v63  }
0x350: {  	s28 =	simm.s32 $0xCC00;
	v3 =	vadd.s32 v1, v3  }
0x351: {  	[tilespmem:s28], [sflag:$0x3] =	stream.indirect_vreg.gather [hbm4b:s5+s3], $0x80, v4, vm0, $0xb8;
	[tilespmem:$0x18400] =	vst v63  }
0x352: {  	s29 =	simm.s32 $0xD400  }
0x353: {  	[tilespmem:s29], [sflag:$0x3] =	stream.indirect_vreg.gather [hbm4b:s6+s3], $0x80, v4, vm0, $0xb8;
	[tilespmem:$0x18400] =	vst v63  }
0x354: {  	s30 =	simm.s32 $0xDC00  }
0x355: {  	[tilespmem:s30], [sflag:$0x3] =	stream.indirect_vreg.gather [hbm4b:s2+s3], $0x80, v3, vm0, $0xb8;
	[tilespmem:$0x18400] =	vst v63  }
0x356: {  	s31 =	simm.s32 $0xE400  }
0x357: {  	[tilespmem:s31], [sflag:$0x3] =	stream.indirect_vreg.gather [hbm4b:s5+s3], $0x80, v3, vm0, $0xb8;
	[tilespmem:$0x18400] =	vst v63  }
0x358: {  	s23 =	simm.s32 $0xEC00  }
0x359: {  	[tilespmem:s23], [sflag:$0x3] =	stream.indirect_vreg.gather [hbm4b:s6+s3], $0x80, v3, vm0, $0xb8;
	[tilespmem:$0x18400] =	vst v63  }
0x35a: {  	v3 =	vld [tilespmem:$0x250];
	_ =	sdelay $0x4  }
0x35b: {  	v37 =	vshrl.u32 v3, $0x3  }
0x35c: {  	v4 =	vmul.u32 $0x30, v37  }
0x35d: {  	v3 =	vand.u32 $0x7, v3  }
0x35e: {  	v3 =	vor.u32 v3, v4  }
0x35f: {  	v4 =	vperm.xlane v3, v0;
	_ =	sdelay $0x1  }
0x360: {  	v4 =	vadd.s32 v1, v4;
	_ =	sdelay $0x3  }
0x361: {  	s23 =	simm.s32 $0xF400;
	v3 =	vperm.xlane v3, v2  }
0x362: {  	[tilespmem:s23], [sflag:$0x3] =	stream.indirect_vreg.gather [hbm4b:s2+s3], $0x80, v4, vm0, $0xb8;
	[tilespmem:$0x18400] =	vst v63  }
0x363: {  	v3 =	vadd.s32 v1, v3;
	s23 =	simm.s32 $0xFC00  }
0x364: {  	[tilespmem:s23], [sflag:$0x3] =	stream.indirect_vreg.gather [hbm4b:s5+s3], $0x80, v4, vm0, $0xb8;
	[tilespmem:$0x18400] =	vst v63  }
0x365: {  	s1 =	simm.s32 $0x10400  }
0x366: {  	[tilespmem:s1], [sflag:$0x3] =	stream.indirect_vreg.gather [hbm4b:s6+s3], $0x80, v4, vm0, $0xb8;
	[tilespmem:$0x18400] =	vst v63  }
0x367: {  	s19 =	simm.s32 $0x10C00  }
0x368: {  	[tilespmem:s19], [sflag:$0x3] =	stream.indirect_vreg.gather [hbm4b:s2+s3], $0x80, v3, vm0, $0xb8;
	[tilespmem:$0x18400] =	vst v63  }
0x369: {  	s7 =	simm.s32 $0x11400  }
0x36a: {  	[tilespmem:s7], [sflag:$0x3] =	stream.indirect_vreg.gather [hbm4b:s5+s3], $0x80, v3, vm0, $0xb8;
	[tilespmem:$0x18400] =	vst v63  }
0x36b: {  	s17 =	simm.s32 $0x11C00  }
0x36c: {  	[tilespmem:s17], [sflag:$0x3] =	stream.indirect_vreg.gather [hbm4b:s6+s3], $0x80, v3, vm0, $0xb8;
	[tilespmem:$0x18400] =	vst v63  }
0x36d: {  	_ =	swait.ge [sflag:s15], $0x6000  }
0x36e: {  	[sflag:s15] =	ssyncset.done $0x0  }
0x36f: {  	s7 =	rddreg [dreg:$0x13];
	[sflag:s15] =	ssyncadd.s32 $0xFFFFA000  }
0x370: {  	[hbm4b:s7+s3] =	stream.linear.scatter [tilespmem:s22], [sflag:$0x8], $0x6000, $0x38;
	[tilespmem:$0x18400] =	vst v63  }
0x371: {  	_ =	swait.ge [sflag:s16], $0x6000  }
0x372: {  	[sflag:s16] =	ssyncset.done $0x0  }
0x373: {  	[sflag:s16] =	ssyncadd.s32 $0xFFFFA000  }
0x374: {  	v3 =	vld [tilespmem:$0x260];
	_ =	sdelay $0x4  }
0x375: {  	v38 =	vshrl.u32 v3, $0x3  }
0x376: {  	v4 =	vmul.u32 $0x30, v38  }
0x377: {  	v3 =	vand.u32 $0x7, v3  }
0x378: {  	v3 =	vor.u32 v3, v4  }
0x379: {  	v4 =	vperm.xlane v3, v0;
	_ =	sdelay $0x1  }
0x37a: {  	v4 =	vadd.s32 v1, v4;
	_ =	sdelay $0x3  }
0x37b: {  	v3 =	vperm.xlane v3, v2  }
0x37c: {  	[tilespmem:s22], [sflag:$0x4] =	stream.indirect_vreg.gather [hbm4b:s2+s3], $0x80, v4, vm0, $0xb8;
	[tilespmem:$0x18400] =	vst v63  }
0x37d: {  	s9 =	simm.s32 $0x12C00;
	v3 =	vadd.s32 v1, v3  }
0x37e: {  	[tilespmem:s9], [sflag:$0x4] =	stream.indirect_vreg.gather [hbm4b:s5+s3], $0x80, v4, vm0, $0xb8;
	[tilespmem:$0x18400] =	vst v63  }
0x37f: {  	s18 =	simm.s32 $0x13400  }
0x380: {  	[tilespmem:s18], [sflag:$0x4] =	stream.indirect_vreg.gather [hbm4b:s6+s3], $0x80, v4, vm0, $0xb8;
	[tilespmem:$0x18400] =	vst v63  }
0x381: {  	s21 =	simm.s32 $0x13C00  }
0x382: {  	[tilespmem:s21], [sflag:$0x4] =	stream.indirect_vreg.gather [hbm4b:s2+s3], $0x80, v3, vm0, $0xb8;
	[tilespmem:$0x18400] =	vst v63  }
0x383: {  	s21 =	simm.s32 $0x14400  }
0x384: {  	[tilespmem:s21], [sflag:$0x4] =	stream.indirect_vreg.gather [hbm4b:s5+s3], $0x80, v3, vm0, $0xb8;
	[tilespmem:$0x18400] =	vst v63  }
0x385: {  	s17 =	simm.s32 $0x14C00  }
0x386: {  	[tilespmem:s17], [sflag:$0x4] =	stream.indirect_vreg.gather [hbm4b:s6+s3], $0x80, v3, vm0, $0xb8;
	[tilespmem:$0x18400] =	vst v63  }
0x387: {  	v3 =	vld [tilespmem:$0x270];
	_ =	sdelay $0x4  }
0x388: {  	v39 =	vshrl.u32 v3, $0x3  }
0x389: {  	v4 =	vmul.u32 $0x30, v39  }
0x38a: {  	v3 =	vand.u32 $0x7, v3  }
0x38b: {  	v3 =	vor.u32 v3, v4  }
0x38c: {  	v4 =	vperm.xlane v3, v0;
	_ =	sdelay $0x1  }
0x38d: {  	v4 =	vadd.s32 v1, v4;
	_ =	sdelay $0x3  }
0x38e: {  	s17 =	simm.s32 $0x15400;
	v3 =	vperm.xlane v3, v2  }
0x38f: {  	[tilespmem:s17], [sflag:$0x4] =	stream.indirect_vreg.gather [hbm4b:s2+s3], $0x80, v4, vm0, $0xb8;
	[tilespmem:$0x18400] =	vst v63  }
0x390: {  	v3 =	vadd.s32 v1, v3;
	s17 =	simm.s32 $0x15C00  }
0x391: {  	[tilespmem:s17], [sflag:$0x4] =	stream.indirect_vreg.gather [hbm4b:s5+s3], $0x80, v4, vm0, $0xb8;
	[tilespmem:$0x18400] =	vst v63  }
0x392: {  	s17 =	simm.s32 $0x16400  }
0x393: {  	[tilespmem:s17], [sflag:$0x4] =	stream.indirect_vreg.gather [hbm4b:s6+s3], $0x80, v4, vm0, $0xb8;
	[tilespmem:$0x18400] =	vst v63  }
0x394: {  	s17 =	simm.s32 $0x16C00  }
0x395: {  	[tilespmem:s17], [sflag:$0x4] =	stream.indirect_vreg.gather [hbm4b:s2+s3], $0x80, v3, vm0, $0xb8;
	[tilespmem:$0x18400] =	vst v63  }
0x396: {  	s17 =	simm.s32 $0x17400  }
0x397: {  	[tilespmem:s17], [sflag:$0x4] =	stream.indirect_vreg.gather [hbm4b:s5+s3], $0x80, v3, vm0, $0xb8;
	[tilespmem:$0x18400] =	vst v63  }
0x398: {  	s17 =	simm.s32 $0x17C00  }
0x399: {  	[tilespmem:s17], [sflag:$0x4] =	stream.indirect_vreg.gather [hbm4b:s6+s3], $0x80, v3, vm0, $0xb8;
	[tilespmem:$0x18400] =	vst v63  }
0x39a: {  	_ =	swait.ge [sflag:s8], $0x6000  }
0x39b: {  	[sflag:s8] =	ssyncset.done $0x0  }
0x39c: {  	s17 =	rddreg [dreg:$0x14];
	[sflag:s8] =	ssyncadd.s32 $0xFFFFA000  }
0x39d: {  	[hbm4b:s17+s3] =	stream.linear.scatter [tilespmem:s0], [sflag:$0x5], $0x6000, $0x38;
	[tilespmem:$0x18400] =	vst v63  }
0x39e: {  	_ =	swait.ge [sflag:s10], $0x6000  }
0x39f: {  	[sflag:s10] =	ssyncset.done $0x0  }
0x3a0: {  	[sflag:s10] =	ssyncadd.s32 $0xFFFFA000  }
0x3a1: {  	v3 =	vld [tilespmem:$0x280];
	_ =	sdelay $0x4  }
0x3a2: {  	v40 =	vshrl.u32 v3, $0x3  }
0x3a3: {  	v4 =	vmul.u32 $0x30, v40  }
0x3a4: {  	v3 =	vand.u32 $0x7, v3  }
0x3a5: {  	v3 =	vor.u32 v3, v4  }
0x3a6: {  	v4 =	vperm.xlane v3, v0;
	_ =	sdelay $0x1  }
0x3a7: {  	v4 =	vadd.s32 v1, v4;
	_ =	sdelay $0x3  }
0x3a8: {  	v3 =	vperm.xlane v3, v2  }
0x3a9: {  	[tilespmem:s0], [sflag:$0x1] =	stream.indirect_vreg.gather [hbm4b:s2+s3], $0x80, v4, vm0, $0xb8;
	[tilespmem:$0x18400] =	vst v63  }
0x3aa: {  	s17 =	simm.s32 $0xC00;
	v3 =	vadd.s32 v1, v3  }
0x3ab: {  	[tilespmem:s17], [sflag:$0x1] =	stream.indirect_vreg.gather [hbm4b:s5+s3], $0x80, v4, vm0, $0xb8;
	[tilespmem:$0x18400] =	vst v63  }
0x3ac: {  	s17 =	simm.s32 $0x1400  }
0x3ad: {  	[tilespmem:s17], [sflag:$0x1] =	stream.indirect_vreg.gather [hbm4b:s6+s3], $0x80, v4, vm0, $0xb8;
	[tilespmem:$0x18400] =	vst v63  }
0x3ae: {  	s17 =	simm.s32 $0x1C00  }
0x3af: {  	[tilespmem:s17], [sflag:$0x1] =	stream.indirect_vreg.gather [hbm4b:s2+s3], $0x80, v3, vm0, $0xb8;
	[tilespmem:$0x18400] =	vst v63  }
0x3b0: {  	s17 =	simm.s32 $0x2400  }
0x3b1: {  	[tilespmem:s17], [sflag:$0x1] =	stream.indirect_vreg.gather [hbm4b:s5+s3], $0x80, v3, vm0, $0xb8;
	[tilespmem:$0x18400] =	vst v63  }
0x3b2: {  	s17 =	simm.s32 $0x2C00  }
0x3b3: {  	[tilespmem:s17], [sflag:$0x1] =	stream.indirect_vreg.gather [hbm4b:s6+s3], $0x80, v3, vm0, $0xb8;
	[tilespmem:$0x18400] =	vst v63  }
0x3b4: {  	v3 =	vld [tilespmem:$0x290];
	_ =	sdelay $0x4  }
0x3b5: {  	v41 =	vshrl.u32 v3, $0x3  }
0x3b6: {  	v4 =	vmul.u32 $0x30, v41  }
0x3b7: {  	v3 =	vand.u32 $0x7, v3  }
0x3b8: {  	v3 =	vor.u32 v3, v4  }
0x3b9: {  	v4 =	vperm.xlane v3, v0;
	_ =	sdelay $0x1  }
0x3ba: {  	v4 =	vadd.s32 v1, v4;
	_ =	sdelay $0x3  }
0x3bb: {  	s17 =	simm.s32 $0x3400;
	v3 =	vperm.xlane v3, v2  }
0x3bc: {  	[tilespmem:s17], [sflag:$0x1] =	stream.indirect_vreg.gather [hbm4b:s2+s3], $0x80, v4, vm0, $0xb8;
	[tilespmem:$0x18400] =	vst v63  }
0x3bd: {  	v3 =	vadd.s32 v1, v3;
	s17 =	simm.s32 $0x3C00  }
0x3be: {  	[tilespmem:s17], [sflag:$0x1] =	stream.indirect_vreg.gather [hbm4b:s5+s3], $0x80, v4, vm0, $0xb8;
	[tilespmem:$0x18400] =	vst v63  }
0x3bf: {  	s17 =	simm.s32 $0x4400  }
0x3c0: {  	[tilespmem:s17], [sflag:$0x1] =	stream.indirect_vreg.gather [hbm4b:s6+s3], $0x80, v4, vm0, $0xb8;
	[tilespmem:$0x18400] =	vst v63  }
0x3c1: {  	s17 =	simm.s32 $0x4C00  }
0x3c2: {  	[tilespmem:s17], [sflag:$0x1] =	stream.indirect_vreg.gather [hbm4b:s2+s3], $0x80, v3, vm0, $0xb8;
	[tilespmem:$0x18400] =	vst v63  }
0x3c3: {  	s26 =	simm.s32 $0x5400  }
0x3c4: {  	[tilespmem:s26], [sflag:$0x1] =	stream.indirect_vreg.gather [hbm4b:s5+s3], $0x80, v3, vm0, $0xb8;
	[tilespmem:$0x18400] =	vst v63  }
0x3c5: {  	s17 =	simm.s32 $0x5C00  }
0x3c6: {  	[tilespmem:s17], [sflag:$0x1] =	stream.indirect_vreg.gather [hbm4b:s6+s3], $0x80, v3, vm0, $0xb8;
	[tilespmem:$0x18400] =	vst v63  }
0x3c7: {  	_ =	swait.ge [sflag:s11], $0x6000  }
0x3c8: {  	[sflag:s11] =	ssyncset.done $0x0  }
0x3c9: {  	s17 =	rddreg [dreg:$0x15];
	[sflag:s11] =	ssyncadd.s32 $0xFFFFA000  }
0x3ca: {  	[hbm4b:s17+s3] =	stream.linear.scatter [tilespmem:s20], [sflag:$0x6], $0x6000, $0x38;
	[tilespmem:$0x18400] =	vst v63  }
0x3cb: {  	_ =	swait.ge [sflag:s12], $0x6000  }
0x3cc: {  	[sflag:s12] =	ssyncset.done $0x0  }
0x3cd: {  	[sflag:s12] =	ssyncadd.s32 $0xFFFFA000  }
0x3ce: {  	v3 =	vld [tilespmem:$0x2A0];
	_ =	sdelay $0x4  }
0x3cf: {  	v42 =	vshrl.u32 v3, $0x3  }
0x3d0: {  	v4 =	vmul.u32 $0x30, v42  }
0x3d1: {  	v3 =	vand.u32 $0x7, v3  }
0x3d2: {  	v3 =	vor.u32 v3, v4  }
0x3d3: {  	v4 =	vperm.xlane v3, v0;
	_ =	sdelay $0x1  }
0x3d4: {  	v4 =	vadd.s32 v1, v4;
	_ =	sdelay $0x3  }
0x3d5: {  	v3 =	vperm.xlane v3, v2  }
0x3d6: {  	[tilespmem:s20], [sflag:$0x2] =	stream.indirect_vreg.gather [hbm4b:s2+s3], $0x80, v4, vm0, $0xb8;
	[tilespmem:$0x18400] =	vst v63  }
0x3d7: {  	s17 =	simm.s32 $0x6C00;
	v3 =	vadd.s32 v1, v3  }
0x3d8: {  	[tilespmem:s17], [sflag:$0x2] =	stream.indirect_vreg.gather [hbm4b:s5+s3], $0x80, v4, vm0, $0xb8;
	[tilespmem:$0x18400] =	vst v63  }
0x3d9: {  	s17 =	simm.s32 $0x7400  }
0x3da: {  	[tilespmem:s17], [sflag:$0x2] =	stream.indirect_vreg.gather [hbm4b:s6+s3], $0x80, v4, vm0, $0xb8;
	[tilespmem:$0x18400] =	vst v63  }
0x3db: {  	s17 =	simm.s32 $0x7C00  }
0x3dc: {  	[tilespmem:s17], [sflag:$0x2] =	stream.indirect_vreg.gather [hbm4b:s2+s3], $0x80, v3, vm0, $0xb8;
	[tilespmem:$0x18400] =	vst v63  }
0x3dd: {  	s17 =	simm.s32 $0x8400  }
0x3de: {  	[tilespmem:s17], [sflag:$0x2] =	stream.indirect_vreg.gather [hbm4b:s5+s3], $0x80, v3, vm0, $0xb8;
	[tilespmem:$0x18400] =	vst v63  }
0x3df: {  	s17 =	simm.s32 $0x8C00  }
0x3e0: {  	[tilespmem:s17], [sflag:$0x2] =	stream.indirect_vreg.gather [hbm4b:s6+s3], $0x80, v3, vm0, $0xb8;
	[tilespmem:$0x18400] =	vst v63  }
0x3e1: {  	v3 =	vld [tilespmem:$0x2B0];
	_ =	sdelay $0x4  }
0x3e2: {  	v43 =	vshrl.u32 v3, $0x3  }
0x3e3: {  	v4 =	vmul.u32 $0x30, v43  }
0x3e4: {  	v3 =	vand.u32 $0x7, v3  }
0x3e5: {  	v3 =	vor.u32 v3, v4  }
0x3e6: {  	v4 =	vperm.xlane v3, v0;
	_ =	sdelay $0x1  }
0x3e7: {  	v4 =	vadd.s32 v1, v4;
	_ =	sdelay $0x3  }
0x3e8: {  	s17 =	simm.s32 $0x9400;
	v3 =	vperm.xlane v3, v2  }
0x3e9: {  	[tilespmem:s17], [sflag:$0x2] =	stream.indirect_vreg.gather [hbm4b:s2+s3], $0x80, v4, vm0, $0xb8;
	[tilespmem:$0x18400] =	vst v63  }
0x3ea: {  	v3 =	vadd.s32 v1, v3;
	s17 =	simm.s32 $0x9C00  }
0x3eb: {  	[tilespmem:s17], [sflag:$0x2] =	stream.indirect_vreg.gather [hbm4b:s5+s3], $0x80, v4, vm0, $0xb8;
	[tilespmem:$0x18400] =	vst v63  }
0x3ec: {  	s17 =	simm.s32 $0xA400  }
0x3ed: {  	[tilespmem:s17], [sflag:$0x2] =	stream.indirect_vreg.gather [hbm4b:s6+s3], $0x80, v4, vm0, $0xb8;
	[tilespmem:$0x18400] =	vst v63  }
0x3ee: {  	s17 =	simm.s32 $0xAC00  }
0x3ef: {  	[tilespmem:s17], [sflag:$0x2] =	stream.indirect_vreg.gather [hbm4b:s2+s3], $0x80, v3, vm0, $0xb8;
	[tilespmem:$0x18400] =	vst v63  }
0x3f0: {  	s24 =	simm.s32 $0xB400  }
0x3f1: {  	[tilespmem:s24], [sflag:$0x2] =	stream.indirect_vreg.gather [hbm4b:s5+s3], $0x80, v3, vm0, $0xb8;
	[tilespmem:$0x18400] =	vst v63  }
0x3f2: {  	s25 =	simm.s32 $0xBC00  }
0x3f3: {  	[tilespmem:s25], [sflag:$0x2] =	stream.indirect_vreg.gather [hbm4b:s6+s3], $0x80, v3, vm0, $0xb8;
	[tilespmem:$0x18400] =	vst v63  }
0x3f4: {  	_ =	swait.ge [sflag:s13], $0x6000  }
0x3f5: {  	[sflag:s13] =	ssyncset.done $0x0  }
0x3f6: {  	s25 =	rddreg [dreg:$0x16];
	[sflag:s13] =	ssyncadd.s32 $0xFFFFA000  }
0x3f7: {  	[hbm4b:s25+s3] =	stream.linear.scatter [tilespmem:s4], [sflag:$0x7], $0x6000, $0x38;
	[tilespmem:$0x18400] =	vst v63  }
0x3f8: {  	_ =	swait.ge [sflag:s14], $0x6000  }
0x3f9: {  	[sflag:s14] =	ssyncset.done $0x0  }
0x3fa: {  	[sflag:s14] =	ssyncadd.s32 $0xFFFFA000  }
0x3fb: {  	v3 =	vld [tilespmem:$0x2C0];
	_ =	sdelay $0x4  }
0x3fc: {  	v44 =	vshrl.u32 v3, $0x3  }
0x3fd: {  	v4 =	vmul.u32 $0x30, v44  }
0x3fe: {  	v3 =	vand.u32 $0x7, v3  }
0x3ff: {  	v3 =	vor.u32 v3, v4  }
0x400: {  	v4 =	vperm.xlane v3, v0;
	_ =	sdelay $0x1  }
0x401: {  	v4 =	vadd.s32 v1, v4;
	_ =	sdelay $0x3  }
0x402: {  	v3 =	vperm.xlane v3, v2  }
0x403: {  	[tilespmem:s4], [sflag:$0x3] =	stream.indirect_vreg.gather [hbm4b:s2+s3], $0x80, v4, vm0, $0xb8;
	[tilespmem:$0x18400] =	vst v63  }
0x404: {  	s28 =	simm.s32 $0xCC00;
	v3 =	vadd.s32 v1, v3  }
0x405: {  	[tilespmem:s28], [sflag:$0x3] =	stream.indirect_vreg.gather [hbm4b:s5+s3], $0x80, v4, vm0, $0xb8;
	[tilespmem:$0x18400] =	vst v63  }
0x406: {  	s29 =	simm.s32 $0xD400  }
0x407: {  	[tilespmem:s29], [sflag:$0x3] =	stream.indirect_vreg.gather [hbm4b:s6+s3], $0x80, v4, vm0, $0xb8;
	[tilespmem:$0x18400] =	vst v63  }
0x408: {  	s30 =	simm.s32 $0xDC00  }
0x409: {  	[tilespmem:s30], [sflag:$0x3] =	stream.indirect_vreg.gather [hbm4b:s2+s3], $0x80, v3, vm0, $0xb8;
	[tilespmem:$0x18400] =	vst v63  }
0x40a: {  	s31 =	simm.s32 $0xE400  }
0x40b: {  	[tilespmem:s31], [sflag:$0x3] =	stream.indirect_vreg.gather [hbm4b:s5+s3], $0x80, v3, vm0, $0xb8;
	[tilespmem:$0x18400] =	vst v63  }
0x40c: {  	s31 =	simm.s32 $0xEC00  }
0x40d: {  	[tilespmem:s31], [sflag:$0x3] =	stream.indirect_vreg.gather [hbm4b:s6+s3], $0x80, v3, vm0, $0xb8;
	[tilespmem:$0x18400] =	vst v63  }
0x40e: {  	v3 =	vld [tilespmem:$0x2D0];
	_ =	sdelay $0x4  }
0x40f: {  	v45 =	vshrl.u32 v3, $0x3  }
0x410: {  	v4 =	vmul.u32 $0x30, v45  }
0x411: {  	v3 =	vand.u32 $0x7, v3  }
0x412: {  	v3 =	vor.u32 v3, v4  }
0x413: {  	v4 =	vperm.xlane v3, v0;
	_ =	sdelay $0x1  }
0x414: {  	v4 =	vadd.s32 v1, v4;
	_ =	sdelay $0x3  }
0x415: {  	s24 =	simm.s32 $0xF400;
	v3 =	vperm.xlane v3, v2  }
0x416: {  	[tilespmem:s24], [sflag:$0x3] =	stream.indirect_vreg.gather [hbm4b:s2+s3], $0x80, v4, vm0, $0xb8;
	[tilespmem:$0x18400] =	vst v63  }
0x417: {  	s23 =	simm.s32 $0xFC00;
	v3 =	vadd.s32 v1, v3  }
0x418: {  	[tilespmem:s23], [sflag:$0x3] =	stream.indirect_vreg.gather [hbm4b:s5+s3], $0x80, v4, vm0, $0xb8;
	[tilespmem:$0x18400] =	vst v63  }
0x419: {  	s25 =	simm.s32 $0x10400  }
0x41a: {  	[tilespmem:s25], [sflag:$0x3] =	stream.indirect_vreg.gather [hbm4b:s6+s3], $0x80, v4, vm0, $0xb8;
	[tilespmem:$0x18400] =	vst v63  }
0x41b: {  	s19 =	simm.s32 $0x10C00  }
0x41c: {  	[tilespmem:s19], [sflag:$0x3] =	stream.indirect_vreg.gather [hbm4b:s2+s3], $0x80, v3, vm0, $0xb8;
	[tilespmem:$0x18400] =	vst v63  }
0x41d: {  	s1 =	simm.s32 $0x11400  }
0x41e: {  	[tilespmem:s1], [sflag:$0x3] =	stream.indirect_vreg.gather [hbm4b:s5+s3], $0x80, v3, vm0, $0xb8;
	[tilespmem:$0x18400] =	vst v63  }
0x41f: {  	s28 =	simm.s32 $0x11C00  }
0x420: {  	[tilespmem:s28], [sflag:$0x3] =	stream.indirect_vreg.gather [hbm4b:s6+s3], $0x80, v3, vm0, $0xb8;
	[tilespmem:$0x18400] =	vst v63  }
0x421: {  	_ =	swait.ge [sflag:s15], $0x6000  }
0x422: {  	[sflag:s15] =	ssyncset.done $0x0  }
0x423: {  	s29 =	rddreg [dreg:$0x17];
	[sflag:s15] =	ssyncadd.s32 $0xFFFFA000  }
0x424: {  	[hbm4b:s29+s3] =	stream.linear.scatter [tilespmem:s22], [sflag:$0x8], $0x6000, $0x38;
	[tilespmem:$0x18400] =	vst v63  }
0x425: {  	_ =	swait.ge [sflag:s16], $0x6000  }
0x426: {  	[sflag:s16] =	ssyncset.done $0x0  }
0x427: {  	[sflag:s16] =	ssyncadd.s32 $0xFFFFA000  }
0x428: {  	v3 =	vld [tilespmem:$0x2E0];
	_ =	sdelay $0x4  }
0x429: {  	v46 =	vshrl.u32 v3, $0x3  }
0x42a: {  	v4 =	vmul.u32 $0x30, v46  }
0x42b: {  	v3 =	vand.u32 $0x7, v3  }
0x42c: {  	v3 =	vor.u32 v3, v4  }
0x42d: {  	v4 =	vperm.xlane v3, v0;
	_ =	sdelay $0x1  }
0x42e: {  	v4 =	vadd.s32 v1, v4;
	_ =	sdelay $0x3  }
0x42f: {  	v3 =	vperm.xlane v3, v2  }
0x430: {  	[tilespmem:s22], [sflag:$0x4] =	stream.indirect_vreg.gather [hbm4b:s2+s3], $0x80, v4, vm0, $0xb8;
	[tilespmem:$0x18400] =	vst v63  }
0x431: {  	s7 =	simm.s32 $0x12C00;
	v3 =	vadd.s32 v1, v3  }
0x432: {  	[tilespmem:s7], [sflag:$0x4] =	stream.indirect_vreg.gather [hbm4b:s5+s3], $0x80, v4, vm0, $0xb8;
	[tilespmem:$0x18400] =	vst v63  }
0x433: {  	s9 =	simm.s32 $0x13400  }
0x434: {  	[tilespmem:s9], [sflag:$0x4] =	stream.indirect_vreg.gather [hbm4b:s6+s3], $0x80, v4, vm0, $0xb8;
	[tilespmem:$0x18400] =	vst v63  }
0x435: {  	s18 =	simm.s32 $0x13C00  }
0x436: {  	[tilespmem:s18], [sflag:$0x4] =	stream.indirect_vreg.gather [hbm4b:s2+s3], $0x80, v3, vm0, $0xb8;
	[tilespmem:$0x18400] =	vst v63  }
0x437: {  	s21 =	simm.s32 $0x14400  }
0x438: {  	[tilespmem:s21], [sflag:$0x4] =	stream.indirect_vreg.gather [hbm4b:s5+s3], $0x80, v3, vm0, $0xb8;
	[tilespmem:$0x18400] =	vst v63  }
0x439: {  	s30 =	simm.s32 $0x14C00  }
0x43a: {  	[tilespmem:s30], [sflag:$0x4] =	stream.indirect_vreg.gather [hbm4b:s6+s3], $0x80, v3, vm0, $0xb8;
	[tilespmem:$0x18400] =	vst v63  }
0x43b: {  	v3 =	vld [tilespmem:$0x2F0];
	_ =	sdelay $0x4  }
0x43c: {  	v47 =	vshrl.u32 v3, $0x3  }
0x43d: {  	v4 =	vmul.u32 $0x30, v47  }
0x43e: {  	v3 =	vand.u32 $0x7, v3  }
0x43f: {  	v3 =	vor.u32 v3, v4  }
0x440: {  	v4 =	vperm.xlane v3, v0;
	_ =	sdelay $0x1  }
0x441: {  	v4 =	vadd.s32 v1, v4;
	_ =	sdelay $0x3  }
0x442: {  	s31 =	simm.s32 $0x15400;
	v3 =	vperm.xlane v3, v2  }
0x443: {  	[tilespmem:s31], [sflag:$0x4] =	stream.indirect_vreg.gather [hbm4b:s2+s3], $0x80, v4, vm0, $0xb8;
	[tilespmem:$0x18400] =	vst v63  }
0x444: {  	s9 =	simm.s32 $0x15C00;
	v3 =	vadd.s32 v1, v3  }
0x445: {  	[tilespmem:s9], [sflag:$0x4] =	stream.indirect_vreg.gather [hbm4b:s5+s3], $0x80, v4, vm0, $0xb8;
	[tilespmem:$0x18400] =	vst v63  }
0x446: {  	s17 =	simm.s32 $0x16400  }
0x447: {  	[tilespmem:s17], [sflag:$0x4] =	stream.indirect_vreg.gather [hbm4b:s6+s3], $0x80, v4, vm0, $0xb8;
	[tilespmem:$0x18400] =	vst v63  }
0x448: {  	s18 =	simm.s32 $0x16C00  }
0x449: {  	[tilespmem:s18], [sflag:$0x4] =	stream.indirect_vreg.gather [hbm4b:s2+s3], $0x80, v3, vm0, $0xb8;
	[tilespmem:$0x18400] =	vst v63  }
0x44a: {  	s19 =	simm.s32 $0x17400  }
0x44b: {  	[tilespmem:s19], [sflag:$0x4] =	stream.indirect_vreg.gather [hbm4b:s5+s3], $0x80, v3, vm0, $0xb8;
	[tilespmem:$0x18400] =	vst v63  }
0x44c: {  	s21 =	simm.s32 $0x17C00  }
0x44d: {  	[tilespmem:s21], [sflag:$0x4] =	stream.indirect_vreg.gather [hbm4b:s6+s3], $0x80, v3, vm0, $0xb8;
	[tilespmem:$0x18400] =	vst v63  }
0x44e: {  	_ =	swait.ge [sflag:s8], $0x6000  }
0x44f: {  	[sflag:s8] =	ssyncset.done $0x0  }
0x450: {  	s28 =	rddreg [dreg:$0x18];
	[sflag:s8] =	ssyncadd.s32 $0xFFFFA000  }
0x451: {  	[hbm4b:s28+s3] =	stream.linear.scatter [tilespmem:s0], [sflag:$0x5], $0x6000, $0x38;
	[tilespmem:$0x18400] =	vst v63  }
0x452: {  	_ =	swait.ge [sflag:s10], $0x6000  }
0x453: {  	[sflag:s10] =	ssyncset.done $0x0  }
0x454: {  	[sflag:s10] =	ssyncadd.s32 $0xFFFFA000  }
0x455: {  	v3 =	vld [tilespmem:$0x300];
	_ =	sdelay $0x4  }
0x456: {  	v48 =	vshrl.u32 v3, $0x3  }
0x457: {  	v4 =	vmul.u32 $0x30, v48  }
0x458: {  	v3 =	vand.u32 $0x7, v3  }
0x459: {  	v3 =	vor.u32 v3, v4  }
0x45a: {  	v4 =	vperm.xlane v3, v0;
	_ =	sdelay $0x1  }
0x45b: {  	v4 =	vadd.s32 v1, v4;
	_ =	sdelay $0x3  }
0x45c: {  	v3 =	vperm.xlane v3, v2  }
0x45d: {  	[tilespmem:s0], [sflag:$0x1] =	stream.indirect_vreg.gather [hbm4b:s2+s3], $0x80, v4, vm0, $0xb8;
	[tilespmem:$0x18400] =	vst v63  }
0x45e: {  	s29 =	simm.s32 $0xC00;
	v3 =	vadd.s32 v1, v3  }
0x45f: {  	[tilespmem:s29], [sflag:$0x1] =	stream.indirect_vreg.gather [hbm4b:s5+s3], $0x80, v4, vm0, $0xb8;
	[tilespmem:$0x18400] =	vst v63  }
0x460: {  	s30 =	simm.s32 $0x1400  }
0x461: {  	[tilespmem:s30], [sflag:$0x1] =	stream.indirect_vreg.gather [hbm4b:s6+s3], $0x80, v4, vm0, $0xb8;
	[tilespmem:$0x18400] =	vst v63  }
0x462: {  	s31 =	simm.s32 $0x1C00  }
0x463: {  	[tilespmem:s31], [sflag:$0x1] =	stream.indirect_vreg.gather [hbm4b:s2+s3], $0x80, v3, vm0, $0xb8;
	[tilespmem:$0x18400] =	vst v63  }
0x464: {  	s7 =	simm.s32 $0x2400  }
0x465: {  	[tilespmem:s7], [sflag:$0x1] =	stream.indirect_vreg.gather [hbm4b:s5+s3], $0x80, v3, vm0, $0xb8;
	[tilespmem:$0x18400] =	vst v63  }
0x466: {  	s9 =	simm.s32 $0x2C00  }
0x467: {  	[tilespmem:s9], [sflag:$0x1] =	stream.indirect_vreg.gather [hbm4b:s6+s3], $0x80, v3, vm0, $0xb8;
	[tilespmem:$0x18400] =	vst v63  }
0x468: {  	v3 =	vld [tilespmem:$0x310];
	_ =	sdelay $0x4  }
0x469: {  	v49 =	vshrl.u32 v3, $0x3  }
0x46a: {  	v4 =	vmul.u32 $0x30, v49  }
0x46b: {  	v3 =	vand.u32 $0x7, v3  }
0x46c: {  	v3 =	vor.u32 v3, v4  }
0x46d: {  	v4 =	vperm.xlane v3, v0;
	_ =	sdelay $0x1  }
0x46e: {  	v4 =	vadd.s32 v1, v4;
	_ =	sdelay $0x3  }
0x46f: {  	s17 =	simm.s32 $0x3400;
	v3 =	vperm.xlane v3, v2  }
0x470: {  	[tilespmem:s17], [sflag:$0x1] =	stream.indirect_vreg.gather [hbm4b:s2+s3], $0x80, v4, vm0, $0xb8;
	[tilespmem:$0x18400] =	vst v63  }
0x471: {  	s19 =	simm.s32 $0x3C00;
	v3 =	vadd.s32 v1, v3  }
0x472: {  	[tilespmem:s19], [sflag:$0x1] =	stream.indirect_vreg.gather [hbm4b:s5+s3], $0x80, v4, vm0, $0xb8;
	[tilespmem:$0x18400] =	vst v63  }
0x473: {  	s21 =	simm.s32 $0x4400  }
0x474: {  	[tilespmem:s21], [sflag:$0x1] =	stream.indirect_vreg.gather [hbm4b:s6+s3], $0x80, v4, vm0, $0xb8;
	[tilespmem:$0x18400] =	vst v63  }
0x475: {  	s28 =	simm.s32 $0x4C00  }
0x476: {  	[tilespmem:s28], [sflag:$0x1] =	stream.indirect_vreg.gather [hbm4b:s2+s3], $0x80, v3, vm0, $0xb8;
	[tilespmem:$0x18400] =	vst v63  }
0x477: {  	s26 =	simm.s32 $0x5400  }
0x478: {  	[tilespmem:s26], [sflag:$0x1] =	stream.indirect_vreg.gather [hbm4b:s5+s3], $0x80, v3, vm0, $0xb8;
	[tilespmem:$0x18400] =	vst v63  }
0x479: {  	s29 =	simm.s32 $0x5C00  }
0x47a: {  	[tilespmem:s29], [sflag:$0x1] =	stream.indirect_vreg.gather [hbm4b:s6+s3], $0x80, v3, vm0, $0xb8;
	[tilespmem:$0x18400] =	vst v63  }
0x47b: {  	_ =	swait.ge [sflag:s11], $0x6000  }
0x47c: {  	[sflag:s11] =	ssyncset.done $0x0  }
0x47d: {  	s30 =	rddreg [dreg:$0x19];
	[sflag:s11] =	ssyncadd.s32 $0xFFFFA000  }
0x47e: {  	[hbm4b:s30+s3] =	stream.linear.scatter [tilespmem:s20], [sflag:$0x6], $0x6000, $0x38;
	[tilespmem:$0x18400] =	vst v63  }
0x47f: {  	_ =	swait.ge [sflag:s12], $0x6000  }
0x480: {  	[sflag:s12] =	ssyncset.done $0x0  }
0x481: {  	[sflag:s12] =	ssyncadd.s32 $0xFFFFA000  }
0x482: {  	v3 =	vld [tilespmem:$0x320];
	_ =	sdelay $0x4  }
0x483: {  	v50 =	vshrl.u32 v3, $0x3  }
0x484: {  	v4 =	vmul.u32 $0x30, v50  }
0x485: {  	v3 =	vand.u32 $0x7, v3  }
0x486: {  	v3 =	vor.u32 v3, v4  }
0x487: {  	v4 =	vperm.xlane v3, v0;
	_ =	sdelay $0x1  }
0x488: {  	v4 =	vadd.s32 v1, v4;
	_ =	sdelay $0x3  }
0x489: {  	v3 =	vperm.xlane v3, v2  }
0x48a: {  	[tilespmem:s20], [sflag:$0x2] =	stream.indirect_vreg.gather [hbm4b:s2+s3], $0x80, v4, vm0, $0xb8;
	[tilespmem:$0x18400] =	vst v63  }
0x48b: {  	s31 =	simm.s32 $0x6C00;
	v3 =	vadd.s32 v1, v3  }
0x48c: {  	[tilespmem:s31], [sflag:$0x2] =	stream.indirect_vreg.gather [hbm4b:s5+s3], $0x80, v4, vm0, $0xb8;
	[tilespmem:$0x18400] =	vst v63  }
0x48d: {  	s17 =	simm.s32 $0x7400  }
0x48e: {  	[tilespmem:s17], [sflag:$0x2] =	stream.indirect_vreg.gather [hbm4b:s6+s3], $0x80, v4, vm0, $0xb8;
	[tilespmem:$0x18400] =	vst v63  }
0x48f: {  	s19 =	simm.s32 $0x7C00  }
0x490: {  	[tilespmem:s19], [sflag:$0x2] =	stream.indirect_vreg.gather [hbm4b:s2+s3], $0x80, v3, vm0, $0xb8;
	[tilespmem:$0x18400] =	vst v63  }
0x491: {  	s20 =	simm.s32 $0x8400  }
0x492: {  	[tilespmem:s20], [sflag:$0x2] =	stream.indirect_vreg.gather [hbm4b:s5+s3], $0x80, v3, vm0, $0xb8;
	[tilespmem:$0x18400] =	vst v63  }
0x493: {  	s21 =	simm.s32 $0x8C00  }
0x494: {  	[tilespmem:s21], [sflag:$0x2] =	stream.indirect_vreg.gather [hbm4b:s6+s3], $0x80, v3, vm0, $0xb8;
	[tilespmem:$0x18400] =	vst v63  }
0x495: {  	v3 =	vld [tilespmem:$0x330];
	_ =	sdelay $0x4  }
0x496: {  	v51 =	vshrl.u32 v3, $0x3  }
0x497: {  	v4 =	vmul.u32 $0x30, v51  }
0x498: {  	v3 =	vand.u32 $0x7, v3  }
0x499: {  	v3 =	vor.u32 v3, v4  }
0x49a: {  	v4 =	vperm.xlane v3, v0;
	_ =	sdelay $0x1  }
0x49b: {  	v4 =	vadd.s32 v1, v4;
	_ =	sdelay $0x3  }
0x49c: {  	s26 =	simm.s32 $0x9400;
	v3 =	vperm.xlane v3, v2  }
0x49d: {  	[tilespmem:s26], [sflag:$0x2] =	stream.indirect_vreg.gather [hbm4b:s2+s3], $0x80, v4, vm0, $0xb8;
	[tilespmem:$0x18400] =	vst v63  }
0x49e: {  	s28 =	simm.s32 $0x9C00;
	v3 =	vadd.s32 v1, v3  }
0x49f: {  	[tilespmem:s28], [sflag:$0x2] =	stream.indirect_vreg.gather [hbm4b:s5+s3], $0x80, v4, vm0, $0xb8;
	[tilespmem:$0x18400] =	vst v63  }
0x4a0: {  	s29 =	simm.s32 $0xA400  }
0x4a1: {  	[tilespmem:s29], [sflag:$0x2] =	stream.indirect_vreg.gather [hbm4b:s6+s3], $0x80, v4, vm0, $0xb8;
	[tilespmem:$0x18400] =	vst v63  }
0x4a2: {  	s30 =	simm.s32 $0xAC00  }
0x4a3: {  	[tilespmem:s30], [sflag:$0x2] =	stream.indirect_vreg.gather [hbm4b:s2+s3], $0x80, v3, vm0, $0xb8;
	[tilespmem:$0x18400] =	vst v63  }
0x4a4: {  	s31 =	simm.s32 $0xB400  }
0x4a5: {  	[tilespmem:s31], [sflag:$0x2] =	stream.indirect_vreg.gather [hbm4b:s5+s3], $0x80, v3, vm0, $0xb8;
	[tilespmem:$0x18400] =	vst v63  }
0x4a6: {  	s19 =	simm.s32 $0xBC00  }
0x4a7: {  	[tilespmem:s19], [sflag:$0x2] =	stream.indirect_vreg.gather [hbm4b:s6+s3], $0x80, v3, vm0, $0xb8;
	[tilespmem:$0x18400] =	vst v63  }
0x4a8: {  	_ =	swait.ge [sflag:s13], $0x6000  }
0x4a9: {  	[sflag:s13] =	ssyncset.done $0x0  }
0x4aa: {  	s20 =	rddreg [dreg:$0x1a];
	[sflag:s13] =	ssyncadd.s32 $0xFFFFA000  }
0x4ab: {  	[hbm4b:s20+s3] =	stream.linear.scatter [tilespmem:s4], [sflag:$0x7], $0x6000, $0x38;
	[tilespmem:$0x18400] =	vst v63  }
0x4ac: {  	_ =	swait.ge [sflag:s14], $0x6000  }
0x4ad: {  	[sflag:s14] =	ssyncset.done $0x0  }
0x4ae: {  	[sflag:s14] =	ssyncadd.s32 $0xFFFFA000  }
0x4af: {  	v3 =	vld [tilespmem:$0x340];
	_ =	sdelay $0x4  }
0x4b0: {  	v52 =	vshrl.u32 v3, $0x3  }
0x4b1: {  	v4 =	vmul.u32 $0x30, v52  }
0x4b2: {  	v3 =	vand.u32 $0x7, v3  }
0x4b3: {  	v3 =	vor.u32 v3, v4  }
0x4b4: {  	v4 =	vperm.xlane v3, v0;
	_ =	sdelay $0x1  }
0x4b5: {  	v4 =	vadd.s32 v1, v4;
	_ =	sdelay $0x3  }
0x4b6: {  	v3 =	vperm.xlane v3, v2  }
0x4b7: {  	[tilespmem:s4], [sflag:$0x3] =	stream.indirect_vreg.gather [hbm4b:s2+s3], $0x80, v4, vm0, $0xb8;
	[tilespmem:$0x18400] =	vst v63  }
0x4b8: {  	s29 =	simm.s32 $0xCC00;
	v3 =	vadd.s32 v1, v3  }
0x4b9: {  	[tilespmem:s29], [sflag:$0x3] =	stream.indirect_vreg.gather [hbm4b:s5+s3], $0x80, v4, vm0, $0xb8;
	[tilespmem:$0x18400] =	vst v63  }
0x4ba: {  	s30 =	simm.s32 $0xD400  }
0x4bb: {  	[tilespmem:s30], [sflag:$0x3] =	stream.indirect_vreg.gather [hbm4b:s6+s3], $0x80, v4, vm0, $0xb8;
	[tilespmem:$0x18400] =	vst v63  }
0x4bc: {  	s31 =	simm.s32 $0xDC00  }
0x4bd: {  	[tilespmem:s31], [sflag:$0x3] =	stream.indirect_vreg.gather [hbm4b:s2+s3], $0x80, v3, vm0, $0xb8;
	[tilespmem:$0x18400] =	vst v63  }
0x4be: {  	s17 =	simm.s32 $0xE400  }
0x4bf: {  	[tilespmem:s17], [sflag:$0x3] =	stream.indirect_vreg.gather [hbm4b:s5+s3], $0x80, v3, vm0, $0xb8;
	[tilespmem:$0x18400] =	vst v63  }
0x4c0: {  	s19 =	simm.s32 $0xEC00  }
0x4c1: {  	[tilespmem:s19], [sflag:$0x3] =	stream.indirect_vreg.gather [hbm4b:s6+s3], $0x80, v3, vm0, $0xb8;
	[tilespmem:$0x18400] =	vst v63  }
0x4c2: {  	v3 =	vld [tilespmem:$0x350];
	_ =	sdelay $0x4  }
0x4c3: {  	v53 =	vshrl.u32 v3, $0x3  }
0x4c4: {  	v4 =	vmul.u32 $0x30, v53  }
0x4c5: {  	v3 =	vand.u32 $0x7, v3  }
0x4c6: {  	v3 =	vor.u32 v3, v4  }
0x4c7: {  	v4 =	vperm.xlane v3, v0;
	_ =	sdelay $0x1  }
0x4c8: {  	v4 =	vadd.s32 v1, v4;
	_ =	sdelay $0x3  }
0x4c9: {  	s20 =	simm.s32 $0xF400;
	v3 =	vperm.xlane v3, v2  }
0x4ca: {  	[tilespmem:s20], [sflag:$0x3] =	stream.indirect_vreg.gather [hbm4b:s2+s3], $0x80, v4, vm0, $0xb8;
	[tilespmem:$0x18400] =	vst v63  }
0x4cb: {  	s23 =	simm.s32 $0xFC00;
	v3 =	vadd.s32 v1, v3  }
0x4cc: {  	[tilespmem:s23], [sflag:$0x3] =	stream.indirect_vreg.gather [hbm4b:s5+s3], $0x80, v4, vm0, $0xb8;
	[tilespmem:$0x18400] =	vst v63  }
0x4cd: {  	s24 =	simm.s32 $0x10400  }
0x4ce: {  	[tilespmem:s24], [sflag:$0x3] =	stream.indirect_vreg.gather [hbm4b:s6+s3], $0x80, v4, vm0, $0xb8;
	[tilespmem:$0x18400] =	vst v63  }
0x4cf: {  	s25 =	simm.s32 $0x10C00  }
0x4d0: {  	[tilespmem:s25], [sflag:$0x3] =	stream.indirect_vreg.gather [hbm4b:s2+s3], $0x80, v3, vm0, $0xb8;
	[tilespmem:$0x18400] =	vst v63  }
0x4d1: {  	s1 =	simm.s32 $0x11400  }
0x4d2: {  	[tilespmem:s1], [sflag:$0x3] =	stream.indirect_vreg.gather [hbm4b:s5+s3], $0x80, v3, vm0, $0xb8;
	[tilespmem:$0x18400] =	vst v63  }
0x4d3: {  	s25 =	simm.s32 $0x11C00  }
0x4d4: {  	[tilespmem:s25], [sflag:$0x3] =	stream.indirect_vreg.gather [hbm4b:s6+s3], $0x80, v3, vm0, $0xb8;
	[tilespmem:$0x18400] =	vst v63  }
0x4d5: {  	_ =	swait.ge [sflag:s15], $0x6000  }
0x4d6: {  	[sflag:s15] =	ssyncset.done $0x0  }
0x4d7: {  	s4 =	rddreg [dreg:$0x1b];
	[sflag:s15] =	ssyncadd.s32 $0xFFFFA000  }
0x4d8: {  	[hbm4b:s4+s3] =	stream.linear.scatter [tilespmem:s22], [sflag:$0x8], $0x6000, $0x38;
	[tilespmem:$0x18400] =	vst v63  }
0x4d9: {  	_ =	swait.ge [sflag:s16], $0x6000  }
0x4da: {  	[sflag:s16] =	ssyncset.done $0x0  }
0x4db: {  	[sflag:s16] =	ssyncadd.s32 $0xFFFFA000  }
0x4dc: {  	v3 =	vld [tilespmem:$0x360];
	_ =	sdelay $0x4  }
0x4dd: {  	v54 =	vshrl.u32 v3, $0x3  }
0x4de: {  	v4 =	vmul.u32 $0x30, v54  }
0x4df: {  	v3 =	vand.u32 $0x7, v3  }
0x4e0: {  	v3 =	vor.u32 v3, v4  }
0x4e1: {  	v4 =	vperm.xlane v3, v0;
	_ =	sdelay $0x1  }
0x4e2: {  	v4 =	vadd.s32 v1, v4;
	_ =	sdelay $0x3  }
0x4e3: {  	v3 =	vperm.xlane v3, v2  }
0x4e4: {  	[tilespmem:s22], [sflag:$0x4] =	stream.indirect_vreg.gather [hbm4b:s2+s3], $0x80, v4, vm0, $0xb8;
	[tilespmem:$0x18400] =	vst v63  }
0x4e5: {  	s17 =	simm.s32 $0x12C00;
	v3 =	vadd.s32 v1, v3  }
0x4e6: {  	[tilespmem:s17], [sflag:$0x4] =	stream.indirect_vreg.gather [hbm4b:s5+s3], $0x80, v4, vm0, $0xb8;
	[tilespmem:$0x18400] =	vst v63  }
0x4e7: {  	s25 =	simm.s32 $0x13400  }
0x4e8: {  	[tilespmem:s25], [sflag:$0x4] =	stream.indirect_vreg.gather [hbm4b:s6+s3], $0x80, v4, vm0, $0xb8;
	[tilespmem:$0x18400] =	vst v63  }
0x4e9: {  	s17 =	simm.s32 $0x13C00  }
0x4ea: {  	[tilespmem:s17], [sflag:$0x4] =	stream.indirect_vreg.gather [hbm4b:s2+s3], $0x80, v3, vm0, $0xb8;
	[tilespmem:$0x18400] =	vst v63  }
0x4eb: {  	s17 =	simm.s32 $0x14400  }
0x4ec: {  	[tilespmem:s17], [sflag:$0x4] =	stream.indirect_vreg.gather [hbm4b:s5+s3], $0x80, v3, vm0, $0xb8;
	[tilespmem:$0x18400] =	vst v63  }
0x4ed: {  	s17 =	simm.s32 $0x14C00  }
0x4ee: {  	[tilespmem:s17], [sflag:$0x4] =	stream.indirect_vreg.gather [hbm4b:s6+s3], $0x80, v3, vm0, $0xb8;
	[tilespmem:$0x18400] =	vst v63  }
0x4ef: {  	v3 =	vld [tilespmem:$0x370];
	_ =	sdelay $0x4  }
0x4f0: {  	v55 =	vshrl.u32 v3, $0x3  }
0x4f1: {  	v4 =	vmul.u32 $0x30, v55  }
0x4f2: {  	v3 =	vand.u32 $0x7, v3  }
0x4f3: {  	v3 =	vor.u32 v3, v4  }
0x4f4: {  	v4 =	vperm.xlane v3, v0;
	_ =	sdelay $0x1  }
0x4f5: {  	v4 =	vadd.s32 v1, v4;
	_ =	sdelay $0x3  }
0x4f6: {  	s17 =	simm.s32 $0x15400;
	v3 =	vperm.xlane v3, v2  }
0x4f7: {  	[tilespmem:s17], [sflag:$0x4] =	stream.indirect_vreg.gather [hbm4b:s2+s3], $0x80, v4, vm0, $0xb8;
	[tilespmem:$0x18400] =	vst v63  }
0x4f8: {  	v3 =	vadd.s32 v1, v3;
	s17 =	simm.s32 $0x15C00  }
0x4f9: {  	[tilespmem:s17], [sflag:$0x4] =	stream.indirect_vreg.gather [hbm4b:s5+s3], $0x80, v4, vm0, $0xb8;
	[tilespmem:$0x18400] =	vst v63  }
0x4fa: {  	s17 =	simm.s32 $0x16400  }
0x4fb: {  	[tilespmem:s17], [sflag:$0x4] =	stream.indirect_vreg.gather [hbm4b:s6+s3], $0x80, v4, vm0, $0xb8;
	[tilespmem:$0x18400] =	vst v63  }
0x4fc: {  	s17 =	simm.s32 $0x16C00  }
0x4fd: {  	[tilespmem:s17], [sflag:$0x4] =	stream.indirect_vreg.gather [hbm4b:s2+s3], $0x80, v3, vm0, $0xb8;
	[tilespmem:$0x18400] =	vst v63  }
0x4fe: {  	s17 =	simm.s32 $0x17400  }
0x4ff: {  	[tilespmem:s17], [sflag:$0x4] =	stream.indirect_vreg.gather [hbm4b:s5+s3], $0x80, v3, vm0, $0xb8;
	[tilespmem:$0x18400] =	vst v63  }
0x500: {  	s17 =	simm.s32 $0x17C00  }
0x501: {  	[tilespmem:s17], [sflag:$0x4] =	stream.indirect_vreg.gather [hbm4b:s6+s3], $0x80, v3, vm0, $0xb8;
	[tilespmem:$0x18400] =	vst v63  }
0x502: {  	_ =	swait.ge [sflag:s8], $0x6000  }
0x503: {  	[sflag:s8] =	ssyncset.done $0x0  }
0x504: {  	s4 =	simm.s32 $0x400;
	s17 =	rddreg [dreg:$0x1c];
	[sflag:s8] =	ssyncadd.s32 $0xFFFFA000  }
0x505: {  	[hbm4b:s17+s3] =	stream.linear.scatter [tilespmem:s4], [sflag:$0x5], $0x6000, $0x38;
	[tilespmem:$0x18400] =	vst v63  }
0x506: {  	_ =	swait.ge [sflag:s10], $0x6000  }
0x507: {  	[sflag:s10] =	ssyncset.done $0x0  }
0x508: {  	[sflag:s10] =	ssyncadd.s32 $0xFFFFA000  }
0x509: {  	v3 =	vld [tilespmem:$0x380];
	_ =	sdelay $0x4  }
0x50a: {  	v56 =	vshrl.u32 v3, $0x3  }
0x50b: {  	v4 =	vmul.u32 $0x30, v56  }
0x50c: {  	v3 =	vand.u32 $0x7, v3  }
0x50d: {  	v3 =	vor.u32 v3, v4  }
0x50e: {  	v4 =	vperm.xlane v3, v0;
	_ =	sdelay $0x1  }
0x50f: {  	v4 =	vadd.s32 v1, v4;
	_ =	sdelay $0x3  }
0x510: {  	v3 =	vperm.xlane v3, v2  }
0x511: {  	[tilespmem:s4], [sflag:$0x1] =	stream.indirect_vreg.gather [hbm4b:s2+s3], $0x80, v4, vm0, $0xb8;
	[tilespmem:$0x18400] =	vst v63  }
0x512: {  	s17 =	simm.s32 $0xC00;
	v3 =	vadd.s32 v1, v3  }
0x513: {  	[tilespmem:s17], [sflag:$0x1] =	stream.indirect_vreg.gather [hbm4b:s5+s3], $0x80, v4, vm0, $0xb8;
	[tilespmem:$0x18400] =	vst v63  }
0x514: {  	s17 =	simm.s32 $0x1400  }
0x515: {  	[tilespmem:s17], [sflag:$0x1] =	stream.indirect_vreg.gather [hbm4b:s6+s3], $0x80, v4, vm0, $0xb8;
	[tilespmem:$0x18400] =	vst v63  }
0x516: {  	s17 =	simm.s32 $0x1C00  }
0x517: {  	[tilespmem:s17], [sflag:$0x1] =	stream.indirect_vreg.gather [hbm4b:s2+s3], $0x80, v3, vm0, $0xb8;
	[tilespmem:$0x18400] =	vst v63  }
0x518: {  	s17 =	simm.s32 $0x2400  }
0x519: {  	[tilespmem:s17], [sflag:$0x1] =	stream.indirect_vreg.gather [hbm4b:s5+s3], $0x80, v3, vm0, $0xb8;
	[tilespmem:$0x18400] =	vst v63  }
0x51a: {  	s18 =	simm.s32 $0x2C00  }
0x51b: {  	[tilespmem:s18], [sflag:$0x1] =	stream.indirect_vreg.gather [hbm4b:s6+s3], $0x80, v3, vm0, $0xb8;
	[tilespmem:$0x18400] =	vst v63  }
0x51c: {  	v3 =	vld [tilespmem:$0x390];
	_ =	sdelay $0x4  }
0x51d: {  	v57 =	vshrl.u32 v3, $0x3  }
0x51e: {  	v4 =	vmul.u32 $0x30, v57  }
0x51f: {  	v3 =	vand.u32 $0x7, v3  }
0x520: {  	v3 =	vor.u32 v3, v4  }
0x521: {  	v4 =	vperm.xlane v3, v0;
	_ =	sdelay $0x1  }
0x522: {  	v4 =	vadd.s32 v1, v4;
	_ =	sdelay $0x3  }
0x523: {  	s18 =	simm.s32 $0x3400;
	v3 =	vperm.xlane v3, v2  }
0x524: {  	[tilespmem:s18], [sflag:$0x1] =	stream.indirect_vreg.gather [hbm4b:s2+s3], $0x80, v4, vm0, $0xb8;
	[tilespmem:$0x18400] =	vst v63  }
0x525: {  	v3 =	vadd.s32 v1, v3;
	s18 =	simm.s32 $0x3C00  }
0x526: {  	[tilespmem:s18], [sflag:$0x1] =	stream.indirect_vreg.gather [hbm4b:s5+s3], $0x80, v4, vm0, $0xb8;
	[tilespmem:$0x18400] =	vst v63  }
0x527: {  	s18 =	simm.s32 $0x4400  }
0x528: {  	[tilespmem:s18], [sflag:$0x1] =	stream.indirect_vreg.gather [hbm4b:s6+s3], $0x80, v4, vm0, $0xb8;
	[tilespmem:$0x18400] =	vst v63  }
0x529: {  	s0 =	simm.s32 $0x4C00  }
0x52a: {  	[tilespmem:s0], [sflag:$0x1] =	stream.indirect_vreg.gather [hbm4b:s2+s3], $0x80, v3, vm0, $0xb8;
	[tilespmem:$0x18400] =	vst v63  }
0x52b: {  	s7 =	simm.s32 $0x5400  }
0x52c: {  	[tilespmem:s7], [sflag:$0x1] =	stream.indirect_vreg.gather [hbm4b:s5+s3], $0x80, v3, vm0, $0xb8;
	[tilespmem:$0x18400] =	vst v63  }
0x52d: {  	s18 =	simm.s32 $0x5C00  }
0x52e: {  	[tilespmem:s18], [sflag:$0x1] =	stream.indirect_vreg.gather [hbm4b:s6+s3], $0x80, v3, vm0, $0xb8;
	[tilespmem:$0x18400] =	vst v63  }
0x52f: {  	_ =	swait.ge [sflag:s11], $0x6000  }
0x530: {  	[sflag:s11] =	ssyncset.done $0x0  }
0x531: {  	s7 =	simm.s32 $0x6400;
	s0 =	rddreg [dreg:$0x1d];
	[sflag:s11] =	ssyncadd.s32 $0xFFFFA000  }
0x532: {  	[hbm4b:s0+s3] =	stream.linear.scatter [tilespmem:s7], [sflag:$0x6], $0x6000, $0x38;
	[tilespmem:$0x18400] =	vst v63  }
0x533: {  	_ =	swait.ge [sflag:s12], $0x6000  }
0x534: {  	[sflag:s12] =	ssyncset.done $0x0  }
0x535: {  	[sflag:s12] =	ssyncadd.s32 $0xFFFFA000  }
0x536: {  	v3 =	vld [tilespmem:$0x3A0];
	_ =	sdelay $0x4  }
0x537: {  	v58 =	vshrl.u32 v3, $0x3  }
0x538: {  	v4 =	vmul.u32 $0x30, v58  }
0x539: {  	v3 =	vand.u32 $0x7, v3  }
0x53a: {  	v3 =	vor.u32 v3, v4  }
0x53b: {  	v4 =	vperm.xlane v3, v0;
	_ =	sdelay $0x1  }
0x53c: {  	v4 =	vadd.s32 v1, v4;
	_ =	sdelay $0x3  }
0x53d: {  	v3 =	vperm.xlane v3, v2  }
0x53e: {  	[tilespmem:s7], [sflag:$0x2] =	stream.indirect_vreg.gather [hbm4b:s2+s3], $0x80, v4, vm0, $0xb8;
	[tilespmem:$0x18400] =	vst v63  }
0x53f: {  	s17 =	simm.s32 $0x6C00;
	v3 =	vadd.s32 v1, v3  }
0x540: {  	[tilespmem:s17], [sflag:$0x2] =	stream.indirect_vreg.gather [hbm4b:s5+s3], $0x80, v4, vm0, $0xb8;
	[tilespmem:$0x18400] =	vst v63  }
0x541: {  	s7 =	simm.s32 $0x7400  }
0x542: {  	[tilespmem:s7], [sflag:$0x2] =	stream.indirect_vreg.gather [hbm4b:s6+s3], $0x80, v4, vm0, $0xb8;
	[tilespmem:$0x18400] =	vst v63  }
0x543: {  	s17 =	simm.s32 $0x7C00  }
0x544: {  	[tilespmem:s17], [sflag:$0x2] =	stream.indirect_vreg.gather [hbm4b:s2+s3], $0x80, v3, vm0, $0xb8;
	[tilespmem:$0x18400] =	vst v63  }
0x545: {  	s7 =	simm.s32 $0x8400  }
0x546: {  	[tilespmem:s7], [sflag:$0x2] =	stream.indirect_vreg.gather [hbm4b:s5+s3], $0x80, v3, vm0, $0xb8;
	[tilespmem:$0x18400] =	vst v63  }
0x547: {  	s17 =	simm.s32 $0x8C00  }
0x548: {  	[tilespmem:s17], [sflag:$0x2] =	stream.indirect_vreg.gather [hbm4b:s6+s3], $0x80, v3, vm0, $0xb8;
	[tilespmem:$0x18400] =	vst v63  }
0x549: {  	v3 =	vld [tilespmem:$0x3B0];
	_ =	sdelay $0x4  }
0x54a: {  	v59 =	vshrl.u32 v3, $0x3  }
0x54b: {  	v4 =	vmul.u32 $0x30, v59  }
0x54c: {  	v3 =	vand.u32 $0x7, v3  }
0x54d: {  	v3 =	vor.u32 v3, v4  }
0x54e: {  	v4 =	vperm.xlane v3, v0;
	_ =	sdelay $0x1  }
0x54f: {  	v4 =	vadd.s32 v1, v4;
	_ =	sdelay $0x3  }
0x550: {  	s7 =	simm.s32 $0x9400;
	v3 =	vperm.xlane v3, v2  }
0x551: {  	[tilespmem:s7], [sflag:$0x2] =	stream.indirect_vreg.gather [hbm4b:s2+s3], $0x80, v4, vm0, $0xb8;
	[tilespmem:$0x18400] =	vst v63  }
0x552: {  	s17 =	simm.s32 $0x9C00;
	v3 =	vadd.s32 v1, v3  }
0x553: {  	[tilespmem:s17], [sflag:$0x2] =	stream.indirect_vreg.gather [hbm4b:s5+s3], $0x80, v4, vm0, $0xb8;
	[tilespmem:$0x18400] =	vst v63  }
0x554: {  	s26 =	simm.s32 $0xA400  }
0x555: {  	[tilespmem:s26], [sflag:$0x2] =	stream.indirect_vreg.gather [hbm4b:s6+s3], $0x80, v4, vm0, $0xb8;
	[tilespmem:$0x18400] =	vst v63  }
0x556: {  	s9 =	simm.s32 $0xAC00  }
0x557: {  	[tilespmem:s9], [sflag:$0x2] =	stream.indirect_vreg.gather [hbm4b:s2+s3], $0x80, v3, vm0, $0xb8;
	[tilespmem:$0x18400] =	vst v63  }
0x558: {  	s21 =	simm.s32 $0xB400  }
0x559: {  	[tilespmem:s21], [sflag:$0x2] =	stream.indirect_vreg.gather [hbm4b:s5+s3], $0x80, v3, vm0, $0xb8;
	[tilespmem:$0x18400] =	vst v63  }
0x55a: {  	s28 =	simm.s32 $0xBC00  }
0x55b: {  	[tilespmem:s28], [sflag:$0x2] =	stream.indirect_vreg.gather [hbm4b:s6+s3], $0x80, v3, vm0, $0xb8;
	[tilespmem:$0x18400] =	vst v63  }
0x55c: {  	_ =	swait.ge [sflag:s13], $0x6000  }
0x55d: {  	[sflag:s13] =	ssyncset.done $0x0  }
0x55e: {  	s26 =	simm.s32 $0xC400;
	s21 =	rddreg [dreg:$0x1e];
	[sflag:s13] =	ssyncadd.s32 $0xFFFFA000  }
0x55f: {  	[hbm4b:s21+s3] =	stream.linear.scatter [tilespmem:s26], [sflag:$0x7], $0x6000, $0x38;
	[tilespmem:$0x18400] =	vst v63  }
0x560: {  	_ =	swait.ge [sflag:s14], $0x6000  }
0x561: {  	[sflag:s14] =	ssyncset.done $0x0  }
0x562: {  	[sflag:s14] =	ssyncadd.s32 $0xFFFFA000  }
0x563: {  	v3 =	vld [tilespmem:$0x3C0];
	_ =	sdelay $0x4  }
0x564: {  	v60 =	vshrl.u32 v3, $0x3  }
0x565: {  	v4 =	vmul.u32 $0x30, v60  }
0x566: {  	v3 =	vand.u32 $0x7, v3  }
0x567: {  	v3 =	vor.u32 v3, v4  }
0x568: {  	v4 =	vperm.xlane v3, v0;
	_ =	sdelay $0x1  }
0x569: {  	v4 =	vadd.s32 v1, v4;
	_ =	sdelay $0x3  }
0x56a: {  	v3 =	vperm.xlane v3, v2  }
0x56b: {  	[tilespmem:s26], [sflag:$0x3] =	stream.indirect_vreg.gather [hbm4b:s2+s3], $0x80, v4, vm0, $0xb8;
	[tilespmem:$0x18400] =	vst v63  }
0x56c: {  	s29 =	simm.s32 $0xCC00;
	v3 =	vadd.s32 v1, v3  }
0x56d: {  	[tilespmem:s29], [sflag:$0x3] =	stream.indirect_vreg.gather [hbm4b:s5+s3], $0x80, v4, vm0, $0xb8;
	[tilespmem:$0x18400] =	vst v63  }
0x56e: {  	s30 =	simm.s32 $0xD400  }
0x56f: {  	[tilespmem:s30], [sflag:$0x3] =	stream.indirect_vreg.gather [hbm4b:s6+s3], $0x80, v4, vm0, $0xb8;
	[tilespmem:$0x18400] =	vst v63  }
0x570: {  	s31 =	simm.s32 $0xDC00  }
0x571: {  	[tilespmem:s31], [sflag:$0x3] =	stream.indirect_vreg.gather [hbm4b:s2+s3], $0x80, v3, vm0, $0xb8;
	[tilespmem:$0x18400] =	vst v63  }
0x572: {  	s28 =	simm.s32 $0xE400  }
0x573: {  	[tilespmem:s28], [sflag:$0x3] =	stream.indirect_vreg.gather [hbm4b:s5+s3], $0x80, v3, vm0, $0xb8;
	[tilespmem:$0x18400] =	vst v63  }
0x574: {  	s29 =	simm.s32 $0xEC00  }
0x575: {  	[tilespmem:s29], [sflag:$0x3] =	stream.indirect_vreg.gather [hbm4b:s6+s3], $0x80, v3, vm0, $0xb8;
	[tilespmem:$0x18400] =	vst v63  }
0x576: {  	v3 =	vld [tilespmem:$0x3D0];
	_ =	sdelay $0x4  }
0x577: {  	v61 =	vshrl.u32 v3, $0x3  }
0x578: {  	v4 =	vmul.u32 $0x30, v61  }
0x579: {  	v3 =	vand.u32 $0x7, v3  }
0x57a: {  	v3 =	vor.u32 v3, v4  }
0x57b: {  	v4 =	vperm.xlane v3, v0;
	_ =	sdelay $0x1  }
0x57c: {  	v4 =	vadd.s32 v1, v4;
	_ =	sdelay $0x3  }
0x57d: {  	s30 =	simm.s32 $0xF400;
	v3 =	vperm.xlane v3, v2  }
0x57e: {  	[tilespmem:s30], [sflag:$0x3] =	stream.indirect_vreg.gather [hbm4b:s2+s3], $0x80, v4, vm0, $0xb8;
	[tilespmem:$0x18400] =	vst v63  }
0x57f: {  	s20 =	simm.s32 $0xFC00;
	v3 =	vadd.s32 v1, v3  }
0x580: {  	[tilespmem:s20], [sflag:$0x3] =	stream.indirect_vreg.gather [hbm4b:s5+s3], $0x80, v4, vm0, $0xb8;
	[tilespmem:$0x18400] =	vst v63  }
0x581: {  	s19 =	simm.s32 $0x10400  }
0x582: {  	[tilespmem:s19], [sflag:$0x3] =	stream.indirect_vreg.gather [hbm4b:s6+s3], $0x80, v4, vm0, $0xb8;
	[tilespmem:$0x18400] =	vst v63  }
0x583: {  	s24 =	simm.s32 $0x10C00  }
0x584: {  	[tilespmem:s24], [sflag:$0x3] =	stream.indirect_vreg.gather [hbm4b:s2+s3], $0x80, v3, vm0, $0xb8;
	[tilespmem:$0x18400] =	vst v63  }
0x585: {  	s23 =	simm.s32 $0x11400  }
0x586: {  	[tilespmem:s23], [sflag:$0x3] =	stream.indirect_vreg.gather [hbm4b:s5+s3], $0x80, v3, vm0, $0xb8;
	[tilespmem:$0x18400] =	vst v63  }
0x587: {  	s31 =	simm.s32 $0x11C00  }
0x588: {  	[tilespmem:s31], [sflag:$0x3] =	stream.indirect_vreg.gather [hbm4b:s6+s3], $0x80, v3, vm0, $0xb8;
	[tilespmem:$0x18400] =	vst v63  }
0x589: {  	_ =	swait.ge [sflag:s15], $0x6000  }
0x58a: {  	[sflag:s15] =	ssyncset.done $0x0  }
0x58b: {  	s0 =	rddreg [dreg:$0x1f];
	[sflag:s15] =	ssyncadd.s32 $0xFFFFA000  }
0x58c: {  	[hbm4b:s0+s3] =	stream.linear.scatter [tilespmem:s22], [sflag:$0x8], $0x6000, $0x38;
	[tilespmem:$0x18400] =	vst v63  }
0x58d: {  	_ =	swait.ge [sflag:s16], $0x6000  }
0x58e: {  	[sflag:s16] =	ssyncset.done $0x0  }
0x58f: {  	[sflag:s16] =	ssyncadd.s32 $0xFFFFA000  }
0x590: {  	v3 =	vld [tilespmem:$0x3E0];
	_ =	sdelay $0x4  }
0x591: {  	v62 =	vshrl.u32 v3, $0x3  }
0x592: {  	v4 =	vmul.u32 $0x30, v62  }
0x593: {  	v3 =	vand.u32 $0x7, v3  }
0x594: {  	v3 =	vor.u32 v3, v4  }
0x595: {  	v4 =	vperm.xlane v3, v0;
	_ =	sdelay $0x1  }
0x596: {  	v4 =	vadd.s32 v1, v4;
	_ =	sdelay $0x3  }
0x597: {  	v3 =	vperm.xlane v3, v2  }
0x598: {  	[tilespmem:s22], [sflag:$0x4] =	stream.indirect_vreg.gather [hbm4b:s2+s3], $0x80, v4, vm0, $0xb8;
	[tilespmem:$0x18400] =	vst v63  }
0x599: {  	s1 =	simm.s32 $0x12C00;
	v3 =	vadd.s32 v1, v3  }
0x59a: {  	[tilespmem:s1], [sflag:$0x4] =	stream.indirect_vreg.gather [hbm4b:s5+s3], $0x80, v4, vm0, $0xb8;
	[tilespmem:$0x18400] =	vst v63  }
0x59b: {  	s25 =	simm.s32 $0x13400  }
0x59c: {  	[tilespmem:s25], [sflag:$0x4] =	stream.indirect_vreg.gather [hbm4b:s6+s3], $0x80, v4, vm0, $0xb8;
	[tilespmem:$0x18400] =	vst v63  }
0x59d: {  	s9 =	simm.s32 $0x13C00  }
0x59e: {  	[tilespmem:s9], [sflag:$0x4] =	stream.indirect_vreg.gather [hbm4b:s2+s3], $0x80, v3, vm0, $0xb8;
	[tilespmem:$0x18400] =	vst v63  }
0x59f: {  	s17 =	simm.s32 $0x14400  }
0x5a0: {  	[tilespmem:s17], [sflag:$0x4] =	stream.indirect_vreg.gather [hbm4b:s5+s3], $0x80, v3, vm0, $0xb8;
	[tilespmem:$0x18400] =	vst v63  }
0x5a1: {  	s19 =	simm.s32 $0x14C00  }
0x5a2: {  	[tilespmem:s19], [sflag:$0x4] =	stream.indirect_vreg.gather [hbm4b:s6+s3], $0x80, v3, vm0, $0xb8;
	[tilespmem:$0x18400] =	vst v63  }
0x5a3: {  	v3 =	vld [tilespmem:$0x3F0];
	_ =	sdelay $0x4  }
0x5a4: {  	v63 =	vshrl.u32 v3, $0x3  }
0x5a5: {  	v4 =	vmul.u32 $0x30, v63  }
0x5a6: {  	v3 =	vand.u32 $0x7, v3  }
0x5a7: {  	v3 =	vor.u32 v3, v4  }
0x5a8: {  	v4 =	vperm.xlane v3, v0;
	_ =	sdelay $0x1  }
0x5a9: {  	v4 =	vadd.s32 v1, v4;
	_ =	sdelay $0x3  }
0x5aa: {  	s20 =	simm.s32 $0x15400;
	v3 =	vperm.xlane v3, v2  }
0x5ab: {  	[tilespmem:s20], [sflag:$0x4] =	stream.indirect_vreg.gather [hbm4b:s2+s3], $0x80, v4, vm0, $0xb8;
	[tilespmem:$0x18400] =	vst v63  }
0x5ac: {  	s21 =	simm.s32 $0x15C00;
	v3 =	vadd.s32 v1, v3  }
0x5ad: {  	[tilespmem:s21], [sflag:$0x4] =	stream.indirect_vreg.gather [hbm4b:s5+s3], $0x80, v4, vm0, $0xb8;
	[tilespmem:$0x18400] =	vst v63  }
0x5ae: {  	s23 =	simm.s32 $0x16400  }
0x5af: {  	[tilespmem:s23], [sflag:$0x4] =	stream.indirect_vreg.gather [hbm4b:s6+s3], $0x80, v4, vm0, $0xb8;
	[tilespmem:$0x18400] =	vst v63  }
0x5b0: {  	s24 =	simm.s32 $0x16C00  }
0x5b1: {  	[tilespmem:s24], [sflag:$0x4] =	stream.indirect_vreg.gather [hbm4b:s2+s3], $0x80, v3, vm0, $0xb8;
	[tilespmem:$0x18400] =	vst v63  }
0x5b2: {  	s25 =	simm.s32 $0x17400  }
0x5b3: {  	[tilespmem:s25], [sflag:$0x4] =	stream.indirect_vreg.gather [hbm4b:s5+s3], $0x80, v3, vm0, $0xb8;
	[tilespmem:$0x18400] =	vst v63  }
0x5b4: {  	s26 =	simm.s32 $0x17C00  }
0x5b5: {  	[tilespmem:s26], [sflag:$0x4] =	stream.indirect_vreg.gather [hbm4b:s6+s3], $0x80, v3, vm0, $0xb8;
	[tilespmem:$0x18400] =	vst v63  }
0x5b6: {  	s0 =	sld [smem:$0x7F8];
	_ =	swait.ge [sflag:s8], $0x6000  }
0x5b7: {  	s28 =	sld [smem:$0x7FA]  }
0x5b8: {  	[sflag:s8] =	ssyncset.done $0x0  }
0x5b9: {  	s4 =	simm.s32 $0x400;
	[sflag:s8] =	ssyncadd.s32 $0xFFFFA000  }
0x5ba: {  	[hbm4b:s28+s3] =	stream.linear.scatter [tilespmem:s4], [sflag:$0x5], $0x6000, $0x38;
	[tilespmem:$0x18400] =	vst v63  }
0x5bb: {  	_ =	swait.ge [sflag:s11], $0x6000  }
0x5bc: {  	s29 =	sld [smem:$0x7FB]  }
0x5bd: {  	[sflag:s11] =	ssyncset.done $0x0  }
0x5be: {  	s18 =	simm.s32 $0x6400;
	[sflag:s11] =	ssyncadd.s32 $0xFFFFA000  }
0x5bf: {  	[hbm4b:s29+s3] =	stream.linear.scatter [tilespmem:s18], [sflag:$0x6], $0x6000, $0x38;
	[tilespmem:$0x18400] =	vst v63  }
0x5c0: {  	_ =	swait.ge [sflag:s13], $0x6000  }
0x5c1: {  	s30 =	sld [smem:$0x7FC]  }
0x5c2: {  	[sflag:s13] =	ssyncset.done $0x0  }
0x5c3: {  	s7 =	simm.s32 $0xC400;
	[sflag:s13] =	ssyncadd.s32 $0xFFFFA000  }
0x5c4: {  	[hbm4b:s30+s3] =	stream.linear.scatter [tilespmem:s7], [sflag:$0x7], $0x6000, $0x38;
	[tilespmem:$0x18400] =	vst v63  }
0x5c5: {  	_ =	swait.ge [sflag:s15], $0x6000  }
0x5c6: {  	s31 =	sld [smem:$0x7FD]  }
0x5c7: {  	[sflag:s15] =	ssyncset.done $0x0  }
0x5c8: {  	[sflag:s15] =	ssyncadd.s32 $0xFFFFA000  }
0x5c9: {  	[hbm4b:s31+s3] =	stream.linear.scatter [tilespmem:s22], [sflag:$0x8], $0x6000, $0x38;
	[tilespmem:$0x18400] =	vst v63  }
0x5ca: {  	_ =	swait.ge [sflag:s10], $0x6000  }
0x5cb: {  	[sflag:s10] =	ssyncset.done $0x0  }
0x5cc: {  	[sflag:s10] =	ssyncadd.s32 $0xFFFFA000  }
0x5cd: {  	_ =	swait.ge [sflag:s12], $0x6000  }
0x5ce: {  	[sflag:s12] =	ssyncset.done $0x0  }
0x5cf: {  	[sflag:s12] =	ssyncadd.s32 $0xFFFFA000  }
0x5d0: {  	p0 =	sne.s32 s0, $0x1;
	_ =	swait.ge [sflag:s14], $0x6000  }
.Ltmp0:
0x5d1: {  	[sflag:s14] =	ssyncset.done $0x0;
	(pc) =	sbr.rel @p0 .LBB2_1-.Ltmp0, $4  }
0x5d2: {  	[sflag:s14] =	ssyncadd.s32 $0xFFFFA000  }
0x5d3: {  	_ =	swait.ge [sflag:s16], $0x6000  }
0x5d4: {  	[sflag:s16] =	ssyncset.done $0x0  }
0x5d5: {  	s0 =	sadd.s32 $0xFFFFFFFF, s0;
	[sflag:s16] =	ssyncadd.s32 $0xFFFFA000  }
0x5d6: {  	_ =	sfence.sel $0x180000  }
0x5d7: {  	[bflag:$0x0] =	sbarrier.arrive $0xFFFF  }
0x5d8: {  	_ =	strace $0x90000047  }
0x5d9: {  	s0 =	stileid.u32;
	[bflag:$0x2] =	sbarrier.arrive $0xFFFF  }
0x5da: {  	p0 =	sne.s32 s0, $0x0;
	s0 =	rddreg [dreg:$0x3]  }
0x5db: {  	s0 =	sadd.s32 @!p0 $0x100000, s0  }
0x5dc: {  	[sflag:s0] =	ssyncadd.tile.s32 @!p0 $0x1;
	_ =	shalt  }
.Lfunc_end2:
_tile_overlayer_lowered:
.L_overlay_start_2:
0x5dd: {  	(tag) =	ssettag $0x2  }
0x5de: {  	s0 =	rddreg [dreg:$0x0];
	s2 =	stileid.u32  }
0x5df: {  	s1 =	rddreg [dreg:$0x1];
	p0 =	sne.s32 s2, $0x0  }
0x5e0: {  	s3 =	rddreg [dreg:$0x2];
	[bflag:$0x3] =	sbarrier.arrive $0xFFFF;
	s2 =	simm.s32 @!p0 $0x1C09  }
0x5e1: {  	[timem:s3], [sflag:s2] =	dma.local @!p0 [hbm:s0], s1  }
0x5e2: {  	s0 =	simm.s32 @!p0 $0x9  }
0x5e3: {  	_ =	swait.ge @!p0 [sflag:s0], s1  }
0x5e4: {  	s1 =	ssub.s32 @!p0 $0x0, s1;
	[sflag:s0] =	ssyncset.done @!p0 $0x0  }
0x5e5: {  	[sflag:s0] =	ssyncadd.s32 @!p0 s1  }
0x5e6: {  	[bflag:$0x3] =	sbarrier.arrive $0xFFFF  }
0x5e7: {  	_ =	shalt  }

</sc_bundles>
